<compile_context>
chip_gen: v7x
topology: tpu7x:2x2x1
jax: 0.10.2.dev20260603
libtpu: 0.0.44.dev20260713+nightly
codegen_flags: <defaults>
</compile_context>

<pallas_src>
import functools

import jax
import jax.numpy as jnp
from jax import lax
from jax.experimental import pallas as pl
from jax.experimental.pallas import tpu as pltpu
from jax.experimental.pallas import tpu_sc as plsc

N = 10000
E = 320000
D = 128
DE = 16
H = 128
A = 1024
G = 64

NC = 2
NS = 16
NW = NC * NS
C = 128
CH = -(-E // (NW * C))
CH += (-CH) % 8
E_PAD = NW * C * CH
NQ = CH // 4
NQ0 = 30
NQ1 = 10
NPT = 632
NP = NPT * NS

_f32 = jnp.float32


@functools.cache
def _mesh():
  return plsc.VectorSubcoreMesh(
      core_axis_name="c", subcore_axis_name="s", num_cores=NC, num_subcores=NS)


def _feat_scatter_body(nq0, nq1, x_hbm, edges_hbm, zf_hbm, out_hbm,
                       ring_a, ring_b, rows0, rows1, acc,
                       gsem0, gsem1, isem_a, isem_b):
  cc = lax.axis_index("c")
  tid = lax.axis_index("s")
  nq = jnp.where(cc == 0, nq0, nq1)
  pltpu.sync_copy(zf_hbm, acc.at[pl.ds(tid * NPT, NPT)])
  wid = cc * NS + tid
  pltpu.sync_copy(edges_hbm.at[wid, 0], ring_a)
  pltpu.sync_copy(edges_hbm.at[wid, 1], ring_b)
  plsc.subcore_barrier()

  rings = (ring_a, ring_b)
  rows = (rows0, rows1)
  gsems = (gsem0, gsem1)
  pltpu.async_copy(x_hbm.at[ring_a.at[0]], rows0, gsem0)
  pltpu.async_copy(x_hbm.at[ring_a.at[1]], rows1, gsem1)

  @pl.loop(0, nq, step=2)
  def _window(q):
    for k in range(8):
      b = k % 2
      rg = rings[k // 4]
      r = k % 4
      pltpu.make_async_copy(x_hbm.at[rg.at[r]], rows[b], gsems[b]).wait()
      pltpu.sync_copy(rows[b], acc.at[rg.at[4 + r]], add=True)

      if k == 3:
        @pl.when(q + 2 < nq)
        def _refill_a():
          pltpu.async_copy(edges_hbm.at[wid, q + 2], ring_a, isem_a)
      if k == 7:
        @pl.when(q + 3 < nq)
        def _refill_b():
          pltpu.async_copy(edges_hbm.at[wid, q + 3], ring_b, isem_b)

      if k < 6:
        kk = k + 2
        rg_n = rings[kk // 4]
        if k == 2:
          @pl.when(q >= 2)
          def _wait_b():
            pltpu.make_async_copy(
                edges_hbm.at[wid, q + 1], ring_b, isem_b).wait()
        pltpu.async_copy(x_hbm.at[rg_n.at[kk % 4]], rows[b], gsems[b])
      else:
        @pl.when(q + 2 < nq)
        def _next_window_gather():
          if k == 6:
            pltpu.make_async_copy(
                edges_hbm.at[wid, q + 2], ring_a, isem_a).wait()
            pltpu.async_copy(x_hbm.at[ring_a.at[0]], rows0, gsem0)
          else:
            pltpu.async_copy(x_hbm.at[ring_a.at[1]], rows1, gsem1)

  plsc.subcore_barrier()
  pltpu.sync_copy(acc.at[pl.ds(tid * NPT, NPT)],
                  out_hbm.at[cc, pl.ds(tid * NPT, NPT)])


def _make_feat_scatter(nq0=NQ, nq1=NQ):
  return pl.kernel(
      functools.partial(_feat_scatter_body, nq0, nq1),
      out_type=jax.ShapeDtypeStruct((NC, NP, H), _f32),
      mesh=_mesh(),
      scratch_types=[
          pltpu.VMEM((8, C), jnp.int32),
          pltpu.VMEM((8, C), jnp.int32),
          pltpu.VMEM((C, H), _f32),
          pltpu.VMEM((C, H), _f32),
          pltpu.VMEM_SHARED((NP, H), _f32),
          pltpu.SemaphoreType.DMA,
          pltpu.SemaphoreType.DMA,
          pltpu.SemaphoreType.DMA,
          pltpu.SemaphoreType.DMA,
      ],
  )




def _update_block(x_ref, s_ref, ea_ref, ws_ref, wm_ref, we_ref, b_ref, o_ref):
  s = s_ref[0] + s_ref[1]
  ea = ea_ref[0] + ea_ref[1]
  inv = 1.0 / jnp.maximum(ea[:, DE:DE + 1], 1.0)
  agg = (jnp.dot(s, wm_ref[...], preferred_element_type=_f32)
         + jnp.dot(ea, we_ref[...], preferred_element_type=_f32)) * inv
  o_ref[...] = jnp.maximum(
      jnp.dot(x_ref[...], ws_ref[...], preferred_element_type=_f32)
      + agg + b_ref[...], 0.0)


_RB = 1000
_NB = N // _RB


def _layer_update(x, s_parts, ea_parts, w_self, w_msg, w_edge_p, b):
  return pl.pallas_call(
      _update_block,
      grid=(_NB,),
      in_specs=[
          pl.BlockSpec((_RB, H), lambda i: (i, 0)),
          pl.BlockSpec((NC, _RB, H), lambda i: (0, i, 0)),
          pl.BlockSpec((NC, _RB, H), lambda i: (0, i, 0)),
          pl.BlockSpec((H, H), lambda i: (0, 0)),
          pl.BlockSpec((H, H), lambda i: (0, 0)),
          pl.BlockSpec((H, H), lambda i: (0, 0)),
          pl.BlockSpec((1, H), lambda i: (0, 0)),
      ],
      out_specs=pl.BlockSpec((_RB, H), lambda i: (i, 0)),
      out_shape=jax.ShapeDtypeStruct((N, H), _f32),
  )(x, s_parts, ea_parts, w_self, w_msg, w_edge_p, b)


def _final_block(h_ref, s_ref, ea_ref, batch_ref, ws_ref, wm_ref, we_ref,
                 b_ref, wvt_ref, bv_ref, wp_ref, bp_ref,
                 v_ref, p_ref, gacc, cacc):
  i = pl.program_id(0)

  @pl.when(i == 0)
  def _init():
    gacc[...] = jnp.zeros_like(gacc)
    cacc[...] = jnp.zeros_like(cacc)

  s = s_ref[0] + s_ref[1]
  ea = ea_ref[0] + ea_ref[1]
  inv = 1.0 / jnp.maximum(ea[:, DE:DE + 1], 1.0)
  agg = (jnp.dot(s, wm_ref[...], preferred_element_type=_f32)
         + jnp.dot(ea, we_ref[...], preferred_element_type=_f32)) * inv
  h2 = jnp.maximum(
      jnp.dot(h_ref[...], ws_ref[...], preferred_element_type=_f32)
      + agg + b_ref[...], 0.0)

  bt = batch_ref[0, 0, :]
  onehot = (lax.broadcasted_iota(jnp.int32, (G, _RB), 0)
            == bt[None, :]).astype(_f32)
  gacc[...] += jnp.dot(onehot, h2, preferred_element_type=_f32,
                       precision=lax.Precision.HIGHEST)
  cacc[...] += jnp.broadcast_to(
      jnp.sum(onehot, axis=1, keepdims=True), (G, H))

  @pl.when(i == _NB - 1)
  def _heads():
    g = gacc[...] / jnp.maximum(cacc[...], 1.0)
    v_ref[...] = jnp.tanh(
        jnp.sum(g * wvt_ref[...], axis=1, keepdims=True) + bv_ref[...])
    z = jnp.dot(g, wp_ref[...], preferred_element_type=_f32) + bp_ref[...]
    z = z - jnp.max(z, axis=1, keepdims=True)
    ez = jnp.exp(z)
    p_ref[...] = ez / jnp.sum(ez, axis=1, keepdims=True)


def _final_stage(h, s_parts, ea_parts, batch3, w_self, w_msg, w_edge_p, b,
                 wv_t, bv2, wp, bp2):
  return pl.pallas_call(
      _final_block,
      grid=(_NB,),
      in_specs=[
          pl.BlockSpec((_RB, H), lambda i: (i, 0)),
          pl.BlockSpec((NC, _RB, H), lambda i: (0, i, 0)),
          pl.BlockSpec((NC, _RB, H), lambda i: (0, i, 0)),
          pl.BlockSpec((1, 1, _RB), lambda i: (i, 0, 0)),
          pl.BlockSpec((H, H), lambda i: (0, 0)),
          pl.BlockSpec((H, H), lambda i: (0, 0)),
          pl.BlockSpec((H, H), lambda i: (0, 0)),
          pl.BlockSpec((1, H), lambda i: (0, 0)),
          pl.BlockSpec((1, H), lambda i: (0, 0)),
          pl.BlockSpec((1, 1), lambda i: (0, 0)),
          pl.BlockSpec((H, A), lambda i: (0, 0)),
          pl.BlockSpec((1, A), lambda i: (0, 0)),
      ],
      out_specs=[
          pl.BlockSpec((G, 1), lambda i: (0, 0)),
          pl.BlockSpec((G, A), lambda i: (0, 0)),
      ],
      out_shape=[
          jax.ShapeDtypeStruct((G, 1), _f32),
          jax.ShapeDtypeStruct((G, A), _f32),
      ],
      scratch_shapes=[
          pltpu.VMEM((G, H), _f32),
          pltpu.VMEM((G, H), _f32),
      ],
  )(h, s_parts, ea_parts, batch3, w_self, w_msg, w_edge_p, b,
    wv_t, bv2, wp, bp2)


def kernel(x, edge_index, edge_attr, batch, W_self1, W_msg1, W_edge1, b1,
           W_self2, W_msg2, W_edge2, b2, Wv, bv, Wp, bp):
  src = edge_index[0].astype(jnp.int32)
  dst = edge_index[1].astype(jnp.int32)
  pad = E_PAD - E
  dst4 = jnp.concatenate([dst, jnp.full((pad,), N, jnp.int32)]).reshape(
      NW, NQ, 4, C)

  def _quad_split(vals, pad_val, nq0, nq1):
    n0 = NS * nq0 * 4 * C
    n1 = NS * nq1 * 4 * C
    v = jnp.concatenate(
        [vals, jnp.full((n0 + n1 - E,), pad_val, jnp.int32)])
    nqm = max(nq0, nq1)
    e0 = jnp.pad(v[:n0].reshape(NS, nq0, 4, C),
                 ((0, 0), (0, nqm - nq0), (0, 0), (0, 0)))
    e1 = jnp.pad(v[n0:].reshape(NS, nq1, 4, C),
                 ((0, 0), (0, nqm - nq1), (0, 0), (0, 0)))
    return jnp.concatenate([e0, e1], axis=0)

  edges = jnp.concatenate([_quad_split(src, 0, NQ0, NQ1),
                           _quad_split(dst, N, NQ0, NQ1)], axis=2)
  ea128 = jnp.concatenate([
      edge_attr.astype(_f32),
      jnp.ones((E, 1), _f32),
      jnp.zeros((E, H - DE - 1), _f32)], axis=1)
  ea128 = jnp.concatenate([ea128, jnp.zeros((pad, H), _f32)])
  iota4 = jnp.arange(E_PAD, dtype=jnp.int32).reshape(NW, NQ, 4, C)
  ea_edges = jnp.concatenate([iota4, dst4], axis=2)
  zf = jnp.zeros((NPT, H), _f32)

  scat = _make_feat_scatter(NQ0, NQ1)
  eap = _make_feat_scatter()(ea128, ea_edges, zf)
  s1 = scat(x, edges, zf)
  wedge1p = jnp.concatenate(
      [W_edge1.astype(_f32), jnp.zeros((H - DE, H), _f32)], axis=0)
  wedge2p = jnp.concatenate(
      [W_edge2.astype(_f32), jnp.zeros((H - DE, H), _f32)], axis=0)
  h = _layer_update(x, s1, eap, W_self1, W_msg1, wedge1p, b1.reshape(1, H))
  s2 = scat(h, edges, zf)
  batch3 = batch.astype(jnp.int32).reshape(_NB, 1, _RB)
  v, p = _final_stage(
      h, s2, eap, batch3, W_self2, W_msg2, wedge2p, b2.reshape(1, H),
      Wv.reshape(1, H), bv.reshape(1, 1), Wp, bp.reshape(1, A))
  return (v, p)

# --- scband reference (transcript-rebuilt; emitter-appended) ---
"""Pipeline reference for scband-hive-gnn-75453985456175 (READ-ONLY COPY).

The authoritative reference and input builder live on the scoring server;
editing this copy changes nothing except your own understanding.
"""

import jax, jax.numpy as jnp
import numpy as np

N = 10000
E = 320000
D = 128
DE = 16
H = 128
A = 1024
G = 64


def setup_inputs(seed: int = 0) -> dict:
    key = jax.random.key(seed)
    ks = jax.random.split(key, 20)
    s = 0.05
    inp = {}
    inp['x'] = jax.random.normal(ks[0], (N, D), dtype=jnp.float32)
    inp['edge_index'] = jax.random.randint(ks[1], (2, E), 0, N, dtype=jnp.int64)
    inp['edge_attr'] = jax.random.normal(ks[2], (E, DE), dtype=jnp.float32)
    inp['batch'] = jnp.sort(jax.random.randint(ks[3], (N,), 0, G, dtype=jnp.int64))
    # conv1 params (D -> H), edge-conditioned message passing layer
    inp['W_self1'] = jax.random.normal(ks[4], (D, H), dtype=jnp.float32) * s
    inp['W_msg1'] = jax.random.normal(ks[5], (D, H), dtype=jnp.float32) * s
    inp['W_edge1'] = jax.random.normal(ks[6], (DE, H), dtype=jnp.float32) * s
    inp['b1'] = jnp.zeros((H,), dtype=jnp.float32)
    # conv2 params (H -> H)
    inp['W_self2'] = jax.random.normal(ks[7], (H, H), dtype=jnp.float32) * s
    inp['W_msg2'] = jax.random.normal(ks[8], (H, H), dtype=jnp.float32) * s
    inp['W_edge2'] = jax.random.normal(ks[9], (DE, H), dtype=jnp.float32) * s
    inp['b2'] = jnp.zeros((H,), dtype=jnp.float32)
    # heads
    inp['Wv'] = jax.random.normal(ks[10], (H, 1), dtype=jnp.float32) * s
    inp['bv'] = jnp.zeros((1,), dtype=jnp.float32)
    inp['Wp'] = jax.random.normal(ks[11], (H, A), dtype=jnp.float32) * s
    inp['bp'] = jnp.zeros((A,), dtype=jnp.float32)
    return inp


def _gnn_layer(x, edge_index, edge_attr, W_self, W_msg, W_edge, b):
    src = edge_index[0]
    dst = edge_index[1]
    # edge-conditioned message: gather source node feats + edge features
    m = jnp.take(x, src, axis=0) @ W_msg + edge_attr @ W_edge
    agg = jax.ops.segment_sum(m, dst, num_segments=x.shape[0])
    cnt = jax.ops.segment_sum(jnp.ones((m.shape[0],), dtype=x.dtype), dst, num_segments=x.shape[0])
    agg = agg / jnp.clip(cnt, 1.0)[:, None]  # mean aggregation
    return jax.nn.relu(x @ W_self + agg + b)


def _global_mean_pool(x, batch, num_graphs):
    s = jax.ops.segment_sum(x, batch, num_segments=num_graphs)
    c = jax.ops.segment_sum(jnp.ones((x.shape[0],), dtype=x.dtype), batch, num_segments=num_graphs)
    return s / jnp.clip(c, 1.0)[:, None]


def reference(x, edge_index, edge_attr, batch, W_self1, W_msg1, W_edge1, b1, W_self2, W_msg2, W_edge2, b2, Wv, bv, Wp, bp):
    h = _gnn_layer(x, edge_index, edge_attr, W_self1, W_msg1, W_edge1, b1)
    h = _gnn_layer(h, edge_index, edge_attr, W_self2, W_msg2, W_edge2, b2)
    g = _global_mean_pool(h, batch, G)
    v = g @ Wv + bv
    p = g @ Wp + bp
    return (jnp.tanh(v), jax.nn.softmax(p, axis=-1))

if __name__ == "__main__":
    import jax
    _d = setup_inputs()
    print(jax.jit(kernel)(*tuple(_d.values())))

</pallas_src>

<mosaic_0001>
#map = affine_map<(d0, d1) -> (0, 0)>
#map1 = affine_map<(d0, d1) -> (0, 0, 0, 0)>
#map2 = affine_map<(d0, d1) -> (0, 0, 0)>
module attributes {stable_mosaic.version = 14 : i64} {
  func.func @_feat_scatter_body(%arg0: i32, %arg1: i32, %arg2: memref<10000x128xf32, #tpu.memory_space<hbm>>, %arg3: memref<32x30x8x128xi32, #tpu.memory_space<hbm>>, %arg4: memref<632x128xf32, #tpu.memory_space<hbm>>, %arg5: memref<2x10112x128xf32, #tpu.memory_space<hbm>>, %arg6: memref<8x128xi32, #tpu.memory_space<vmem>>, %arg7: memref<8x128xi32, #tpu.memory_space<vmem>>, %arg8: memref<128x128xf32, #tpu.memory_space<vmem>>, %arg9: memref<128x128xf32, #tpu.memory_space<vmem>>, %arg10: memref<10112x128xf32, #tpu.memory_space<vmem_shared>>, %arg11: memref<!tpu.dma_semaphore, #tpu.memory_space<semaphore_mem>>, %arg12: memref<!tpu.dma_semaphore, #tpu.memory_space<semaphore_mem>>, %arg13: memref<!tpu.dma_semaphore, #tpu.memory_space<semaphore_mem>>, %arg14: memref<!tpu.dma_semaphore, #tpu.memory_space<semaphore_mem>>) attributes {dimension_semantics = [#tpu.dimension_semantics<core_parallel>, #tpu.dimension_semantics<subcore_parallel>], iteration_bounds = array<i64: 2, 16>, scalar_prefetch = 0 : i64, scratch_operands = 9 : i64, tpu.core_type = #tpu.core_type<sc_vector_subcore>, window_params = [{transform_indices = #map}, {transform_indices = #map1}, {transform_indices = #map}, {transform_indices = #map2}]} {
    %eq3A = arith.constant 0 : i32
    %eq3A_0 = arith.cmpi eq, %arg0, %eq3A : i32
    %jit3A = arith.constant 30 : i32
    %jit3A_1 = arith.constant 10 : i32
    %select_n3A = arith.select %eq3A_0, %jit3A, %jit3A_1 : i32
    %mul3A = arith.constant 632 : i32
    %mul3A_2 = arith.muli %arg1, %mul3A : i32
    "tpu.region"() ({
      %run_scoped3A_40 = tpu.sem_alloc : memref<!tpu.dma_semaphore, #tpu.memory_space<semaphore_mem>>
      %dma_start3A_41 = arith.constant 0 : i32
      %dma_start3A_42 = tpu.memref_slice %arg10[%mul3A_2, %dma_start3A_41] : memref<10112x128xf32, #tpu.memory_space<vmem_shared>> -> memref<632x128xf32, #tpu.memory_space<vmem_shared>>
      tpu.enqueue_dma source(%arg4 : memref<632x128xf32, #tpu.memory_space<hbm>>) target(%dma_start3A_42 : memref<632x128xf32, #tpu.memory_space<vmem_shared>>) target_semaphore(%run_scoped3A_40 : memref<!tpu.dma_semaphore, #tpu.memory_space<semaphore_mem>>)
      %dma_wait3A = arith.constant 0 : i32
      %dma_wait3A_43 = tpu.memref_slice %arg10[%mul3A_2, %dma_wait3A] : memref<10112x128xf32, #tpu.memory_space<vmem_shared>> -> memref<632x128xf32, #tpu.memory_space<vmem_shared>>
      tpu.wait_dma2 semaphore(%run_scoped3A_40 : memref<!tpu.dma_semaphore, #tpu.memory_space<semaphore_mem>>) src(%arg4 : memref<632x128xf32, #tpu.memory_space<hbm>>) dst(%dma_wait3A_43 : memref<632x128xf32, #tpu.memory_space<vmem_shared>>)
      tpu.yield
    }) : () -> ()
    %mul3A_3 = arith.constant 16 : i32
    %mul3A_4 = arith.muli %arg0, %mul3A_3 : i32
    %add3A = arith.addi %mul3A_4, %arg1 : i32
    %run_scoped3A = arith.constant 0 : i32
    "tpu.region"() ({
      %run_scoped3A_40 = tpu.sem_alloc : memref<!tpu.dma_semaphore, #tpu.memory_space<semaphore_mem>>
      %dma_start3A_41 = arith.constant 0 : i32
      %dma_start3A_42 = arith.constant 0 : i32
      %dma_start3A_43 = tpu.memref_slice %arg3[%add3A, %run_scoped3A, %dma_start3A_41, %dma_start3A_42] : memref<32x30x8x128xi32, #tpu.memory_space<hbm>> -> memref<1x1x8x128xi32, #tpu.memory_space<hbm>>
      %dma_start3A_44 = tpu.memref_squeeze %dma_start3A_43 : memref<1x1x8x128xi32, #tpu.memory_space<hbm>> -> memref<8x128xi32, #tpu.memory_space<hbm>>
      %dma_start3A_45 = arith.constant 0 : i32
      %dma_start3A_46 = arith.constant 0 : i32
      %dma_start3A_47 = tpu.memref_slice %arg3[%add3A, %run_scoped3A, %dma_start3A_45, %dma_start3A_46] : memref<32x30x8x128xi32, #tpu.memory_space<hbm>> -> memref<1x1x8x128xi32, #tpu.memory_space<hbm>>
      %dma_start3A_48 = tpu.memref_squeeze %dma_start3A_47 : memref<1x1x8x128xi32, #tpu.memory_space<hbm>> -> memref<8x128xi32, #tpu.memory_space<hbm>>
      tpu.enqueue_dma source(%dma_start3A_48 : memref<8x128xi32, #tpu.memory_space<hbm>>) target(%arg6 : memref<8x128xi32, #tpu.memory_space<vmem>>) target_semaphore(%run_scoped3A_40 : memref<!tpu.dma_semaphore, #tpu.memory_space<semaphore_mem>>)
      %dma_wait3A = arith.constant 0 : i32
      %dma_wait3A_49 = arith.constant 0 : i32
      %dma_wait3A_50 = tpu.memref_slice %arg3[%add3A, %run_scoped3A, %dma_wait3A, %dma_wait3A_49] : memref<32x30x8x128xi32, #tpu.memory_space<hbm>> -> memref<1x1x8x128xi32, #tpu.memory_space<hbm>>
      %dma_wait3A_51 = tpu.memref_squeeze %dma_wait3A_50 : memref<1x1x8x128xi32, #tpu.memory_space<hbm>> -> memref<8x128xi32, #tpu.memory_space<hbm>>
      %dma_wait3A_52 = arith.constant 0 : i32
      %dma_wait3A_53 = arith.constant 0 : i32
      %dma_wait3A_54 = tpu.memref_slice %arg3[%add3A, %run_scoped3A, %dma_wait3A_52, %dma_wait3A_53] : memref<32x30x8x128xi32, #tpu.memory_space<hbm>> -> memref<1x1x8x128xi32, #tpu.memory_space<hbm>>
      %dma_wait3A_55 = tpu.memref_squeeze %dma_wait3A_54 : memref<1x1x8x128xi32, #tpu.memory_space<hbm>> -> memref<8x128xi32, #tpu.memory_space<hbm>>
      tpu.wait_dma2 semaphore(%run_scoped3A_40 : memref<!tpu.dma_semaphore, #tpu.memory_space<semaphore_mem>>) src(%dma_wait3A_55 : memref<8x128xi32, #tpu.memory_space<hbm>>) dst(%arg6 : memref<8x128xi32, #tpu.memory_space<vmem>>)
      tpu.yield
    }) : () -> ()
    %run_scoped3A_5 = arith.constant 1 : i32
    "tpu.region"() ({
      %run_scoped3A_40 = tpu.sem_alloc : memref<!tpu.dma_semaphore, #tpu.memory_space<semaphore_mem>>
      %dma_start3A_41 = arith.constant 0 : i32
      %dma_start3A_42 = arith.constant 0 : i32
      %dma_start3A_43 = tpu.memref_slice %arg3[%add3A, %run_scoped3A_5, %dma_start3A_41, %dma_start3A_42] : memref<32x30x8x128xi32, #tpu.memory_space<hbm>> -> memref<1x1x8x128xi32, #tpu.memory_space<hbm>>
      %dma_start3A_44 = tpu.memref_squeeze %dma_start3A_43 : memref<1x1x8x128xi32, #tpu.memory_space<hbm>> -> memref<8x128xi32, #tpu.memory_space<hbm>>
      %dma_start3A_45 = arith.constant 0 : i32
      %dma_start3A_46 = arith.constant 0 : i32
      %dma_start3A_47 = tpu.memref_slice %arg3[%add3A, %run_scoped3A_5, %dma_start3A_45, %dma_start3A_46] : memref<32x30x8x128xi32, #tpu.memory_space<hbm>> -> memref<1x1x8x128xi32, #tpu.memory_space<hbm>>
      %dma_start3A_48 = tpu.memref_squeeze %dma_start3A_47 : memref<1x1x8x128xi32, #tpu.memory_space<hbm>> -> memref<8x128xi32, #tpu.memory_space<hbm>>
      tpu.enqueue_dma source(%dma_start3A_48 : memref<8x128xi32, #tpu.memory_space<hbm>>) target(%arg7 : memref<8x128xi32, #tpu.memory_space<vmem>>) target_semaphore(%run_scoped3A_40 : memref<!tpu.dma_semaphore, #tpu.memory_space<semaphore_mem>>)
      %dma_wait3A = arith.constant 0 : i32
      %dma_wait3A_49 = arith.constant 0 : i32
      %dma_wait3A_50 = tpu.memref_slice %arg3[%add3A, %run_scoped3A_5, %dma_wait3A, %dma_wait3A_49] : memref<32x30x8x128xi32, #tpu.memory_space<hbm>> -> memref<1x1x8x128xi32, #tpu.memory_space<hbm>>
      %dma_wait3A_51 = tpu.memref_squeeze %dma_wait3A_50 : memref<1x1x8x128xi32, #tpu.memory_space<hbm>> -> memref<8x128xi32, #tpu.memory_space<hbm>>
      %dma_wait3A_52 = arith.constant 0 : i32
      %dma_wait3A_53 = arith.constant 0 : i32
      %dma_wait3A_54 = tpu.memref_slice %arg3[%add3A, %run_scoped3A_5, %dma_wait3A_52, %dma_wait3A_53] : memref<32x30x8x128xi32, #tpu.memory_space<hbm>> -> memref<1x1x8x128xi32, #tpu.memory_space<hbm>>
      %dma_wait3A_55 = tpu.memref_squeeze %dma_wait3A_54 : memref<1x1x8x128xi32, #tpu.memory_space<hbm>> -> memref<8x128xi32, #tpu.memory_space<hbm>>
      tpu.wait_dma2 semaphore(%run_scoped3A_40 : memref<!tpu.dma_semaphore, #tpu.memory_space<semaphore_mem>>) src(%dma_wait3A_55 : memref<8x128xi32, #tpu.memory_space<hbm>>) dst(%arg7 : memref<8x128xi32, #tpu.memory_space<vmem>>)
      tpu.yield
    }) : () -> ()
    %barrier3A = arith.constant 0 : index
    tpu.barrier barrier_id(%barrier3A)
    %dma_start3A = arith.constant 0 : i32
    %dma_start3A_6 = arith.constant 0 : i32
    %dma_start3A_7 = tpu.memref_slice %arg6[%dma_start3A, %dma_start3A_6] : memref<8x128xi32, #tpu.memory_space<vmem>> -> memref<1x128xi32, #tpu.memory_space<vmem>>
    %dma_start3A_8 = tpu.memref_squeeze %dma_start3A_7 : memref<1x128xi32, #tpu.memory_space<vmem>> -> memref<128xi32, #tpu.memory_space<vmem>>
    %dma_start3A_9 = arith.constant 0 : i32
    %dma_start3A_10 = arith.constant 0 : i32
    %dma_start3A_11 = tpu.memref_slice %arg2[%dma_start3A_9, %dma_start3A_10] : memref<10000x128xf32, #tpu.memory_space<hbm>> -> memref<10000x128xf32, #tpu.memory_space<hbm>>
    tpu.enqueue_indirect_dma source(%dma_start3A_11 : memref<10000x128xf32, #tpu.memory_space<hbm>>) target(%arg8 : memref<128x128xf32, #tpu.memory_space<vmem>>) offsets(%dma_start3A_8 : memref<128xi32, #tpu.memory_space<vmem>>) semaphore(%arg11 : memref<!tpu.dma_semaphore, #tpu.memory_space<semaphore_mem>>)
    %dma_start3A_12 = arith.constant 1 : i32
    %dma_start3A_13 = arith.constant 0 : i32
    %dma_start3A_14 = tpu.memref_slice %arg6[%dma_start3A_12, %dma_start3A_13] : memref<8x128xi32, #tpu.memory_space<vmem>> -> memref<1x128xi32, #tpu.memory_space<vmem>>
    %dma_start3A_15 = tpu.memref_squeeze %dma_start3A_14 : memref<1x128xi32, #tpu.memory_space<vmem>> -> memref<128xi32, #tpu.memory_space<vmem>>
    %dma_start3A_16 = arith.constant 0 : i32
    %dma_start3A_17 = arith.constant 0 : i32
    %dma_start3A_18 = tpu.memref_slice %arg2[%dma_start3A_16, %dma_start3A_17] : memref<10000x128xf32, #tpu.memory_space<hbm>> -> memref<10000x128xf32, #tpu.memory_space<hbm>>
    tpu.enqueue_indirect_dma source(%dma_start3A_18 : memref<10000x128xf32, #tpu.memory_space<hbm>>) target(%arg9 : memref<128x128xf32, #tpu.memory_space<vmem>>) offsets(%dma_start3A_15 : memref<128xi32, #tpu.memory_space<vmem>>) semaphore(%arg12 : memref<!tpu.dma_semaphore, #tpu.memory_space<semaphore_mem>>)
    %sub3A = arith.constant 0 : i32
    %sub3A_19 = arith.subi %select_n3A, %sub3A : i32
    %sub3A_20 = arith.constant 2 : i32
    %sub3A_21 = arith.constant 1 : i32
    %sub3A_22 = arith.subi %sub3A_20, %sub3A_21 : i32
    %add3A_23 = arith.addi %sub3A_19, %sub3A_22 : i32
    %div3A = arith.constant 2 : i32
    %div3A_24 = arith.divsi %add3A_23, %div3A : i32
    %while3A = arith.constant 2 : i32
    %while3A_25 = arith.constant 0 : i32
    %while3A_26 = arith.constant 0 : i32
    %while3A_27 = arith.subi %div3A_24, %while3A_26 : i32
    %while3A_28 = arith.addi %while3A_26, %while3A_27 : i32
    %while3A_29 = arith.constant 1 : i32
    %while3A_30 = arith.divsi %while3A_27, %while3A_29 : i32
    %while3A_31 = arith.muli %while3A_30, %while3A_29 : i32
    %while3A_32 = arith.addi %while3A_26, %while3A_31 : i32
    %while3A_33 = arith.constant 1 : i32
    scf.for %while3A_40 = %while3A_26 to %while3A_32 step %while3A_33  : i32 {
      %mul3A_41 = arith.muli %while3A_40, %while3A : i32
      %add3A_42 = arith.addi %while3A_25, %mul3A_41 : i32
      %dma_wait3A = arith.constant 0 : i32
      %dma_wait3A_43 = arith.constant 0 : i32
      %dma_wait3A_44 = tpu.memref_slice %arg6[%dma_wait3A, %dma_wait3A_43] : memref<8x128xi32, #tpu.memory_space<vmem>> -> memref<1x128xi32, #tpu.memory_space<vmem>>
      %dma_wait3A_45 = tpu.memref_squeeze %dma_wait3A_44 : memref<1x128xi32, #tpu.memory_space<vmem>> -> memref<128xi32, #tpu.memory_space<vmem>>
      %dma_wait3A_46 = arith.constant 0 : i32
      %dma_wait3A_47 = arith.constant 0 : i32
      %dma_wait3A_48 = tpu.memref_slice %arg2[%dma_wait3A_46, %dma_wait3A_47] : memref<10000x128xf32, #tpu.memory_space<hbm>> -> memref<10000x128xf32, #tpu.memory_space<hbm>>
      tpu.wait_indirect_dma semaphore(%arg11 : memref<!tpu.dma_semaphore, #tpu.memory_space<semaphore_mem>>) src(%dma_wait3A_48 : memref<10000x128xf32, #tpu.memory_space<hbm>>) dst(%arg8 : memref<128x128xf32, #tpu.memory_space<vmem>>)
      %run_scoped3A_49 = arith.constant 4 : i32
      "tpu.region"() ({
        %run_scoped3A_173 = tpu.sem_alloc : memref<!tpu.dma_semaphore, #tpu.memory_space<semaphore_mem>>
        %dma_start3A_174 = arith.constant 0 : i32
        %dma_start3A_175 = tpu.memref_slice %arg6[%run_scoped3A_49, %dma_start3A_174] : memref<8x128xi32, #tpu.memory_space<vmem>> -> memref<1x128xi32, #tpu.memory_space<vmem>>
        %dma_start3A_176 = tpu.memref_squeeze %dma_start3A_175 : memref<1x128xi32, #tpu.memory_space<vmem>> -> memref<128xi32, #tpu.memory_space<vmem>>
        %dma_start3A_177 = arith.constant 0 : i32
        %dma_start3A_178 = arith.constant 0 : i32
        %dma_start3A_179 = tpu.memref_slice %arg10[%dma_start3A_177, %dma_start3A_178] : memref<10112x128xf32, #tpu.memory_space<vmem_shared>> -> memref<10112x128xf32, #tpu.memory_space<vmem_shared>>
        tpu.enqueue_indirect_dma source(%arg8 : memref<128x128xf32, #tpu.memory_space<vmem>>) target(%dma_start3A_179 : memref<10112x128xf32, #tpu.memory_space<vmem_shared>>) offsets(%dma_start3A_176 : memref<128xi32, #tpu.memory_space<vmem>>) semaphore(%run_scoped3A_173 : memref<!tpu.dma_semaphore, #tpu.memory_space<semaphore_mem>>) {add = true}
        %dma_wait3A_180 = arith.constant 0 : i32
        %dma_wait3A_181 = tpu.memref_slice %arg6[%run_scoped3A_49, %dma_wait3A_180] : memref<8x128xi32, #tpu.memory_space<vmem>> -> memref<1x128xi32, #tpu.memory_space<vmem>>
        %dma_wait3A_182 = tpu.memref_squeeze %dma_wait3A_181 : memref<1x128xi32, #tpu.memory_space<vmem>> -> memref<128xi32, #tpu.memory_space<vmem>>
        %dma_wait3A_183 = arith.constant 0 : i32
        %dma_wait3A_184 = arith.constant 0 : i32
        %dma_wait3A_185 = tpu.memref_slice %arg10[%dma_wait3A_183, %dma_wait3A_184] : memref<10112x128xf32, #tpu.memory_space<vmem_shared>> -> memref<10112x128xf32, #tpu.memory_space<vmem_shared>>
        tpu.wait_indirect_dma semaphore(%run_scoped3A_173 : memref<!tpu.dma_semaphore, #tpu.memory_space<semaphore_mem>>) src(%arg8 : memref<128x128xf32, #tpu.memory_space<vmem>>) dst(%dma_wait3A_185 : memref<10112x128xf32, #tpu.memory_space<vmem_shared>>)
        tpu.yield
      }) : () -> ()
      %dma_start3A_50 = arith.constant 2 : i32
      %dma_start3A_51 = arith.constant 0 : i32
      %dma_start3A_52 = tpu.memref_slice %arg6[%dma_start3A_50, %dma_start3A_51] : memref<8x128xi32, #tpu.memory_space<vmem>> -> memref<1x128xi32, #tpu.memory_space<vmem>>
      %dma_start3A_53 = tpu.memref_squeeze %dma_start3A_52 : memref<1x128xi32, #tpu.memory_space<vmem>> -> memref<128xi32, #tpu.memory_space<vmem>>
      %dma_start3A_54 = arith.constant 0 : i32
      %dma_start3A_55 = arith.constant 0 : i32
      %dma_start3A_56 = tpu.memref_slice %arg2[%dma_start3A_54, %dma_start3A_55] : memref<10000x128xf32, #tpu.memory_space<hbm>> -> memref<10000x128xf32, #tpu.memory_space<hbm>>
      tpu.enqueue_indirect_dma source(%dma_start3A_56 : memref<10000x128xf32, #tpu.memory_space<hbm>>) target(%arg8 : memref<128x128xf32, #tpu.memory_space<vmem>>) offsets(%dma_start3A_53 : memref<128xi32, #tpu.memory_space<vmem>>) semaphore(%arg11 : memref<!tpu.dma_semaphore, #tpu.memory_space<semaphore_mem>>)
      %dma_wait3A_57 = arith.constant 1 : i32
      %dma_wait3A_58 = arith.constant 0 : i32
      %dma_wait3A_59 = tpu.memref_slice %arg6[%dma_wait3A_57, %dma_wait3A_58] : memref<8x128xi32, #tpu.memory_space<vmem>> -> memref<1x128xi32, #tpu.memory_space<vmem>>
      %dma_wait3A_60 = tpu.memref_squeeze %dma_wait3A_59 : memref<1x128xi32, #tpu.memory_space<vmem>> -> memref<128xi32, #tpu.memory_space<vmem>>
      %dma_wait3A_61 = arith.constant 0 : i32
      %dma_wait3A_62 = arith.constant 0 : i32
      %dma_wait3A_63 = tpu.memref_slice %arg2[%dma_wait3A_61, %dma_wait3A_62] : memref<10000x128xf32, #tpu.memory_space<hbm>> -> memref<10000x128xf32, #tpu.memory_space<hbm>>
      tpu.wait_indirect_dma semaphore(%arg12 : memref<!tpu.dma_semaphore, #tpu.memory_space<semaphore_mem>>) src(%dma_wait3A_63 : memref<10000x128xf32, #tpu.memory_space<hbm>>) dst(%arg9 : memref<128x128xf32, #tpu.memory_space<vmem>>)
      %run_scoped3A_64 = arith.constant 5 : i32
      "tpu.region"() ({
        %run_scoped3A_173 = tpu.sem_alloc : memref<!tpu.dma_semaphore, #tpu.memory_space<semaphore_mem>>
        %dma_start3A_174 = arith.constant 0 : i32
        %dma_start3A_175 = tpu.memref_slice %arg6[%run_scoped3A_64, %dma_start3A_174] : memref<8x128xi32, #tpu.memory_space<vmem>> -> memref<1x128xi32, #tpu.memory_space<vmem>>
        %dma_start3A_176 = tpu.memref_squeeze %dma_start3A_175 : memref<1x128xi32, #tpu.memory_space<vmem>> -> memref<128xi32, #tpu.memory_space<vmem>>
        %dma_start3A_177 = arith.constant 0 : i32
        %dma_start3A_178 = arith.constant 0 : i32
        %dma_start3A_179 = tpu.memref_slice %arg10[%dma_start3A_177, %dma_start3A_178] : memref<10112x128xf32, #tpu.memory_space<vmem_shared>> -> memref<10112x128xf32, #tpu.memory_space<vmem_shared>>
        tpu.enqueue_indirect_dma source(%arg9 : memref<128x128xf32, #tpu.memory_space<vmem>>) target(%dma_start3A_179 : memref<10112x128xf32, #tpu.memory_space<vmem_shared>>) offsets(%dma_start3A_176 : memref<128xi32, #tpu.memory_space<vmem>>) semaphore(%run_scoped3A_173 : memref<!tpu.dma_semaphore, #tpu.memory_space<semaphore_mem>>) {add = true}
        %dma_wait3A_180 = arith.constant 0 : i32
        %dma_wait3A_181 = tpu.memref_slice %arg6[%run_scoped3A_64, %dma_wait3A_180] : memref<8x128xi32, #tpu.memory_space<vmem>> -> memref<1x128xi32, #tpu.memory_space<vmem>>
        %dma_wait3A_182 = tpu.memref_squeeze %dma_wait3A_181 : memref<1x128xi32, #tpu.memory_space<vmem>> -> memref<128xi32, #tpu.memory_space<vmem>>
        %dma_wait3A_183 = arith.constant 0 : i32
        %dma_wait3A_184 = arith.constant 0 : i32
        %dma_wait3A_185 = tpu.memref_slice %arg10[%dma_wait3A_183, %dma_wait3A_184] : memref<10112x128xf32, #tpu.memory_space<vmem_shared>> -> memref<10112x128xf32, #tpu.memory_space<vmem_shared>>
        tpu.wait_indirect_dma semaphore(%run_scoped3A_173 : memref<!tpu.dma_semaphore, #tpu.memory_space<semaphore_mem>>) src(%arg9 : memref<128x128xf32, #tpu.memory_space<vmem>>) dst(%dma_wait3A_185 : memref<10112x128xf32, #tpu.memory_space<vmem_shared>>)
        tpu.yield
      }) : () -> ()
      %dma_start3A_65 = arith.constant 3 : i32
      %dma_start3A_66 = arith.constant 0 : i32
      %dma_start3A_67 = tpu.memref_slice %arg6[%dma_start3A_65, %dma_start3A_66] : memref<8x128xi32, #tpu.memory_space<vmem>> -> memref<1x128xi32, #tpu.memory_space<vmem>>
      %dma_start3A_68 = tpu.memref_squeeze %dma_start3A_67 : memref<1x128xi32, #tpu.memory_space<vmem>> -> memref<128xi32, #tpu.memory_space<vmem>>
      %dma_start3A_69 = arith.constant 0 : i32
      %dma_start3A_70 = arith.constant 0 : i32
      %dma_start3A_71 = tpu.memref_slice %arg2[%dma_start3A_69, %dma_start3A_70] : memref<10000x128xf32, #tpu.memory_space<hbm>> -> memref<10000x128xf32, #tpu.memory_space<hbm>>
      tpu.enqueue_indirect_dma source(%dma_start3A_71 : memref<10000x128xf32, #tpu.memory_space<hbm>>) target(%arg9 : memref<128x128xf32, #tpu.memory_space<vmem>>) offsets(%dma_start3A_68 : memref<128xi32, #tpu.memory_space<vmem>>) semaphore(%arg12 : memref<!tpu.dma_semaphore, #tpu.memory_space<semaphore_mem>>)
      %dma_wait3A_72 = arith.constant 2 : i32
      %dma_wait3A_73 = arith.constant 0 : i32
      %dma_wait3A_74 = tpu.memref_slice %arg6[%dma_wait3A_72, %dma_wait3A_73] : memref<8x128xi32, #tpu.memory_space<vmem>> -> memref<1x128xi32, #tpu.memory_space<vmem>>
      %dma_wait3A_75 = tpu.memref_squeeze %dma_wait3A_74 : memref<1x128xi32, #tpu.memory_space<vmem>> -> memref<128xi32, #tpu.memory_space<vmem>>
      %dma_wait3A_76 = arith.constant 0 : i32
      %dma_wait3A_77 = arith.constant 0 : i32
      %dma_wait3A_78 = tpu.memref_slice %arg2[%dma_wait3A_76, %dma_wait3A_77] : memref<10000x128xf32, #tpu.memory_space<hbm>> -> memref<10000x128xf32, #tpu.memory_space<hbm>>
      tpu.wait_indirect_dma semaphore(%arg11 : memref<!tpu.dma_semaphore, #tpu.memory_space<semaphore_mem>>) src(%dma_wait3A_78 : memref<10000x128xf32, #tpu.memory_space<hbm>>) dst(%arg8 : memref<128x128xf32, #tpu.memory_space<vmem>>)
      %run_scoped3A_79 = arith.constant 6 : i32
      "tpu.region"() ({
        %run_scoped3A_173 = tpu.sem_alloc : memref<!tpu.dma_semaphore, #tpu.memory_space<semaphore_mem>>
        %dma_start3A_174 = arith.constant 0 : i32
        %dma_start3A_175 = tpu.memref_slice %arg6[%run_scoped3A_79, %dma_start3A_174] : memref<8x128xi32, #tpu.memory_space<vmem>> -> memref<1x128xi32, #tpu.memory_space<vmem>>
        %dma_start3A_176 = tpu.memref_squeeze %dma_start3A_175 : memref<1x128xi32, #tpu.memory_space<vmem>> -> memref<128xi32, #tpu.memory_space<vmem>>
        %dma_start3A_177 = arith.constant 0 : i32
        %dma_start3A_178 = arith.constant 0 : i32
        %dma_start3A_179 = tpu.memref_slice %arg10[%dma_start3A_177, %dma_start3A_178] : memref<10112x128xf32, #tpu.memory_space<vmem_shared>> -> memref<10112x128xf32, #tpu.memory_space<vmem_shared>>
        tpu.enqueue_indirect_dma source(%arg8 : memref<128x128xf32, #tpu.memory_space<vmem>>) target(%dma_start3A_179 : memref<10112x128xf32, #tpu.memory_space<vmem_shared>>) offsets(%dma_start3A_176 : memref<128xi32, #tpu.memory_space<vmem>>) semaphore(%run_scoped3A_173 : memref<!tpu.dma_semaphore, #tpu.memory_space<semaphore_mem>>) {add = true}
        %dma_wait3A_180 = arith.constant 0 : i32
        %dma_wait3A_181 = tpu.memref_slice %arg6[%run_scoped3A_79, %dma_wait3A_180] : memref<8x128xi32, #tpu.memory_space<vmem>> -> memref<1x128xi32, #tpu.memory_space<vmem>>
        %dma_wait3A_182 = tpu.memref_squeeze %dma_wait3A_181 : memref<1x128xi32, #tpu.memory_space<vmem>> -> memref<128xi32, #tpu.memory_space<vmem>>
        %dma_wait3A_183 = arith.constant 0 : i32
        %dma_wait3A_184 = arith.constant 0 : i32
        %dma_wait3A_185 = tpu.memref_slice %arg10[%dma_wait3A_183, %dma_wait3A_184] : memref<10112x128xf32, #tpu.memory_space<vmem_shared>> -> memref<10112x128xf32, #tpu.memory_space<vmem_shared>>
        tpu.wait_indirect_dma semaphore(%run_scoped3A_173 : memref<!tpu.dma_semaphore, #tpu.memory_space<semaphore_mem>>) src(%arg8 : memref<128x128xf32, #tpu.memory_space<vmem>>) dst(%dma_wait3A_185 : memref<10112x128xf32, #tpu.memory_space<vmem_shared>>)
        tpu.yield
      }) : () -> ()
      %ge3A = arith.constant 2 : i32
      %ge3A_80 = arith.cmpi sge, %add3A_42, %ge3A : i32
      %convert_element_type3A = arith.extui %ge3A_80 : i1 to i32
      %cond3A = arith.constant 0 : i32
      %cond3A_81 = arith.cmpi ne, %convert_element_type3A, %cond3A : i32
      scf.if %cond3A_81 {
        %add3A_173 = arith.constant 1 : i32
        %add3A_174 = arith.addi %add3A_42, %add3A_173 : i32
        %dma_wait3A_175 = arith.constant 0 : i32
        %dma_wait3A_176 = arith.constant 0 : i32
        %dma_wait3A_177 = tpu.memref_slice %arg3[%add3A, %add3A_174, %dma_wait3A_175, %dma_wait3A_176] : memref<32x30x8x128xi32, #tpu.memory_space<hbm>> -> memref<1x1x8x128xi32, #tpu.memory_space<hbm>>
        %dma_wait3A_178 = tpu.memref_squeeze %dma_wait3A_177 : memref<1x1x8x128xi32, #tpu.memory_space<hbm>> -> memref<8x128xi32, #tpu.memory_space<hbm>>
        %dma_wait3A_179 = arith.constant 0 : i32
        %dma_wait3A_180 = arith.constant 0 : i32
        %dma_wait3A_181 = tpu.memref_slice %arg3[%add3A, %add3A_174, %dma_wait3A_179, %dma_wait3A_180] : memref<32x30x8x128xi32, #tpu.memory_space<hbm>> -> memref<1x1x8x128xi32, #tpu.memory_space<hbm>>
        %dma_wait3A_182 = tpu.memref_squeeze %dma_wait3A_181 : memref<1x1x8x128xi32, #tpu.memory_space<hbm>> -> memref<8x128xi32, #tpu.memory_space<hbm>>
        tpu.wait_dma2 semaphore(%arg14 : memref<!tpu.dma_semaphore, #tpu.memory_space<semaphore_mem>>) src(%dma_wait3A_182 : memref<8x128xi32, #tpu.memory_space<hbm>>) dst(%arg7 : memref<8x128xi32, #tpu.memory_space<vmem>>)
      } else {
      }
      %dma_start3A_82 = arith.constant 0 : i32
      %dma_start3A_83 = arith.constant 0 : i32
      %dma_start3A_84 = tpu.memref_slice %arg7[%dma_start3A_82, %dma_start3A_83] : memref<8x128xi32, #tpu.memory_space<vmem>> -> memref<1x128xi32, #tpu.memory_space<vmem>>
      %dma_start3A_85 = tpu.memref_squeeze %dma_start3A_84 : memref<1x128xi32, #tpu.memory_space<vmem>> -> memref<128xi32, #tpu.memory_space<vmem>>
      %dma_start3A_86 = arith.constant 0 : i32
      %dma_start3A_87 = arith.constant 0 : i32
      %dma_start3A_88 = tpu.memref_slice %arg2[%dma_start3A_86, %dma_start3A_87] : memref<10000x128xf32, #tpu.memory_space<hbm>> -> memref<10000x128xf32, #tpu.memory_space<hbm>>
      tpu.enqueue_indirect_dma source(%dma_start3A_88 : memref<10000x128xf32, #tpu.memory_space<hbm>>) target(%arg8 : memref<128x128xf32, #tpu.memory_space<vmem>>) offsets(%dma_start3A_85 : memref<128xi32, #tpu.memory_space<vmem>>) semaphore(%arg11 : memref<!tpu.dma_semaphore, #tpu.memory_space<semaphore_mem>>)
      %dma_wait3A_89 = arith.constant 3 : i32
      %dma_wait3A_90 = arith.constant 0 : i32
      %dma_wait3A_91 = tpu.memref_slice %arg6[%dma_wait3A_89, %dma_wait3A_90] : memref<8x128xi32, #tpu.memory_space<vmem>> -> memref<1x128xi32, #tpu.memory_space<vmem>>
      %dma_wait3A_92 = tpu.memref_squeeze %dma_wait3A_91 : memref<1x128xi32, #tpu.memory_space<vmem>> -> memref<128xi32, #tpu.memory_space<vmem>>
      %dma_wait3A_93 = arith.constant 0 : i32
      %dma_wait3A_94 = arith.constant 0 : i32
      %dma_wait3A_95 = tpu.memref_slice %arg2[%dma_wait3A_93, %dma_wait3A_94] : memref<10000x128xf32, #tpu.memory_space<hbm>> -> memref<10000x128xf32, #tpu.memory_space<hbm>>
      tpu.wait_indirect_dma semaphore(%arg12 : memref<!tpu.dma_semaphore, #tpu.memory_space<semaphore_mem>>) src(%dma_wait3A_95 : memref<10000x128xf32, #tpu.memory_space<hbm>>) dst(%arg9 : memref<128x128xf32, #tpu.memory_space<vmem>>)
      %run_scoped3A_96 = arith.constant 7 : i32
      "tpu.region"() ({
        %run_scoped3A_173 = tpu.sem_alloc : memref<!tpu.dma_semaphore, #tpu.memory_space<semaphore_mem>>
        %dma_start3A_174 = arith.constant 0 : i32
        %dma_start3A_175 = tpu.memref_slice %arg6[%run_scoped3A_96, %dma_start3A_174] : memref<8x128xi32, #tpu.memory_space<vmem>> -> memref<1x128xi32, #tpu.memory_space<vmem>>
        %dma_start3A_176 = tpu.memref_squeeze %dma_start3A_175 : memref<1x128xi32, #tpu.memory_space<vmem>> -> memref<128xi32, #tpu.memory_space<vmem>>
        %dma_start3A_177 = arith.constant 0 : i32
        %dma_start3A_178 = arith.constant 0 : i32
        %dma_start3A_179 = tpu.memref_slice %arg10[%dma_start3A_177, %dma_start3A_178] : memref<10112x128xf32, #tpu.memory_space<vmem_shared>> -> memref<10112x128xf32, #tpu.memory_space<vmem_shared>>
        tpu.enqueue_indirect_dma source(%arg9 : memref<128x128xf32, #tpu.memory_space<vmem>>) target(%dma_start3A_179 : memref<10112x128xf32, #tpu.memory_space<vmem_shared>>) offsets(%dma_start3A_176 : memref<128xi32, #tpu.memory_space<vmem>>) semaphore(%run_scoped3A_173 : memref<!tpu.dma_semaphore, #tpu.memory_space<semaphore_mem>>) {add = true}
        %dma_wait3A_180 = arith.constant 0 : i32
        %dma_wait3A_181 = tpu.memref_slice %arg6[%run_scoped3A_96, %dma_wait3A_180] : memref<8x128xi32, #tpu.memory_space<vmem>> -> memref<1x128xi32, #tpu.memory_space<vmem>>
        %dma_wait3A_182 = tpu.memref_squeeze %dma_wait3A_181 : memref<1x128xi32, #tpu.memory_space<vmem>> -> memref<128xi32, #tpu.memory_space<vmem>>
        %dma_wait3A_183 = arith.constant 0 : i32
        %dma_wait3A_184 = arith.constant 0 : i32
        %dma_wait3A_185 = tpu.memref_slice %arg10[%dma_wait3A_183, %dma_wait3A_184] : memref<10112x128xf32, #tpu.memory_space<vmem_shared>> -> memref<10112x128xf32, #tpu.memory_space<vmem_shared>>
        tpu.wait_indirect_dma semaphore(%run_scoped3A_173 : memref<!tpu.dma_semaphore, #tpu.memory_space<semaphore_mem>>) src(%arg9 : memref<128x128xf32, #tpu.memory_space<vmem>>) dst(%dma_wait3A_185 : memref<10112x128xf32, #tpu.memory_space<vmem_shared>>)
        tpu.yield
      }) : () -> ()
      %add3A_97 = arith.constant 2 : i32
      %add3A_98 = arith.addi %add3A_42, %add3A_97 : i32
      %lt3A = arith.cmpi slt, %add3A_98, %select_n3A : i32
      %convert_element_type3A_99 = arith.extui %lt3A : i1 to i32
      %cond3A_100 = arith.constant 0 : i32
      %cond3A_101 = arith.cmpi ne, %convert_element_type3A_99, %cond3A_100 : i32
      scf.if %cond3A_101 {
        %add3A_173 = arith.constant 2 : i32
        %add3A_174 = arith.addi %add3A_42, %add3A_173 : i32
        %dma_start3A_175 = arith.constant 0 : i32
        %dma_start3A_176 = arith.constant 0 : i32
        %dma_start3A_177 = tpu.memref_slice %arg3[%add3A, %add3A_174, %dma_start3A_175, %dma_start3A_176] : memref<32x30x8x128xi32, #tpu.memory_space<hbm>> -> memref<1x1x8x128xi32, #tpu.memory_space<hbm>>
        %dma_start3A_178 = tpu.memref_squeeze %dma_start3A_177 : memref<1x1x8x128xi32, #tpu.memory_space<hbm>> -> memref<8x128xi32, #tpu.memory_space<hbm>>
        %dma_start3A_179 = arith.constant 0 : i32
        %dma_start3A_180 = arith.constant 0 : i32
        %dma_start3A_181 = tpu.memref_slice %arg3[%add3A, %add3A_174, %dma_start3A_179, %dma_start3A_180] : memref<32x30x8x128xi32, #tpu.memory_space<hbm>> -> memref<1x1x8x128xi32, #tpu.memory_space<hbm>>
        %dma_start3A_182 = tpu.memref_squeeze %dma_start3A_181 : memref<1x1x8x128xi32, #tpu.memory_space<hbm>> -> memref<8x128xi32, #tpu.memory_space<hbm>>
        tpu.enqueue_dma source(%dma_start3A_182 : memref<8x128xi32, #tpu.memory_space<hbm>>) target(%arg6 : memref<8x128xi32, #tpu.memory_space<vmem>>) target_semaphore(%arg13 : memref<!tpu.dma_semaphore, #tpu.memory_space<semaphore_mem>>)
      } else {
      }
      %dma_start3A_102 = arith.constant 1 : i32
      %dma_start3A_103 = arith.constant 0 : i32
      %dma_start3A_104 = tpu.memref_slice %arg7[%dma_start3A_102, %dma_start3A_103] : memref<8x128xi32, #tpu.memory_space<vmem>> -> memref<1x128xi32, #tpu.memory_space<vmem>>
      %dma_start3A_105 = tpu.memref_squeeze %dma_start3A_104 : memref<1x128xi32, #tpu.memory_space<vmem>> -> memref<128xi32, #tpu.memory_space<vmem>>
      %dma_start3A_106 = arith.constant 0 : i32
      %dma_start3A_107 = arith.constant 0 : i32
      %dma_start3A_108 = tpu.memref_slice %arg2[%dma_start3A_106, %dma_start3A_107] : memref<10000x128xf32, #tpu.memory_space<hbm>> -> memref<10000x128xf32, #tpu.memory_space<hbm>>
      tpu.enqueue_indirect_dma source(%dma_start3A_108 : memref<10000x128xf32, #tpu.memory_space<hbm>>) target(%arg9 : memref<128x128xf32, #tpu.memory_space<vmem>>) offsets(%dma_start3A_105 : memref<128xi32, #tpu.memory_space<vmem>>) semaphore(%arg12 : memref<!tpu.dma_semaphore, #tpu.memory_space<semaphore_mem>>)
      %dma_wait3A_109 = arith.constant 0 : i32
      %dma_wait3A_110 = arith.constant 0 : i32
      %dma_wait3A_111 = tpu.memref_slice %arg7[%dma_wait3A_109, %dma_wait3A_110] : memref<8x128xi32, #tpu.memory_space<vmem>> -> memref<1x128xi32, #tpu.memory_space<vmem>>
      %dma_wait3A_112 = tpu.memref_squeeze %dma_wait3A_111 : memref<1x128xi32, #tpu.memory_space<vmem>> -> memref<128xi32, #tpu.memory_space<vmem>>
      %dma_wait3A_113 = arith.constant 0 : i32
      %dma_wait3A_114 = arith.constant 0 : i32
      %dma_wait3A_115 = tpu.memref_slice %arg2[%dma_wait3A_113, %dma_wait3A_114] : memref<10000x128xf32, #tpu.memory_space<hbm>> -> memref<10000x128xf32, #tpu.memory_space<hbm>>
      tpu.wait_indirect_dma semaphore(%arg11 : memref<!tpu.dma_semaphore, #tpu.memory_space<semaphore_mem>>) src(%dma_wait3A_115 : memref<10000x128xf32, #tpu.memory_space<hbm>>) dst(%arg8 : memref<128x128xf32, #tpu.memory_space<vmem>>)
      %run_scoped3A_116 = arith.constant 4 : i32
      "tpu.region"() ({
        %run_scoped3A_173 = tpu.sem_alloc : memref<!tpu.dma_semaphore, #tpu.memory_space<semaphore_mem>>
        %dma_start3A_174 = arith.constant 0 : i32
        %dma_start3A_175 = tpu.memref_slice %arg7[%run_scoped3A_116, %dma_start3A_174] : memref<8x128xi32, #tpu.memory_space<vmem>> -> memref<1x128xi32, #tpu.memory_space<vmem>>
        %dma_start3A_176 = tpu.memref_squeeze %dma_start3A_175 : memref<1x128xi32, #tpu.memory_space<vmem>> -> memref<128xi32, #tpu.memory_space<vmem>>
        %dma_start3A_177 = arith.constant 0 : i32
        %dma_start3A_178 = arith.constant 0 : i32
        %dma_start3A_179 = tpu.memref_slice %arg10[%dma_start3A_177, %dma_start3A_178] : memref<10112x128xf32, #tpu.memory_space<vmem_shared>> -> memref<10112x128xf32, #tpu.memory_space<vmem_shared>>
        tpu.enqueue_indirect_dma source(%arg8 : memref<128x128xf32, #tpu.memory_space<vmem>>) target(%dma_start3A_179 : memref<10112x128xf32, #tpu.memory_space<vmem_shared>>) offsets(%dma_start3A_176 : memref<128xi32, #tpu.memory_space<vmem>>) semaphore(%run_scoped3A_173 : memref<!tpu.dma_semaphore, #tpu.memory_space<semaphore_mem>>) {add = true}
        %dma_wait3A_180 = arith.constant 0 : i32
        %dma_wait3A_181 = tpu.memref_slice %arg7[%run_scoped3A_116, %dma_wait3A_180] : memref<8x128xi32, #tpu.memory_space<vmem>> -> memref<1x128xi32, #tpu.memory_space<vmem>>
        %dma_wait3A_182 = tpu.memref_squeeze %dma_wait3A_181 : memref<1x128xi32, #tpu.memory_space<vmem>> -> memref<128xi32, #tpu.memory_space<vmem>>
        %dma_wait3A_183 = arith.constant 0 : i32
        %dma_wait3A_184 = arith.constant 0 : i32
        %dma_wait3A_185 = tpu.memref_slice %arg10[%dma_wait3A_183, %dma_wait3A_184] : memref<10112x128xf32, #tpu.memory_space<vmem_shared>> -> memref<10112x128xf32, #tpu.memory_space<vmem_shared>>
        tpu.wait_indirect_dma semaphore(%run_scoped3A_173 : memref<!tpu.dma_semaphore, #tpu.memory_space<semaphore_mem>>) src(%arg8 : memref<128x128xf32, #tpu.memory_space<vmem>>) dst(%dma_wait3A_185 : memref<10112x128xf32, #tpu.memory_space<vmem_shared>>)
        tpu.yield
      }) : () -> ()
      %dma_start3A_117 = arith.constant 2 : i32
      %dma_start3A_118 = arith.constant 0 : i32
      %dma_start3A_119 = tpu.memref_slice %arg7[%dma_start3A_117, %dma_start3A_118] : memref<8x128xi32, #tpu.memory_space<vmem>> -> memref<1x128xi32, #tpu.memory_space<vmem>>
      %dma_start3A_120 = tpu.memref_squeeze %dma_start3A_119 : memref<1x128xi32, #tpu.memory_space<vmem>> -> memref<128xi32, #tpu.memory_space<vmem>>
      %dma_start3A_121 = arith.constant 0 : i32
      %dma_start3A_122 = arith.constant 0 : i32
      %dma_start3A_123 = tpu.memref_slice %arg2[%dma_start3A_121, %dma_start3A_122] : memref<10000x128xf32, #tpu.memory_space<hbm>> -> memref<10000x128xf32, #tpu.memory_space<hbm>>
      tpu.enqueue_indirect_dma source(%dma_start3A_123 : memref<10000x128xf32, #tpu.memory_space<hbm>>) target(%arg8 : memref<128x128xf32, #tpu.memory_space<vmem>>) offsets(%dma_start3A_120 : memref<128xi32, #tpu.memory_space<vmem>>) semaphore(%arg11 : memref<!tpu.dma_semaphore, #tpu.memory_space<semaphore_mem>>)
      %dma_wait3A_124 = arith.constant 1 : i32
      %dma_wait3A_125 = arith.constant 0 : i32
      %dma_wait3A_126 = tpu.memref_slice %arg7[%dma_wait3A_124, %dma_wait3A_125] : memref<8x128xi32, #tpu.memory_space<vmem>> -> memref<1x128xi32, #tpu.memory_space<vmem>>
      %dma_wait3A_127 = tpu.memref_squeeze %dma_wait3A_126 : memref<1x128xi32, #tpu.memory_space<vmem>> -> memref<128xi32, #tpu.memory_space<vmem>>
      %dma_wait3A_128 = arith.constant 0 : i32
      %dma_wait3A_129 = arith.constant 0 : i32
      %dma_wait3A_130 = tpu.memref_slice %arg2[%dma_wait3A_128, %dma_wait3A_129] : memref<10000x128xf32, #tpu.memory_space<hbm>> -> memref<10000x128xf32, #tpu.memory_space<hbm>>
      tpu.wait_indirect_dma semaphore(%arg12 : memref<!tpu.dma_semaphore, #tpu.memory_space<semaphore_mem>>) src(%dma_wait3A_130 : memref<10000x128xf32, #tpu.memory_space<hbm>>) dst(%arg9 : memref<128x128xf32, #tpu.memory_space<vmem>>)
      %run_scoped3A_131 = arith.constant 5 : i32
      "tpu.region"() ({
        %run_scoped3A_173 = tpu.sem_alloc : memref<!tpu.dma_semaphore, #tpu.memory_space<semaphore_mem>>
        %dma_start3A_174 = arith.constant 0 : i32
        %dma_start3A_175 = tpu.memref_slice %arg7[%run_scoped3A_131, %dma_start3A_174] : memref<8x128xi32, #tpu.memory_space<vmem>> -> memref<1x128xi32, #tpu.memory_space<vmem>>
        %dma_start3A_176 = tpu.memref_squeeze %dma_start3A_175 : memref<1x128xi32, #tpu.memory_space<vmem>> -> memref<128xi32, #tpu.memory_space<vmem>>
        %dma_start3A_177 = arith.constant 0 : i32
        %dma_start3A_178 = arith.constant 0 : i32
        %dma_start3A_179 = tpu.memref_slice %arg10[%dma_start3A_177, %dma_start3A_178] : memref<10112x128xf32, #tpu.memory_space<vmem_shared>> -> memref<10112x128xf32, #tpu.memory_space<vmem_shared>>
        tpu.enqueue_indirect_dma source(%arg9 : memref<128x128xf32, #tpu.memory_space<vmem>>) target(%dma_start3A_179 : memref<10112x128xf32, #tpu.memory_space<vmem_shared>>) offsets(%dma_start3A_176 : memref<128xi32, #tpu.memory_space<vmem>>) semaphore(%run_scoped3A_173 : memref<!tpu.dma_semaphore, #tpu.memory_space<semaphore_mem>>) {add = true}
        %dma_wait3A_180 = arith.constant 0 : i32
        %dma_wait3A_181 = tpu.memref_slice %arg7[%run_scoped3A_131, %dma_wait3A_180] : memref<8x128xi32, #tpu.memory_space<vmem>> -> memref<1x128xi32, #tpu.memory_space<vmem>>
        %dma_wait3A_182 = tpu.memref_squeeze %dma_wait3A_181 : memref<1x128xi32, #tpu.memory_space<vmem>> -> memref<128xi32, #tpu.memory_space<vmem>>
        %dma_wait3A_183 = arith.constant 0 : i32
        %dma_wait3A_184 = arith.constant 0 : i32
        %dma_wait3A_185 = tpu.memref_slice %arg10[%dma_wait3A_183, %dma_wait3A_184] : memref<10112x128xf32, #tpu.memory_space<vmem_shared>> -> memref<10112x128xf32, #tpu.memory_space<vmem_shared>>
        tpu.wait_indirect_dma semaphore(%run_scoped3A_173 : memref<!tpu.dma_semaphore, #tpu.memory_space<semaphore_mem>>) src(%arg9 : memref<128x128xf32, #tpu.memory_space<vmem>>) dst(%dma_wait3A_185 : memref<10112x128xf32, #tpu.memory_space<vmem_shared>>)
        tpu.yield
      }) : () -> ()
      %dma_start3A_132 = arith.constant 3 : i32
      %dma_start3A_133 = arith.constant 0 : i32
      %dma_start3A_134 = tpu.memref_slice %arg7[%dma_start3A_132, %dma_start3A_133] : memref<8x128xi32, #tpu.memory_space<vmem>> -> memref<1x128xi32, #tpu.memory_space<vmem>>
      %dma_start3A_135 = tpu.memref_squeeze %dma_start3A_134 : memref<1x128xi32, #tpu.memory_space<vmem>> -> memref<128xi32, #tpu.memory_space<vmem>>
      %dma_start3A_136 = arith.constant 0 : i32
      %dma_start3A_137 = arith.constant 0 : i32
      %dma_start3A_138 = tpu.memref_slice %arg2[%dma_start3A_136, %dma_start3A_137] : memref<10000x128xf32, #tpu.memory_space<hbm>> -> memref<10000x128xf32, #tpu.memory_space<hbm>>
      tpu.enqueue_indirect_dma source(%dma_start3A_138 : memref<10000x128xf32, #tpu.memory_space<hbm>>) target(%arg9 : memref<128x128xf32, #tpu.memory_space<vmem>>) offsets(%dma_start3A_135 : memref<128xi32, #tpu.memory_space<vmem>>) semaphore(%arg12 : memref<!tpu.dma_semaphore, #tpu.memory_space<semaphore_mem>>)
      %dma_wait3A_139 = arith.constant 2 : i32
      %dma_wait3A_140 = arith.constant 0 : i32
      %dma_wait3A_141 = tpu.memref_slice %arg7[%dma_wait3A_139, %dma_wait3A_140] : memref<8x128xi32, #tpu.memory_space<vmem>> -> memref<1x128xi32, #tpu.memory_space<vmem>>
      %dma_wait3A_142 = tpu.memref_squeeze %dma_wait3A_141 : memref<1x128xi32, #tpu.memory_space<vmem>> -> memref<128xi32, #tpu.memory_space<vmem>>
      %dma_wait3A_143 = arith.constant 0 : i32
      %dma_wait3A_144 = arith.constant 0 : i32
      %dma_wait3A_145 = tpu.memref_slice %arg2[%dma_wait3A_143, %dma_wait3A_144] : memref<10000x128xf32, #tpu.memory_space<hbm>> -> memref<10000x128xf32, #tpu.memory_space<hbm>>
      tpu.wait_indirect_dma semaphore(%arg11 : memref<!tpu.dma_semaphore, #tpu.memory_space<semaphore_mem>>) src(%dma_wait3A_145 : memref<10000x128xf32, #tpu.memory_space<hbm>>) dst(%arg8 : memref<128x128xf32, #tpu.memory_space<vmem>>)
      %run_scoped3A_146 = arith.constant 6 : i32
      "tpu.region"() ({
        %run_scoped3A_173 = tpu.sem_alloc : memref<!tpu.dma_semaphore, #tpu.memory_space<semaphore_mem>>
        %dma_start3A_174 = arith.constant 0 : i32
        %dma_start3A_175 = tpu.memref_slice %arg7[%run_scoped3A_146, %dma_start3A_174] : memref<8x128xi32, #tpu.memory_space<vmem>> -> memref<1x128xi32, #tpu.memory_space<vmem>>
        %dma_start3A_176 = tpu.memref_squeeze %dma_start3A_175 : memref<1x128xi32, #tpu.memory_space<vmem>> -> memref<128xi32, #tpu.memory_space<vmem>>
        %dma_start3A_177 = arith.constant 0 : i32
        %dma_start3A_178 = arith.constant 0 : i32
        %dma_start3A_179 = tpu.memref_slice %arg10[%dma_start3A_177, %dma_start3A_178] : memref<10112x128xf32, #tpu.memory_space<vmem_shared>> -> memref<10112x128xf32, #tpu.memory_space<vmem_shared>>
        tpu.enqueue_indirect_dma source(%arg8 : memref<128x128xf32, #tpu.memory_space<vmem>>) target(%dma_start3A_179 : memref<10112x128xf32, #tpu.memory_space<vmem_shared>>) offsets(%dma_start3A_176 : memref<128xi32, #tpu.memory_space<vmem>>) semaphore(%run_scoped3A_173 : memref<!tpu.dma_semaphore, #tpu.memory_space<semaphore_mem>>) {add = true}
        %dma_wait3A_180 = arith.constant 0 : i32
        %dma_wait3A_181 = tpu.memref_slice %arg7[%run_scoped3A_146, %dma_wait3A_180] : memref<8x128xi32, #tpu.memory_space<vmem>> -> memref<1x128xi32, #tpu.memory_space<vmem>>
        %dma_wait3A_182 = tpu.memref_squeeze %dma_wait3A_181 : memref<1x128xi32, #tpu.memory_space<vmem>> -> memref<128xi32, #tpu.memory_space<vmem>>
        %dma_wait3A_183 = arith.constant 0 : i32
        %dma_wait3A_184 = arith.constant 0 : i32
        %dma_wait3A_185 = tpu.memref_slice %arg10[%dma_wait3A_183, %dma_wait3A_184] : memref<10112x128xf32, #tpu.memory_space<vmem_shared>> -> memref<10112x128xf32, #tpu.memory_space<vmem_shared>>
        tpu.wait_indirect_dma semaphore(%run_scoped3A_173 : memref<!tpu.dma_semaphore, #tpu.memory_space<semaphore_mem>>) src(%arg8 : memref<128x128xf32, #tpu.memory_space<vmem>>) dst(%dma_wait3A_185 : memref<10112x128xf32, #tpu.memory_space<vmem_shared>>)
        tpu.yield
      }) : () -> ()
      %add3A_147 = arith.constant 2 : i32
      %add3A_148 = arith.addi %add3A_42, %add3A_147 : i32
      %lt3A_149 = arith.cmpi slt, %add3A_148, %select_n3A : i32
      %convert_element_type3A_150 = arith.extui %lt3A_149 : i1 to i32
      %cond3A_151 = arith.constant 0 : i32
      %cond3A_152 = arith.cmpi ne, %convert_element_type3A_150, %cond3A_151 : i32
      scf.if %cond3A_152 {
        %add3A_173 = arith.constant 2 : i32
        %add3A_174 = arith.addi %add3A_42, %add3A_173 : i32
        %dma_wait3A_175 = arith.constant 0 : i32
        %dma_wait3A_176 = arith.constant 0 : i32
        %dma_wait3A_177 = tpu.memref_slice %arg3[%add3A, %add3A_174, %dma_wait3A_175, %dma_wait3A_176] : memref<32x30x8x128xi32, #tpu.memory_space<hbm>> -> memref<1x1x8x128xi32, #tpu.memory_space<hbm>>
        %dma_wait3A_178 = tpu.memref_squeeze %dma_wait3A_177 : memref<1x1x8x128xi32, #tpu.memory_space<hbm>> -> memref<8x128xi32, #tpu.memory_space<hbm>>
        %dma_wait3A_179 = arith.constant 0 : i32
        %dma_wait3A_180 = arith.constant 0 : i32
        %dma_wait3A_181 = tpu.memref_slice %arg3[%add3A, %add3A_174, %dma_wait3A_179, %dma_wait3A_180] : memref<32x30x8x128xi32, #tpu.memory_space<hbm>> -> memref<1x1x8x128xi32, #tpu.memory_space<hbm>>
        %dma_wait3A_182 = tpu.memref_squeeze %dma_wait3A_181 : memref<1x1x8x128xi32, #tpu.memory_space<hbm>> -> memref<8x128xi32, #tpu.memory_space<hbm>>
        tpu.wait_dma2 semaphore(%arg13 : memref<!tpu.dma_semaphore, #tpu.memory_space<semaphore_mem>>) src(%dma_wait3A_182 : memref<8x128xi32, #tpu.memory_space<hbm>>) dst(%arg6 : memref<8x128xi32, #tpu.memory_space<vmem>>)
        %dma_start3A_183 = arith.constant 0 : i32
        %dma_start3A_184 = arith.constant 0 : i32
        %dma_start3A_185 = tpu.memref_slice %arg6[%dma_start3A_183, %dma_start3A_184] : memref<8x128xi32, #tpu.memory_space<vmem>> -> memref<1x128xi32, #tpu.memory_space<vmem>>
        %dma_start3A_186 = tpu.memref_squeeze %dma_start3A_185 : memref<1x128xi32, #tpu.memory_space<vmem>> -> memref<128xi32, #tpu.memory_space<vmem>>
        %dma_start3A_187 = arith.constant 0 : i32
        %dma_start3A_188 = arith.constant 0 : i32
        %dma_start3A_189 = tpu.memref_slice %arg2[%dma_start3A_187, %dma_start3A_188] : memref<10000x128xf32, #tpu.memory_space<hbm>> -> memref<10000x128xf32, #tpu.memory_space<hbm>>
        tpu.enqueue_indirect_dma source(%dma_start3A_189 : memref<10000x128xf32, #tpu.memory_space<hbm>>) target(%arg8 : memref<128x128xf32, #tpu.memory_space<vmem>>) offsets(%dma_start3A_186 : memref<128xi32, #tpu.memory_space<vmem>>) semaphore(%arg11 : memref<!tpu.dma_semaphore, #tpu.memory_space<semaphore_mem>>)
      } else {
      }
      %dma_wait3A_153 = arith.constant 3 : i32
      %dma_wait3A_154 = arith.constant 0 : i32
      %dma_wait3A_155 = tpu.memref_slice %arg7[%dma_wait3A_153, %dma_wait3A_154] : memref<8x128xi32, #tpu.memory_space<vmem>> -> memref<1x128xi32, #tpu.memory_space<vmem>>
      %dma_wait3A_156 = tpu.memref_squeeze %dma_wait3A_155 : memref<1x128xi32, #tpu.memory_space<vmem>> -> memref<128xi32, #tpu.memory_space<vmem>>
      %dma_wait3A_157 = arith.constant 0 : i32
      %dma_wait3A_158 = arith.constant 0 : i32
      %dma_wait3A_159 = tpu.memref_slice %arg2[%dma_wait3A_157, %dma_wait3A_158] : memref<10000x128xf32, #tpu.memory_space<hbm>> -> memref<10000x128xf32, #tpu.memory_space<hbm>>
      tpu.wait_indirect_dma semaphore(%arg12 : memref<!tpu.dma_semaphore, #tpu.memory_space<semaphore_mem>>) src(%dma_wait3A_159 : memref<10000x128xf32, #tpu.memory_space<hbm>>) dst(%arg9 : memref<128x128xf32, #tpu.memory_space<vmem>>)
      %run_scoped3A_160 = arith.constant 7 : i32
      "tpu.region"() ({
        %run_scoped3A_173 = tpu.sem_alloc : memref<!tpu.dma_semaphore, #tpu.memory_space<semaphore_mem>>
        %dma_start3A_174 = arith.constant 0 : i32
        %dma_start3A_175 = tpu.memref_slice %arg7[%run_scoped3A_160, %dma_start3A_174] : memref<8x128xi32, #tpu.memory_space<vmem>> -> memref<1x128xi32, #tpu.memory_space<vmem>>
        %dma_start3A_176 = tpu.memref_squeeze %dma_start3A_175 : memref<1x128xi32, #tpu.memory_space<vmem>> -> memref<128xi32, #tpu.memory_space<vmem>>
        %dma_start3A_177 = arith.constant 0 : i32
        %dma_start3A_178 = arith.constant 0 : i32
        %dma_start3A_179 = tpu.memref_slice %arg10[%dma_start3A_177, %dma_start3A_178] : memref<10112x128xf32, #tpu.memory_space<vmem_shared>> -> memref<10112x128xf32, #tpu.memory_space<vmem_shared>>
        tpu.enqueue_indirect_dma source(%arg9 : memref<128x128xf32, #tpu.memory_space<vmem>>) target(%dma_start3A_179 : memref<10112x128xf32, #tpu.memory_space<vmem_shared>>) offsets(%dma_start3A_176 : memref<128xi32, #tpu.memory_space<vmem>>) semaphore(%run_scoped3A_173 : memref<!tpu.dma_semaphore, #tpu.memory_space<semaphore_mem>>) {add = true}
        %dma_wait3A_180 = arith.constant 0 : i32
        %dma_wait3A_181 = tpu.memref_slice %arg7[%run_scoped3A_160, %dma_wait3A_180] : memref<8x128xi32, #tpu.memory_space<vmem>> -> memref<1x128xi32, #tpu.memory_space<vmem>>
        %dma_wait3A_182 = tpu.memref_squeeze %dma_wait3A_181 : memref<1x128xi32, #tpu.memory_space<vmem>> -> memref<128xi32, #tpu.memory_space<vmem>>
        %dma_wait3A_183 = arith.constant 0 : i32
        %dma_wait3A_184 = arith.constant 0 : i32
        %dma_wait3A_185 = tpu.memref_slice %arg10[%dma_wait3A_183, %dma_wait3A_184] : memref<10112x128xf32, #tpu.memory_space<vmem_shared>> -> memref<10112x128xf32, #tpu.memory_space<vmem_shared>>
        tpu.wait_indirect_dma semaphore(%run_scoped3A_173 : memref<!tpu.dma_semaphore, #tpu.memory_space<semaphore_mem>>) src(%arg9 : memref<128x128xf32, #tpu.memory_space<vmem>>) dst(%dma_wait3A_185 : memref<10112x128xf32, #tpu.memory_space<vmem_shared>>)
        tpu.yield
      }) : () -> ()
      %add3A_161 = arith.constant 3 : i32
      %add3A_162 = arith.addi %add3A_42, %add3A_161 : i32
      %lt3A_163 = arith.cmpi slt, %add3A_162, %select_n3A : i32
      %convert_element_type3A_164 = arith.extui %lt3A_163 : i1 to i32
      %cond3A_165 = arith.constant 0 : i32
      %cond3A_166 = arith.cmpi ne, %convert_element_type3A_164, %cond3A_165 : i32
      scf.if %cond3A_166 {
        %add3A_173 = arith.constant 3 : i32
        %add3A_174 = arith.addi %add3A_42, %add3A_173 : i32
        %dma_start3A_175 = arith.constant 0 : i32
        %dma_start3A_176 = arith.constant 0 : i32
        %dma_start3A_177 = tpu.memref_slice %arg3[%add3A, %add3A_174, %dma_start3A_175, %dma_start3A_176] : memref<32x30x8x128xi32, #tpu.memory_space<hbm>> -> memref<1x1x8x128xi32, #tpu.memory_space<hbm>>
        %dma_start3A_178 = tpu.memref_squeeze %dma_start3A_177 : memref<1x1x8x128xi32, #tpu.memory_space<hbm>> -> memref<8x128xi32, #tpu.memory_space<hbm>>
        %dma_start3A_179 = arith.constant 0 : i32
        %dma_start3A_180 = arith.constant 0 : i32
        %dma_start3A_181 = tpu.memref_slice %arg3[%add3A, %add3A_174, %dma_start3A_179, %dma_start3A_180] : memref<32x30x8x128xi32, #tpu.memory_space<hbm>> -> memref<1x1x8x128xi32, #tpu.memory_space<hbm>>
        %dma_start3A_182 = tpu.memref_squeeze %dma_start3A_181 : memref<1x1x8x128xi32, #tpu.memory_space<hbm>> -> memref<8x128xi32, #tpu.memory_space<hbm>>
        tpu.enqueue_dma source(%dma_start3A_182 : memref<8x128xi32, #tpu.memory_space<hbm>>) target(%arg7 : memref<8x128xi32, #tpu.memory_space<vmem>>) target_semaphore(%arg14 : memref<!tpu.dma_semaphore, #tpu.memory_space<semaphore_mem>>)
      } else {
      }
      %add3A_167 = arith.constant 2 : i32
      %add3A_168 = arith.addi %add3A_42, %add3A_167 : i32
      %lt3A_169 = arith.cmpi slt, %add3A_168, %select_n3A : i32
      %convert_element_type3A_170 = arith.extui %lt3A_169 : i1 to i32
      %cond3A_171 = arith.constant 0 : i32
      %cond3A_172 = arith.cmpi ne, %convert_element_type3A_170, %cond3A_171 : i32
      scf.if %cond3A_172 {
        %dma_start3A_173 = arith.constant 1 : i32
        %dma_start3A_174 = arith.constant 0 : i32
        %dma_start3A_175 = tpu.memref_slice %arg6[%dma_start3A_173, %dma_start3A_174] : memref<8x128xi32, #tpu.memory_space<vmem>> -> memref<1x128xi32, #tpu.memory_space<vmem>>
        %dma_start3A_176 = tpu.memref_squeeze %dma_start3A_175 : memref<1x128xi32, #tpu.memory_space<vmem>> -> memref<128xi32, #tpu.memory_space<vmem>>
        %dma_start3A_177 = arith.constant 0 : i32
        %dma_start3A_178 = arith.constant 0 : i32
        %dma_start3A_179 = tpu.memref_slice %arg2[%dma_start3A_177, %dma_start3A_178] : memref<10000x128xf32, #tpu.memory_space<hbm>> -> memref<10000x128xf32, #tpu.memory_space<hbm>>
        tpu.enqueue_indirect_dma source(%dma_start3A_179 : memref<10000x128xf32, #tpu.memory_space<hbm>>) target(%arg9 : memref<128x128xf32, #tpu.memory_space<vmem>>) offsets(%dma_start3A_176 : memref<128xi32, #tpu.memory_space<vmem>>) semaphore(%arg12 : memref<!tpu.dma_semaphore, #tpu.memory_space<semaphore_mem>>)
      } else {
      }
    }
    %while3A_34 = arith.constant 1 : i32
    scf.for %while3A_40 = %while3A_32 to %while3A_28 step %while3A_34  : i32 {
      %mul3A_41 = arith.muli %while3A_40, %while3A : i32
      %add3A_42 = arith.addi %while3A_25, %mul3A_41 : i32
      %dma_wait3A = arith.constant 0 : i32
      %dma_wait3A_43 = arith.constant 0 : i32
      %dma_wait3A_44 = tpu.memref_slice %arg6[%dma_wait3A, %dma_wait3A_43] : memref<8x128xi32, #tpu.memory_space<vmem>> -> memref<1x128xi32, #tpu.memory_space<vmem>>
      %dma_wait3A_45 = tpu.memref_squeeze %dma_wait3A_44 : memref<1x128xi32, #tpu.memory_space<vmem>> -> memref<128xi32, #tpu.memory_space<vmem>>
      %dma_wait3A_46 = arith.constant 0 : i32
      %dma_wait3A_47 = arith.constant 0 : i32
      %dma_wait3A_48 = tpu.memref_slice %arg2[%dma_wait3A_46, %dma_wait3A_47] : memref<10000x128xf32, #tpu.memory_space<hbm>> -> memref<10000x128xf32, #tpu.memory_space<hbm>>
      tpu.wait_indirect_dma semaphore(%arg11 : memref<!tpu.dma_semaphore, #tpu.memory_space<semaphore_mem>>) src(%dma_wait3A_48 : memref<10000x128xf32, #tpu.memory_space<hbm>>) dst(%arg8 : memref<128x128xf32, #tpu.memory_space<vmem>>)
      %run_scoped3A_49 = arith.constant 4 : i32
      "tpu.region"() ({
        %run_scoped3A_173 = tpu.sem_alloc : memref<!tpu.dma_semaphore, #tpu.memory_space<semaphore_mem>>
        %dma_start3A_174 = arith.constant 0 : i32
        %dma_start3A_175 = tpu.memref_slice %arg6[%run_scoped3A_49, %dma_start3A_174] : memref<8x128xi32, #tpu.memory_space<vmem>> -> memref<1x128xi32, #tpu.memory_space<vmem>>
        %dma_start3A_176 = tpu.memref_squeeze %dma_start3A_175 : memref<1x128xi32, #tpu.memory_space<vmem>> -> memref<128xi32, #tpu.memory_space<vmem>>
        %dma_start3A_177 = arith.constant 0 : i32
        %dma_start3A_178 = arith.constant 0 : i32
        %dma_start3A_179 = tpu.memref_slice %arg10[%dma_start3A_177, %dma_start3A_178] : memref<10112x128xf32, #tpu.memory_space<vmem_shared>> -> memref<10112x128xf32, #tpu.memory_space<vmem_shared>>
        tpu.enqueue_indirect_dma source(%arg8 : memref<128x128xf32, #tpu.memory_space<vmem>>) target(%dma_start3A_179 : memref<10112x128xf32, #tpu.memory_space<vmem_shared>>) offsets(%dma_start3A_176 : memref<128xi32, #tpu.memory_space<vmem>>) semaphore(%run_scoped3A_173 : memref<!tpu.dma_semaphore, #tpu.memory_space<semaphore_mem>>) {add = true}
        %dma_wait3A_180 = arith.constant 0 : i32
        %dma_wait3A_181 = tpu.memref_slice %arg6[%run_scoped3A_49, %dma_wait3A_180] : memref<8x128xi32, #tpu.memory_space<vmem>> -> memref<1x128xi32, #tpu.memory_space<vmem>>
        %dma_wait3A_182 = tpu.memref_squeeze %dma_wait3A_181 : memref<1x128xi32, #tpu.memory_space<vmem>> -> memref<128xi32, #tpu.memory_space<vmem>>
        %dma_wait3A_183 = arith.constant 0 : i32
        %dma_wait3A_184 = arith.constant 0 : i32
        %dma_wait3A_185 = tpu.memref_slice %arg10[%dma_wait3A_183, %dma_wait3A_184] : memref<10112x128xf32, #tpu.memory_space<vmem_shared>> -> memref<10112x128xf32, #tpu.memory_space<vmem_shared>>
        tpu.wait_indirect_dma semaphore(%run_scoped3A_173 : memref<!tpu.dma_semaphore, #tpu.memory_space<semaphore_mem>>) src(%arg8 : memref<128x128xf32, #tpu.memory_space<vmem>>) dst(%dma_wait3A_185 : memref<10112x128xf32, #tpu.memory_space<vmem_shared>>)
        tpu.yield
      }) : () -> ()
      %dma_start3A_50 = arith.constant 2 : i32
      %dma_start3A_51 = arith.constant 0 : i32
      %dma_start3A_52 = tpu.memref_slice %arg6[%dma_start3A_50, %dma_start3A_51] : memref<8x128xi32, #tpu.memory_space<vmem>> -> memref<1x128xi32, #tpu.memory_space<vmem>>
      %dma_start3A_53 = tpu.memref_squeeze %dma_start3A_52 : memref<1x128xi32, #tpu.memory_space<vmem>> -> memref<128xi32, #tpu.memory_space<vmem>>
      %dma_start3A_54 = arith.constant 0 : i32
      %dma_start3A_55 = arith.constant 0 : i32
      %dma_start3A_56 = tpu.memref_slice %arg2[%dma_start3A_54, %dma_start3A_55] : memref<10000x128xf32, #tpu.memory_space<hbm>> -> memref<10000x128xf32, #tpu.memory_space<hbm>>
      tpu.enqueue_indirect_dma source(%dma_start3A_56 : memref<10000x128xf32, #tpu.memory_space<hbm>>) target(%arg8 : memref<128x128xf32, #tpu.memory_space<vmem>>) offsets(%dma_start3A_53 : memref<128xi32, #tpu.memory_space<vmem>>) semaphore(%arg11 : memref<!tpu.dma_semaphore, #tpu.memory_space<semaphore_mem>>)
      %dma_wait3A_57 = arith.constant 1 : i32
      %dma_wait3A_58 = arith.constant 0 : i32
      %dma_wait3A_59 = tpu.memref_slice %arg6[%dma_wait3A_57, %dma_wait3A_58] : memref<8x128xi32, #tpu.memory_space<vmem>> -> memref<1x128xi32, #tpu.memory_space<vmem>>
      %dma_wait3A_60 = tpu.memref_squeeze %dma_wait3A_59 : memref<1x128xi32, #tpu.memory_space<vmem>> -> memref<128xi32, #tpu.memory_space<vmem>>
      %dma_wait3A_61 = arith.constant 0 : i32
      %dma_wait3A_62 = arith.constant 0 : i32
      %dma_wait3A_63 = tpu.memref_slice %arg2[%dma_wait3A_61, %dma_wait3A_62] : memref<10000x128xf32, #tpu.memory_space<hbm>> -> memref<10000x128xf32, #tpu.memory_space<hbm>>
      tpu.wait_indirect_dma semaphore(%arg12 : memref<!tpu.dma_semaphore, #tpu.memory_space<semaphore_mem>>) src(%dma_wait3A_63 : memref<10000x128xf32, #tpu.memory_space<hbm>>) dst(%arg9 : memref<128x128xf32, #tpu.memory_space<vmem>>)
      %run_scoped3A_64 = arith.constant 5 : i32
      "tpu.region"() ({
        %run_scoped3A_173 = tpu.sem_alloc : memref<!tpu.dma_semaphore, #tpu.memory_space<semaphore_mem>>
        %dma_start3A_174 = arith.constant 0 : i32
        %dma_start3A_175 = tpu.memref_slice %arg6[%run_scoped3A_64, %dma_start3A_174] : memref<8x128xi32, #tpu.memory_space<vmem>> -> memref<1x128xi32, #tpu.memory_space<vmem>>
        %dma_start3A_176 = tpu.memref_squeeze %dma_start3A_175 : memref<1x128xi32, #tpu.memory_space<vmem>> -> memref<128xi32, #tpu.memory_space<vmem>>
        %dma_start3A_177 = arith.constant 0 : i32
        %dma_start3A_178 = arith.constant 0 : i32
        %dma_start3A_179 = tpu.memref_slice %arg10[%dma_start3A_177, %dma_start3A_178] : memref<10112x128xf32, #tpu.memory_space<vmem_shared>> -> memref<10112x128xf32, #tpu.memory_space<vmem_shared>>
        tpu.enqueue_indirect_dma source(%arg9 : memref<128x128xf32, #tpu.memory_space<vmem>>) target(%dma_start3A_179 : memref<10112x128xf32, #tpu.memory_space<vmem_shared>>) offsets(%dma_start3A_176 : memref<128xi32, #tpu.memory_space<vmem>>) semaphore(%run_scoped3A_173 : memref<!tpu.dma_semaphore, #tpu.memory_space<semaphore_mem>>) {add = true}
        %dma_wait3A_180 = arith.constant 0 : i32
        %dma_wait3A_181 = tpu.memref_slice %arg6[%run_scoped3A_64, %dma_wait3A_180] : memref<8x128xi32, #tpu.memory_space<vmem>> -> memref<1x128xi32, #tpu.memory_space<vmem>>
        %dma_wait3A_182 = tpu.memref_squeeze %dma_wait3A_181 : memref<1x128xi32, #tpu.memory_space<vmem>> -> memref<128xi32, #tpu.memory_space<vmem>>
        %dma_wait3A_183 = arith.constant 0 : i32
        %dma_wait3A_184 = arith.constant 0 : i32
        %dma_wait3A_185 = tpu.memref_slice %arg10[%dma_wait3A_183, %dma_wait3A_184] : memref<10112x128xf32, #tpu.memory_space<vmem_shared>> -> memref<10112x128xf32, #tpu.memory_space<vmem_shared>>
        tpu.wait_indirect_dma semaphore(%run_scoped3A_173 : memref<!tpu.dma_semaphore, #tpu.memory_space<semaphore_mem>>) src(%arg9 : memref<128x128xf32, #tpu.memory_space<vmem>>) dst(%dma_wait3A_185 : memref<10112x128xf32, #tpu.memory_space<vmem_shared>>)
        tpu.yield
      }) : () -> ()
      %dma_start3A_65 = arith.constant 3 : i32
      %dma_start3A_66 = arith.constant 0 : i32
      %dma_start3A_67 = tpu.memref_slice %arg6[%dma_start3A_65, %dma_start3A_66] : memref<8x128xi32, #tpu.memory_space<vmem>> -> memref<1x128xi32, #tpu.memory_space<vmem>>
      %dma_start3A_68 = tpu.memref_squeeze %dma_start3A_67 : memref<1x128xi32, #tpu.memory_space<vmem>> -> memref<128xi32, #tpu.memory_space<vmem>>
      %dma_start3A_69 = arith.constant 0 : i32
      %dma_start3A_70 = arith.constant 0 : i32
      %dma_start3A_71 = tpu.memref_slice %arg2[%dma_start3A_69, %dma_start3A_70] : memref<10000x128xf32, #tpu.memory_space<hbm>> -> memref<10000x128xf32, #tpu.memory_space<hbm>>
      tpu.enqueue_indirect_dma source(%dma_start3A_71 : memref<10000x128xf32, #tpu.memory_space<hbm>>) target(%arg9 : memref<128x128xf32, #tpu.memory_space<vmem>>) offsets(%dma_start3A_68 : memref<128xi32, #tpu.memory_space<vmem>>) semaphore(%arg12 : memref<!tpu.dma_semaphore, #tpu.memory_space<semaphore_mem>>)
      %dma_wait3A_72 = arith.constant 2 : i32
      %dma_wait3A_73 = arith.constant 0 : i32
      %dma_wait3A_74 = tpu.memref_slice %arg6[%dma_wait3A_72, %dma_wait3A_73] : memref<8x128xi32, #tpu.memory_space<vmem>> -> memref<1x128xi32, #tpu.memory_space<vmem>>
      %dma_wait3A_75 = tpu.memref_squeeze %dma_wait3A_74 : memref<1x128xi32, #tpu.memory_space<vmem>> -> memref<128xi32, #tpu.memory_space<vmem>>
      %dma_wait3A_76 = arith.constant 0 : i32
      %dma_wait3A_77 = arith.constant 0 : i32
      %dma_wait3A_78 = tpu.memref_slice %arg2[%dma_wait3A_76, %dma_wait3A_77] : memref<10000x128xf32, #tpu.memory_space<hbm>> -> memref<10000x128xf32, #tpu.memory_space<hbm>>
      tpu.wait_indirect_dma semaphore(%arg11 : memref<!tpu.dma_semaphore, #tpu.memory_space<semaphore_mem>>) src(%dma_wait3A_78 : memref<10000x128xf32, #tpu.memory_space<hbm>>) dst(%arg8 : memref<128x128xf32, #tpu.memory_space<vmem>>)
      %run_scoped3A_79 = arith.constant 6 : i32
      "tpu.region"() ({
        %run_scoped3A_173 = tpu.sem_alloc : memref<!tpu.dma_semaphore, #tpu.memory_space<semaphore_mem>>
        %dma_start3A_174 = arith.constant 0 : i32
        %dma_start3A_175 = tpu.memref_slice %arg6[%run_scoped3A_79, %dma_start3A_174] : memref<8x128xi32, #tpu.memory_space<vmem>> -> memref<1x128xi32, #tpu.memory_space<vmem>>
        %dma_start3A_176 = tpu.memref_squeeze %dma_start3A_175 : memref<1x128xi32, #tpu.memory_space<vmem>> -> memref<128xi32, #tpu.memory_space<vmem>>
        %dma_start3A_177 = arith.constant 0 : i32
        %dma_start3A_178 = arith.constant 0 : i32
        %dma_start3A_179 = tpu.memref_slice %arg10[%dma_start3A_177, %dma_start3A_178] : memref<10112x128xf32, #tpu.memory_space<vmem_shared>> -> memref<10112x128xf32, #tpu.memory_space<vmem_shared>>
        tpu.enqueue_indirect_dma source(%arg8 : memref<128x128xf32, #tpu.memory_space<vmem>>) target(%dma_start3A_179 : memref<10112x128xf32, #tpu.memory_space<vmem_shared>>) offsets(%dma_start3A_176 : memref<128xi32, #tpu.memory_space<vmem>>) semaphore(%run_scoped3A_173 : memref<!tpu.dma_semaphore, #tpu.memory_space<semaphore_mem>>) {add = true}
        %dma_wait3A_180 = arith.constant 0 : i32
        %dma_wait3A_181 = tpu.memref_slice %arg6[%run_scoped3A_79, %dma_wait3A_180] : memref<8x128xi32, #tpu.memory_space<vmem>> -> memref<1x128xi32, #tpu.memory_space<vmem>>
        %dma_wait3A_182 = tpu.memref_squeeze %dma_wait3A_181 : memref<1x128xi32, #tpu.memory_space<vmem>> -> memref<128xi32, #tpu.memory_space<vmem>>
        %dma_wait3A_183 = arith.constant 0 : i32
        %dma_wait3A_184 = arith.constant 0 : i32
        %dma_wait3A_185 = tpu.memref_slice %arg10[%dma_wait3A_183, %dma_wait3A_184] : memref<10112x128xf32, #tpu.memory_space<vmem_shared>> -> memref<10112x128xf32, #tpu.memory_space<vmem_shared>>
        tpu.wait_indirect_dma semaphore(%run_scoped3A_173 : memref<!tpu.dma_semaphore, #tpu.memory_space<semaphore_mem>>) src(%arg8 : memref<128x128xf32, #tpu.memory_space<vmem>>) dst(%dma_wait3A_185 : memref<10112x128xf32, #tpu.memory_space<vmem_shared>>)
        tpu.yield
      }) : () -> ()
      %ge3A = arith.constant 2 : i32
      %ge3A_80 = arith.cmpi sge, %add3A_42, %ge3A : i32
      %convert_element_type3A = arith.extui %ge3A_80 : i1 to i32
      %cond3A = arith.constant 0 : i32
      %cond3A_81 = arith.cmpi ne, %convert_element_type3A, %cond3A : i32
      scf.if %cond3A_81 {
        %add3A_173 = arith.constant 1 : i32
        %add3A_174 = arith.addi %add3A_42, %add3A_173 : i32
        %dma_wait3A_175 = arith.constant 0 : i32
        %dma_wait3A_176 = arith.constant 0 : i32
        %dma_wait3A_177 = tpu.memref_slice %arg3[%add3A, %add3A_174, %dma_wait3A_175, %dma_wait3A_176] : memref<32x30x8x128xi32, #tpu.memory_space<hbm>> -> memref<1x1x8x128xi32, #tpu.memory_space<hbm>>
        %dma_wait3A_178 = tpu.memref_squeeze %dma_wait3A_177 : memref<1x1x8x128xi32, #tpu.memory_space<hbm>> -> memref<8x128xi32, #tpu.memory_space<hbm>>
        %dma_wait3A_179 = arith.constant 0 : i32
        %dma_wait3A_180 = arith.constant 0 : i32
        %dma_wait3A_181 = tpu.memref_slice %arg3[%add3A, %add3A_174, %dma_wait3A_179, %dma_wait3A_180] : memref<32x30x8x128xi32, #tpu.memory_space<hbm>> -> memref<1x1x8x128xi32, #tpu.memory_space<hbm>>
        %dma_wait3A_182 = tpu.memref_squeeze %dma_wait3A_181 : memref<1x1x8x128xi32, #tpu.memory_space<hbm>> -> memref<8x128xi32, #tpu.memory_space<hbm>>
        tpu.wait_dma2 semaphore(%arg14 : memref<!tpu.dma_semaphore, #tpu.memory_space<semaphore_mem>>) src(%dma_wait3A_182 : memref<8x128xi32, #tpu.memory_space<hbm>>) dst(%arg7 : memref<8x128xi32, #tpu.memory_space<vmem>>)
      } else {
      }
      %dma_start3A_82 = arith.constant 0 : i32
      %dma_start3A_83 = arith.constant 0 : i32
      %dma_start3A_84 = tpu.memref_slice %arg7[%dma_start3A_82, %dma_start3A_83] : memref<8x128xi32, #tpu.memory_space<vmem>> -> memref<1x128xi32, #tpu.memory_space<vmem>>
      %dma_start3A_85 = tpu.memref_squeeze %dma_start3A_84 : memref<1x128xi32, #tpu.memory_space<vmem>> -> memref<128xi32, #tpu.memory_space<vmem>>
      %dma_start3A_86 = arith.constant 0 : i32
      %dma_start3A_87 = arith.constant 0 : i32
      %dma_start3A_88 = tpu.memref_slice %arg2[%dma_start3A_86, %dma_start3A_87] : memref<10000x128xf32, #tpu.memory_space<hbm>> -> memref<10000x128xf32, #tpu.memory_space<hbm>>
      tpu.enqueue_indirect_dma source(%dma_start3A_88 : memref<10000x128xf32, #tpu.memory_space<hbm>>) target(%arg8 : memref<128x128xf32, #tpu.memory_space<vmem>>) offsets(%dma_start3A_85 : memref<128xi32, #tpu.memory_space<vmem>>) semaphore(%arg11 : memref<!tpu.dma_semaphore, #tpu.memory_space<semaphore_mem>>)
      %dma_wait3A_89 = arith.constant 3 : i32
      %dma_wait3A_90 = arith.constant 0 : i32
      %dma_wait3A_91 = tpu.memref_slice %arg6[%dma_wait3A_89, %dma_wait3A_90] : memref<8x128xi32, #tpu.memory_space<vmem>> -> memref<1x128xi32, #tpu.memory_space<vmem>>
      %dma_wait3A_92 = tpu.memref_squeeze %dma_wait3A_91 : memref<1x128xi32, #tpu.memory_space<vmem>> -> memref<128xi32, #tpu.memory_space<vmem>>
      %dma_wait3A_93 = arith.constant 0 : i32
      %dma_wait3A_94 = arith.constant 0 : i32
      %dma_wait3A_95 = tpu.memref_slice %arg2[%dma_wait3A_93, %dma_wait3A_94] : memref<10000x128xf32, #tpu.memory_space<hbm>> -> memref<10000x128xf32, #tpu.memory_space<hbm>>
      tpu.wait_indirect_dma semaphore(%arg12 : memref<!tpu.dma_semaphore, #tpu.memory_space<semaphore_mem>>) src(%dma_wait3A_95 : memref<10000x128xf32, #tpu.memory_space<hbm>>) dst(%arg9 : memref<128x128xf32, #tpu.memory_space<vmem>>)
      %run_scoped3A_96 = arith.constant 7 : i32
      "tpu.region"() ({
        %run_scoped3A_173 = tpu.sem_alloc : memref<!tpu.dma_semaphore, #tpu.memory_space<semaphore_mem>>
        %dma_start3A_174 = arith.constant 0 : i32
        %dma_start3A_175 = tpu.memref_slice %arg6[%run_scoped3A_96, %dma_start3A_174] : memref<8x128xi32, #tpu.memory_space<vmem>> -> memref<1x128xi32, #tpu.memory_space<vmem>>
        %dma_start3A_176 = tpu.memref_squeeze %dma_start3A_175 : memref<1x128xi32, #tpu.memory_space<vmem>> -> memref<128xi32, #tpu.memory_space<vmem>>
        %dma_start3A_177 = arith.constant 0 : i32
        %dma_start3A_178 = arith.constant 0 : i32
        %dma_start3A_179 = tpu.memref_slice %arg10[%dma_start3A_177, %dma_start3A_178] : memref<10112x128xf32, #tpu.memory_space<vmem_shared>> -> memref<10112x128xf32, #tpu.memory_space<vmem_shared>>
        tpu.enqueue_indirect_dma source(%arg9 : memref<128x128xf32, #tpu.memory_space<vmem>>) target(%dma_start3A_179 : memref<10112x128xf32, #tpu.memory_space<vmem_shared>>) offsets(%dma_start3A_176 : memref<128xi32, #tpu.memory_space<vmem>>) semaphore(%run_scoped3A_173 : memref<!tpu.dma_semaphore, #tpu.memory_space<semaphore_mem>>) {add = true}
        %dma_wait3A_180 = arith.constant 0 : i32
        %dma_wait3A_181 = tpu.memref_slice %arg6[%run_scoped3A_96, %dma_wait3A_180] : memref<8x128xi32, #tpu.memory_space<vmem>> -> memref<1x128xi32, #tpu.memory_space<vmem>>
        %dma_wait3A_182 = tpu.memref_squeeze %dma_wait3A_181 : memref<1x128xi32, #tpu.memory_space<vmem>> -> memref<128xi32, #tpu.memory_space<vmem>>
        %dma_wait3A_183 = arith.constant 0 : i32
        %dma_wait3A_184 = arith.constant 0 : i32
        %dma_wait3A_185 = tpu.memref_slice %arg10[%dma_wait3A_183, %dma_wait3A_184] : memref<10112x128xf32, #tpu.memory_space<vmem_shared>> -> memref<10112x128xf32, #tpu.memory_space<vmem_shared>>
        tpu.wait_indirect_dma semaphore(%run_scoped3A_173 : memref<!tpu.dma_semaphore, #tpu.memory_space<semaphore_mem>>) src(%arg9 : memref<128x128xf32, #tpu.memory_space<vmem>>) dst(%dma_wait3A_185 : memref<10112x128xf32, #tpu.memory_space<vmem_shared>>)
        tpu.yield
      }) : () -> ()
      %add3A_97 = arith.constant 2 : i32
      %add3A_98 = arith.addi %add3A_42, %add3A_97 : i32
      %lt3A = arith.cmpi slt, %add3A_98, %select_n3A : i32
      %convert_element_type3A_99 = arith.extui %lt3A : i1 to i32
      %cond3A_100 = arith.constant 0 : i32
      %cond3A_101 = arith.cmpi ne, %convert_element_type3A_99, %cond3A_100 : i32
      scf.if %cond3A_101 {
        %add3A_173 = arith.constant 2 : i32
        %add3A_174 = arith.addi %add3A_42, %add3A_173 : i32
        %dma_start3A_175 = arith.constant 0 : i32
        %dma_start3A_176 = arith.constant 0 : i32
        %dma_start3A_177 = tpu.memref_slice %arg3[%add3A, %add3A_174, %dma_start3A_175, %dma_start3A_176] : memref<32x30x8x128xi32, #tpu.memory_space<hbm>> -> memref<1x1x8x128xi32, #tpu.memory_space<hbm>>
        %dma_start3A_178 = tpu.memref_squeeze %dma_start3A_177 : memref<1x1x8x128xi32, #tpu.memory_space<hbm>> -> memref<8x128xi32, #tpu.memory_space<hbm>>
        %dma_start3A_179 = arith.constant 0 : i32
        %dma_start3A_180 = arith.constant 0 : i32
        %dma_start3A_181 = tpu.memref_slice %arg3[%add3A, %add3A_174, %dma_start3A_179, %dma_start3A_180] : memref<32x30x8x128xi32, #tpu.memory_space<hbm>> -> memref<1x1x8x128xi32, #tpu.memory_space<hbm>>
        %dma_start3A_182 = tpu.memref_squeeze %dma_start3A_181 : memref<1x1x8x128xi32, #tpu.memory_space<hbm>> -> memref<8x128xi32, #tpu.memory_space<hbm>>
        tpu.enqueue_dma source(%dma_start3A_182 : memref<8x128xi32, #tpu.memory_space<hbm>>) target(%arg6 : memref<8x128xi32, #tpu.memory_space<vmem>>) target_semaphore(%arg13 : memref<!tpu.dma_semaphore, #tpu.memory_space<semaphore_mem>>)
      } else {
      }
      %dma_start3A_102 = arith.constant 1 : i32
      %dma_start3A_103 = arith.constant 0 : i32
      %dma_start3A_104 = tpu.memref_slice %arg7[%dma_start3A_102, %dma_start3A_103] : memref<8x128xi32, #tpu.memory_space<vmem>> -> memref<1x128xi32, #tpu.memory_space<vmem>>
      %dma_start3A_105 = tpu.memref_squeeze %dma_start3A_104 : memref<1x128xi32, #tpu.memory_space<vmem>> -> memref<128xi32, #tpu.memory_space<vmem>>
      %dma_start3A_106 = arith.constant 0 : i32
      %dma_start3A_107 = arith.constant 0 : i32
      %dma_start3A_108 = tpu.memref_slice %arg2[%dma_start3A_106, %dma_start3A_107] : memref<10000x128xf32, #tpu.memory_space<hbm>> -> memref<10000x128xf32, #tpu.memory_space<hbm>>
      tpu.enqueue_indirect_dma source(%dma_start3A_108 : memref<10000x128xf32, #tpu.memory_space<hbm>>) target(%arg9 : memref<128x128xf32, #tpu.memory_space<vmem>>) offsets(%dma_start3A_105 : memref<128xi32, #tpu.memory_space<vmem>>) semaphore(%arg12 : memref<!tpu.dma_semaphore, #tpu.memory_space<semaphore_mem>>)
      %dma_wait3A_109 = arith.constant 0 : i32
      %dma_wait3A_110 = arith.constant 0 : i32
      %dma_wait3A_111 = tpu.memref_slice %arg7[%dma_wait3A_109, %dma_wait3A_110] : memref<8x128xi32, #tpu.memory_space<vmem>> -> memref<1x128xi32, #tpu.memory_space<vmem>>
      %dma_wait3A_112 = tpu.memref_squeeze %dma_wait3A_111 : memref<1x128xi32, #tpu.memory_space<vmem>> -> memref<128xi32, #tpu.memory_space<vmem>>
      %dma_wait3A_113 = arith.constant 0 : i32
      %dma_wait3A_114 = arith.constant 0 : i32
      %dma_wait3A_115 = tpu.memref_slice %arg2[%dma_wait3A_113, %dma_wait3A_114] : memref<10000x128xf32, #tpu.memory_space<hbm>> -> memref<10000x128xf32, #tpu.memory_space<hbm>>
      tpu.wait_indirect_dma semaphore(%arg11 : memref<!tpu.dma_semaphore, #tpu.memory_space<semaphore_mem>>) src(%dma_wait3A_115 : memref<10000x128xf32, #tpu.memory_space<hbm>>) dst(%arg8 : memref<128x128xf32, #tpu.memory_space<vmem>>)
      %run_scoped3A_116 = arith.constant 4 : i32
      "tpu.region"() ({
        %run_scoped3A_173 = tpu.sem_alloc : memref<!tpu.dma_semaphore, #tpu.memory_space<semaphore_mem>>
        %dma_start3A_174 = arith.constant 0 : i32
        %dma_start3A_175 = tpu.memref_slice %arg7[%run_scoped3A_116, %dma_start3A_174] : memref<8x128xi32, #tpu.memory_space<vmem>> -> memref<1x128xi32, #tpu.memory_space<vmem>>
        %dma_start3A_176 = tpu.memref_squeeze %dma_start3A_175 : memref<1x128xi32, #tpu.memory_space<vmem>> -> memref<128xi32, #tpu.memory_space<vmem>>
        %dma_start3A_177 = arith.constant 0 : i32
        %dma_start3A_178 = arith.constant 0 : i32
        %dma_start3A_179 = tpu.memref_slice %arg10[%dma_start3A_177, %dma_start3A_178] : memref<10112x128xf32, #tpu.memory_space<vmem_shared>> -> memref<10112x128xf32, #tpu.memory_space<vmem_shared>>
        tpu.enqueue_indirect_dma source(%arg8 : memref<128x128xf32, #tpu.memory_space<vmem>>) target(%dma_start3A_179 : memref<10112x128xf32, #tpu.memory_space<vmem_shared>>) offsets(%dma_start3A_176 : memref<128xi32, #tpu.memory_space<vmem>>) semaphore(%run_scoped3A_173 : memref<!tpu.dma_semaphore, #tpu.memory_space<semaphore_mem>>) {add = true}
        %dma_wait3A_180 = arith.constant 0 : i32
        %dma_wait3A_181 = tpu.memref_slice %arg7[%run_scoped3A_116, %dma_wait3A_180] : memref<8x128xi32, #tpu.memory_space<vmem>> -> memref<1x128xi32, #tpu.memory_space<vmem>>
        %dma_wait3A_182 = tpu.memref_squeeze %dma_wait3A_181 : memref<1x128xi32, #tpu.memory_space<vmem>> -> memref<128xi32, #tpu.memory_space<vmem>>
        %dma_wait3A_183 = arith.constant 0 : i32
        %dma_wait3A_184 = arith.constant 0 : i32
        %dma_wait3A_185 = tpu.memref_slice %arg10[%dma_wait3A_183, %dma_wait3A_184] : memref<10112x128xf32, #tpu.memory_space<vmem_shared>> -> memref<10112x128xf32, #tpu.memory_space<vmem_shared>>
        tpu.wait_indirect_dma semaphore(%run_scoped3A_173 : memref<!tpu.dma_semaphore, #tpu.memory_space<semaphore_mem>>) src(%arg8 : memref<128x128xf32, #tpu.memory_space<vmem>>) dst(%dma_wait3A_185 : memref<10112x128xf32, #tpu.memory_space<vmem_shared>>)
        tpu.yield
      }) : () -> ()
      %dma_start3A_117 = arith.constant 2 : i32
      %dma_start3A_118 = arith.constant 0 : i32
      %dma_start3A_119 = tpu.memref_slice %arg7[%dma_start3A_117, %dma_start3A_118] : memref<8x128xi32, #tpu.memory_space<vmem>> -> memref<1x128xi32, #tpu.memory_space<vmem>>
      %dma_start3A_120 = tpu.memref_squeeze %dma_start3A_119 : memref<1x128xi32, #tpu.memory_space<vmem>> -> memref<128xi32, #tpu.memory_space<vmem>>
      %dma_start3A_121 = arith.constant 0 : i32
      %dma_start3A_122 = arith.constant 0 : i32
      %dma_start3A_123 = tpu.memref_slice %arg2[%dma_start3A_121, %dma_start3A_122] : memref<10000x128xf32, #tpu.memory_space<hbm>> -> memref<10000x128xf32, #tpu.memory_space<hbm>>
      tpu.enqueue_indirect_dma source(%dma_start3A_123 : memref<10000x128xf32, #tpu.memory_space<hbm>>) target(%arg8 : memref<128x128xf32, #tpu.memory_space<vmem>>) offsets(%dma_start3A_120 : memref<128xi32, #tpu.memory_space<vmem>>) semaphore(%arg11 : memref<!tpu.dma_semaphore, #tpu.memory_space<semaphore_mem>>)
      %dma_wait3A_124 = arith.constant 1 : i32
      %dma_wait3A_125 = arith.constant 0 : i32
      %dma_wait3A_126 = tpu.memref_slice %arg7[%dma_wait3A_124, %dma_wait3A_125] : memref<8x128xi32, #tpu.memory_space<vmem>> -> memref<1x128xi32, #tpu.memory_space<vmem>>
      %dma_wait3A_127 = tpu.memref_squeeze %dma_wait3A_126 : memref<1x128xi32, #tpu.memory_space<vmem>> -> memref<128xi32, #tpu.memory_space<vmem>>
      %dma_wait3A_128 = arith.constant 0 : i32
      %dma_wait3A_129 = arith.constant 0 : i32
      %dma_wait3A_130 = tpu.memref_slice %arg2[%dma_wait3A_128, %dma_wait3A_129] : memref<10000x128xf32, #tpu.memory_space<hbm>> -> memref<10000x128xf32, #tpu.memory_space<hbm>>
      tpu.wait_indirect_dma semaphore(%arg12 : memref<!tpu.dma_semaphore, #tpu.memory_space<semaphore_mem>>) src(%dma_wait3A_130 : memref<10000x128xf32, #tpu.memory_space<hbm>>) dst(%arg9 : memref<128x128xf32, #tpu.memory_space<vmem>>)
      %run_scoped3A_131 = arith.constant 5 : i32
      "tpu.region"() ({
        %run_scoped3A_173 = tpu.sem_alloc : memref<!tpu.dma_semaphore, #tpu.memory_space<semaphore_mem>>
        %dma_start3A_174 = arith.constant 0 : i32
        %dma_start3A_175 = tpu.memref_slice %arg7[%run_scoped3A_131, %dma_start3A_174] : memref<8x128xi32, #tpu.memory_space<vmem>> -> memref<1x128xi32, #tpu.memory_space<vmem>>
        %dma_start3A_176 = tpu.memref_squeeze %dma_start3A_175 : memref<1x128xi32, #tpu.memory_space<vmem>> -> memref<128xi32, #tpu.memory_space<vmem>>
        %dma_start3A_177 = arith.constant 0 : i32
        %dma_start3A_178 = arith.constant 0 : i32
        %dma_start3A_179 = tpu.memref_slice %arg10[%dma_start3A_177, %dma_start3A_178] : memref<10112x128xf32, #tpu.memory_space<vmem_shared>> -> memref<10112x128xf32, #tpu.memory_space<vmem_shared>>
        tpu.enqueue_indirect_dma source(%arg9 : memref<128x128xf32, #tpu.memory_space<vmem>>) target(%dma_start3A_179 : memref<10112x128xf32, #tpu.memory_space<vmem_shared>>) offsets(%dma_start3A_176 : memref<128xi32, #tpu.memory_space<vmem>>) semaphore(%run_scoped3A_173 : memref<!tpu.dma_semaphore, #tpu.memory_space<semaphore_mem>>) {add = true}
        %dma_wait3A_180 = arith.constant 0 : i32
        %dma_wait3A_181 = tpu.memref_slice %arg7[%run_scoped3A_131, %dma_wait3A_180] : memref<8x128xi32, #tpu.memory_space<vmem>> -> memref<1x128xi32, #tpu.memory_space<vmem>>
        %dma_wait3A_182 = tpu.memref_squeeze %dma_wait3A_181 : memref<1x128xi32, #tpu.memory_space<vmem>> -> memref<128xi32, #tpu.memory_space<vmem>>
        %dma_wait3A_183 = arith.constant 0 : i32
        %dma_wait3A_184 = arith.constant 0 : i32
        %dma_wait3A_185 = tpu.memref_slice %arg10[%dma_wait3A_183, %dma_wait3A_184] : memref<10112x128xf32, #tpu.memory_space<vmem_shared>> -> memref<10112x128xf32, #tpu.memory_space<vmem_shared>>
        tpu.wait_indirect_dma semaphore(%run_scoped3A_173 : memref<!tpu.dma_semaphore, #tpu.memory_space<semaphore_mem>>) src(%arg9 : memref<128x128xf32, #tpu.memory_space<vmem>>) dst(%dma_wait3A_185 : memref<10112x128xf32, #tpu.memory_space<vmem_shared>>)
        tpu.yield
      }) : () -> ()
      %dma_start3A_132 = arith.constant 3 : i32
      %dma_start3A_133 = arith.constant 0 : i32
      %dma_start3A_134 = tpu.memref_slice %arg7[%dma_start3A_132, %dma_start3A_133] : memref<8x128xi32, #tpu.memory_space<vmem>> -> memref<1x128xi32, #tpu.memory_space<vmem>>
      %dma_start3A_135 = tpu.memref_squeeze %dma_start3A_134 : memref<1x128xi32, #tpu.memory_space<vmem>> -> memref<128xi32, #tpu.memory_space<vmem>>
      %dma_start3A_136 = arith.constant 0 : i32
      %dma_start3A_137 = arith.constant 0 : i32
      %dma_start3A_138 = tpu.memref_slice %arg2[%dma_start3A_136, %dma_start3A_137] : memref<10000x128xf32, #tpu.memory_space<hbm>> -> memref<10000x128xf32, #tpu.memory_space<hbm>>
      tpu.enqueue_indirect_dma source(%dma_start3A_138 : memref<10000x128xf32, #tpu.memory_space<hbm>>) target(%arg9 : memref<128x128xf32, #tpu.memory_space<vmem>>) offsets(%dma_start3A_135 : memref<128xi32, #tpu.memory_space<vmem>>) semaphore(%arg12 : memref<!tpu.dma_semaphore, #tpu.memory_space<semaphore_mem>>)
      %dma_wait3A_139 = arith.constant 2 : i32
      %dma_wait3A_140 = arith.constant 0 : i32
      %dma_wait3A_141 = tpu.memref_slice %arg7[%dma_wait3A_139, %dma_wait3A_140] : memref<8x128xi32, #tpu.memory_space<vmem>> -> memref<1x128xi32, #tpu.memory_space<vmem>>
      %dma_wait3A_142 = tpu.memref_squeeze %dma_wait3A_141 : memref<1x128xi32, #tpu.memory_space<vmem>> -> memref<128xi32, #tpu.memory_space<vmem>>
      %dma_wait3A_143 = arith.constant 0 : i32
      %dma_wait3A_144 = arith.constant 0 : i32
      %dma_wait3A_145 = tpu.memref_slice %arg2[%dma_wait3A_143, %dma_wait3A_144] : memref<10000x128xf32, #tpu.memory_space<hbm>> -> memref<10000x128xf32, #tpu.memory_space<hbm>>
      tpu.wait_indirect_dma semaphore(%arg11 : memref<!tpu.dma_semaphore, #tpu.memory_space<semaphore_mem>>) src(%dma_wait3A_145 : memref<10000x128xf32, #tpu.memory_space<hbm>>) dst(%arg8 : memref<128x128xf32, #tpu.memory_space<vmem>>)
      %run_scoped3A_146 = arith.constant 6 : i32
      "tpu.region"() ({
        %run_scoped3A_173 = tpu.sem_alloc : memref<!tpu.dma_semaphore, #tpu.memory_space<semaphore_mem>>
        %dma_start3A_174 = arith.constant 0 : i32
        %dma_start3A_175 = tpu.memref_slice %arg7[%run_scoped3A_146, %dma_start3A_174] : memref<8x128xi32, #tpu.memory_space<vmem>> -> memref<1x128xi32, #tpu.memory_space<vmem>>
        %dma_start3A_176 = tpu.memref_squeeze %dma_start3A_175 : memref<1x128xi32, #tpu.memory_space<vmem>> -> memref<128xi32, #tpu.memory_space<vmem>>
        %dma_start3A_177 = arith.constant 0 : i32
        %dma_start3A_178 = arith.constant 0 : i32
        %dma_start3A_179 = tpu.memref_slice %arg10[%dma_start3A_177, %dma_start3A_178] : memref<10112x128xf32, #tpu.memory_space<vmem_shared>> -> memref<10112x128xf32, #tpu.memory_space<vmem_shared>>
        tpu.enqueue_indirect_dma source(%arg8 : memref<128x128xf32, #tpu.memory_space<vmem>>) target(%dma_start3A_179 : memref<10112x128xf32, #tpu.memory_space<vmem_shared>>) offsets(%dma_start3A_176 : memref<128xi32, #tpu.memory_space<vmem>>) semaphore(%run_scoped3A_173 : memref<!tpu.dma_semaphore, #tpu.memory_space<semaphore_mem>>) {add = true}
        %dma_wait3A_180 = arith.constant 0 : i32
        %dma_wait3A_181 = tpu.memref_slice %arg7[%run_scoped3A_146, %dma_wait3A_180] : memref<8x128xi32, #tpu.memory_space<vmem>> -> memref<1x128xi32, #tpu.memory_space<vmem>>
        %dma_wait3A_182 = tpu.memref_squeeze %dma_wait3A_181 : memref<1x128xi32, #tpu.memory_space<vmem>> -> memref<128xi32, #tpu.memory_space<vmem>>
        %dma_wait3A_183 = arith.constant 0 : i32
        %dma_wait3A_184 = arith.constant 0 : i32
        %dma_wait3A_185 = tpu.memref_slice %arg10[%dma_wait3A_183, %dma_wait3A_184] : memref<10112x128xf32, #tpu.memory_space<vmem_shared>> -> memref<10112x128xf32, #tpu.memory_space<vmem_shared>>
        tpu.wait_indirect_dma semaphore(%run_scoped3A_173 : memref<!tpu.dma_semaphore, #tpu.memory_space<semaphore_mem>>) src(%arg8 : memref<128x128xf32, #tpu.memory_space<vmem>>) dst(%dma_wait3A_185 : memref<10112x128xf32, #tpu.memory_space<vmem_shared>>)
        tpu.yield
      }) : () -> ()
      %add3A_147 = arith.constant 2 : i32
      %add3A_148 = arith.addi %add3A_42, %add3A_147 : i32
      %lt3A_149 = arith.cmpi slt, %add3A_148, %select_n3A : i32
      %convert_element_type3A_150 = arith.extui %lt3A_149 : i1 to i32
      %cond3A_151 = arith.constant 0 : i32
      %cond3A_152 = arith.cmpi ne, %convert_element_type3A_150, %cond3A_151 : i32
      scf.if %cond3A_152 {
        %add3A_173 = arith.constant 2 : i32
        %add3A_174 = arith.addi %add3A_42, %add3A_173 : i32
        %dma_wait3A_175 = arith.constant 0 : i32
        %dma_wait3A_176 = arith.constant 0 : i32
        %dma_wait3A_177 = tpu.memref_slice %arg3[%add3A, %add3A_174, %dma_wait3A_175, %dma_wait3A_176] : memref<32x30x8x128xi32, #tpu.memory_space<hbm>> -> memref<1x1x8x128xi32, #tpu.memory_space<hbm>>
        %dma_wait3A_178 = tpu.memref_squeeze %dma_wait3A_177 : memref<1x1x8x128xi32, #tpu.memory_space<hbm>> -> memref<8x128xi32, #tpu.memory_space<hbm>>
        %dma_wait3A_179 = arith.constant 0 : i32
        %dma_wait3A_180 = arith.constant 0 : i32
        %dma_wait3A_181 = tpu.memref_slice %arg3[%add3A, %add3A_174, %dma_wait3A_179, %dma_wait3A_180] : memref<32x30x8x128xi32, #tpu.memory_space<hbm>> -> memref<1x1x8x128xi32, #tpu.memory_space<hbm>>
        %dma_wait3A_182 = tpu.memref_squeeze %dma_wait3A_181 : memref<1x1x8x128xi32, #tpu.memory_space<hbm>> -> memref<8x128xi32, #tpu.memory_space<hbm>>
        tpu.wait_dma2 semaphore(%arg13 : memref<!tpu.dma_semaphore, #tpu.memory_space<semaphore_mem>>) src(%dma_wait3A_182 : memref<8x128xi32, #tpu.memory_space<hbm>>) dst(%arg6 : memref<8x128xi32, #tpu.memory_space<vmem>>)
        %dma_start3A_183 = arith.constant 0 : i32
        %dma_start3A_184 = arith.constant 0 : i32
        %dma_start3A_185 = tpu.memref_slice %arg6[%dma_start3A_183, %dma_start3A_184] : memref<8x128xi32, #tpu.memory_space<vmem>> -> memref<1x128xi32, #tpu.memory_space<vmem>>
        %dma_start3A_186 = tpu.memref_squeeze %dma_start3A_185 : memref<1x128xi32, #tpu.memory_space<vmem>> -> memref<128xi32, #tpu.memory_space<vmem>>
        %dma_start3A_187 = arith.constant 0 : i32
        %dma_start3A_188 = arith.constant 0 : i32
        %dma_start3A_189 = tpu.memref_slice %arg2[%dma_start3A_187, %dma_start3A_188] : memref<10000x128xf32, #tpu.memory_space<hbm>> -> memref<10000x128xf32, #tpu.memory_space<hbm>>
        tpu.enqueue_indirect_dma source(%dma_start3A_189 : memref<10000x128xf32, #tpu.memory_space<hbm>>) target(%arg8 : memref<128x128xf32, #tpu.memory_space<vmem>>) offsets(%dma_start3A_186 : memref<128xi32, #tpu.memory_space<vmem>>) semaphore(%arg11 : memref<!tpu.dma_semaphore, #tpu.memory_space<semaphore_mem>>)
      } else {
      }
      %dma_wait3A_153 = arith.constant 3 : i32
      %dma_wait3A_154 = arith.constant 0 : i32
      %dma_wait3A_155 = tpu.memref_slice %arg7[%dma_wait3A_153, %dma_wait3A_154] : memref<8x128xi32, #tpu.memory_space<vmem>> -> memref<1x128xi32, #tpu.memory_space<vmem>>
      %dma_wait3A_156 = tpu.memref_squeeze %dma_wait3A_155 : memref<1x128xi32, #tpu.memory_space<vmem>> -> memref<128xi32, #tpu.memory_space<vmem>>
      %dma_wait3A_157 = arith.constant 0 : i32
      %dma_wait3A_158 = arith.constant 0 : i32
      %dma_wait3A_159 = tpu.memref_slice %arg2[%dma_wait3A_157, %dma_wait3A_158] : memref<10000x128xf32, #tpu.memory_space<hbm>> -> memref<10000x128xf32, #tpu.memory_space<hbm>>
      tpu.wait_indirect_dma semaphore(%arg12 : memref<!tpu.dma_semaphore, #tpu.memory_space<semaphore_mem>>) src(%dma_wait3A_159 : memref<10000x128xf32, #tpu.memory_space<hbm>>) dst(%arg9 : memref<128x128xf32, #tpu.memory_space<vmem>>)
      %run_scoped3A_160 = arith.constant 7 : i32
      "tpu.region"() ({
        %run_scoped3A_173 = tpu.sem_alloc : memref<!tpu.dma_semaphore, #tpu.memory_space<semaphore_mem>>
        %dma_start3A_174 = arith.constant 0 : i32
        %dma_start3A_175 = tpu.memref_slice %arg7[%run_scoped3A_160, %dma_start3A_174] : memref<8x128xi32, #tpu.memory_space<vmem>> -> memref<1x128xi32, #tpu.memory_space<vmem>>
        %dma_start3A_176 = tpu.memref_squeeze %dma_start3A_175 : memref<1x128xi32, #tpu.memory_space<vmem>> -> memref<128xi32, #tpu.memory_space<vmem>>
        %dma_start3A_177 = arith.constant 0 : i32
        %dma_start3A_178 = arith.constant 0 : i32
        %dma_start3A_179 = tpu.memref_slice %arg10[%dma_start3A_177, %dma_start3A_178] : memref<10112x128xf32, #tpu.memory_space<vmem_shared>> -> memref<10112x128xf32, #tpu.memory_space<vmem_shared>>
        tpu.enqueue_indirect_dma source(%arg9 : memref<128x128xf32, #tpu.memory_space<vmem>>) target(%dma_start3A_179 : memref<10112x128xf32, #tpu.memory_space<vmem_shared>>) offsets(%dma_start3A_176 : memref<128xi32, #tpu.memory_space<vmem>>) semaphore(%run_scoped3A_173 : memref<!tpu.dma_semaphore, #tpu.memory_space<semaphore_mem>>) {add = true}
        %dma_wait3A_180 = arith.constant 0 : i32
        %dma_wait3A_181 = tpu.memref_slice %arg7[%run_scoped3A_160, %dma_wait3A_180] : memref<8x128xi32, #tpu.memory_space<vmem>> -> memref<1x128xi32, #tpu.memory_space<vmem>>
        %dma_wait3A_182 = tpu.memref_squeeze %dma_wait3A_181 : memref<1x128xi32, #tpu.memory_space<vmem>> -> memref<128xi32, #tpu.memory_space<vmem>>
        %dma_wait3A_183 = arith.constant 0 : i32
        %dma_wait3A_184 = arith.constant 0 : i32
        %dma_wait3A_185 = tpu.memref_slice %arg10[%dma_wait3A_183, %dma_wait3A_184] : memref<10112x128xf32, #tpu.memory_space<vmem_shared>> -> memref<10112x128xf32, #tpu.memory_space<vmem_shared>>
        tpu.wait_indirect_dma semaphore(%run_scoped3A_173 : memref<!tpu.dma_semaphore, #tpu.memory_space<semaphore_mem>>) src(%arg9 : memref<128x128xf32, #tpu.memory_space<vmem>>) dst(%dma_wait3A_185 : memref<10112x128xf32, #tpu.memory_space<vmem_shared>>)
        tpu.yield
      }) : () -> ()
      %add3A_161 = arith.constant 3 : i32
      %add3A_162 = arith.addi %add3A_42, %add3A_161 : i32
      %lt3A_163 = arith.cmpi slt, %add3A_162, %select_n3A : i32
      %convert_element_type3A_164 = arith.extui %lt3A_163 : i1 to i32
      %cond3A_165 = arith.constant 0 : i32
      %cond3A_166 = arith.cmpi ne, %convert_element_type3A_164, %cond3A_165 : i32
      scf.if %cond3A_166 {
        %add3A_173 = arith.constant 3 : i32
        %add3A_174 = arith.addi %add3A_42, %add3A_173 : i32
        %dma_start3A_175 = arith.constant 0 : i32
        %dma_start3A_176 = arith.constant 0 : i32
        %dma_start3A_177 = tpu.memref_slice %arg3[%add3A, %add3A_174, %dma_start3A_175, %dma_start3A_176] : memref<32x30x8x128xi32, #tpu.memory_space<hbm>> -> memref<1x1x8x128xi32, #tpu.memory_space<hbm>>
        %dma_start3A_178 = tpu.memref_squeeze %dma_start3A_177 : memref<1x1x8x128xi32, #tpu.memory_space<hbm>> -> memref<8x128xi32, #tpu.memory_space<hbm>>
        %dma_start3A_179 = arith.constant 0 : i32
        %dma_start3A_180 = arith.constant 0 : i32
        %dma_start3A_181 = tpu.memref_slice %arg3[%add3A, %add3A_174, %dma_start3A_179, %dma_start3A_180] : memref<32x30x8x128xi32, #tpu.memory_space<hbm>> -> memref<1x1x8x128xi32, #tpu.memory_space<hbm>>
        %dma_start3A_182 = tpu.memref_squeeze %dma_start3A_181 : memref<1x1x8x128xi32, #tpu.memory_space<hbm>> -> memref<8x128xi32, #tpu.memory_space<hbm>>
        tpu.enqueue_dma source(%dma_start3A_182 : memref<8x128xi32, #tpu.memory_space<hbm>>) target(%arg7 : memref<8x128xi32, #tpu.memory_space<vmem>>) target_semaphore(%arg14 : memref<!tpu.dma_semaphore, #tpu.memory_space<semaphore_mem>>)
      } else {
      }
      %add3A_167 = arith.constant 2 : i32
      %add3A_168 = arith.addi %add3A_42, %add3A_167 : i32
      %lt3A_169 = arith.cmpi slt, %add3A_168, %select_n3A : i32
      %convert_element_type3A_170 = arith.extui %lt3A_169 : i1 to i32
      %cond3A_171 = arith.constant 0 : i32
      %cond3A_172 = arith.cmpi ne, %convert_element_type3A_170, %cond3A_171 : i32
      scf.if %cond3A_172 {
        %dma_start3A_173 = arith.constant 1 : i32
        %dma_start3A_174 = arith.constant 0 : i32
        %dma_start3A_175 = tpu.memref_slice %arg6[%dma_start3A_173, %dma_start3A_174] : memref<8x128xi32, #tpu.memory_space<vmem>> -> memref<1x128xi32, #tpu.memory_space<vmem>>
        %dma_start3A_176 = tpu.memref_squeeze %dma_start3A_175 : memref<1x128xi32, #tpu.memory_space<vmem>> -> memref<128xi32, #tpu.memory_space<vmem>>
        %dma_start3A_177 = arith.constant 0 : i32
        %dma_start3A_178 = arith.constant 0 : i32
        %dma_start3A_179 = tpu.memref_slice %arg2[%dma_start3A_177, %dma_start3A_178] : memref<10000x128xf32, #tpu.memory_space<hbm>> -> memref<10000x128xf32, #tpu.memory_space<hbm>>
        tpu.enqueue_indirect_dma source(%dma_start3A_179 : memref<10000x128xf32, #tpu.memory_space<hbm>>) target(%arg9 : memref<128x128xf32, #tpu.memory_space<vmem>>) offsets(%dma_start3A_176 : memref<128xi32, #tpu.memory_space<vmem>>) semaphore(%arg12 : memref<!tpu.dma_semaphore, #tpu.memory_space<semaphore_mem>>)
      } else {
      }
    }
    %barrier3A_35 = arith.constant 0 : index
    tpu.barrier barrier_id(%barrier3A_35)
    %mul3A_36 = arith.constant 632 : i32
    %mul3A_37 = arith.muli %arg1, %mul3A_36 : i32
    %mul3A_38 = arith.constant 632 : i32
    %mul3A_39 = arith.muli %arg1, %mul3A_38 : i32
    "tpu.region"() ({
      %run_scoped3A_40 = tpu.sem_alloc : memref<!tpu.dma_semaphore, #tpu.memory_space<semaphore_mem>>
      %dma_start3A_41 = arith.constant 0 : i32
      %dma_start3A_42 = tpu.memref_slice %arg5[%arg0, %mul3A_39, %dma_start3A_41] : memref<2x10112x128xf32, #tpu.memory_space<hbm>> -> memref<1x632x128xf32, #tpu.memory_space<hbm>>
      %dma_start3A_43 = tpu.memref_squeeze %dma_start3A_42 : memref<1x632x128xf32, #tpu.memory_space<hbm>> -> memref<632x128xf32, #tpu.memory_space<hbm>>
      %dma_start3A_44 = arith.constant 0 : i32
      %dma_start3A_45 = tpu.memref_slice %arg10[%mul3A_37, %dma_start3A_44] : memref<10112x128xf32, #tpu.memory_space<vmem_shared>> -> memref<632x128xf32, #tpu.memory_space<vmem_shared>>
      tpu.enqueue_dma source(%dma_start3A_45 : memref<632x128xf32, #tpu.memory_space<vmem_shared>>) target(%dma_start3A_43 : memref<632x128xf32, #tpu.memory_space<hbm>>) target_semaphore(%run_scoped3A_40 : memref<!tpu.dma_semaphore, #tpu.memory_space<semaphore_mem>>)
      %dma_wait3A = arith.constant 0 : i32
      %dma_wait3A_46 = tpu.memref_slice %arg5[%arg0, %mul3A_39, %dma_wait3A] : memref<2x10112x128xf32, #tpu.memory_space<hbm>> -> memref<1x632x128xf32, #tpu.memory_space<hbm>>
      %dma_wait3A_47 = tpu.memref_squeeze %dma_wait3A_46 : memref<1x632x128xf32, #tpu.memory_space<hbm>> -> memref<632x128xf32, #tpu.memory_space<hbm>>
      %dma_wait3A_48 = arith.constant 0 : i32
      %dma_wait3A_49 = tpu.memref_slice %arg10[%mul3A_37, %dma_wait3A_48] : memref<10112x128xf32, #tpu.memory_space<vmem_shared>> -> memref<632x128xf32, #tpu.memory_space<vmem_shared>>
      tpu.wait_dma2 semaphore(%run_scoped3A_40 : memref<!tpu.dma_semaphore, #tpu.memory_space<semaphore_mem>>) src(%dma_wait3A_49 : memref<632x128xf32, #tpu.memory_space<vmem_shared>>) dst(%dma_wait3A_47 : memref<632x128xf32, #tpu.memory_space<hbm>>)
      tpu.yield
    }) : () -> ()
    return
  }
}

#map = affine_map<(d0, d1) -> (0, 0)>
#map1 = affine_map<(d0, d1) -> (0, 0, 0, 0)>
#map2 = affine_map<(d0, d1) -> (0, 0, 0)>
module attributes {stable_mosaic.version = 14 : i64} {
  func.func @_feat_scatter_body(%arg0: i32, %arg1: i32, %arg2: memref<327680x128xf32, #tpu.memory_space<hbm>>, %arg3: memref<32x20x8x128xi32, #tpu.memory_space<hbm>>, %arg4: memref<632x128xf32, #tpu.memory_space<hbm>>, %arg5: memref<2x10112x128xf32, #tpu.memory_space<hbm>>, %arg6: memref<8x128xi32, #tpu.memory_space<vmem>>, %arg7: memref<8x128xi32, #tpu.memory_space<vmem>>, %arg8: memref<128x128xf32, #tpu.memory_space<vmem>>, %arg9: memref<128x128xf32, #tpu.memory_space<vmem>>, %arg10: memref<10112x128xf32, #tpu.memory_space<vmem_shared>>, %arg11: memref<!tpu.dma_semaphore, #tpu.memory_space<semaphore_mem>>, %arg12: memref<!tpu.dma_semaphore, #tpu.memory_space<semaphore_mem>>, %arg13: memref<!tpu.dma_semaphore, #tpu.memory_space<semaphore_mem>>, %arg14: memref<!tpu.dma_semaphore, #tpu.memory_space<semaphore_mem>>) attributes {dimension_semantics = [#tpu.dimension_semantics<core_parallel>, #tpu.dimension_semantics<subcore_parallel>], iteration_bounds = array<i64: 2, 16>, scalar_prefetch = 0 : i64, scratch_operands = 9 : i64, tpu.core_type = #tpu.core_type<sc_vector_subcore>, window_params = [{transform_indices = #map}, {transform_indices = #map1}, {transform_indices = #map}, {transform_indices = #map2}]} {
    %eq3A = arith.constant 0 : i32
    %eq3A_0 = arith.cmpi eq, %arg0, %eq3A : i32
    %jit3A = arith.constant 20 : i32
    %jit3A_1 = arith.constant 20 : i32
    %select_n3A = arith.select %eq3A_0, %jit3A, %jit3A_1 : i32
    %mul3A = arith.constant 632 : i32
    %mul3A_2 = arith.muli %arg1, %mul3A : i32
    "tpu.region"() ({
      %run_scoped3A_40 = tpu.sem_alloc : memref<!tpu.dma_semaphore, #tpu.memory_space<semaphore_mem>>
      %dma_start3A_41 = arith.constant 0 : i32
      %dma_start3A_42 = tpu.memref_slice %arg10[%mul3A_2, %dma_start3A_41] : memref<10112x128xf32, #tpu.memory_space<vmem_shared>> -> memref<632x128xf32, #tpu.memory_space<vmem_shared>>
      tpu.enqueue_dma source(%arg4 : memref<632x128xf32, #tpu.memory_space<hbm>>) target(%dma_start3A_42 : memref<632x128xf32, #tpu.memory_space<vmem_shared>>) target_semaphore(%run_scoped3A_40 : memref<!tpu.dma_semaphore, #tpu.memory_space<semaphore_mem>>)
      %dma_wait3A = arith.constant 0 : i32
      %dma_wait3A_43 = tpu.memref_slice %arg10[%mul3A_2, %dma_wait3A] : memref<10112x128xf32, #tpu.memory_space<vmem_shared>> -> memref<632x128xf32, #tpu.memory_space<vmem_shared>>
      tpu.wait_dma2 semaphore(%run_scoped3A_40 : memref<!tpu.dma_semaphore, #tpu.memory_space<semaphore_mem>>) src(%arg4 : memref<632x128xf32, #tpu.memory_space<hbm>>) dst(%dma_wait3A_43 : memref<632x128xf32, #tpu.memory_space<vmem_shared>>)
      tpu.yield
    }) : () -> ()
    %mul3A_3 = arith.constant 16 : i32
    %mul3A_4 = arith.muli %arg0, %mul3A_3 : i32
    %add3A = arith.addi %mul3A_4, %arg1 : i32
    %run_scoped3A = arith.constant 0 : i32
    "tpu.region"() ({
      %run_scoped3A_40 = tpu.sem_alloc : memref<!tpu.dma_semaphore, #tpu.memory_space<semaphore_mem>>
      %dma_start3A_41 = arith.constant 0 : i32
      %dma_start3A_42 = arith.constant 0 : i32
      %dma_start3A_43 = tpu.memref_slice %arg3[%add3A, %run_scoped3A, %dma_start3A_41, %dma_start3A_42] : memref<32x20x8x128xi32, #tpu.memory_space<hbm>> -> memref<1x1x8x128xi32, #tpu.memory_space<hbm>>
      %dma_start3A_44 = tpu.memref_squeeze %dma_start3A_43 : memref<1x1x8x128xi32, #tpu.memory_space<hbm>> -> memref<8x128xi32, #tpu.memory_space<hbm>>
      %dma_start3A_45 = arith.constant 0 : i32
      %dma_start3A_46 = arith.constant 0 : i32
      %dma_start3A_47 = tpu.memref_slice %arg3[%add3A, %run_scoped3A, %dma_start3A_45, %dma_start3A_46] : memref<32x20x8x128xi32, #tpu.memory_space<hbm>> -> memref<1x1x8x128xi32, #tpu.memory_space<hbm>>
      %dma_start3A_48 = tpu.memref_squeeze %dma_start3A_47 : memref<1x1x8x128xi32, #tpu.memory_space<hbm>> -> memref<8x128xi32, #tpu.memory_space<hbm>>
      tpu.enqueue_dma source(%dma_start3A_48 : memref<8x128xi32, #tpu.memory_space<hbm>>) target(%arg6 : memref<8x128xi32, #tpu.memory_space<vmem>>) target_semaphore(%run_scoped3A_40 : memref<!tpu.dma_semaphore, #tpu.memory_space<semaphore_mem>>)
      %dma_wait3A = arith.constant 0 : i32
      %dma_wait3A_49 = arith.constant 0 : i32
      %dma_wait3A_50 = tpu.memref_slice %arg3[%add3A, %run_scoped3A, %dma_wait3A, %dma_wait3A_49] : memref<32x20x8x128xi32, #tpu.memory_space<hbm>> -> memref<1x1x8x128xi32, #tpu.memory_space<hbm>>
      %dma_wait3A_51 = tpu.memref_squeeze %dma_wait3A_50 : memref<1x1x8x128xi32, #tpu.memory_space<hbm>> -> memref<8x128xi32, #tpu.memory_space<hbm>>
      %dma_wait3A_52 = arith.constant 0 : i32
      %dma_wait3A_53 = arith.constant 0 : i32
      %dma_wait3A_54 = tpu.memref_slice %arg3[%add3A, %run_scoped3A, %dma_wait3A_52, %dma_wait3A_53] : memref<32x20x8x128xi32, #tpu.memory_space<hbm>> -> memref<1x1x8x128xi32, #tpu.memory_space<hbm>>
      %dma_wait3A_55 = tpu.memref_squeeze %dma_wait3A_54 : memref<1x1x8x128xi32, #tpu.memory_space<hbm>> -> memref<8x128xi32, #tpu.memory_space<hbm>>
      tpu.wait_dma2 semaphore(%run_scoped3A_40 : memref<!tpu.dma_semaphore, #tpu.memory_space<semaphore_mem>>) src(%dma_wait3A_55 : memref<8x128xi32, #tpu.memory_space<hbm>>) dst(%arg6 : memref<8x128xi32, #tpu.memory_space<vmem>>)
      tpu.yield
    }) : () -> ()
    %run_scoped3A_5 = arith.constant 1 : i32
    "tpu.region"() ({
      %run_scoped3A_40 = tpu.sem_alloc : memref<!tpu.dma_semaphore, #tpu.memory_space<semaphore_mem>>
      %dma_start3A_41 = arith.constant 0 : i32
      %dma_start3A_42 = arith.constant 0 : i32
      %dma_start3A_43 = tpu.memref_slice %arg3[%add3A, %run_scoped3A_5, %dma_start3A_41, %dma_start3A_42] : memref<32x20x8x128xi32, #tpu.memory_space<hbm>> -> memref<1x1x8x128xi32, #tpu.memory_space<hbm>>
      %dma_start3A_44 = tpu.memref_squeeze %dma_start3A_43 : memref<1x1x8x128xi32, #tpu.memory_space<hbm>> -> memref<8x128xi32, #tpu.memory_space<hbm>>
      %dma_start3A_45 = arith.constant 0 : i32
      %dma_start3A_46 = arith.constant 0 : i32
      %dma_start3A_47 = tpu.memref_slice %arg3[%add3A, %run_scoped3A_5, %dma_start3A_45, %dma_start3A_46] : memref<32x20x8x128xi32, #tpu.memory_space<hbm>> -> memref<1x1x8x128xi32, #tpu.memory_space<hbm>>
      %dma_start3A_48 = tpu.memref_squeeze %dma_start3A_47 : memref<1x1x8x128xi32, #tpu.memory_space<hbm>> -> memref<8x128xi32, #tpu.memory_space<hbm>>
      tpu.enqueue_dma source(%dma_start3A_48 : memref<8x128xi32, #tpu.memory_space<hbm>>) target(%arg7 : memref<8x128xi32, #tpu.memory_space<vmem>>) target_semaphore(%run_scoped3A_40 : memref<!tpu.dma_semaphore, #tpu.memory_space<semaphore_mem>>)
      %dma_wait3A = arith.constant 0 : i32
      %dma_wait3A_49 = arith.constant 0 : i32
      %dma_wait3A_50 = tpu.memref_slice %arg3[%add3A, %run_scoped3A_5, %dma_wait3A, %dma_wait3A_49] : memref<32x20x8x128xi32, #tpu.memory_space<hbm>> -> memref<1x1x8x128xi32, #tpu.memory_space<hbm>>
      %dma_wait3A_51 = tpu.memref_squeeze %dma_wait3A_50 : memref<1x1x8x128xi32, #tpu.memory_space<hbm>> -> memref<8x128xi32, #tpu.memory_space<hbm>>
      %dma_wait3A_52 = arith.constant 0 : i32
      %dma_wait3A_53 = arith.constant 0 : i32
      %dma_wait3A_54 = tpu.memref_slice %arg3[%add3A, %run_scoped3A_5, %dma_wait3A_52, %dma_wait3A_53] : memref<32x20x8x128xi32, #tpu.memory_space<hbm>> -> memref<1x1x8x128xi32, #tpu.memory_space<hbm>>
      %dma_wait3A_55 = tpu.memref_squeeze %dma_wait3A_54 : memref<1x1x8x128xi32, #tpu.memory_space<hbm>> -> memref<8x128xi32, #tpu.memory_space<hbm>>
      tpu.wait_dma2 semaphore(%run_scoped3A_40 : memref<!tpu.dma_semaphore, #tpu.memory_space<semaphore_mem>>) src(%dma_wait3A_55 : memref<8x128xi32, #tpu.memory_space<hbm>>) dst(%arg7 : memref<8x128xi32, #tpu.memory_space<vmem>>)
      tpu.yield
    }) : () -> ()
    %barrier3A = arith.constant 0 : index
    tpu.barrier barrier_id(%barrier3A)
    %dma_start3A = arith.constant 0 : i32
    %dma_start3A_6 = arith.constant 0 : i32
    %dma_start3A_7 = tpu.memref_slice %arg6[%dma_start3A, %dma_start3A_6] : memref<8x128xi32, #tpu.memory_space<vmem>> -> memref<1x128xi32, #tpu.memory_space<vmem>>
    %dma_start3A_8 = tpu.memref_squeeze %dma_start3A_7 : memref<1x128xi32, #tpu.memory_space<vmem>> -> memref<128xi32, #tpu.memory_space<vmem>>
    %dma_start3A_9 = arith.constant 0 : i32
    %dma_start3A_10 = arith.constant 0 : i32
    %dma_start3A_11 = tpu.memref_slice %arg2[%dma_start3A_9, %dma_start3A_10] : memref<327680x128xf32, #tpu.memory_space<hbm>> -> memref<327680x128xf32, #tpu.memory_space<hbm>>
    tpu.enqueue_indirect_dma source(%dma_start3A_11 : memref<327680x128xf32, #tpu.memory_space<hbm>>) target(%arg8 : memref<128x128xf32, #tpu.memory_space<vmem>>) offsets(%dma_start3A_8 : memref<128xi32, #tpu.memory_space<vmem>>) semaphore(%arg11 : memref<!tpu.dma_semaphore, #tpu.memory_space<semaphore_mem>>)
    %dma_start3A_12 = arith.constant 1 : i32
    %dma_start3A_13 = arith.constant 0 : i32
    %dma_start3A_14 = tpu.memref_slice %arg6[%dma_start3A_12, %dma_start3A_13] : memref<8x128xi32, #tpu.memory_space<vmem>> -> memref<1x128xi32, #tpu.memory_space<vmem>>
    %dma_start3A_15 = tpu.memref_squeeze %dma_start3A_14 : memref<1x128xi32, #tpu.memory_space<vmem>> -> memref<128xi32, #tpu.memory_space<vmem>>
    %dma_start3A_16 = arith.constant 0 : i32
    %dma_start3A_17 = arith.constant 0 : i32
    %dma_start3A_18 = tpu.memref_slice %arg2[%dma_start3A_16, %dma_start3A_17] : memref<327680x128xf32, #tpu.memory_space<hbm>> -> memref<327680x128xf32, #tpu.memory_space<hbm>>
    tpu.enqueue_indirect_dma source(%dma_start3A_18 : memref<327680x128xf32, #tpu.memory_space<hbm>>) target(%arg9 : memref<128x128xf32, #tpu.memory_space<vmem>>) offsets(%dma_start3A_15 : memref<128xi32, #tpu.memory_space<vmem>>) semaphore(%arg12 : memref<!tpu.dma_semaphore, #tpu.memory_space<semaphore_mem>>)
    %sub3A = arith.constant 0 : i32
    %sub3A_19 = arith.subi %select_n3A, %sub3A : i32
    %sub3A_20 = arith.constant 2 : i32
    %sub3A_21 = arith.constant 1 : i32
    %sub3A_22 = arith.subi %sub3A_20, %sub3A_21 : i32
    %add3A_23 = arith.addi %sub3A_19, %sub3A_22 : i32
    %div3A = arith.constant 2 : i32
    %div3A_24 = arith.divsi %add3A_23, %div3A : i32
    %while3A = arith.constant 2 : i32
    %while3A_25 = arith.constant 0 : i32
    %while3A_26 = arith.constant 0 : i32
    %while3A_27 = arith.subi %div3A_24, %while3A_26 : i32
    %while3A_28 = arith.addi %while3A_26, %while3A_27 : i32
    %while3A_29 = arith.constant 1 : i32
    %while3A_30 = arith.divsi %while3A_27, %while3A_29 : i32
    %while3A_31 = arith.muli %while3A_30, %while3A_29 : i32
    %while3A_32 = arith.addi %while3A_26, %while3A_31 : i32
    %while3A_33 = arith.constant 1 : i32
    scf.for %while3A_40 = %while3A_26 to %while3A_32 step %while3A_33  : i32 {
      %mul3A_41 = arith.muli %while3A_40, %while3A : i32
      %add3A_42 = arith.addi %while3A_25, %mul3A_41 : i32
      %dma_wait3A = arith.constant 0 : i32
      %dma_wait3A_43 = arith.constant 0 : i32
      %dma_wait3A_44 = tpu.memref_slice %arg6[%dma_wait3A, %dma_wait3A_43] : memref<8x128xi32, #tpu.memory_space<vmem>> -> memref<1x128xi32, #tpu.memory_space<vmem>>
      %dma_wait3A_45 = tpu.memref_squeeze %dma_wait3A_44 : memref<1x128xi32, #tpu.memory_space<vmem>> -> memref<128xi32, #tpu.memory_space<vmem>>
      %dma_wait3A_46 = arith.constant 0 : i32
      %dma_wait3A_47 = arith.constant 0 : i32
      %dma_wait3A_48 = tpu.memref_slice %arg2[%dma_wait3A_46, %dma_wait3A_47] : memref<327680x128xf32, #tpu.memory_space<hbm>> -> memref<327680x128xf32, #tpu.memory_space<hbm>>
      tpu.wait_indirect_dma semaphore(%arg11 : memref<!tpu.dma_semaphore, #tpu.memory_space<semaphore_mem>>) src(%dma_wait3A_48 : memref<327680x128xf32, #tpu.memory_space<hbm>>) dst(%arg8 : memref<128x128xf32, #tpu.memory_space<vmem>>)
      %run_scoped3A_49 = arith.constant 4 : i32
      "tpu.region"() ({
        %run_scoped3A_173 = tpu.sem_alloc : memref<!tpu.dma_semaphore, #tpu.memory_space<semaphore_mem>>
        %dma_start3A_174 = arith.constant 0 : i32
        %dma_start3A_175 = tpu.memref_slice %arg6[%run_scoped3A_49, %dma_start3A_174] : memref<8x128xi32, #tpu.memory_space<vmem>> -> memref<1x128xi32, #tpu.memory_space<vmem>>
        %dma_start3A_176 = tpu.memref_squeeze %dma_start3A_175 : memref<1x128xi32, #tpu.memory_space<vmem>> -> memref<128xi32, #tpu.memory_space<vmem>>
        %dma_start3A_177 = arith.constant 0 : i32
        %dma_start3A_178 = arith.constant 0 : i32
        %dma_start3A_179 = tpu.memref_slice %arg10[%dma_start3A_177, %dma_start3A_178] : memref<10112x128xf32, #tpu.memory_space<vmem_shared>> -> memref<10112x128xf32, #tpu.memory_space<vmem_shared>>
        tpu.enqueue_indirect_dma source(%arg8 : memref<128x128xf32, #tpu.memory_space<vmem>>) target(%dma_start3A_179 : memref<10112x128xf32, #tpu.memory_space<vmem_shared>>) offsets(%dma_start3A_176 : memref<128xi32, #tpu.memory_space<vmem>>) semaphore(%run_scoped3A_173 : memref<!tpu.dma_semaphore, #tpu.memory_space<semaphore_mem>>) {add = true}
        %dma_wait3A_180 = arith.constant 0 : i32
        %dma_wait3A_181 = tpu.memref_slice %arg6[%run_scoped3A_49, %dma_wait3A_180] : memref<8x128xi32, #tpu.memory_space<vmem>> -> memref<1x128xi32, #tpu.memory_space<vmem>>
        %dma_wait3A_182 = tpu.memref_squeeze %dma_wait3A_181 : memref<1x128xi32, #tpu.memory_space<vmem>> -> memref<128xi32, #tpu.memory_space<vmem>>
        %dma_wait3A_183 = arith.constant 0 : i32
        %dma_wait3A_184 = arith.constant 0 : i32
        %dma_wait3A_185 = tpu.memref_slice %arg10[%dma_wait3A_183, %dma_wait3A_184] : memref<10112x128xf32, #tpu.memory_space<vmem_shared>> -> memref<10112x128xf32, #tpu.memory_space<vmem_shared>>
        tpu.wait_indirect_dma semaphore(%run_scoped3A_173 : memref<!tpu.dma_semaphore, #tpu.memory_space<semaphore_mem>>) src(%arg8 : memref<128x128xf32, #tpu.memory_space<vmem>>) dst(%dma_wait3A_185 : memref<10112x128xf32, #tpu.memory_space<vmem_shared>>)
        tpu.yield
      }) : () -> ()
      %dma_start3A_50 = arith.constant 2 : i32
      %dma_start3A_51 = arith.constant 0 : i32
      %dma_start3A_52 = tpu.memref_slice %arg6[%dma_start3A_50, %dma_start3A_51] : memref<8x128xi32, #tpu.memory_space<vmem>> -> memref<1x128xi32, #tpu.memory_space<vmem>>
      %dma_start3A_53 = tpu.memref_squeeze %dma_start3A_52 : memref<1x128xi32, #tpu.memory_space<vmem>> -> memref<128xi32, #tpu.memory_space<vmem>>
      %dma_start3A_54 = arith.constant 0 : i32
      %dma_start3A_55 = arith.constant 0 : i32
      %dma_start3A_56 = tpu.memref_slice %arg2[%dma_start3A_54, %dma_start3A_55] : memref<327680x128xf32, #tpu.memory_space<hbm>> -> memref<327680x128xf32, #tpu.memory_space<hbm>>
      tpu.enqueue_indirect_dma source(%dma_start3A_56 : memref<327680x128xf32, #tpu.memory_space<hbm>>) target(%arg8 : memref<128x128xf32, #tpu.memory_space<vmem>>) offsets(%dma_start3A_53 : memref<128xi32, #tpu.memory_space<vmem>>) semaphore(%arg11 : memref<!tpu.dma_semaphore, #tpu.memory_space<semaphore_mem>>)
      %dma_wait3A_57 = arith.constant 1 : i32
      %dma_wait3A_58 = arith.constant 0 : i32
      %dma_wait3A_59 = tpu.memref_slice %arg6[%dma_wait3A_57, %dma_wait3A_58] : memref<8x128xi32, #tpu.memory_space<vmem>> -> memref<1x128xi32, #tpu.memory_space<vmem>>
      %dma_wait3A_60 = tpu.memref_squeeze %dma_wait3A_59 : memref<1x128xi32, #tpu.memory_space<vmem>> -> memref<128xi32, #tpu.memory_space<vmem>>
      %dma_wait3A_61 = arith.constant 0 : i32
      %dma_wait3A_62 = arith.constant 0 : i32
      %dma_wait3A_63 = tpu.memref_slice %arg2[%dma_wait3A_61, %dma_wait3A_62] : memref<327680x128xf32, #tpu.memory_space<hbm>> -> memref<327680x128xf32, #tpu.memory_space<hbm>>
      tpu.wait_indirect_dma semaphore(%arg12 : memref<!tpu.dma_semaphore, #tpu.memory_space<semaphore_mem>>) src(%dma_wait3A_63 : memref<327680x128xf32, #tpu.memory_space<hbm>>) dst(%arg9 : memref<128x128xf32, #tpu.memory_space<vmem>>)
      %run_scoped3A_64 = arith.constant 5 : i32
      "tpu.region"() ({
        %run_scoped3A_173 = tpu.sem_alloc : memref<!tpu.dma_semaphore, #tpu.memory_space<semaphore_mem>>
        %dma_start3A_174 = arith.constant 0 : i32
        %dma_start3A_175 = tpu.memref_slice %arg6[%run_scoped3A_64, %dma_start3A_174] : memref<8x128xi32, #tpu.memory_space<vmem>> -> memref<1x128xi32, #tpu.memory_space<vmem>>
        %dma_start3A_176 = tpu.memref_squeeze %dma_start3A_175 : memref<1x128xi32, #tpu.memory_space<vmem>> -> memref<128xi32, #tpu.memory_space<vmem>>
        %dma_start3A_177 = arith.constant 0 : i32
        %dma_start3A_178 = arith.constant 0 : i32
        %dma_start3A_179 = tpu.memref_slice %arg10[%dma_start3A_177, %dma_start3A_178] : memref<10112x128xf32, #tpu.memory_space<vmem_shared>> -> memref<10112x128xf32, #tpu.memory_space<vmem_shared>>
        tpu.enqueue_indirect_dma source(%arg9 : memref<128x128xf32, #tpu.memory_space<vmem>>) target(%dma_start3A_179 : memref<10112x128xf32, #tpu.memory_space<vmem_shared>>) offsets(%dma_start3A_176 : memref<128xi32, #tpu.memory_space<vmem>>) semaphore(%run_scoped3A_173 : memref<!tpu.dma_semaphore, #tpu.memory_space<semaphore_mem>>) {add = true}
        %dma_wait3A_180 = arith.constant 0 : i32
        %dma_wait3A_181 = tpu.memref_slice %arg6[%run_scoped3A_64, %dma_wait3A_180] : memref<8x128xi32, #tpu.memory_space<vmem>> -> memref<1x128xi32, #tpu.memory_space<vmem>>
        %dma_wait3A_182 = tpu.memref_squeeze %dma_wait3A_181 : memref<1x128xi32, #tpu.memory_space<vmem>> -> memref<128xi32, #tpu.memory_space<vmem>>
        %dma_wait3A_183 = arith.constant 0 : i32
        %dma_wait3A_184 = arith.constant 0 : i32
        %dma_wait3A_185 = tpu.memref_slice %arg10[%dma_wait3A_183, %dma_wait3A_184] : memref<10112x128xf32, #tpu.memory_space<vmem_shared>> -> memref<10112x128xf32, #tpu.memory_space<vmem_shared>>
        tpu.wait_indirect_dma semaphore(%run_scoped3A_173 : memref<!tpu.dma_semaphore, #tpu.memory_space<semaphore_mem>>) src(%arg9 : memref<128x128xf32, #tpu.memory_space<vmem>>) dst(%dma_wait3A_185 : memref<10112x128xf32, #tpu.memory_space<vmem_shared>>)
        tpu.yield
      }) : () -> ()
      %dma_start3A_65 = arith.constant 3 : i32
      %dma_start3A_66 = arith.constant 0 : i32
      %dma_start3A_67 = tpu.memref_slice %arg6[%dma_start3A_65, %dma_start3A_66] : memref<8x128xi32, #tpu.memory_space<vmem>> -> memref<1x128xi32, #tpu.memory_space<vmem>>
      %dma_start3A_68 = tpu.memref_squeeze %dma_start3A_67 : memref<1x128xi32, #tpu.memory_space<vmem>> -> memref<128xi32, #tpu.memory_space<vmem>>
      %dma_start3A_69 = arith.constant 0 : i32
      %dma_start3A_70 = arith.constant 0 : i32
      %dma_start3A_71 = tpu.memref_slice %arg2[%dma_start3A_69, %dma_start3A_70] : memref<327680x128xf32, #tpu.memory_space<hbm>> -> memref<327680x128xf32, #tpu.memory_space<hbm>>
      tpu.enqueue_indirect_dma source(%dma_start3A_71 : memref<327680x128xf32, #tpu.memory_space<hbm>>) target(%arg9 : memref<128x128xf32, #tpu.memory_space<vmem>>) offsets(%dma_start3A_68 : memref<128xi32, #tpu.memory_space<vmem>>) semaphore(%arg12 : memref<!tpu.dma_semaphore, #tpu.memory_space<semaphore_mem>>)
      %dma_wait3A_72 = arith.constant 2 : i32
      %dma_wait3A_73 = arith.constant 0 : i32
      %dma_wait3A_74 = tpu.memref_slice %arg6[%dma_wait3A_72, %dma_wait3A_73] : memref<8x128xi32, #tpu.memory_space<vmem>> -> memref<1x128xi32, #tpu.memory_space<vmem>>
      %dma_wait3A_75 = tpu.memref_squeeze %dma_wait3A_74 : memref<1x128xi32, #tpu.memory_space<vmem>> -> memref<128xi32, #tpu.memory_space<vmem>>
      %dma_wait3A_76 = arith.constant 0 : i32
      %dma_wait3A_77 = arith.constant 0 : i32
      %dma_wait3A_78 = tpu.memref_slice %arg2[%dma_wait3A_76, %dma_wait3A_77] : memref<327680x128xf32, #tpu.memory_space<hbm>> -> memref<327680x128xf32, #tpu.memory_space<hbm>>
      tpu.wait_indirect_dma semaphore(%arg11 : memref<!tpu.dma_semaphore, #tpu.memory_space<semaphore_mem>>) src(%dma_wait3A_78 : memref<327680x128xf32, #tpu.memory_space<hbm>>) dst(%arg8 : memref<128x128xf32, #tpu.memory_space<vmem>>)
      %run_scoped3A_79 = arith.constant 6 : i32
      "tpu.region"() ({
        %run_scoped3A_173 = tpu.sem_alloc : memref<!tpu.dma_semaphore, #tpu.memory_space<semaphore_mem>>
        %dma_start3A_174 = arith.constant 0 : i32
        %dma_start3A_175 = tpu.memref_slice %arg6[%run_scoped3A_79, %dma_start3A_174] : memref<8x128xi32, #tpu.memory_space<vmem>> -> memref<1x128xi32, #tpu.memory_space<vmem>>
        %dma_start3A_176 = tpu.memref_squeeze %dma_start3A_175 : memref<1x128xi32, #tpu.memory_space<vmem>> -> memref<128xi32, #tpu.memory_space<vmem>>
        %dma_start3A_177 = arith.constant 0 : i32
        %dma_start3A_178 = arith.constant 0 : i32
        %dma_start3A_179 = tpu.memref_slice %arg10[%dma_start3A_177, %dma_start3A_178] : memref<10112x128xf32, #tpu.memory_space<vmem_shared>> -> memref<10112x128xf32, #tpu.memory_space<vmem_shared>>
        tpu.enqueue_indirect_dma source(%arg8 : memref<128x128xf32, #tpu.memory_space<vmem>>) target(%dma_start3A_179 : memref<10112x128xf32, #tpu.memory_space<vmem_shared>>) offsets(%dma_start3A_176 : memref<128xi32, #tpu.memory_space<vmem>>) semaphore(%run_scoped3A_173 : memref<!tpu.dma_semaphore, #tpu.memory_space<semaphore_mem>>) {add = true}
        %dma_wait3A_180 = arith.constant 0 : i32
        %dma_wait3A_181 = tpu.memref_slice %arg6[%run_scoped3A_79, %dma_wait3A_180] : memref<8x128xi32, #tpu.memory_space<vmem>> -> memref<1x128xi32, #tpu.memory_space<vmem>>
        %dma_wait3A_182 = tpu.memref_squeeze %dma_wait3A_181 : memref<1x128xi32, #tpu.memory_space<vmem>> -> memref<128xi32, #tpu.memory_space<vmem>>
        %dma_wait3A_183 = arith.constant 0 : i32
        %dma_wait3A_184 = arith.constant 0 : i32
        %dma_wait3A_185 = tpu.memref_slice %arg10[%dma_wait3A_183, %dma_wait3A_184] : memref<10112x128xf32, #tpu.memory_space<vmem_shared>> -> memref<10112x128xf32, #tpu.memory_space<vmem_shared>>
        tpu.wait_indirect_dma semaphore(%run_scoped3A_173 : memref<!tpu.dma_semaphore, #tpu.memory_space<semaphore_mem>>) src(%arg8 : memref<128x128xf32, #tpu.memory_space<vmem>>) dst(%dma_wait3A_185 : memref<10112x128xf32, #tpu.memory_space<vmem_shared>>)
        tpu.yield
      }) : () -> ()
      %ge3A = arith.constant 2 : i32
      %ge3A_80 = arith.cmpi sge, %add3A_42, %ge3A : i32
      %convert_element_type3A = arith.extui %ge3A_80 : i1 to i32
      %cond3A = arith.constant 0 : i32
      %cond3A_81 = arith.cmpi ne, %convert_element_type3A, %cond3A : i32
      scf.if %cond3A_81 {
        %add3A_173 = arith.constant 1 : i32
        %add3A_174 = arith.addi %add3A_42, %add3A_173 : i32
        %dma_wait3A_175 = arith.constant 0 : i32
        %dma_wait3A_176 = arith.constant 0 : i32
        %dma_wait3A_177 = tpu.memref_slice %arg3[%add3A, %add3A_174, %dma_wait3A_175, %dma_wait3A_176] : memref<32x20x8x128xi32, #tpu.memory_space<hbm>> -> memref<1x1x8x128xi32, #tpu.memory_space<hbm>>
        %dma_wait3A_178 = tpu.memref_squeeze %dma_wait3A_177 : memref<1x1x8x128xi32, #tpu.memory_space<hbm>> -> memref<8x128xi32, #tpu.memory_space<hbm>>
        %dma_wait3A_179 = arith.constant 0 : i32
        %dma_wait3A_180 = arith.constant 0 : i32
        %dma_wait3A_181 = tpu.memref_slice %arg3[%add3A, %add3A_174, %dma_wait3A_179, %dma_wait3A_180] : memref<32x20x8x128xi32, #tpu.memory_space<hbm>> -> memref<1x1x8x128xi32, #tpu.memory_space<hbm>>
        %dma_wait3A_182 = tpu.memref_squeeze %dma_wait3A_181 : memref<1x1x8x128xi32, #tpu.memory_space<hbm>> -> memref<8x128xi32, #tpu.memory_space<hbm>>
        tpu.wait_dma2 semaphore(%arg14 : memref<!tpu.dma_semaphore, #tpu.memory_space<semaphore_mem>>) src(%dma_wait3A_182 : memref<8x128xi32, #tpu.memory_space<hbm>>) dst(%arg7 : memref<8x128xi32, #tpu.memory_space<vmem>>)
      } else {
      }
      %dma_start3A_82 = arith.constant 0 : i32
      %dma_start3A_83 = arith.constant 0 : i32
      %dma_start3A_84 = tpu.memref_slice %arg7[%dma_start3A_82, %dma_start3A_83] : memref<8x128xi32, #tpu.memory_space<vmem>> -> memref<1x128xi32, #tpu.memory_space<vmem>>
      %dma_start3A_85 = tpu.memref_squeeze %dma_start3A_84 : memref<1x128xi32, #tpu.memory_space<vmem>> -> memref<128xi32, #tpu.memory_space<vmem>>
      %dma_start3A_86 = arith.constant 0 : i32
      %dma_start3A_87 = arith.constant 0 : i32
      %dma_start3A_88 = tpu.memref_slice %arg2[%dma_start3A_86, %dma_start3A_87] : memref<327680x128xf32, #tpu.memory_space<hbm>> -> memref<327680x128xf32, #tpu.memory_space<hbm>>
      tpu.enqueue_indirect_dma source(%dma_start3A_88 : memref<327680x128xf32, #tpu.memory_space<hbm>>) target(%arg8 : memref<128x128xf32, #tpu.memory_space<vmem>>) offsets(%dma_start3A_85 : memref<128xi32, #tpu.memory_space<vmem>>) semaphore(%arg11 : memref<!tpu.dma_semaphore, #tpu.memory_space<semaphore_mem>>)
      %dma_wait3A_89 = arith.constant 3 : i32
      %dma_wait3A_90 = arith.constant 0 : i32
      %dma_wait3A_91 = tpu.memref_slice %arg6[%dma_wait3A_89, %dma_wait3A_90] : memref<8x128xi32, #tpu.memory_space<vmem>> -> memref<1x128xi32, #tpu.memory_space<vmem>>
      %dma_wait3A_92 = tpu.memref_squeeze %dma_wait3A_91 : memref<1x128xi32, #tpu.memory_space<vmem>> -> memref<128xi32, #tpu.memory_space<vmem>>
      %dma_wait3A_93 = arith.constant 0 : i32
      %dma_wait3A_94 = arith.constant 0 : i32
      %dma_wait3A_95 = tpu.memref_slice %arg2[%dma_wait3A_93, %dma_wait3A_94] : memref<327680x128xf32, #tpu.memory_space<hbm>> -> memref<327680x128xf32, #tpu.memory_space<hbm>>
      tpu.wait_indirect_dma semaphore(%arg12 : memref<!tpu.dma_semaphore, #tpu.memory_space<semaphore_mem>>) src(%dma_wait3A_95 : memref<327680x128xf32, #tpu.memory_space<hbm>>) dst(%arg9 : memref<128x128xf32, #tpu.memory_space<vmem>>)
      %run_scoped3A_96 = arith.constant 7 : i32
      "tpu.region"() ({
        %run_scoped3A_173 = tpu.sem_alloc : memref<!tpu.dma_semaphore, #tpu.memory_space<semaphore_mem>>
        %dma_start3A_174 = arith.constant 0 : i32
        %dma_start3A_175 = tpu.memref_slice %arg6[%run_scoped3A_96, %dma_start3A_174] : memref<8x128xi32, #tpu.memory_space<vmem>> -> memref<1x128xi32, #tpu.memory_space<vmem>>
        %dma_start3A_176 = tpu.memref_squeeze %dma_start3A_175 : memref<1x128xi32, #tpu.memory_space<vmem>> -> memref<128xi32, #tpu.memory_space<vmem>>
        %dma_start3A_177 = arith.constant 0 : i32
        %dma_start3A_178 = arith.constant 0 : i32
        %dma_start3A_179 = tpu.memref_slice %arg10[%dma_start3A_177, %dma_start3A_178] : memref<10112x128xf32, #tpu.memory_space<vmem_shared>> -> memref<10112x128xf32, #tpu.memory_space<vmem_shared>>
        tpu.enqueue_indirect_dma source(%arg9 : memref<128x128xf32, #tpu.memory_space<vmem>>) target(%dma_start3A_179 : memref<10112x128xf32, #tpu.memory_space<vmem_shared>>) offsets(%dma_start3A_176 : memref<128xi32, #tpu.memory_space<vmem>>) semaphore(%run_scoped3A_173 : memref<!tpu.dma_semaphore, #tpu.memory_space<semaphore_mem>>) {add = true}
        %dma_wait3A_180 = arith.constant 0 : i32
        %dma_wait3A_181 = tpu.memref_slice %arg6[%run_scoped3A_96, %dma_wait3A_180] : memref<8x128xi32, #tpu.memory_space<vmem>> -> memref<1x128xi32, #tpu.memory_space<vmem>>
        %dma_wait3A_182 = tpu.memref_squeeze %dma_wait3A_181 : memref<1x128xi32, #tpu.memory_space<vmem>> -> memref<128xi32, #tpu.memory_space<vmem>>
        %dma_wait3A_183 = arith.constant 0 : i32
        %dma_wait3A_184 = arith.constant 0 : i32
        %dma_wait3A_185 = tpu.memref_slice %arg10[%dma_wait3A_183, %dma_wait3A_184] : memref<10112x128xf32, #tpu.memory_space<vmem_shared>> -> memref<10112x128xf32, #tpu.memory_space<vmem_shared>>
        tpu.wait_indirect_dma semaphore(%run_scoped3A_173 : memref<!tpu.dma_semaphore, #tpu.memory_space<semaphore_mem>>) src(%arg9 : memref<128x128xf32, #tpu.memory_space<vmem>>) dst(%dma_wait3A_185 : memref<10112x128xf32, #tpu.memory_space<vmem_shared>>)
        tpu.yield
      }) : () -> ()
      %add3A_97 = arith.constant 2 : i32
      %add3A_98 = arith.addi %add3A_42, %add3A_97 : i32
      %lt3A = arith.cmpi slt, %add3A_98, %select_n3A : i32
      %convert_element_type3A_99 = arith.extui %lt3A : i1 to i32
      %cond3A_100 = arith.constant 0 : i32
      %cond3A_101 = arith.cmpi ne, %convert_element_type3A_99, %cond3A_100 : i32
      scf.if %cond3A_101 {
        %add3A_173 = arith.constant 2 : i32
        %add3A_174 = arith.addi %add3A_42, %add3A_173 : i32
        %dma_start3A_175 = arith.constant 0 : i32
        %dma_start3A_176 = arith.constant 0 : i32
        %dma_start3A_177 = tpu.memref_slice %arg3[%add3A, %add3A_174, %dma_start3A_175, %dma_start3A_176] : memref<32x20x8x128xi32, #tpu.memory_space<hbm>> -> memref<1x1x8x128xi32, #tpu.memory_space<hbm>>
        %dma_start3A_178 = tpu.memref_squeeze %dma_start3A_177 : memref<1x1x8x128xi32, #tpu.memory_space<hbm>> -> memref<8x128xi32, #tpu.memory_space<hbm>>
        %dma_start3A_179 = arith.constant 0 : i32
        %dma_start3A_180 = arith.constant 0 : i32
        %dma_start3A_181 = tpu.memref_slice %arg3[%add3A, %add3A_174, %dma_start3A_179, %dma_start3A_180] : memref<32x20x8x128xi32, #tpu.memory_space<hbm>> -> memref<1x1x8x128xi32, #tpu.memory_space<hbm>>
        %dma_start3A_182 = tpu.memref_squeeze %dma_start3A_181 : memref<1x1x8x128xi32, #tpu.memory_space<hbm>> -> memref<8x128xi32, #tpu.memory_space<hbm>>
        tpu.enqueue_dma source(%dma_start3A_182 : memref<8x128xi32, #tpu.memory_space<hbm>>) target(%arg6 : memref<8x128xi32, #tpu.memory_space<vmem>>) target_semaphore(%arg13 : memref<!tpu.dma_semaphore, #tpu.memory_space<semaphore_mem>>)
      } else {
      }
      %dma_start3A_102 = arith.constant 1 : i32
      %dma_start3A_103 = arith.constant 0 : i32
      %dma_start3A_104 = tpu.memref_slice %arg7[%dma_start3A_102, %dma_start3A_103] : memref<8x128xi32, #tpu.memory_space<vmem>> -> memref<1x128xi32, #tpu.memory_space<vmem>>
      %dma_start3A_105 = tpu.memref_squeeze %dma_start3A_104 : memref<1x128xi32, #tpu.memory_space<vmem>> -> memref<128xi32, #tpu.memory_space<vmem>>
      %dma_start3A_106 = arith.constant 0 : i32
      %dma_start3A_107 = arith.constant 0 : i32
      %dma_start3A_108 = tpu.memref_slice %arg2[%dma_start3A_106, %dma_start3A_107] : memref<327680x128xf32, #tpu.memory_space<hbm>> -> memref<327680x128xf32, #tpu.memory_space<hbm>>
      tpu.enqueue_indirect_dma source(%dma_start3A_108 : memref<327680x128xf32, #tpu.memory_space<hbm>>) target(%arg9 : memref<128x128xf32, #tpu.memory_space<vmem>>) offsets(%dma_start3A_105 : memref<128xi32, #tpu.memory_space<vmem>>) semaphore(%arg12 : memref<!tpu.dma_semaphore, #tpu.memory_space<semaphore_mem>>)
      %dma_wait3A_109 = arith.constant 0 : i32
      %dma_wait3A_110 = arith.constant 0 : i32
      %dma_wait3A_111 = tpu.memref_slice %arg7[%dma_wait3A_109, %dma_wait3A_110] : memref<8x128xi32, #tpu.memory_space<vmem>> -> memref<1x128xi32, #tpu.memory_space<vmem>>
      %dma_wait3A_112 = tpu.memref_squeeze %dma_wait3A_111 : memref<1x128xi32, #tpu.memory_space<vmem>> -> memref<128xi32, #tpu.memory_space<vmem>>
      %dma_wait3A_113 = arith.constant 0 : i32
      %dma_wait3A_114 = arith.constant 0 : i32
      %dma_wait3A_115 = tpu.memref_slice %arg2[%dma_wait3A_113, %dma_wait3A_114] : memref<327680x128xf32, #tpu.memory_space<hbm>> -> memref<327680x128xf32, #tpu.memory_space<hbm>>
      tpu.wait_indirect_dma semaphore(%arg11 : memref<!tpu.dma_semaphore, #tpu.memory_space<semaphore_mem>>) src(%dma_wait3A_115 : memref<327680x128xf32, #tpu.memory_space<hbm>>) dst(%arg8 : memref<128x128xf32, #tpu.memory_space<vmem>>)
      %run_scoped3A_116 = arith.constant 4 : i32
      "tpu.region"() ({
        %run_scoped3A_173 = tpu.sem_alloc : memref<!tpu.dma_semaphore, #tpu.memory_space<semaphore_mem>>
        %dma_start3A_174 = arith.constant 0 : i32
        %dma_start3A_175 = tpu.memref_slice %arg7[%run_scoped3A_116, %dma_start3A_174] : memref<8x128xi32, #tpu.memory_space<vmem>> -> memref<1x128xi32, #tpu.memory_space<vmem>>
        %dma_start3A_176 = tpu.memref_squeeze %dma_start3A_175 : memref<1x128xi32, #tpu.memory_space<vmem>> -> memref<128xi32, #tpu.memory_space<vmem>>
        %dma_start3A_177 = arith.constant 0 : i32
        %dma_start3A_178 = arith.constant 0 : i32
        %dma_start3A_179 = tpu.memref_slice %arg10[%dma_start3A_177, %dma_start3A_178] : memref<10112x128xf32, #tpu.memory_space<vmem_shared>> -> memref<10112x128xf32, #tpu.memory_space<vmem_shared>>
        tpu.enqueue_indirect_dma source(%arg8 : memref<128x128xf32, #tpu.memory_space<vmem>>) target(%dma_start3A_179 : memref<10112x128xf32, #tpu.memory_space<vmem_shared>>) offsets(%dma_start3A_176 : memref<128xi32, #tpu.memory_space<vmem>>) semaphore(%run_scoped3A_173 : memref<!tpu.dma_semaphore, #tpu.memory_space<semaphore_mem>>) {add = true}
        %dma_wait3A_180 = arith.constant 0 : i32
        %dma_wait3A_181 = tpu.memref_slice %arg7[%run_scoped3A_116, %dma_wait3A_180] : memref<8x128xi32, #tpu.memory_space<vmem>> -> memref<1x128xi32, #tpu.memory_space<vmem>>
        %dma_wait3A_182 = tpu.memref_squeeze %dma_wait3A_181 : memref<1x128xi32, #tpu.memory_space<vmem>> -> memref<128xi32, #tpu.memory_space<vmem>>
        %dma_wait3A_183 = arith.constant 0 : i32
        %dma_wait3A_184 = arith.constant 0 : i32
        %dma_wait3A_185 = tpu.memref_slice %arg10[%dma_wait3A_183, %dma_wait3A_184] : memref<10112x128xf32, #tpu.memory_space<vmem_shared>> -> memref<10112x128xf32, #tpu.memory_space<vmem_shared>>
        tpu.wait_indirect_dma semaphore(%run_scoped3A_173 : memref<!tpu.dma_semaphore, #tpu.memory_space<semaphore_mem>>) src(%arg8 : memref<128x128xf32, #tpu.memory_space<vmem>>) dst(%dma_wait3A_185 : memref<10112x128xf32, #tpu.memory_space<vmem_shared>>)
        tpu.yield
      }) : () -> ()
      %dma_start3A_117 = arith.constant 2 : i32
      %dma_start3A_118 = arith.constant 0 : i32
      %dma_start3A_119 = tpu.memref_slice %arg7[%dma_start3A_117, %dma_start3A_118] : memref<8x128xi32, #tpu.memory_space<vmem>> -> memref<1x128xi32, #tpu.memory_space<vmem>>
      %dma_start3A_120 = tpu.memref_squeeze %dma_start3A_119 : memref<1x128xi32, #tpu.memory_space<vmem>> -> memref<128xi32, #tpu.memory_space<vmem>>
      %dma_start3A_121 = arith.constant 0 : i32
      %dma_start3A_122 = arith.constant 0 : i32
      %dma_start3A_123 = tpu.memref_slice %arg2[%dma_start3A_121, %dma_start3A_122] : memref<327680x128xf32, #tpu.memory_space<hbm>> -> memref<327680x128xf32, #tpu.memory_space<hbm>>
      tpu.enqueue_indirect_dma source(%dma_start3A_123 : memref<327680x128xf32, #tpu.memory_space<hbm>>) target(%arg8 : memref<128x128xf32, #tpu.memory_space<vmem>>) offsets(%dma_start3A_120 : memref<128xi32, #tpu.memory_space<vmem>>) semaphore(%arg11 : memref<!tpu.dma_semaphore, #tpu.memory_space<semaphore_mem>>)
      %dma_wait3A_124 = arith.constant 1 : i32
      %dma_wait3A_125 = arith.constant 0 : i32
      %dma_wait3A_126 = tpu.memref_slice %arg7[%dma_wait3A_124, %dma_wait3A_125] : memref<8x128xi32, #tpu.memory_space<vmem>> -> memref<1x128xi32, #tpu.memory_space<vmem>>
      %dma_wait3A_127 = tpu.memref_squeeze %dma_wait3A_126 : memref<1x128xi32, #tpu.memory_space<vmem>> -> memref<128xi32, #tpu.memory_space<vmem>>
      %dma_wait3A_128 = arith.constant 0 : i32
      %dma_wait3A_129 = arith.constant 0 : i32
      %dma_wait3A_130 = tpu.memref_slice %arg2[%dma_wait3A_128, %dma_wait3A_129] : memref<327680x128xf32, #tpu.memory_space<hbm>> -> memref<327680x128xf32, #tpu.memory_space<hbm>>
      tpu.wait_indirect_dma semaphore(%arg12 : memref<!tpu.dma_semaphore, #tpu.memory_space<semaphore_mem>>) src(%dma_wait3A_130 : memref<327680x128xf32, #tpu.memory_space<hbm>>) dst(%arg9 : memref<128x128xf32, #tpu.memory_space<vmem>>)
      %run_scoped3A_131 = arith.constant 5 : i32
      "tpu.region"() ({
        %run_scoped3A_173 = tpu.sem_alloc : memref<!tpu.dma_semaphore, #tpu.memory_space<semaphore_mem>>
        %dma_start3A_174 = arith.constant 0 : i32
        %dma_start3A_175 = tpu.memref_slice %arg7[%run_scoped3A_131, %dma_start3A_174] : memref<8x128xi32, #tpu.memory_space<vmem>> -> memref<1x128xi32, #tpu.memory_space<vmem>>
        %dma_start3A_176 = tpu.memref_squeeze %dma_start3A_175 : memref<1x128xi32, #tpu.memory_space<vmem>> -> memref<128xi32, #tpu.memory_space<vmem>>
        %dma_start3A_177 = arith.constant 0 : i32
        %dma_start3A_178 = arith.constant 0 : i32
        %dma_start3A_179 = tpu.memref_slice %arg10[%dma_start3A_177, %dma_start3A_178] : memref<10112x128xf32, #tpu.memory_space<vmem_shared>> -> memref<10112x128xf32, #tpu.memory_space<vmem_shared>>
        tpu.enqueue_indirect_dma source(%arg9 : memref<128x128xf32, #tpu.memory_space<vmem>>) target(%dma_start3A_179 : memref<10112x128xf32, #tpu.memory_space<vmem_shared>>) offsets(%dma_start3A_176 : memref<128xi32, #tpu.memory_space<vmem>>) semaphore(%run_scoped3A_173 : memref<!tpu.dma_semaphore, #tpu.memory_space<semaphore_mem>>) {add = true}
        %dma_wait3A_180 = arith.constant 0 : i32
        %dma_wait3A_181 = tpu.memref_slice %arg7[%run_scoped3A_131, %dma_wait3A_180] : memref<8x128xi32, #tpu.memory_space<vmem>> -> memref<1x128xi32, #tpu.memory_space<vmem>>
        %dma_wait3A_182 = tpu.memref_squeeze %dma_wait3A_181 : memref<1x128xi32, #tpu.memory_space<vmem>> -> memref<128xi32, #tpu.memory_space<vmem>>
        %dma_wait3A_183 = arith.constant 0 : i32
        %dma_wait3A_184 = arith.constant 0 : i32
        %dma_wait3A_185 = tpu.memref_slice %arg10[%dma_wait3A_183, %dma_wait3A_184] : memref<10112x128xf32, #tpu.memory_space<vmem_shared>> -> memref<10112x128xf32, #tpu.memory_space<vmem_shared>>
        tpu.wait_indirect_dma semaphore(%run_scoped3A_173 : memref<!tpu.dma_semaphore, #tpu.memory_space<semaphore_mem>>) src(%arg9 : memref<128x128xf32, #tpu.memory_space<vmem>>) dst(%dma_wait3A_185 : memref<10112x128xf32, #tpu.memory_space<vmem_shared>>)
        tpu.yield
      }) : () -> ()
      %dma_start3A_132 = arith.constant 3 : i32
      %dma_start3A_133 = arith.constant 0 : i32
      %dma_start3A_134 = tpu.memref_slice %arg7[%dma_start3A_132, %dma_start3A_133] : memref<8x128xi32, #tpu.memory_space<vmem>> -> memref<1x128xi32, #tpu.memory_space<vmem>>
      %dma_start3A_135 = tpu.memref_squeeze %dma_start3A_134 : memref<1x128xi32, #tpu.memory_space<vmem>> -> memref<128xi32, #tpu.memory_space<vmem>>
      %dma_start3A_136 = arith.constant 0 : i32
      %dma_start3A_137 = arith.constant 0 : i32
      %dma_start3A_138 = tpu.memref_slice %arg2[%dma_start3A_136, %dma_start3A_137] : memref<327680x128xf32, #tpu.memory_space<hbm>> -> memref<327680x128xf32, #tpu.memory_space<hbm>>
      tpu.enqueue_indirect_dma source(%dma_start3A_138 : memref<327680x128xf32, #tpu.memory_space<hbm>>) target(%arg9 : memref<128x128xf32, #tpu.memory_space<vmem>>) offsets(%dma_start3A_135 : memref<128xi32, #tpu.memory_space<vmem>>) semaphore(%arg12 : memref<!tpu.dma_semaphore, #tpu.memory_space<semaphore_mem>>)
      %dma_wait3A_139 = arith.constant 2 : i32
      %dma_wait3A_140 = arith.constant 0 : i32
      %dma_wait3A_141 = tpu.memref_slice %arg7[%dma_wait3A_139, %dma_wait3A_140] : memref<8x128xi32, #tpu.memory_space<vmem>> -> memref<1x128xi32, #tpu.memory_space<vmem>>
      %dma_wait3A_142 = tpu.memref_squeeze %dma_wait3A_141 : memref<1x128xi32, #tpu.memory_space<vmem>> -> memref<128xi32, #tpu.memory_space<vmem>>
      %dma_wait3A_143 = arith.constant 0 : i32
      %dma_wait3A_144 = arith.constant 0 : i32
      %dma_wait3A_145 = tpu.memref_slice %arg2[%dma_wait3A_143, %dma_wait3A_144] : memref<327680x128xf32, #tpu.memory_space<hbm>> -> memref<327680x128xf32, #tpu.memory_space<hbm>>
      tpu.wait_indirect_dma semaphore(%arg11 : memref<!tpu.dma_semaphore, #tpu.memory_space<semaphore_mem>>) src(%dma_wait3A_145 : memref<327680x128xf32, #tpu.memory_space<hbm>>) dst(%arg8 : memref<128x128xf32, #tpu.memory_space<vmem>>)
      %run_scoped3A_146 = arith.constant 6 : i32
      "tpu.region"() ({
        %run_scoped3A_173 = tpu.sem_alloc : memref<!tpu.dma_semaphore, #tpu.memory_space<semaphore_mem>>
        %dma_start3A_174 = arith.constant 0 : i32
        %dma_start3A_175 = tpu.memref_slice %arg7[%run_scoped3A_146, %dma_start3A_174] : memref<8x128xi32, #tpu.memory_space<vmem>> -> memref<1x128xi32, #tpu.memory_space<vmem>>
        %dma_start3A_176 = tpu.memref_squeeze %dma_start3A_175 : memref<1x128xi32, #tpu.memory_space<vmem>> -> memref<128xi32, #tpu.memory_space<vmem>>
        %dma_start3A_177 = arith.constant 0 : i32
        %dma_start3A_178 = arith.constant 0 : i32
        %dma_start3A_179 = tpu.memref_slice %arg10[%dma_start3A_177, %dma_start3A_178] : memref<10112x128xf32, #tpu.memory_space<vmem_shared>> -> memref<10112x128xf32, #tpu.memory_space<vmem_shared>>
        tpu.enqueue_indirect_dma source(%arg8 : memref<128x128xf32, #tpu.memory_space<vmem>>) target(%dma_start3A_179 : memref<10112x128xf32, #tpu.memory_space<vmem_shared>>) offsets(%dma_start3A_176 : memref<128xi32, #tpu.memory_space<vmem>>) semaphore(%run_scoped3A_173 : memref<!tpu.dma_semaphore, #tpu.memory_space<semaphore_mem>>) {add = true}
        %dma_wait3A_180 = arith.constant 0 : i32
        %dma_wait3A_181 = tpu.memref_slice %arg7[%run_scoped3A_146, %dma_wait3A_180] : memref<8x128xi32, #tpu.memory_space<vmem>> -> memref<1x128xi32, #tpu.memory_space<vmem>>
        %dma_wait3A_182 = tpu.memref_squeeze %dma_wait3A_181 : memref<1x128xi32, #tpu.memory_space<vmem>> -> memref<128xi32, #tpu.memory_space<vmem>>
        %dma_wait3A_183 = arith.constant 0 : i32
        %dma_wait3A_184 = arith.constant 0 : i32
        %dma_wait3A_185 = tpu.memref_slice %arg10[%dma_wait3A_183, %dma_wait3A_184] : memref<10112x128xf32, #tpu.memory_space<vmem_shared>> -> memref<10112x128xf32, #tpu.memory_space<vmem_shared>>
        tpu.wait_indirect_dma semaphore(%run_scoped3A_173 : memref<!tpu.dma_semaphore, #tpu.memory_space<semaphore_mem>>) src(%arg8 : memref<128x128xf32, #tpu.memory_space<vmem>>) dst(%dma_wait3A_185 : memref<10112x128xf32, #tpu.memory_space<vmem_shared>>)
        tpu.yield
      }) : () -> ()
      %add3A_147 = arith.constant 2 : i32
      %add3A_148 = arith.addi %add3A_42, %add3A_147 : i32
      %lt3A_149 = arith.cmpi slt, %add3A_148, %select_n3A : i32
      %convert_element_type3A_150 = arith.extui %lt3A_149 : i1 to i32
      %cond3A_151 = arith.constant 0 : i32
      %cond3A_152 = arith.cmpi ne, %convert_element_type3A_150, %cond3A_151 : i32
      scf.if %cond3A_152 {
        %add3A_173 = arith.constant 2 : i32
        %add3A_174 = arith.addi %add3A_42, %add3A_173 : i32
        %dma_wait3A_175 = arith.constant 0 : i32
        %dma_wait3A_176 = arith.constant 0 : i32
        %dma_wait3A_177 = tpu.memref_slice %arg3[%add3A, %add3A_174, %dma_wait3A_175, %dma_wait3A_176] : memref<32x20x8x128xi32, #tpu.memory_space<hbm>> -> memref<1x1x8x128xi32, #tpu.memory_space<hbm>>
        %dma_wait3A_178 = tpu.memref_squeeze %dma_wait3A_177 : memref<1x1x8x128xi32, #tpu.memory_space<hbm>> -> memref<8x128xi32, #tpu.memory_space<hbm>>
        %dma_wait3A_179 = arith.constant 0 : i32
        %dma_wait3A_180 = arith.constant 0 : i32
        %dma_wait3A_181 = tpu.memref_slice %arg3[%add3A, %add3A_174, %dma_wait3A_179, %dma_wait3A_180] : memref<32x20x8x128xi32, #tpu.memory_space<hbm>> -> memref<1x1x8x128xi32, #tpu.memory_space<hbm>>
        %dma_wait3A_182 = tpu.memref_squeeze %dma_wait3A_181 : memref<1x1x8x128xi32, #tpu.memory_space<hbm>> -> memref<8x128xi32, #tpu.memory_space<hbm>>
        tpu.wait_dma2 semaphore(%arg13 : memref<!tpu.dma_semaphore, #tpu.memory_space<semaphore_mem>>) src(%dma_wait3A_182 : memref<8x128xi32, #tpu.memory_space<hbm>>) dst(%arg6 : memref<8x128xi32, #tpu.memory_space<vmem>>)
        %dma_start3A_183 = arith.constant 0 : i32
        %dma_start3A_184 = arith.constant 0 : i32
        %dma_start3A_185 = tpu.memref_slice %arg6[%dma_start3A_183, %dma_start3A_184] : memref<8x128xi32, #tpu.memory_space<vmem>> -> memref<1x128xi32, #tpu.memory_space<vmem>>
        %dma_start3A_186 = tpu.memref_squeeze %dma_start3A_185 : memref<1x128xi32, #tpu.memory_space<vmem>> -> memref<128xi32, #tpu.memory_space<vmem>>
        %dma_start3A_187 = arith.constant 0 : i32
        %dma_start3A_188 = arith.constant 0 : i32
        %dma_start3A_189 = tpu.memref_slice %arg2[%dma_start3A_187, %dma_start3A_188] : memref<327680x128xf32, #tpu.memory_space<hbm>> -> memref<327680x128xf32, #tpu.memory_space<hbm>>
        tpu.enqueue_indirect_dma source(%dma_start3A_189 : memref<327680x128xf32, #tpu.memory_space<hbm>>) target(%arg8 : memref<128x128xf32, #tpu.memory_space<vmem>>) offsets(%dma_start3A_186 : memref<128xi32, #tpu.memory_space<vmem>>) semaphore(%arg11 : memref<!tpu.dma_semaphore, #tpu.memory_space<semaphore_mem>>)
      } else {
      }
      %dma_wait3A_153 = arith.constant 3 : i32
      %dma_wait3A_154 = arith.constant 0 : i32
      %dma_wait3A_155 = tpu.memref_slice %arg7[%dma_wait3A_153, %dma_wait3A_154] : memref<8x128xi32, #tpu.memory_space<vmem>> -> memref<1x128xi32, #tpu.memory_space<vmem>>
      %dma_wait3A_156 = tpu.memref_squeeze %dma_wait3A_155 : memref<1x128xi32, #tpu.memory_space<vmem>> -> memref<128xi32, #tpu.memory_space<vmem>>
      %dma_wait3A_157 = arith.constant 0 : i32
      %dma_wait3A_158 = arith.constant 0 : i32
      %dma_wait3A_159 = tpu.memref_slice %arg2[%dma_wait3A_157, %dma_wait3A_158] : memref<327680x128xf32, #tpu.memory_space<hbm>> -> memref<327680x128xf32, #tpu.memory_space<hbm>>
      tpu.wait_indirect_dma semaphore(%arg12 : memref<!tpu.dma_semaphore, #tpu.memory_space<semaphore_mem>>) src(%dma_wait3A_159 : memref<327680x128xf32, #tpu.memory_space<hbm>>) dst(%arg9 : memref<128x128xf32, #tpu.memory_space<vmem>>)
      %run_scoped3A_160 = arith.constant 7 : i32
      "tpu.region"() ({
        %run_scoped3A_173 = tpu.sem_alloc : memref<!tpu.dma_semaphore, #tpu.memory_space<semaphore_mem>>
        %dma_start3A_174 = arith.constant 0 : i32
        %dma_start3A_175 = tpu.memref_slice %arg7[%run_scoped3A_160, %dma_start3A_174] : memref<8x128xi32, #tpu.memory_space<vmem>> -> memref<1x128xi32, #tpu.memory_space<vmem>>
        %dma_start3A_176 = tpu.memref_squeeze %dma_start3A_175 : memref<1x128xi32, #tpu.memory_space<vmem>> -> memref<128xi32, #tpu.memory_space<vmem>>
        %dma_start3A_177 = arith.constant 0 : i32
        %dma_start3A_178 = arith.constant 0 : i32
        %dma_start3A_179 = tpu.memref_slice %arg10[%dma_start3A_177, %dma_start3A_178] : memref<10112x128xf32, #tpu.memory_space<vmem_shared>> -> memref<10112x128xf32, #tpu.memory_space<vmem_shared>>
        tpu.enqueue_indirect_dma source(%arg9 : memref<128x128xf32, #tpu.memory_space<vmem>>) target(%dma_start3A_179 : memref<10112x128xf32, #tpu.memory_space<vmem_shared>>) offsets(%dma_start3A_176 : memref<128xi32, #tpu.memory_space<vmem>>) semaphore(%run_scoped3A_173 : memref<!tpu.dma_semaphore, #tpu.memory_space<semaphore_mem>>) {add = true}
        %dma_wait3A_180 = arith.constant 0 : i32
        %dma_wait3A_181 = tpu.memref_slice %arg7[%run_scoped3A_160, %dma_wait3A_180] : memref<8x128xi32, #tpu.memory_space<vmem>> -> memref<1x128xi32, #tpu.memory_space<vmem>>
        %dma_wait3A_182 = tpu.memref_squeeze %dma_wait3A_181 : memref<1x128xi32, #tpu.memory_space<vmem>> -> memref<128xi32, #tpu.memory_space<vmem>>
        %dma_wait3A_183 = arith.constant 0 : i32
        %dma_wait3A_184 = arith.constant 0 : i32
        %dma_wait3A_185 = tpu.memref_slice %arg10[%dma_wait3A_183, %dma_wait3A_184] : memref<10112x128xf32, #tpu.memory_space<vmem_shared>> -> memref<10112x128xf32, #tpu.memory_space<vmem_shared>>
        tpu.wait_indirect_dma semaphore(%run_scoped3A_173 : memref<!tpu.dma_semaphore, #tpu.memory_space<semaphore_mem>>) src(%arg9 : memref<128x128xf32, #tpu.memory_space<vmem>>) dst(%dma_wait3A_185 : memref<10112x128xf32, #tpu.memory_space<vmem_shared>>)
        tpu.yield
      }) : () -> ()
      %add3A_161 = arith.constant 3 : i32
      %add3A_162 = arith.addi %add3A_42, %add3A_161 : i32
      %lt3A_163 = arith.cmpi slt, %add3A_162, %select_n3A : i32
      %convert_element_type3A_164 = arith.extui %lt3A_163 : i1 to i32
      %cond3A_165 = arith.constant 0 : i32
      %cond3A_166 = arith.cmpi ne, %convert_element_type3A_164, %cond3A_165 : i32
      scf.if %cond3A_166 {
        %add3A_173 = arith.constant 3 : i32
        %add3A_174 = arith.addi %add3A_42, %add3A_173 : i32
        %dma_start3A_175 = arith.constant 0 : i32
        %dma_start3A_176 = arith.constant 0 : i32
        %dma_start3A_177 = tpu.memref_slice %arg3[%add3A, %add3A_174, %dma_start3A_175, %dma_start3A_176] : memref<32x20x8x128xi32, #tpu.memory_space<hbm>> -> memref<1x1x8x128xi32, #tpu.memory_space<hbm>>
        %dma_start3A_178 = tpu.memref_squeeze %dma_start3A_177 : memref<1x1x8x128xi32, #tpu.memory_space<hbm>> -> memref<8x128xi32, #tpu.memory_space<hbm>>
        %dma_start3A_179 = arith.constant 0 : i32
        %dma_start3A_180 = arith.constant 0 : i32
        %dma_start3A_181 = tpu.memref_slice %arg3[%add3A, %add3A_174, %dma_start3A_179, %dma_start3A_180] : memref<32x20x8x128xi32, #tpu.memory_space<hbm>> -> memref<1x1x8x128xi32, #tpu.memory_space<hbm>>
        %dma_start3A_182 = tpu.memref_squeeze %dma_start3A_181 : memref<1x1x8x128xi32, #tpu.memory_space<hbm>> -> memref<8x128xi32, #tpu.memory_space<hbm>>
        tpu.enqueue_dma source(%dma_start3A_182 : memref<8x128xi32, #tpu.memory_space<hbm>>) target(%arg7 : memref<8x128xi32, #tpu.memory_space<vmem>>) target_semaphore(%arg14 : memref<!tpu.dma_semaphore, #tpu.memory_space<semaphore_mem>>)
      } else {
      }
      %add3A_167 = arith.constant 2 : i32
      %add3A_168 = arith.addi %add3A_42, %add3A_167 : i32
      %lt3A_169 = arith.cmpi slt, %add3A_168, %select_n3A : i32
      %convert_element_type3A_170 = arith.extui %lt3A_169 : i1 to i32
      %cond3A_171 = arith.constant 0 : i32
      %cond3A_172 = arith.cmpi ne, %convert_element_type3A_170, %cond3A_171 : i32
      scf.if %cond3A_172 {
        %dma_start3A_173 = arith.constant 1 : i32
        %dma_start3A_174 = arith.constant 0 : i32
        %dma_start3A_175 = tpu.memref_slice %arg6[%dma_start3A_173, %dma_start3A_174] : memref<8x128xi32, #tpu.memory_space<vmem>> -> memref<1x128xi32, #tpu.memory_space<vmem>>
        %dma_start3A_176 = tpu.memref_squeeze %dma_start3A_175 : memref<1x128xi32, #tpu.memory_space<vmem>> -> memref<128xi32, #tpu.memory_space<vmem>>
        %dma_start3A_177 = arith.constant 0 : i32
        %dma_start3A_178 = arith.constant 0 : i32
        %dma_start3A_179 = tpu.memref_slice %arg2[%dma_start3A_177, %dma_start3A_178] : memref<327680x128xf32, #tpu.memory_space<hbm>> -> memref<327680x128xf32, #tpu.memory_space<hbm>>
        tpu.enqueue_indirect_dma source(%dma_start3A_179 : memref<327680x128xf32, #tpu.memory_space<hbm>>) target(%arg9 : memref<128x128xf32, #tpu.memory_space<vmem>>) offsets(%dma_start3A_176 : memref<128xi32, #tpu.memory_space<vmem>>) semaphore(%arg12 : memref<!tpu.dma_semaphore, #tpu.memory_space<semaphore_mem>>)
      } else {
      }
    }
    %while3A_34 = arith.constant 1 : i32
    scf.for %while3A_40 = %while3A_32 to %while3A_28 step %while3A_34  : i32 {
      %mul3A_41 = arith.muli %while3A_40, %while3A : i32
      %add3A_42 = arith.addi %while3A_25, %mul3A_41 : i32
      %dma_wait3A = arith.constant 0 : i32
      %dma_wait3A_43 = arith.constant 0 : i32
      %dma_wait3A_44 = tpu.memref_slice %arg6[%dma_wait3A, %dma_wait3A_43] : memref<8x128xi32, #tpu.memory_space<vmem>> -> memref<1x128xi32, #tpu.memory_space<vmem>>
      %dma_wait3A_45 = tpu.memref_squeeze %dma_wait3A_44 : memref<1x128xi32, #tpu.memory_space<vmem>> -> memref<128xi32, #tpu.memory_space<vmem>>
      %dma_wait3A_46 = arith.constant 0 : i32
      %dma_wait3A_47 = arith.constant 0 : i32
      %dma_wait3A_48 = tpu.memref_slice %arg2[%dma_wait3A_46, %dma_wait3A_47] : memref<327680x128xf32, #tpu.memory_space<hbm>> -> memref<327680x128xf32, #tpu.memory_space<hbm>>
      tpu.wait_indirect_dma semaphore(%arg11 : memref<!tpu.dma_semaphore, #tpu.memory_space<semaphore_mem>>) src(%dma_wait3A_48 : memref<327680x128xf32, #tpu.memory_space<hbm>>) dst(%arg8 : memref<128x128xf32, #tpu.memory_space<vmem>>)
      %run_scoped3A_49 = arith.constant 4 : i32
      "tpu.region"() ({
        %run_scoped3A_173 = tpu.sem_alloc : memref<!tpu.dma_semaphore, #tpu.memory_space<semaphore_mem>>
        %dma_start3A_174 = arith.constant 0 : i32
        %dma_start3A_175 = tpu.memref_slice %arg6[%run_scoped3A_49, %dma_start3A_174] : memref<8x128xi32, #tpu.memory_space<vmem>> -> memref<1x128xi32, #tpu.memory_space<vmem>>
        %dma_start3A_176 = tpu.memref_squeeze %dma_start3A_175 : memref<1x128xi32, #tpu.memory_space<vmem>> -> memref<128xi32, #tpu.memory_space<vmem>>
        %dma_start3A_177 = arith.constant 0 : i32
        %dma_start3A_178 = arith.constant 0 : i32
        %dma_start3A_179 = tpu.memref_slice %arg10[%dma_start3A_177, %dma_start3A_178] : memref<10112x128xf32, #tpu.memory_space<vmem_shared>> -> memref<10112x128xf32, #tpu.memory_space<vmem_shared>>
        tpu.enqueue_indirect_dma source(%arg8 : memref<128x128xf32, #tpu.memory_space<vmem>>) target(%dma_start3A_179 : memref<10112x128xf32, #tpu.memory_space<vmem_shared>>) offsets(%dma_start3A_176 : memref<128xi32, #tpu.memory_space<vmem>>) semaphore(%run_scoped3A_173 : memref<!tpu.dma_semaphore, #tpu.memory_space<semaphore_mem>>) {add = true}
        %dma_wait3A_180 = arith.constant 0 : i32
        %dma_wait3A_181 = tpu.memref_slice %arg6[%run_scoped3A_49, %dma_wait3A_180] : memref<8x128xi32, #tpu.memory_space<vmem>> -> memref<1x128xi32, #tpu.memory_space<vmem>>
        %dma_wait3A_182 = tpu.memref_squeeze %dma_wait3A_181 : memref<1x128xi32, #tpu.memory_space<vmem>> -> memref<128xi32, #tpu.memory_space<vmem>>
        %dma_wait3A_183 = arith.constant 0 : i32
        %dma_wait3A_184 = arith.constant 0 : i32
        %dma_wait3A_185 = tpu.memref_slice %arg10[%dma_wait3A_183, %dma_wait3A_184] : memref<10112x128xf32, #tpu.memory_space<vmem_shared>> -> memref<10112x128xf32, #tpu.memory_space<vmem_shared>>
        tpu.wait_indirect_dma semaphore(%run_scoped3A_173 : memref<!tpu.dma_semaphore, #tpu.memory_space<semaphore_mem>>) src(%arg8 : memref<128x128xf32, #tpu.memory_space<vmem>>) dst(%dma_wait3A_185 : memref<10112x128xf32, #tpu.memory_space<vmem_shared>>)
        tpu.yield
      }) : () -> ()
      %dma_start3A_50 = arith.constant 2 : i32
      %dma_start3A_51 = arith.constant 0 : i32
      %dma_start3A_52 = tpu.memref_slice %arg6[%dma_start3A_50, %dma_start3A_51] : memref<8x128xi32, #tpu.memory_space<vmem>> -> memref<1x128xi32, #tpu.memory_space<vmem>>
      %dma_start3A_53 = tpu.memref_squeeze %dma_start3A_52 : memref<1x128xi32, #tpu.memory_space<vmem>> -> memref<128xi32, #tpu.memory_space<vmem>>
      %dma_start3A_54 = arith.constant 0 : i32
      %dma_start3A_55 = arith.constant 0 : i32
      %dma_start3A_56 = tpu.memref_slice %arg2[%dma_start3A_54, %dma_start3A_55] : memref<327680x128xf32, #tpu.memory_space<hbm>> -> memref<327680x128xf32, #tpu.memory_space<hbm>>
      tpu.enqueue_indirect_dma source(%dma_start3A_56 : memref<327680x128xf32, #tpu.memory_space<hbm>>) target(%arg8 : memref<128x128xf32, #tpu.memory_space<vmem>>) offsets(%dma_start3A_53 : memref<128xi32, #tpu.memory_space<vmem>>) semaphore(%arg11 : memref<!tpu.dma_semaphore, #tpu.memory_space<semaphore_mem>>)
      %dma_wait3A_57 = arith.constant 1 : i32
      %dma_wait3A_58 = arith.constant 0 : i32
      %dma_wait3A_59 = tpu.memref_slice %arg6[%dma_wait3A_57, %dma_wait3A_58] : memref<8x128xi32, #tpu.memory_space<vmem>> -> memref<1x128xi32, #tpu.memory_space<vmem>>
      %dma_wait3A_60 = tpu.memref_squeeze %dma_wait3A_59 : memref<1x128xi32, #tpu.memory_space<vmem>> -> memref<128xi32, #tpu.memory_space<vmem>>
      %dma_wait3A_61 = arith.constant 0 : i32
      %dma_wait3A_62 = arith.constant 0 : i32
      %dma_wait3A_63 = tpu.memref_slice %arg2[%dma_wait3A_61, %dma_wait3A_62] : memref<327680x128xf32, #tpu.memory_space<hbm>> -> memref<327680x128xf32, #tpu.memory_space<hbm>>
      tpu.wait_indirect_dma semaphore(%arg12 : memref<!tpu.dma_semaphore, #tpu.memory_space<semaphore_mem>>) src(%dma_wait3A_63 : memref<327680x128xf32, #tpu.memory_space<hbm>>) dst(%arg9 : memref<128x128xf32, #tpu.memory_space<vmem>>)
      %run_scoped3A_64 = arith.constant 5 : i32
      "tpu.region"() ({
        %run_scoped3A_173 = tpu.sem_alloc : memref<!tpu.dma_semaphore, #tpu.memory_space<semaphore_mem>>
        %dma_start3A_174 = arith.constant 0 : i32
        %dma_start3A_175 = tpu.memref_slice %arg6[%run_scoped3A_64, %dma_start3A_174] : memref<8x128xi32, #tpu.memory_space<vmem>> -> memref<1x128xi32, #tpu.memory_space<vmem>>
        %dma_start3A_176 = tpu.memref_squeeze %dma_start3A_175 : memref<1x128xi32, #tpu.memory_space<vmem>> -> memref<128xi32, #tpu.memory_space<vmem>>
        %dma_start3A_177 = arith.constant 0 : i32
        %dma_start3A_178 = arith.constant 0 : i32
        %dma_start3A_179 = tpu.memref_slice %arg10[%dma_start3A_177, %dma_start3A_178] : memref<10112x128xf32, #tpu.memory_space<vmem_shared>> -> memref<10112x128xf32, #tpu.memory_space<vmem_shared>>
        tpu.enqueue_indirect_dma source(%arg9 : memref<128x128xf32, #tpu.memory_space<vmem>>) target(%dma_start3A_179 : memref<10112x128xf32, #tpu.memory_space<vmem_shared>>) offsets(%dma_start3A_176 : memref<128xi32, #tpu.memory_space<vmem>>) semaphore(%run_scoped3A_173 : memref<!tpu.dma_semaphore, #tpu.memory_space<semaphore_mem>>) {add = true}
        %dma_wait3A_180 = arith.constant 0 : i32
        %dma_wait3A_181 = tpu.memref_slice %arg6[%run_scoped3A_64, %dma_wait3A_180] : memref<8x128xi32, #tpu.memory_space<vmem>> -> memref<1x128xi32, #tpu.memory_space<vmem>>
        %dma_wait3A_182 = tpu.memref_squeeze %dma_wait3A_181 : memref<1x128xi32, #tpu.memory_space<vmem>> -> memref<128xi32, #tpu.memory_space<vmem>>
        %dma_wait3A_183 = arith.constant 0 : i32
        %dma_wait3A_184 = arith.constant 0 : i32
        %dma_wait3A_185 = tpu.memref_slice %arg10[%dma_wait3A_183, %dma_wait3A_184] : memref<10112x128xf32, #tpu.memory_space<vmem_shared>> -> memref<10112x128xf32, #tpu.memory_space<vmem_shared>>
        tpu.wait_indirect_dma semaphore(%run_scoped3A_173 : memref<!tpu.dma_semaphore, #tpu.memory_space<semaphore_mem>>) src(%arg9 : memref<128x128xf32, #tpu.memory_space<vmem>>) dst(%dma_wait3A_185 : memref<10112x128xf32, #tpu.memory_space<vmem_shared>>)
        tpu.yield
      }) : () -> ()
      %dma_start3A_65 = arith.constant 3 : i32
      %dma_start3A_66 = arith.constant 0 : i32
      %dma_start3A_67 = tpu.memref_slice %arg6[%dma_start3A_65, %dma_start3A_66] : memref<8x128xi32, #tpu.memory_space<vmem>> -> memref<1x128xi32, #tpu.memory_space<vmem>>
      %dma_start3A_68 = tpu.memref_squeeze %dma_start3A_67 : memref<1x128xi32, #tpu.memory_space<vmem>> -> memref<128xi32, #tpu.memory_space<vmem>>
      %dma_start3A_69 = arith.constant 0 : i32
      %dma_start3A_70 = arith.constant 0 : i32
      %dma_start3A_71 = tpu.memref_slice %arg2[%dma_start3A_69, %dma_start3A_70] : memref<327680x128xf32, #tpu.memory_space<hbm>> -> memref<327680x128xf32, #tpu.memory_space<hbm>>
      tpu.enqueue_indirect_dma source(%dma_start3A_71 : memref<327680x128xf32, #tpu.memory_space<hbm>>) target(%arg9 : memref<128x128xf32, #tpu.memory_space<vmem>>) offsets(%dma_start3A_68 : memref<128xi32, #tpu.memory_space<vmem>>) semaphore(%arg12 : memref<!tpu.dma_semaphore, #tpu.memory_space<semaphore_mem>>)
      %dma_wait3A_72 = arith.constant 2 : i32
      %dma_wait3A_73 = arith.constant 0 : i32
      %dma_wait3A_74 = tpu.memref_slice %arg6[%dma_wait3A_72, %dma_wait3A_73] : memref<8x128xi32, #tpu.memory_space<vmem>> -> memref<1x128xi32, #tpu.memory_space<vmem>>
      %dma_wait3A_75 = tpu.memref_squeeze %dma_wait3A_74 : memref<1x128xi32, #tpu.memory_space<vmem>> -> memref<128xi32, #tpu.memory_space<vmem>>
      %dma_wait3A_76 = arith.constant 0 : i32
      %dma_wait3A_77 = arith.constant 0 : i32
      %dma_wait3A_78 = tpu.memref_slice %arg2[%dma_wait3A_76, %dma_wait3A_77] : memref<327680x128xf32, #tpu.memory_space<hbm>> -> memref<327680x128xf32, #tpu.memory_space<hbm>>
      tpu.wait_indirect_dma semaphore(%arg11 : memref<!tpu.dma_semaphore, #tpu.memory_space<semaphore_mem>>) src(%dma_wait3A_78 : memref<327680x128xf32, #tpu.memory_space<hbm>>) dst(%arg8 : memref<128x128xf32, #tpu.memory_space<vmem>>)
      %run_scoped3A_79 = arith.constant 6 : i32
      "tpu.region"() ({
        %run_scoped3A_173 = tpu.sem_alloc : memref<!tpu.dma_semaphore, #tpu.memory_space<semaphore_mem>>
        %dma_start3A_174 = arith.constant 0 : i32
        %dma_start3A_175 = tpu.memref_slice %arg6[%run_scoped3A_79, %dma_start3A_174] : memref<8x128xi32, #tpu.memory_space<vmem>> -> memref<1x128xi32, #tpu.memory_space<vmem>>
        %dma_start3A_176 = tpu.memref_squeeze %dma_start3A_175 : memref<1x128xi32, #tpu.memory_space<vmem>> -> memref<128xi32, #tpu.memory_space<vmem>>
        %dma_start3A_177 = arith.constant 0 : i32
        %dma_start3A_178 = arith.constant 0 : i32
        %dma_start3A_179 = tpu.memref_slice %arg10[%dma_start3A_177, %dma_start3A_178] : memref<10112x128xf32, #tpu.memory_space<vmem_shared>> -> memref<10112x128xf32, #tpu.memory_space<vmem_shared>>
        tpu.enqueue_indirect_dma source(%arg8 : memref<128x128xf32, #tpu.memory_space<vmem>>) target(%dma_start3A_179 : memref<10112x128xf32, #tpu.memory_space<vmem_shared>>) offsets(%dma_start3A_176 : memref<128xi32, #tpu.memory_space<vmem>>) semaphore(%run_scoped3A_173 : memref<!tpu.dma_semaphore, #tpu.memory_space<semaphore_mem>>) {add = true}
        %dma_wait3A_180 = arith.constant 0 : i32
        %dma_wait3A_181 = tpu.memref_slice %arg6[%run_scoped3A_79, %dma_wait3A_180] : memref<8x128xi32, #tpu.memory_space<vmem>> -> memref<1x128xi32, #tpu.memory_space<vmem>>
        %dma_wait3A_182 = tpu.memref_squeeze %dma_wait3A_181 : memref<1x128xi32, #tpu.memory_space<vmem>> -> memref<128xi32, #tpu.memory_space<vmem>>
        %dma_wait3A_183 = arith.constant 0 : i32
        %dma_wait3A_184 = arith.constant 0 : i32
        %dma_wait3A_185 = tpu.memref_slice %arg10[%dma_wait3A_183, %dma_wait3A_184] : memref<10112x128xf32, #tpu.memory_space<vmem_shared>> -> memref<10112x128xf32, #tpu.memory_space<vmem_shared>>
        tpu.wait_indirect_dma semaphore(%run_scoped3A_173 : memref<!tpu.dma_semaphore, #tpu.memory_space<semaphore_mem>>) src(%arg8 : memref<128x128xf32, #tpu.memory_space<vmem>>) dst(%dma_wait3A_185 : memref<10112x128xf32, #tpu.memory_space<vmem_shared>>)
        tpu.yield
      }) : () -> ()
      %ge3A = arith.constant 2 : i32
      %ge3A_80 = arith.cmpi sge, %add3A_42, %ge3A : i32
      %convert_element_type3A = arith.extui %ge3A_80 : i1 to i32
      %cond3A = arith.constant 0 : i32
      %cond3A_81 = arith.cmpi ne, %convert_element_type3A, %cond3A : i32
      scf.if %cond3A_81 {
        %add3A_173 = arith.constant 1 : i32
        %add3A_174 = arith.addi %add3A_42, %add3A_173 : i32
        %dma_wait3A_175 = arith.constant 0 : i32
        %dma_wait3A_176 = arith.constant 0 : i32
        %dma_wait3A_177 = tpu.memref_slice %arg3[%add3A, %add3A_174, %dma_wait3A_175, %dma_wait3A_176] : memref<32x20x8x128xi32, #tpu.memory_space<hbm>> -> memref<1x1x8x128xi32, #tpu.memory_space<hbm>>
        %dma_wait3A_178 = tpu.memref_squeeze %dma_wait3A_177 : memref<1x1x8x128xi32, #tpu.memory_space<hbm>> -> memref<8x128xi32, #tpu.memory_space<hbm>>
        %dma_wait3A_179 = arith.constant 0 : i32
        %dma_wait3A_180 = arith.constant 0 : i32
        %dma_wait3A_181 = tpu.memref_slice %arg3[%add3A, %add3A_174, %dma_wait3A_179, %dma_wait3A_180] : memref<32x20x8x128xi32, #tpu.memory_space<hbm>> -> memref<1x1x8x128xi32, #tpu.memory_space<hbm>>
        %dma_wait3A_182 = tpu.memref_squeeze %dma_wait3A_181 : memref<1x1x8x128xi32, #tpu.memory_space<hbm>> -> memref<8x128xi32, #tpu.memory_space<hbm>>
        tpu.wait_dma2 semaphore(%arg14 : memref<!tpu.dma_semaphore, #tpu.memory_space<semaphore_mem>>) src(%dma_wait3A_182 : memref<8x128xi32, #tpu.memory_space<hbm>>) dst(%arg7 : memref<8x128xi32, #tpu.memory_space<vmem>>)
      } else {
      }
      %dma_start3A_82 = arith.constant 0 : i32
      %dma_start3A_83 = arith.constant 0 : i32
      %dma_start3A_84 = tpu.memref_slice %arg7[%dma_start3A_82, %dma_start3A_83] : memref<8x128xi32, #tpu.memory_space<vmem>> -> memref<1x128xi32, #tpu.memory_space<vmem>>
      %dma_start3A_85 = tpu.memref_squeeze %dma_start3A_84 : memref<1x128xi32, #tpu.memory_space<vmem>> -> memref<128xi32, #tpu.memory_space<vmem>>
      %dma_start3A_86 = arith.constant 0 : i32
      %dma_start3A_87 = arith.constant 0 : i32
      %dma_start3A_88 = tpu.memref_slice %arg2[%dma_start3A_86, %dma_start3A_87] : memref<327680x128xf32, #tpu.memory_space<hbm>> -> memref<327680x128xf32, #tpu.memory_space<hbm>>
      tpu.enqueue_indirect_dma source(%dma_start3A_88 : memref<327680x128xf32, #tpu.memory_space<hbm>>) target(%arg8 : memref<128x128xf32, #tpu.memory_space<vmem>>) offsets(%dma_start3A_85 : memref<128xi32, #tpu.memory_space<vmem>>) semaphore(%arg11 : memref<!tpu.dma_semaphore, #tpu.memory_space<semaphore_mem>>)
      %dma_wait3A_89 = arith.constant 3 : i32
      %dma_wait3A_90 = arith.constant 0 : i32
      %dma_wait3A_91 = tpu.memref_slice %arg6[%dma_wait3A_89, %dma_wait3A_90] : memref<8x128xi32, #tpu.memory_space<vmem>> -> memref<1x128xi32, #tpu.memory_space<vmem>>
      %dma_wait3A_92 = tpu.memref_squeeze %dma_wait3A_91 : memref<1x128xi32, #tpu.memory_space<vmem>> -> memref<128xi32, #tpu.memory_space<vmem>>
      %dma_wait3A_93 = arith.constant 0 : i32
      %dma_wait3A_94 = arith.constant 0 : i32
      %dma_wait3A_95 = tpu.memref_slice %arg2[%dma_wait3A_93, %dma_wait3A_94] : memref<327680x128xf32, #tpu.memory_space<hbm>> -> memref<327680x128xf32, #tpu.memory_space<hbm>>
      tpu.wait_indirect_dma semaphore(%arg12 : memref<!tpu.dma_semaphore, #tpu.memory_space<semaphore_mem>>) src(%dma_wait3A_95 : memref<327680x128xf32, #tpu.memory_space<hbm>>) dst(%arg9 : memref<128x128xf32, #tpu.memory_space<vmem>>)
      %run_scoped3A_96 = arith.constant 7 : i32
      "tpu.region"() ({
        %run_scoped3A_173 = tpu.sem_alloc : memref<!tpu.dma_semaphore, #tpu.memory_space<semaphore_mem>>
        %dma_start3A_174 = arith.constant 0 : i32
        %dma_start3A_175 = tpu.memref_slice %arg6[%run_scoped3A_96, %dma_start3A_174] : memref<8x128xi32, #tpu.memory_space<vmem>> -> memref<1x128xi32, #tpu.memory_space<vmem>>
        %dma_start3A_176 = tpu.memref_squeeze %dma_start3A_175 : memref<1x128xi32, #tpu.memory_space<vmem>> -> memref<128xi32, #tpu.memory_space<vmem>>
        %dma_start3A_177 = arith.constant 0 : i32
        %dma_start3A_178 = arith.constant 0 : i32
        %dma_start3A_179 = tpu.memref_slice %arg10[%dma_start3A_177, %dma_start3A_178] : memref<10112x128xf32, #tpu.memory_space<vmem_shared>> -> memref<10112x128xf32, #tpu.memory_space<vmem_shared>>
        tpu.enqueue_indirect_dma source(%arg9 : memref<128x128xf32, #tpu.memory_space<vmem>>) target(%dma_start3A_179 : memref<10112x128xf32, #tpu.memory_space<vmem_shared>>) offsets(%dma_start3A_176 : memref<128xi32, #tpu.memory_space<vmem>>) semaphore(%run_scoped3A_173 : memref<!tpu.dma_semaphore, #tpu.memory_space<semaphore_mem>>) {add = true}
        %dma_wait3A_180 = arith.constant 0 : i32
        %dma_wait3A_181 = tpu.memref_slice %arg6[%run_scoped3A_96, %dma_wait3A_180] : memref<8x128xi32, #tpu.memory_space<vmem>> -> memref<1x128xi32, #tpu.memory_space<vmem>>
        %dma_wait3A_182 = tpu.memref_squeeze %dma_wait3A_181 : memref<1x128xi32, #tpu.memory_space<vmem>> -> memref<128xi32, #tpu.memory_space<vmem>>
        %dma_wait3A_183 = arith.constant 0 : i32
        %dma_wait3A_184 = arith.constant 0 : i32
        %dma_wait3A_185 = tpu.memref_slice %arg10[%dma_wait3A_183, %dma_wait3A_184] : memref<10112x128xf32, #tpu.memory_space<vmem_shared>> -> memref<10112x128xf32, #tpu.memory_space<vmem_shared>>
        tpu.wait_indirect_dma semaphore(%run_scoped3A_173 : memref<!tpu.dma_semaphore, #tpu.memory_space<semaphore_mem>>) src(%arg9 : memref<128x128xf32, #tpu.memory_space<vmem>>) dst(%dma_wait3A_185 : memref<10112x128xf32, #tpu.memory_space<vmem_shared>>)
        tpu.yield
      }) : () -> ()
      %add3A_97 = arith.constant 2 : i32
      %add3A_98 = arith.addi %add3A_42, %add3A_97 : i32
      %lt3A = arith.cmpi slt, %add3A_98, %select_n3A : i32
      %convert_element_type3A_99 = arith.extui %lt3A : i1 to i32
      %cond3A_100 = arith.constant 0 : i32
      %cond3A_101 = arith.cmpi ne, %convert_element_type3A_99, %cond3A_100 : i32
      scf.if %cond3A_101 {
        %add3A_173 = arith.constant 2 : i32
        %add3A_174 = arith.addi %add3A_42, %add3A_173 : i32
        %dma_start3A_175 = arith.constant 0 : i32
        %dma_start3A_176 = arith.constant 0 : i32
        %dma_start3A_177 = tpu.memref_slice %arg3[%add3A, %add3A_174, %dma_start3A_175, %dma_start3A_176] : memref<32x20x8x128xi32, #tpu.memory_space<hbm>> -> memref<1x1x8x128xi32, #tpu.memory_space<hbm>>
        %dma_start3A_178 = tpu.memref_squeeze %dma_start3A_177 : memref<1x1x8x128xi32, #tpu.memory_space<hbm>> -> memref<8x128xi32, #tpu.memory_space<hbm>>
        %dma_start3A_179 = arith.constant 0 : i32
        %dma_start3A_180 = arith.constant 0 : i32
        %dma_start3A_181 = tpu.memref_slice %arg3[%add3A, %add3A_174, %dma_start3A_179, %dma_start3A_180] : memref<32x20x8x128xi32, #tpu.memory_space<hbm>> -> memref<1x1x8x128xi32, #tpu.memory_space<hbm>>
        %dma_start3A_182 = tpu.memref_squeeze %dma_start3A_181 : memref<1x1x8x128xi32, #tpu.memory_space<hbm>> -> memref<8x128xi32, #tpu.memory_space<hbm>>
        tpu.enqueue_dma source(%dma_start3A_182 : memref<8x128xi32, #tpu.memory_space<hbm>>) target(%arg6 : memref<8x128xi32, #tpu.memory_space<vmem>>) target_semaphore(%arg13 : memref<!tpu.dma_semaphore, #tpu.memory_space<semaphore_mem>>)
      } else {
      }
      %dma_start3A_102 = arith.constant 1 : i32
      %dma_start3A_103 = arith.constant 0 : i32
      %dma_start3A_104 = tpu.memref_slice %arg7[%dma_start3A_102, %dma_start3A_103] : memref<8x128xi32, #tpu.memory_space<vmem>> -> memref<1x128xi32, #tpu.memory_space<vmem>>
      %dma_start3A_105 = tpu.memref_squeeze %dma_start3A_104 : memref<1x128xi32, #tpu.memory_space<vmem>> -> memref<128xi32, #tpu.memory_space<vmem>>
      %dma_start3A_106 = arith.constant 0 : i32
      %dma_start3A_107 = arith.constant 0 : i32
      %dma_start3A_108 = tpu.memref_slice %arg2[%dma_start3A_106, %dma_start3A_107] : memref<327680x128xf32, #tpu.memory_space<hbm>> -> memref<327680x128xf32, #tpu.memory_space<hbm>>
      tpu.enqueue_indirect_dma source(%dma_start3A_108 : memref<327680x128xf32, #tpu.memory_space<hbm>>) target(%arg9 : memref<128x128xf32, #tpu.memory_space<vmem>>) offsets(%dma_start3A_105 : memref<128xi32, #tpu.memory_space<vmem>>) semaphore(%arg12 : memref<!tpu.dma_semaphore, #tpu.memory_space<semaphore_mem>>)
      %dma_wait3A_109 = arith.constant 0 : i32
      %dma_wait3A_110 = arith.constant 0 : i32
      %dma_wait3A_111 = tpu.memref_slice %arg7[%dma_wait3A_109, %dma_wait3A_110] : memref<8x128xi32, #tpu.memory_space<vmem>> -> memref<1x128xi32, #tpu.memory_space<vmem>>
      %dma_wait3A_112 = tpu.memref_squeeze %dma_wait3A_111 : memref<1x128xi32, #tpu.memory_space<vmem>> -> memref<128xi32, #tpu.memory_space<vmem>>
      %dma_wait3A_113 = arith.constant 0 : i32
      %dma_wait3A_114 = arith.constant 0 : i32
      %dma_wait3A_115 = tpu.memref_slice %arg2[%dma_wait3A_113, %dma_wait3A_114] : memref<327680x128xf32, #tpu.memory_space<hbm>> -> memref<327680x128xf32, #tpu.memory_space<hbm>>
      tpu.wait_indirect_dma semaphore(%arg11 : memref<!tpu.dma_semaphore, #tpu.memory_space<semaphore_mem>>) src(%dma_wait3A_115 : memref<327680x128xf32, #tpu.memory_space<hbm>>) dst(%arg8 : memref<128x128xf32, #tpu.memory_space<vmem>>)
      %run_scoped3A_116 = arith.constant 4 : i32
      "tpu.region"() ({
        %run_scoped3A_173 = tpu.sem_alloc : memref<!tpu.dma_semaphore, #tpu.memory_space<semaphore_mem>>
        %dma_start3A_174 = arith.constant 0 : i32
        %dma_start3A_175 = tpu.memref_slice %arg7[%run_scoped3A_116, %dma_start3A_174] : memref<8x128xi32, #tpu.memory_space<vmem>> -> memref<1x128xi32, #tpu.memory_space<vmem>>
        %dma_start3A_176 = tpu.memref_squeeze %dma_start3A_175 : memref<1x128xi32, #tpu.memory_space<vmem>> -> memref<128xi32, #tpu.memory_space<vmem>>
        %dma_start3A_177 = arith.constant 0 : i32
        %dma_start3A_178 = arith.constant 0 : i32
        %dma_start3A_179 = tpu.memref_slice %arg10[%dma_start3A_177, %dma_start3A_178] : memref<10112x128xf32, #tpu.memory_space<vmem_shared>> -> memref<10112x128xf32, #tpu.memory_space<vmem_shared>>
        tpu.enqueue_indirect_dma source(%arg8 : memref<128x128xf32, #tpu.memory_space<vmem>>) target(%dma_start3A_179 : memref<10112x128xf32, #tpu.memory_space<vmem_shared>>) offsets(%dma_start3A_176 : memref<128xi32, #tpu.memory_space<vmem>>) semaphore(%run_scoped3A_173 : memref<!tpu.dma_semaphore, #tpu.memory_space<semaphore_mem>>) {add = true}
        %dma_wait3A_180 = arith.constant 0 : i32
        %dma_wait3A_181 = tpu.memref_slice %arg7[%run_scoped3A_116, %dma_wait3A_180] : memref<8x128xi32, #tpu.memory_space<vmem>> -> memref<1x128xi32, #tpu.memory_space<vmem>>
        %dma_wait3A_182 = tpu.memref_squeeze %dma_wait3A_181 : memref<1x128xi32, #tpu.memory_space<vmem>> -> memref<128xi32, #tpu.memory_space<vmem>>
        %dma_wait3A_183 = arith.constant 0 : i32
        %dma_wait3A_184 = arith.constant 0 : i32
        %dma_wait3A_185 = tpu.memref_slice %arg10[%dma_wait3A_183, %dma_wait3A_184] : memref<10112x128xf32, #tpu.memory_space<vmem_shared>> -> memref<10112x128xf32, #tpu.memory_space<vmem_shared>>
        tpu.wait_indirect_dma semaphore(%run_scoped3A_173 : memref<!tpu.dma_semaphore, #tpu.memory_space<semaphore_mem>>) src(%arg8 : memref<128x128xf32, #tpu.memory_space<vmem>>) dst(%dma_wait3A_185 : memref<10112x128xf32, #tpu.memory_space<vmem_shared>>)
        tpu.yield
      }) : () -> ()
      %dma_start3A_117 = arith.constant 2 : i32
      %dma_start3A_118 = arith.constant 0 : i32
      %dma_start3A_119 = tpu.memref_slice %arg7[%dma_start3A_117, %dma_start3A_118] : memref<8x128xi32, #tpu.memory_space<vmem>> -> memref<1x128xi32, #tpu.memory_space<vmem>>
      %dma_start3A_120 = tpu.memref_squeeze %dma_start3A_119 : memref<1x128xi32, #tpu.memory_space<vmem>> -> memref<128xi32, #tpu.memory_space<vmem>>
      %dma_start3A_121 = arith.constant 0 : i32
      %dma_start3A_122 = arith.constant 0 : i32
      %dma_start3A_123 = tpu.memref_slice %arg2[%dma_start3A_121, %dma_start3A_122] : memref<327680x128xf32, #tpu.memory_space<hbm>> -> memref<327680x128xf32, #tpu.memory_space<hbm>>
      tpu.enqueue_indirect_dma source(%dma_start3A_123 : memref<327680x128xf32, #tpu.memory_space<hbm>>) target(%arg8 : memref<128x128xf32, #tpu.memory_space<vmem>>) offsets(%dma_start3A_120 : memref<128xi32, #tpu.memory_space<vmem>>) semaphore(%arg11 : memref<!tpu.dma_semaphore, #tpu.memory_space<semaphore_mem>>)
      %dma_wait3A_124 = arith.constant 1 : i32
      %dma_wait3A_125 = arith.constant 0 : i32
      %dma_wait3A_126 = tpu.memref_slice %arg7[%dma_wait3A_124, %dma_wait3A_125] : memref<8x128xi32, #tpu.memory_space<vmem>> -> memref<1x128xi32, #tpu.memory_space<vmem>>
      %dma_wait3A_127 = tpu.memref_squeeze %dma_wait3A_126 : memref<1x128xi32, #tpu.memory_space<vmem>> -> memref<128xi32, #tpu.memory_space<vmem>>
      %dma_wait3A_128 = arith.constant 0 : i32
      %dma_wait3A_129 = arith.constant 0 : i32
      %dma_wait3A_130 = tpu.memref_slice %arg2[%dma_wait3A_128, %dma_wait3A_129] : memref<327680x128xf32, #tpu.memory_space<hbm>> -> memref<327680x128xf32, #tpu.memory_space<hbm>>
      tpu.wait_indirect_dma semaphore(%arg12 : memref<!tpu.dma_semaphore, #tpu.memory_space<semaphore_mem>>) src(%dma_wait3A_130 : memref<327680x128xf32, #tpu.memory_space<hbm>>) dst(%arg9 : memref<128x128xf32, #tpu.memory_space<vmem>>)
      %run_scoped3A_131 = arith.constant 5 : i32
      "tpu.region"() ({
        %run_scoped3A_173 = tpu.sem_alloc : memref<!tpu.dma_semaphore, #tpu.memory_space<semaphore_mem>>
        %dma_start3A_174 = arith.constant 0 : i32
        %dma_start3A_175 = tpu.memref_slice %arg7[%run_scoped3A_131, %dma_start3A_174] : memref<8x128xi32, #tpu.memory_space<vmem>> -> memref<1x128xi32, #tpu.memory_space<vmem>>
        %dma_start3A_176 = tpu.memref_squeeze %dma_start3A_175 : memref<1x128xi32, #tpu.memory_space<vmem>> -> memref<128xi32, #tpu.memory_space<vmem>>
        %dma_start3A_177 = arith.constant 0 : i32
        %dma_start3A_178 = arith.constant 0 : i32
        %dma_start3A_179 = tpu.memref_slice %arg10[%dma_start3A_177, %dma_start3A_178] : memref<10112x128xf32, #tpu.memory_space<vmem_shared>> -> memref<10112x128xf32, #tpu.memory_space<vmem_shared>>
        tpu.enqueue_indirect_dma source(%arg9 : memref<128x128xf32, #tpu.memory_space<vmem>>) target(%dma_start3A_179 : memref<10112x128xf32, #tpu.memory_space<vmem_shared>>) offsets(%dma_start3A_176 : memref<128xi32, #tpu.memory_space<vmem>>) semaphore(%run_scoped3A_173 : memref<!tpu.dma_semaphore, #tpu.memory_space<semaphore_mem>>) {add = true}
        %dma_wait3A_180 = arith.constant 0 : i32
        %dma_wait3A_181 = tpu.memref_slice %arg7[%run_scoped3A_131, %dma_wait3A_180] : memref<8x128xi32, #tpu.memory_space<vmem>> -> memref<1x128xi32, #tpu.memory_space<vmem>>
        %dma_wait3A_182 = tpu.memref_squeeze %dma_wait3A_181 : memref<1x128xi32, #tpu.memory_space<vmem>> -> memref<128xi32, #tpu.memory_space<vmem>>
        %dma_wait3A_183 = arith.constant 0 : i32
        %dma_wait3A_184 = arith.constant 0 : i32
        %dma_wait3A_185 = tpu.memref_slice %arg10[%dma_wait3A_183, %dma_wait3A_184] : memref<10112x128xf32, #tpu.memory_space<vmem_shared>> -> memref<10112x128xf32, #tpu.memory_space<vmem_shared>>
        tpu.wait_indirect_dma semaphore(%run_scoped3A_173 : memref<!tpu.dma_semaphore, #tpu.memory_space<semaphore_mem>>) src(%arg9 : memref<128x128xf32, #tpu.memory_space<vmem>>) dst(%dma_wait3A_185 : memref<10112x128xf32, #tpu.memory_space<vmem_shared>>)
        tpu.yield
      }) : () -> ()
      %dma_start3A_132 = arith.constant 3 : i32
      %dma_start3A_133 = arith.constant 0 : i32
      %dma_start3A_134 = tpu.memref_slice %arg7[%dma_start3A_132, %dma_start3A_133] : memref<8x128xi32, #tpu.memory_space<vmem>> -> memref<1x128xi32, #tpu.memory_space<vmem>>
      %dma_start3A_135 = tpu.memref_squeeze %dma_start3A_134 : memref<1x128xi32, #tpu.memory_space<vmem>> -> memref<128xi32, #tpu.memory_space<vmem>>
      %dma_start3A_136 = arith.constant 0 : i32
      %dma_start3A_137 = arith.constant 0 : i32
      %dma_start3A_138 = tpu.memref_slice %arg2[%dma_start3A_136, %dma_start3A_137] : memref<327680x128xf32, #tpu.memory_space<hbm>> -> memref<327680x128xf32, #tpu.memory_space<hbm>>
      tpu.enqueue_indirect_dma source(%dma_start3A_138 : memref<327680x128xf32, #tpu.memory_space<hbm>>) target(%arg9 : memref<128x128xf32, #tpu.memory_space<vmem>>) offsets(%dma_start3A_135 : memref<128xi32, #tpu.memory_space<vmem>>) semaphore(%arg12 : memref<!tpu.dma_semaphore, #tpu.memory_space<semaphore_mem>>)
      %dma_wait3A_139 = arith.constant 2 : i32
      %dma_wait3A_140 = arith.constant 0 : i32
      %dma_wait3A_141 = tpu.memref_slice %arg7[%dma_wait3A_139, %dma_wait3A_140] : memref<8x128xi32, #tpu.memory_space<vmem>> -> memref<1x128xi32, #tpu.memory_space<vmem>>
      %dma_wait3A_142 = tpu.memref_squeeze %dma_wait3A_141 : memref<1x128xi32, #tpu.memory_space<vmem>> -> memref<128xi32, #tpu.memory_space<vmem>>
      %dma_wait3A_143 = arith.constant 0 : i32
      %dma_wait3A_144 = arith.constant 0 : i32
      %dma_wait3A_145 = tpu.memref_slice %arg2[%dma_wait3A_143, %dma_wait3A_144] : memref<327680x128xf32, #tpu.memory_space<hbm>> -> memref<327680x128xf32, #tpu.memory_space<hbm>>
      tpu.wait_indirect_dma semaphore(%arg11 : memref<!tpu.dma_semaphore, #tpu.memory_space<semaphore_mem>>) src(%dma_wait3A_145 : memref<327680x128xf32, #tpu.memory_space<hbm>>) dst(%arg8 : memref<128x128xf32, #tpu.memory_space<vmem>>)
      %run_scoped3A_146 = arith.constant 6 : i32
      "tpu.region"() ({
        %run_scoped3A_173 = tpu.sem_alloc : memref<!tpu.dma_semaphore, #tpu.memory_space<semaphore_mem>>
        %dma_start3A_174 = arith.constant 0 : i32
        %dma_start3A_175 = tpu.memref_slice %arg7[%run_scoped3A_146, %dma_start3A_174] : memref<8x128xi32, #tpu.memory_space<vmem>> -> memref<1x128xi32, #tpu.memory_space<vmem>>
        %dma_start3A_176 = tpu.memref_squeeze %dma_start3A_175 : memref<1x128xi32, #tpu.memory_space<vmem>> -> memref<128xi32, #tpu.memory_space<vmem>>
        %dma_start3A_177 = arith.constant 0 : i32
        %dma_start3A_178 = arith.constant 0 : i32
        %dma_start3A_179 = tpu.memref_slice %arg10[%dma_start3A_177, %dma_start3A_178] : memref<10112x128xf32, #tpu.memory_space<vmem_shared>> -> memref<10112x128xf32, #tpu.memory_space<vmem_shared>>
        tpu.enqueue_indirect_dma source(%arg8 : memref<128x128xf32, #tpu.memory_space<vmem>>) target(%dma_start3A_179 : memref<10112x128xf32, #tpu.memory_space<vmem_shared>>) offsets(%dma_start3A_176 : memref<128xi32, #tpu.memory_space<vmem>>) semaphore(%run_scoped3A_173 : memref<!tpu.dma_semaphore, #tpu.memory_space<semaphore_mem>>) {add = true}
        %dma_wait3A_180 = arith.constant 0 : i32
        %dma_wait3A_181 = tpu.memref_slice %arg7[%run_scoped3A_146, %dma_wait3A_180] : memref<8x128xi32, #tpu.memory_space<vmem>> -> memref<1x128xi32, #tpu.memory_space<vmem>>
        %dma_wait3A_182 = tpu.memref_squeeze %dma_wait3A_181 : memref<1x128xi32, #tpu.memory_space<vmem>> -> memref<128xi32, #tpu.memory_space<vmem>>
        %dma_wait3A_183 = arith.constant 0 : i32
        %dma_wait3A_184 = arith.constant 0 : i32
        %dma_wait3A_185 = tpu.memref_slice %arg10[%dma_wait3A_183, %dma_wait3A_184] : memref<10112x128xf32, #tpu.memory_space<vmem_shared>> -> memref<10112x128xf32, #tpu.memory_space<vmem_shared>>
        tpu.wait_indirect_dma semaphore(%run_scoped3A_173 : memref<!tpu.dma_semaphore, #tpu.memory_space<semaphore_mem>>) src(%arg8 : memref<128x128xf32, #tpu.memory_space<vmem>>) dst(%dma_wait3A_185 : memref<10112x128xf32, #tpu.memory_space<vmem_shared>>)
        tpu.yield
      }) : () -> ()
      %add3A_147 = arith.constant 2 : i32
      %add3A_148 = arith.addi %add3A_42, %add3A_147 : i32
      %lt3A_149 = arith.cmpi slt, %add3A_148, %select_n3A : i32
      %convert_element_type3A_150 = arith.extui %lt3A_149 : i1 to i32
      %cond3A_151 = arith.constant 0 : i32
      %cond3A_152 = arith.cmpi ne, %convert_element_type3A_150, %cond3A_151 : i32
      scf.if %cond3A_152 {
        %add3A_173 = arith.constant 2 : i32
        %add3A_174 = arith.addi %add3A_42, %add3A_173 : i32
        %dma_wait3A_175 = arith.constant 0 : i32
        %dma_wait3A_176 = arith.constant 0 : i32
        %dma_wait3A_177 = tpu.memref_slice %arg3[%add3A, %add3A_174, %dma_wait3A_175, %dma_wait3A_176] : memref<32x20x8x128xi32, #tpu.memory_space<hbm>> -> memref<1x1x8x128xi32, #tpu.memory_space<hbm>>
        %dma_wait3A_178 = tpu.memref_squeeze %dma_wait3A_177 : memref<1x1x8x128xi32, #tpu.memory_space<hbm>> -> memref<8x128xi32, #tpu.memory_space<hbm>>
        %dma_wait3A_179 = arith.constant 0 : i32
        %dma_wait3A_180 = arith.constant 0 : i32
        %dma_wait3A_181 = tpu.memref_slice %arg3[%add3A, %add3A_174, %dma_wait3A_179, %dma_wait3A_180] : memref<32x20x8x128xi32, #tpu.memory_space<hbm>> -> memref<1x1x8x128xi32, #tpu.memory_space<hbm>>
        %dma_wait3A_182 = tpu.memref_squeeze %dma_wait3A_181 : memref<1x1x8x128xi32, #tpu.memory_space<hbm>> -> memref<8x128xi32, #tpu.memory_space<hbm>>
        tpu.wait_dma2 semaphore(%arg13 : memref<!tpu.dma_semaphore, #tpu.memory_space<semaphore_mem>>) src(%dma_wait3A_182 : memref<8x128xi32, #tpu.memory_space<hbm>>) dst(%arg6 : memref<8x128xi32, #tpu.memory_space<vmem>>)
        %dma_start3A_183 = arith.constant 0 : i32
        %dma_start3A_184 = arith.constant 0 : i32
        %dma_start3A_185 = tpu.memref_slice %arg6[%dma_start3A_183, %dma_start3A_184] : memref<8x128xi32, #tpu.memory_space<vmem>> -> memref<1x128xi32, #tpu.memory_space<vmem>>
        %dma_start3A_186 = tpu.memref_squeeze %dma_start3A_185 : memref<1x128xi32, #tpu.memory_space<vmem>> -> memref<128xi32, #tpu.memory_space<vmem>>
        %dma_start3A_187 = arith.constant 0 : i32
        %dma_start3A_188 = arith.constant 0 : i32
        %dma_start3A_189 = tpu.memref_slice %arg2[%dma_start3A_187, %dma_start3A_188] : memref<327680x128xf32, #tpu.memory_space<hbm>> -> memref<327680x128xf32, #tpu.memory_space<hbm>>
        tpu.enqueue_indirect_dma source(%dma_start3A_189 : memref<327680x128xf32, #tpu.memory_space<hbm>>) target(%arg8 : memref<128x128xf32, #tpu.memory_space<vmem>>) offsets(%dma_start3A_186 : memref<128xi32, #tpu.memory_space<vmem>>) semaphore(%arg11 : memref<!tpu.dma_semaphore, #tpu.memory_space<semaphore_mem>>)
      } else {
      }
      %dma_wait3A_153 = arith.constant 3 : i32
      %dma_wait3A_154 = arith.constant 0 : i32
      %dma_wait3A_155 = tpu.memref_slice %arg7[%dma_wait3A_153, %dma_wait3A_154] : memref<8x128xi32, #tpu.memory_space<vmem>> -> memref<1x128xi32, #tpu.memory_space<vmem>>
      %dma_wait3A_156 = tpu.memref_squeeze %dma_wait3A_155 : memref<1x128xi32, #tpu.memory_space<vmem>> -> memref<128xi32, #tpu.memory_space<vmem>>
      %dma_wait3A_157 = arith.constant 0 : i32
      %dma_wait3A_158 = arith.constant 0 : i32
      %dma_wait3A_159 = tpu.memref_slice %arg2[%dma_wait3A_157, %dma_wait3A_158] : memref<327680x128xf32, #tpu.memory_space<hbm>> -> memref<327680x128xf32, #tpu.memory_space<hbm>>
      tpu.wait_indirect_dma semaphore(%arg12 : memref<!tpu.dma_semaphore, #tpu.memory_space<semaphore_mem>>) src(%dma_wait3A_159 : memref<327680x128xf32, #tpu.memory_space<hbm>>) dst(%arg9 : memref<128x128xf32, #tpu.memory_space<vmem>>)
      %run_scoped3A_160 = arith.constant 7 : i32
      "tpu.region"() ({
        %run_scoped3A_173 = tpu.sem_alloc : memref<!tpu.dma_semaphore, #tpu.memory_space<semaphore_mem>>
        %dma_start3A_174 = arith.constant 0 : i32
        %dma_start3A_175 = tpu.memref_slice %arg7[%run_scoped3A_160, %dma_start3A_174] : memref<8x128xi32, #tpu.memory_space<vmem>> -> memref<1x128xi32, #tpu.memory_space<vmem>>
        %dma_start3A_176 = tpu.memref_squeeze %dma_start3A_175 : memref<1x128xi32, #tpu.memory_space<vmem>> -> memref<128xi32, #tpu.memory_space<vmem>>
        %dma_start3A_177 = arith.constant 0 : i32
        %dma_start3A_178 = arith.constant 0 : i32
        %dma_start3A_179 = tpu.memref_slice %arg10[%dma_start3A_177, %dma_start3A_178] : memref<10112x128xf32, #tpu.memory_space<vmem_shared>> -> memref<10112x128xf32, #tpu.memory_space<vmem_shared>>
        tpu.enqueue_indirect_dma source(%arg9 : memref<128x128xf32, #tpu.memory_space<vmem>>) target(%dma_start3A_179 : memref<10112x128xf32, #tpu.memory_space<vmem_shared>>) offsets(%dma_start3A_176 : memref<128xi32, #tpu.memory_space<vmem>>) semaphore(%run_scoped3A_173 : memref<!tpu.dma_semaphore, #tpu.memory_space<semaphore_mem>>) {add = true}
        %dma_wait3A_180 = arith.constant 0 : i32
        %dma_wait3A_181 = tpu.memref_slice %arg7[%run_scoped3A_160, %dma_wait3A_180] : memref<8x128xi32, #tpu.memory_space<vmem>> -> memref<1x128xi32, #tpu.memory_space<vmem>>
        %dma_wait3A_182 = tpu.memref_squeeze %dma_wait3A_181 : memref<1x128xi32, #tpu.memory_space<vmem>> -> memref<128xi32, #tpu.memory_space<vmem>>
        %dma_wait3A_183 = arith.constant 0 : i32
        %dma_wait3A_184 = arith.constant 0 : i32
        %dma_wait3A_185 = tpu.memref_slice %arg10[%dma_wait3A_183, %dma_wait3A_184] : memref<10112x128xf32, #tpu.memory_space<vmem_shared>> -> memref<10112x128xf32, #tpu.memory_space<vmem_shared>>
        tpu.wait_indirect_dma semaphore(%run_scoped3A_173 : memref<!tpu.dma_semaphore, #tpu.memory_space<semaphore_mem>>) src(%arg9 : memref<128x128xf32, #tpu.memory_space<vmem>>) dst(%dma_wait3A_185 : memref<10112x128xf32, #tpu.memory_space<vmem_shared>>)
        tpu.yield
      }) : () -> ()
      %add3A_161 = arith.constant 3 : i32
      %add3A_162 = arith.addi %add3A_42, %add3A_161 : i32
      %lt3A_163 = arith.cmpi slt, %add3A_162, %select_n3A : i32
      %convert_element_type3A_164 = arith.extui %lt3A_163 : i1 to i32
      %cond3A_165 = arith.constant 0 : i32
      %cond3A_166 = arith.cmpi ne, %convert_element_type3A_164, %cond3A_165 : i32
      scf.if %cond3A_166 {
        %add3A_173 = arith.constant 3 : i32
        %add3A_174 = arith.addi %add3A_42, %add3A_173 : i32
        %dma_start3A_175 = arith.constant 0 : i32
        %dma_start3A_176 = arith.constant 0 : i32
        %dma_start3A_177 = tpu.memref_slice %arg3[%add3A, %add3A_174, %dma_start3A_175, %dma_start3A_176] : memref<32x20x8x128xi32, #tpu.memory_space<hbm>> -> memref<1x1x8x128xi32, #tpu.memory_space<hbm>>
        %dma_start3A_178 = tpu.memref_squeeze %dma_start3A_177 : memref<1x1x8x128xi32, #tpu.memory_space<hbm>> -> memref<8x128xi32, #tpu.memory_space<hbm>>
        %dma_start3A_179 = arith.constant 0 : i32
        %dma_start3A_180 = arith.constant 0 : i32
        %dma_start3A_181 = tpu.memref_slice %arg3[%add3A, %add3A_174, %dma_start3A_179, %dma_start3A_180] : memref<32x20x8x128xi32, #tpu.memory_space<hbm>> -> memref<1x1x8x128xi32, #tpu.memory_space<hbm>>
        %dma_start3A_182 = tpu.memref_squeeze %dma_start3A_181 : memref<1x1x8x128xi32, #tpu.memory_space<hbm>> -> memref<8x128xi32, #tpu.memory_space<hbm>>
        tpu.enqueue_dma source(%dma_start3A_182 : memref<8x128xi32, #tpu.memory_space<hbm>>) target(%arg7 : memref<8x128xi32, #tpu.memory_space<vmem>>) target_semaphore(%arg14 : memref<!tpu.dma_semaphore, #tpu.memory_space<semaphore_mem>>)
      } else {
      }
      %add3A_167 = arith.constant 2 : i32
      %add3A_168 = arith.addi %add3A_42, %add3A_167 : i32
      %lt3A_169 = arith.cmpi slt, %add3A_168, %select_n3A : i32
      %convert_element_type3A_170 = arith.extui %lt3A_169 : i1 to i32
      %cond3A_171 = arith.constant 0 : i32
      %cond3A_172 = arith.cmpi ne, %convert_element_type3A_170, %cond3A_171 : i32
      scf.if %cond3A_172 {
        %dma_start3A_173 = arith.constant 1 : i32
        %dma_start3A_174 = arith.constant 0 : i32
        %dma_start3A_175 = tpu.memref_slice %arg6[%dma_start3A_173, %dma_start3A_174] : memref<8x128xi32, #tpu.memory_space<vmem>> -> memref<1x128xi32, #tpu.memory_space<vmem>>
        %dma_start3A_176 = tpu.memref_squeeze %dma_start3A_175 : memref<1x128xi32, #tpu.memory_space<vmem>> -> memref<128xi32, #tpu.memory_space<vmem>>
        %dma_start3A_177 = arith.constant 0 : i32
        %dma_start3A_178 = arith.constant 0 : i32
        %dma_start3A_179 = tpu.memref_slice %arg2[%dma_start3A_177, %dma_start3A_178] : memref<327680x128xf32, #tpu.memory_space<hbm>> -> memref<327680x128xf32, #tpu.memory_space<hbm>>
        tpu.enqueue_indirect_dma source(%dma_start3A_179 : memref<327680x128xf32, #tpu.memory_space<hbm>>) target(%arg9 : memref<128x128xf32, #tpu.memory_space<vmem>>) offsets(%dma_start3A_176 : memref<128xi32, #tpu.memory_space<vmem>>) semaphore(%arg12 : memref<!tpu.dma_semaphore, #tpu.memory_space<semaphore_mem>>)
      } else {
      }
    }
    %barrier3A_35 = arith.constant 0 : index
    tpu.barrier barrier_id(%barrier3A_35)
    %mul3A_36 = arith.constant 632 : i32
    %mul3A_37 = arith.muli %arg1, %mul3A_36 : i32
    %mul3A_38 = arith.constant 632 : i32
    %mul3A_39 = arith.muli %arg1, %mul3A_38 : i32
    "tpu.region"() ({
      %run_scoped3A_40 = tpu.sem_alloc : memref<!tpu.dma_semaphore, #tpu.memory_space<semaphore_mem>>
      %dma_start3A_41 = arith.constant 0 : i32
      %dma_start3A_42 = tpu.memref_slice %arg5[%arg0, %mul3A_39, %dma_start3A_41] : memref<2x10112x128xf32, #tpu.memory_space<hbm>> -> memref<1x632x128xf32, #tpu.memory_space<hbm>>
      %dma_start3A_43 = tpu.memref_squeeze %dma_start3A_42 : memref<1x632x128xf32, #tpu.memory_space<hbm>> -> memref<632x128xf32, #tpu.memory_space<hbm>>
      %dma_start3A_44 = arith.constant 0 : i32
      %dma_start3A_45 = tpu.memref_slice %arg10[%mul3A_37, %dma_start3A_44] : memref<10112x128xf32, #tpu.memory_space<vmem_shared>> -> memref<632x128xf32, #tpu.memory_space<vmem_shared>>
      tpu.enqueue_dma source(%dma_start3A_45 : memref<632x128xf32, #tpu.memory_space<vmem_shared>>) target(%dma_start3A_43 : memref<632x128xf32, #tpu.memory_space<hbm>>) target_semaphore(%run_scoped3A_40 : memref<!tpu.dma_semaphore, #tpu.memory_space<semaphore_mem>>)
      %dma_wait3A = arith.constant 0 : i32
      %dma_wait3A_46 = tpu.memref_slice %arg5[%arg0, %mul3A_39, %dma_wait3A] : memref<2x10112x128xf32, #tpu.memory_space<hbm>> -> memref<1x632x128xf32, #tpu.memory_space<hbm>>
      %dma_wait3A_47 = tpu.memref_squeeze %dma_wait3A_46 : memref<1x632x128xf32, #tpu.memory_space<hbm>> -> memref<632x128xf32, #tpu.memory_space<hbm>>
      %dma_wait3A_48 = arith.constant 0 : i32
      %dma_wait3A_49 = tpu.memref_slice %arg10[%mul3A_37, %dma_wait3A_48] : memref<10112x128xf32, #tpu.memory_space<vmem_shared>> -> memref<632x128xf32, #tpu.memory_space<vmem_shared>>
      tpu.wait_dma2 semaphore(%run_scoped3A_40 : memref<!tpu.dma_semaphore, #tpu.memory_space<semaphore_mem>>) src(%dma_wait3A_49 : memref<632x128xf32, #tpu.memory_space<vmem_shared>>) dst(%dma_wait3A_47 : memref<632x128xf32, #tpu.memory_space<hbm>>)
      tpu.yield
    }) : () -> ()
    return
  }
}

#map = affine_map<(d0, d1) -> (0, 0)>
#map1 = affine_map<(d0, d1) -> (0, 0, 0, 0)>
#map2 = affine_map<(d0, d1) -> (0, 0, 0)>
module attributes {stable_mosaic.version = 14 : i64} {
  func.func @_feat_scatter_body(%arg0: i32, %arg1: i32, %arg2: memref<10000x128xf32, #tpu.memory_space<hbm>>, %arg3: memref<32x30x8x128xi32, #tpu.memory_space<hbm>>, %arg4: memref<632x128xf32, #tpu.memory_space<hbm>>, %arg5: memref<2x10112x128xf32, #tpu.memory_space<hbm>>, %arg6: memref<8x128xi32, #tpu.memory_space<vmem>>, %arg7: memref<8x128xi32, #tpu.memory_space<vmem>>, %arg8: memref<128x128xf32, #tpu.memory_space<vmem>>, %arg9: memref<128x128xf32, #tpu.memory_space<vmem>>, %arg10: memref<10112x128xf32, #tpu.memory_space<vmem_shared>>, %arg11: memref<!tpu.dma_semaphore, #tpu.memory_space<semaphore_mem>>, %arg12: memref<!tpu.dma_semaphore, #tpu.memory_space<semaphore_mem>>, %arg13: memref<!tpu.dma_semaphore, #tpu.memory_space<semaphore_mem>>, %arg14: memref<!tpu.dma_semaphore, #tpu.memory_space<semaphore_mem>>) attributes {dimension_semantics = [#tpu.dimension_semantics<core_parallel>, #tpu.dimension_semantics<subcore_parallel>], iteration_bounds = array<i64: 2, 16>, scalar_prefetch = 0 : i64, scratch_operands = 9 : i64, tpu.core_type = #tpu.core_type<sc_vector_subcore>, window_params = [{transform_indices = #map}, {transform_indices = #map1}, {transform_indices = #map}, {transform_indices = #map2}]} {
    %eq3A = arith.constant 0 : i32
    %eq3A_0 = arith.cmpi eq, %arg0, %eq3A : i32
    %jit3A = arith.constant 30 : i32
    %jit3A_1 = arith.constant 10 : i32
    %select_n3A = arith.select %eq3A_0, %jit3A, %jit3A_1 : i32
    %mul3A = arith.constant 632 : i32
    %mul3A_2 = arith.muli %arg1, %mul3A : i32
    "tpu.region"() ({
      %run_scoped3A_40 = tpu.sem_alloc : memref<!tpu.dma_semaphore, #tpu.memory_space<semaphore_mem>>
      %dma_start3A_41 = arith.constant 0 : i32
      %dma_start3A_42 = tpu.memref_slice %arg10[%mul3A_2, %dma_start3A_41] : memref<10112x128xf32, #tpu.memory_space<vmem_shared>> -> memref<632x128xf32, #tpu.memory_space<vmem_shared>>
      tpu.enqueue_dma source(%arg4 : memref<632x128xf32, #tpu.memory_space<hbm>>) target(%dma_start3A_42 : memref<632x128xf32, #tpu.memory_space<vmem_shared>>) target_semaphore(%run_scoped3A_40 : memref<!tpu.dma_semaphore, #tpu.memory_space<semaphore_mem>>)
      %dma_wait3A = arith.constant 0 : i32
      %dma_wait3A_43 = tpu.memref_slice %arg10[%mul3A_2, %dma_wait3A] : memref<10112x128xf32, #tpu.memory_space<vmem_shared>> -> memref<632x128xf32, #tpu.memory_space<vmem_shared>>
      tpu.wait_dma2 semaphore(%run_scoped3A_40 : memref<!tpu.dma_semaphore, #tpu.memory_space<semaphore_mem>>) src(%arg4 : memref<632x128xf32, #tpu.memory_space<hbm>>) dst(%dma_wait3A_43 : memref<632x128xf32, #tpu.memory_space<vmem_shared>>)
      tpu.yield
    }) : () -> ()
    %mul3A_3 = arith.constant 16 : i32
    %mul3A_4 = arith.muli %arg0, %mul3A_3 : i32
    %add3A = arith.addi %mul3A_4, %arg1 : i32
    %run_scoped3A = arith.constant 0 : i32
    "tpu.region"() ({
      %run_scoped3A_40 = tpu.sem_alloc : memref<!tpu.dma_semaphore, #tpu.memory_space<semaphore_mem>>
      %dma_start3A_41 = arith.constant 0 : i32
      %dma_start3A_42 = arith.constant 0 : i32
      %dma_start3A_43 = tpu.memref_slice %arg3[%add3A, %run_scoped3A, %dma_start3A_41, %dma_start3A_42] : memref<32x30x8x128xi32, #tpu.memory_space<hbm>> -> memref<1x1x8x128xi32, #tpu.memory_space<hbm>>
      %dma_start3A_44 = tpu.memref_squeeze %dma_start3A_43 : memref<1x1x8x128xi32, #tpu.memory_space<hbm>> -> memref<8x128xi32, #tpu.memory_space<hbm>>
      %dma_start3A_45 = arith.constant 0 : i32
      %dma_start3A_46 = arith.constant 0 : i32
      %dma_start3A_47 = tpu.memref_slice %arg3[%add3A, %run_scoped3A, %dma_start3A_45, %dma_start3A_46] : memref<32x30x8x128xi32, #tpu.memory_space<hbm>> -> memref<1x1x8x128xi32, #tpu.memory_space<hbm>>
      %dma_start3A_48 = tpu.memref_squeeze %dma_start3A_47 : memref<1x1x8x128xi32, #tpu.memory_space<hbm>> -> memref<8x128xi32, #tpu.memory_space<hbm>>
      tpu.enqueue_dma source(%dma_start3A_48 : memref<8x128xi32, #tpu.memory_space<hbm>>) target(%arg6 : memref<8x128xi32, #tpu.memory_space<vmem>>) target_semaphore(%run_scoped3A_40 : memref<!tpu.dma_semaphore, #tpu.memory_space<semaphore_mem>>)
      %dma_wait3A = arith.constant 0 : i32
      %dma_wait3A_49 = arith.constant 0 : i32
      %dma_wait3A_50 = tpu.memref_slice %arg3[%add3A, %run_scoped3A, %dma_wait3A, %dma_wait3A_49] : memref<32x30x8x128xi32, #tpu.memory_space<hbm>> -> memref<1x1x8x128xi32, #tpu.memory_space<hbm>>
      %dma_wait3A_51 = tpu.memref_squeeze %dma_wait3A_50 : memref<1x1x8x128xi32, #tpu.memory_space<hbm>> -> memref<8x128xi32, #tpu.memory_space<hbm>>
      %dma_wait3A_52 = arith.constant 0 : i32
      %dma_wait3A_53 = arith.constant 0 : i32
      %dma_wait3A_54 = tpu.memref_slice %arg3[%add3A, %run_scoped3A, %dma_wait3A_52, %dma_wait3A_53] : memref<32x30x8x128xi32, #tpu.memory_space<hbm>> -> memref<1x1x8x128xi32, #tpu.memory_space<hbm>>
      %dma_wait3A_55 = tpu.memref_squeeze %dma_wait3A_54 : memref<1x1x8x128xi32, #tpu.memory_space<hbm>> -> memref<8x128xi32, #tpu.memory_space<hbm>>
      tpu.wait_dma2 semaphore(%run_scoped3A_40 : memref<!tpu.dma_semaphore, #tpu.memory_space<semaphore_mem>>) src(%dma_wait3A_55 : memref<8x128xi32, #tpu.memory_space<hbm>>) dst(%arg6 : memref<8x128xi32, #tpu.memory_space<vmem>>)
      tpu.yield
    }) : () -> ()
    %run_scoped3A_5 = arith.constant 1 : i32
    "tpu.region"() ({
      %run_scoped3A_40 = tpu.sem_alloc : memref<!tpu.dma_semaphore, #tpu.memory_space<semaphore_mem>>
      %dma_start3A_41 = arith.constant 0 : i32
      %dma_start3A_42 = arith.constant 0 : i32
      %dma_start3A_43 = tpu.memref_slice %arg3[%add3A, %run_scoped3A_5, %dma_start3A_41, %dma_start3A_42] : memref<32x30x8x128xi32, #tpu.memory_space<hbm>> -> memref<1x1x8x128xi32, #tpu.memory_space<hbm>>
      %dma_start3A_44 = tpu.memref_squeeze %dma_start3A_43 : memref<1x1x8x128xi32, #tpu.memory_space<hbm>> -> memref<8x128xi32, #tpu.memory_space<hbm>>
      %dma_start3A_45 = arith.constant 0 : i32
      %dma_start3A_46 = arith.constant 0 : i32
      %dma_start3A_47 = tpu.memref_slice %arg3[%add3A, %run_scoped3A_5, %dma_start3A_45, %dma_start3A_46] : memref<32x30x8x128xi32, #tpu.memory_space<hbm>> -> memref<1x1x8x128xi32, #tpu.memory_space<hbm>>
      %dma_start3A_48 = tpu.memref_squeeze %dma_start3A_47 : memref<1x1x8x128xi32, #tpu.memory_space<hbm>> -> memref<8x128xi32, #tpu.memory_space<hbm>>
      tpu.enqueue_dma source(%dma_start3A_48 : memref<8x128xi32, #tpu.memory_space<hbm>>) target(%arg7 : memref<8x128xi32, #tpu.memory_space<vmem>>) target_semaphore(%run_scoped3A_40 : memref<!tpu.dma_semaphore, #tpu.memory_space<semaphore_mem>>)
      %dma_wait3A = arith.constant 0 : i32
      %dma_wait3A_49 = arith.constant 0 : i32
      %dma_wait3A_50 = tpu.memref_slice %arg3[%add3A, %run_scoped3A_5, %dma_wait3A, %dma_wait3A_49] : memref<32x30x8x128xi32, #tpu.memory_space<hbm>> -> memref<1x1x8x128xi32, #tpu.memory_space<hbm>>
      %dma_wait3A_51 = tpu.memref_squeeze %dma_wait3A_50 : memref<1x1x8x128xi32, #tpu.memory_space<hbm>> -> memref<8x128xi32, #tpu.memory_space<hbm>>
      %dma_wait3A_52 = arith.constant 0 : i32
      %dma_wait3A_53 = arith.constant 0 : i32
      %dma_wait3A_54 = tpu.memref_slice %arg3[%add3A, %run_scoped3A_5, %dma_wait3A_52, %dma_wait3A_53] : memref<32x30x8x128xi32, #tpu.memory_space<hbm>> -> memref<1x1x8x128xi32, #tpu.memory_space<hbm>>
      %dma_wait3A_55 = tpu.memref_squeeze %dma_wait3A_54 : memref<1x1x8x128xi32, #tpu.memory_space<hbm>> -> memref<8x128xi32, #tpu.memory_space<hbm>>
      tpu.wait_dma2 semaphore(%run_scoped3A_40 : memref<!tpu.dma_semaphore, #tpu.memory_space<semaphore_mem>>) src(%dma_wait3A_55 : memref<8x128xi32, #tpu.memory_space<hbm>>) dst(%arg7 : memref<8x128xi32, #tpu.memory_space<vmem>>)
      tpu.yield
    }) : () -> ()
    %barrier3A = arith.constant 0 : index
    tpu.barrier barrier_id(%barrier3A)
    %dma_start3A = arith.constant 0 : i32
    %dma_start3A_6 = arith.constant 0 : i32
    %dma_start3A_7 = tpu.memref_slice %arg6[%dma_start3A, %dma_start3A_6] : memref<8x128xi32, #tpu.memory_space<vmem>> -> memref<1x128xi32, #tpu.memory_space<vmem>>
    %dma_start3A_8 = tpu.memref_squeeze %dma_start3A_7 : memref<1x128xi32, #tpu.memory_space<vmem>> -> memref<128xi32, #tpu.memory_space<vmem>>
    %dma_start3A_9 = arith.constant 0 : i32
    %dma_start3A_10 = arith.constant 0 : i32
    %dma_start3A_11 = tpu.memref_slice %arg2[%dma_start3A_9, %dma_start3A_10] : memref<10000x128xf32, #tpu.memory_space<hbm>> -> memref<10000x128xf32, #tpu.memory_space<hbm>>
    tpu.enqueue_indirect_dma source(%dma_start3A_11 : memref<10000x128xf32, #tpu.memory_space<hbm>>) target(%arg8 : memref<128x128xf32, #tpu.memory_space<vmem>>) offsets(%dma_start3A_8 : memref<128xi32, #tpu.memory_space<vmem>>) semaphore(%arg11 : memref<!tpu.dma_semaphore, #tpu.memory_space<semaphore_mem>>)
    %dma_start3A_12 = arith.constant 1 : i32
    %dma_start3A_13 = arith.constant 0 : i32
    %dma_start3A_14 = tpu.memref_slice %arg6[%dma_start3A_12, %dma_start3A_13] : memref<8x128xi32, #tpu.memory_space<vmem>> -> memref<1x128xi32, #tpu.memory_space<vmem>>
    %dma_start3A_15 = tpu.memref_squeeze %dma_start3A_14 : memref<1x128xi32, #tpu.memory_space<vmem>> -> memref<128xi32, #tpu.memory_space<vmem>>
    %dma_start3A_16 = arith.constant 0 : i32
    %dma_start3A_17 = arith.constant 0 : i32
    %dma_start3A_18 = tpu.memref_slice %arg2[%dma_start3A_16, %dma_start3A_17] : memref<10000x128xf32, #tpu.memory_space<hbm>> -> memref<10000x128xf32, #tpu.memory_space<hbm>>
    tpu.enqueue_indirect_dma source(%dma_start3A_18 : memref<10000x128xf32, #tpu.memory_space<hbm>>) target(%arg9 : memref<128x128xf32, #tpu.memory_space<vmem>>) offsets(%dma_start3A_15 : memref<128xi32, #tpu.memory_space<vmem>>) semaphore(%arg12 : memref<!tpu.dma_semaphore, #tpu.memory_space<semaphore_mem>>)
    %sub3A = arith.constant 0 : i32
    %sub3A_19 = arith.subi %select_n3A, %sub3A : i32
    %sub3A_20 = arith.constant 2 : i32
    %sub3A_21 = arith.constant 1 : i32
    %sub3A_22 = arith.subi %sub3A_20, %sub3A_21 : i32
    %add3A_23 = arith.addi %sub3A_19, %sub3A_22 : i32
    %div3A = arith.constant 2 : i32
    %div3A_24 = arith.divsi %add3A_23, %div3A : i32
    %while3A = arith.constant 2 : i32
    %while3A_25 = arith.constant 0 : i32
    %while3A_26 = arith.constant 0 : i32
    %while3A_27 = arith.subi %div3A_24, %while3A_26 : i32
    %while3A_28 = arith.addi %while3A_26, %while3A_27 : i32
    %while3A_29 = arith.constant 1 : i32
    %while3A_30 = arith.divsi %while3A_27, %while3A_29 : i32
    %while3A_31 = arith.muli %while3A_30, %while3A_29 : i32
    %while3A_32 = arith.addi %while3A_26, %while3A_31 : i32
    %while3A_33 = arith.constant 1 : i32
    scf.for %while3A_40 = %while3A_26 to %while3A_32 step %while3A_33  : i32 {
      %mul3A_41 = arith.muli %while3A_40, %while3A : i32
      %add3A_42 = arith.addi %while3A_25, %mul3A_41 : i32
      %dma_wait3A = arith.constant 0 : i32
      %dma_wait3A_43 = arith.constant 0 : i32
      %dma_wait3A_44 = tpu.memref_slice %arg6[%dma_wait3A, %dma_wait3A_43] : memref<8x128xi32, #tpu.memory_space<vmem>> -> memref<1x128xi32, #tpu.memory_space<vmem>>
      %dma_wait3A_45 = tpu.memref_squeeze %dma_wait3A_44 : memref<1x128xi32, #tpu.memory_space<vmem>> -> memref<128xi32, #tpu.memory_space<vmem>>
      %dma_wait3A_46 = arith.constant 0 : i32
      %dma_wait3A_47 = arith.constant 0 : i32
      %dma_wait3A_48 = tpu.memref_slice %arg2[%dma_wait3A_46, %dma_wait3A_47] : memref<10000x128xf32, #tpu.memory_space<hbm>> -> memref<10000x128xf32, #tpu.memory_space<hbm>>
      tpu.wait_indirect_dma semaphore(%arg11 : memref<!tpu.dma_semaphore, #tpu.memory_space<semaphore_mem>>) src(%dma_wait3A_48 : memref<10000x128xf32, #tpu.memory_space<hbm>>) dst(%arg8 : memref<128x128xf32, #tpu.memory_space<vmem>>)
      %run_scoped3A_49 = arith.constant 4 : i32
      "tpu.region"() ({
        %run_scoped3A_173 = tpu.sem_alloc : memref<!tpu.dma_semaphore, #tpu.memory_space<semaphore_mem>>
        %dma_start3A_174 = arith.constant 0 : i32
        %dma_start3A_175 = tpu.memref_slice %arg6[%run_scoped3A_49, %dma_start3A_174] : memref<8x128xi32, #tpu.memory_space<vmem>> -> memref<1x128xi32, #tpu.memory_space<vmem>>
        %dma_start3A_176 = tpu.memref_squeeze %dma_start3A_175 : memref<1x128xi32, #tpu.memory_space<vmem>> -> memref<128xi32, #tpu.memory_space<vmem>>
        %dma_start3A_177 = arith.constant 0 : i32
        %dma_start3A_178 = arith.constant 0 : i32
        %dma_start3A_179 = tpu.memref_slice %arg10[%dma_start3A_177, %dma_start3A_178] : memref<10112x128xf32, #tpu.memory_space<vmem_shared>> -> memref<10112x128xf32, #tpu.memory_space<vmem_shared>>
        tpu.enqueue_indirect_dma source(%arg8 : memref<128x128xf32, #tpu.memory_space<vmem>>) target(%dma_start3A_179 : memref<10112x128xf32, #tpu.memory_space<vmem_shared>>) offsets(%dma_start3A_176 : memref<128xi32, #tpu.memory_space<vmem>>) semaphore(%run_scoped3A_173 : memref<!tpu.dma_semaphore, #tpu.memory_space<semaphore_mem>>) {add = true}
        %dma_wait3A_180 = arith.constant 0 : i32
        %dma_wait3A_181 = tpu.memref_slice %arg6[%run_scoped3A_49, %dma_wait3A_180] : memref<8x128xi32, #tpu.memory_space<vmem>> -> memref<1x128xi32, #tpu.memory_space<vmem>>
        %dma_wait3A_182 = tpu.memref_squeeze %dma_wait3A_181 : memref<1x128xi32, #tpu.memory_space<vmem>> -> memref<128xi32, #tpu.memory_space<vmem>>
        %dma_wait3A_183 = arith.constant 0 : i32
        %dma_wait3A_184 = arith.constant 0 : i32
        %dma_wait3A_185 = tpu.memref_slice %arg10[%dma_wait3A_183, %dma_wait3A_184] : memref<10112x128xf32, #tpu.memory_space<vmem_shared>> -> memref<10112x128xf32, #tpu.memory_space<vmem_shared>>
        tpu.wait_indirect_dma semaphore(%run_scoped3A_173 : memref<!tpu.dma_semaphore, #tpu.memory_space<semaphore_mem>>) src(%arg8 : memref<128x128xf32, #tpu.memory_space<vmem>>) dst(%dma_wait3A_185 : memref<10112x128xf32, #tpu.memory_space<vmem_shared>>)
        tpu.yield
      }) : () -> ()
      %dma_start3A_50 = arith.constant 2 : i32
      %dma_start3A_51 = arith.constant 0 : i32
      %dma_start3A_52 = tpu.memref_slice %arg6[%dma_start3A_50, %dma_start3A_51] : memref<8x128xi32, #tpu.memory_space<vmem>> -> memref<1x128xi32, #tpu.memory_space<vmem>>
      %dma_start3A_53 = tpu.memref_squeeze %dma_start3A_52 : memref<1x128xi32, #tpu.memory_space<vmem>> -> memref<128xi32, #tpu.memory_space<vmem>>
      %dma_start3A_54 = arith.constant 0 : i32
      %dma_start3A_55 = arith.constant 0 : i32
      %dma_start3A_56 = tpu.memref_slice %arg2[%dma_start3A_54, %dma_start3A_55] : memref<10000x128xf32, #tpu.memory_space<hbm>> -> memref<10000x128xf32, #tpu.memory_space<hbm>>
      tpu.enqueue_indirect_dma source(%dma_start3A_56 : memref<10000x128xf32, #tpu.memory_space<hbm>>) target(%arg8 : memref<128x128xf32, #tpu.memory_space<vmem>>) offsets(%dma_start3A_53 : memref<128xi32, #tpu.memory_space<vmem>>) semaphore(%arg11 : memref<!tpu.dma_semaphore, #tpu.memory_space<semaphore_mem>>)
      %dma_wait3A_57 = arith.constant 1 : i32
      %dma_wait3A_58 = arith.constant 0 : i32
      %dma_wait3A_59 = tpu.memref_slice %arg6[%dma_wait3A_57, %dma_wait3A_58] : memref<8x128xi32, #tpu.memory_space<vmem>> -> memref<1x128xi32, #tpu.memory_space<vmem>>
      %dma_wait3A_60 = tpu.memref_squeeze %dma_wait3A_59 : memref<1x128xi32, #tpu.memory_space<vmem>> -> memref<128xi32, #tpu.memory_space<vmem>>
      %dma_wait3A_61 = arith.constant 0 : i32
      %dma_wait3A_62 = arith.constant 0 : i32
      %dma_wait3A_63 = tpu.memref_slice %arg2[%dma_wait3A_61, %dma_wait3A_62] : memref<10000x128xf32, #tpu.memory_space<hbm>> -> memref<10000x128xf32, #tpu.memory_space<hbm>>
      tpu.wait_indirect_dma semaphore(%arg12 : memref<!tpu.dma_semaphore, #tpu.memory_space<semaphore_mem>>) src(%dma_wait3A_63 : memref<10000x128xf32, #tpu.memory_space<hbm>>) dst(%arg9 : memref<128x128xf32, #tpu.memory_space<vmem>>)
      %run_scoped3A_64 = arith.constant 5 : i32
      "tpu.region"() ({
        %run_scoped3A_173 = tpu.sem_alloc : memref<!tpu.dma_semaphore, #tpu.memory_space<semaphore_mem>>
        %dma_start3A_174 = arith.constant 0 : i32
        %dma_start3A_175 = tpu.memref_slice %arg6[%run_scoped3A_64, %dma_start3A_174] : memref<8x128xi32, #tpu.memory_space<vmem>> -> memref<1x128xi32, #tpu.memory_space<vmem>>
        %dma_start3A_176 = tpu.memref_squeeze %dma_start3A_175 : memref<1x128xi32, #tpu.memory_space<vmem>> -> memref<128xi32, #tpu.memory_space<vmem>>
        %dma_start3A_177 = arith.constant 0 : i32
        %dma_start3A_178 = arith.constant 0 : i32
        %dma_start3A_179 = tpu.memref_slice %arg10[%dma_start3A_177, %dma_start3A_178] : memref<10112x128xf32, #tpu.memory_space<vmem_shared>> -> memref<10112x128xf32, #tpu.memory_space<vmem_shared>>
        tpu.enqueue_indirect_dma source(%arg9 : memref<128x128xf32, #tpu.memory_space<vmem>>) target(%dma_start3A_179 : memref<10112x128xf32, #tpu.memory_space<vmem_shared>>) offsets(%dma_start3A_176 : memref<128xi32, #tpu.memory_space<vmem>>) semaphore(%run_scoped3A_173 : memref<!tpu.dma_semaphore, #tpu.memory_space<semaphore_mem>>) {add = true}
        %dma_wait3A_180 = arith.constant 0 : i32
        %dma_wait3A_181 = tpu.memref_slice %arg6[%run_scoped3A_64, %dma_wait3A_180] : memref<8x128xi32, #tpu.memory_space<vmem>> -> memref<1x128xi32, #tpu.memory_space<vmem>>
        %dma_wait3A_182 = tpu.memref_squeeze %dma_wait3A_181 : memref<1x128xi32, #tpu.memory_space<vmem>> -> memref<128xi32, #tpu.memory_space<vmem>>
        %dma_wait3A_183 = arith.constant 0 : i32
        %dma_wait3A_184 = arith.constant 0 : i32
        %dma_wait3A_185 = tpu.memref_slice %arg10[%dma_wait3A_183, %dma_wait3A_184] : memref<10112x128xf32, #tpu.memory_space<vmem_shared>> -> memref<10112x128xf32, #tpu.memory_space<vmem_shared>>
        tpu.wait_indirect_dma semaphore(%run_scoped3A_173 : memref<!tpu.dma_semaphore, #tpu.memory_space<semaphore_mem>>) src(%arg9 : memref<128x128xf32, #tpu.memory_space<vmem>>) dst(%dma_wait3A_185 : memref<10112x128xf32, #tpu.memory_space<vmem_shared>>)
        tpu.yield
      }) : () -> ()
      %dma_start3A_65 = arith.constant 3 : i32
      %dma_start3A_66 = arith.constant 0 : i32
      %dma_start3A_67 = tpu.memref_slice %arg6[%dma_start3A_65, %dma_start3A_66] : memref<8x128xi32, #tpu.memory_space<vmem>> -> memref<1x128xi32, #tpu.memory_space<vmem>>
      %dma_start3A_68 = tpu.memref_squeeze %dma_start3A_67 : memref<1x128xi32, #tpu.memory_space<vmem>> -> memref<128xi32, #tpu.memory_space<vmem>>
      %dma_start3A_69 = arith.constant 0 : i32
      %dma_start3A_70 = arith.constant 0 : i32
      %dma_start3A_71 = tpu.memref_slice %arg2[%dma_start3A_69, %dma_start3A_70] : memref<10000x128xf32, #tpu.memory_space<hbm>> -> memref<10000x128xf32, #tpu.memory_space<hbm>>
      tpu.enqueue_indirect_dma source(%dma_start3A_71 : memref<10000x128xf32, #tpu.memory_space<hbm>>) target(%arg9 : memref<128x128xf32, #tpu.memory_space<vmem>>) offsets(%dma_start3A_68 : memref<128xi32, #tpu.memory_space<vmem>>) semaphore(%arg12 : memref<!tpu.dma_semaphore, #tpu.memory_space<semaphore_mem>>)
      %dma_wait3A_72 = arith.constant 2 : i32
      %dma_wait3A_73 = arith.constant 0 : i32
      %dma_wait3A_74 = tpu.memref_slice %arg6[%dma_wait3A_72, %dma_wait3A_73] : memref<8x128xi32, #tpu.memory_space<vmem>> -> memref<1x128xi32, #tpu.memory_space<vmem>>
      %dma_wait3A_75 = tpu.memref_squeeze %dma_wait3A_74 : memref<1x128xi32, #tpu.memory_space<vmem>> -> memref<128xi32, #tpu.memory_space<vmem>>
      %dma_wait3A_76 = arith.constant 0 : i32
      %dma_wait3A_77 = arith.constant 0 : i32
      %dma_wait3A_78 = tpu.memref_slice %arg2[%dma_wait3A_76, %dma_wait3A_77] : memref<10000x128xf32, #tpu.memory_space<hbm>> -> memref<10000x128xf32, #tpu.memory_space<hbm>>
      tpu.wait_indirect_dma semaphore(%arg11 : memref<!tpu.dma_semaphore, #tpu.memory_space<semaphore_mem>>) src(%dma_wait3A_78 : memref<10000x128xf32, #tpu.memory_space<hbm>>) dst(%arg8 : memref<128x128xf32, #tpu.memory_space<vmem>>)
      %run_scoped3A_79 = arith.constant 6 : i32
      "tpu.region"() ({
        %run_scoped3A_173 = tpu.sem_alloc : memref<!tpu.dma_semaphore, #tpu.memory_space<semaphore_mem>>
        %dma_start3A_174 = arith.constant 0 : i32
        %dma_start3A_175 = tpu.memref_slice %arg6[%run_scoped3A_79, %dma_start3A_174] : memref<8x128xi32, #tpu.memory_space<vmem>> -> memref<1x128xi32, #tpu.memory_space<vmem>>
        %dma_start3A_176 = tpu.memref_squeeze %dma_start3A_175 : memref<1x128xi32, #tpu.memory_space<vmem>> -> memref<128xi32, #tpu.memory_space<vmem>>
        %dma_start3A_177 = arith.constant 0 : i32
        %dma_start3A_178 = arith.constant 0 : i32
        %dma_start3A_179 = tpu.memref_slice %arg10[%dma_start3A_177, %dma_start3A_178] : memref<10112x128xf32, #tpu.memory_space<vmem_shared>> -> memref<10112x128xf32, #tpu.memory_space<vmem_shared>>
        tpu.enqueue_indirect_dma source(%arg8 : memref<128x128xf32, #tpu.memory_space<vmem>>) target(%dma_start3A_179 : memref<10112x128xf32, #tpu.memory_space<vmem_shared>>) offsets(%dma_start3A_176 : memref<128xi32, #tpu.memory_space<vmem>>) semaphore(%run_scoped3A_173 : memref<!tpu.dma_semaphore, #tpu.memory_space<semaphore_mem>>) {add = true}
        %dma_wait3A_180 = arith.constant 0 : i32
        %dma_wait3A_181 = tpu.memref_slice %arg6[%run_scoped3A_79, %dma_wait3A_180] : memref<8x128xi32, #tpu.memory_space<vmem>> -> memref<1x128xi32, #tpu.memory_space<vmem>>
        %dma_wait3A_182 = tpu.memref_squeeze %dma_wait3A_181 : memref<1x128xi32, #tpu.memory_space<vmem>> -> memref<128xi32, #tpu.memory_space<vmem>>
        %dma_wait3A_183 = arith.constant 0 : i32
        %dma_wait3A_184 = arith.constant 0 : i32
        %dma_wait3A_185 = tpu.memref_slice %arg10[%dma_wait3A_183, %dma_wait3A_184] : memref<10112x128xf32, #tpu.memory_space<vmem_shared>> -> memref<10112x128xf32, #tpu.memory_space<vmem_shared>>
        tpu.wait_indirect_dma semaphore(%run_scoped3A_173 : memref<!tpu.dma_semaphore, #tpu.memory_space<semaphore_mem>>) src(%arg8 : memref<128x128xf32, #tpu.memory_space<vmem>>) dst(%dma_wait3A_185 : memref<10112x128xf32, #tpu.memory_space<vmem_shared>>)
        tpu.yield
      }) : () -> ()
      %ge3A = arith.constant 2 : i32
      %ge3A_80 = arith.cmpi sge, %add3A_42, %ge3A : i32
      %convert_element_type3A = arith.extui %ge3A_80 : i1 to i32
      %cond3A = arith.constant 0 : i32
      %cond3A_81 = arith.cmpi ne, %convert_element_type3A, %cond3A : i32
      scf.if %cond3A_81 {
        %add3A_173 = arith.constant 1 : i32
        %add3A_174 = arith.addi %add3A_42, %add3A_173 : i32
        %dma_wait3A_175 = arith.constant 0 : i32
        %dma_wait3A_176 = arith.constant 0 : i32
        %dma_wait3A_177 = tpu.memref_slice %arg3[%add3A, %add3A_174, %dma_wait3A_175, %dma_wait3A_176] : memref<32x30x8x128xi32, #tpu.memory_space<hbm>> -> memref<1x1x8x128xi32, #tpu.memory_space<hbm>>
        %dma_wait3A_178 = tpu.memref_squeeze %dma_wait3A_177 : memref<1x1x8x128xi32, #tpu.memory_space<hbm>> -> memref<8x128xi32, #tpu.memory_space<hbm>>
        %dma_wait3A_179 = arith.constant 0 : i32
        %dma_wait3A_180 = arith.constant 0 : i32
        %dma_wait3A_181 = tpu.memref_slice %arg3[%add3A, %add3A_174, %dma_wait3A_179, %dma_wait3A_180] : memref<32x30x8x128xi32, #tpu.memory_space<hbm>> -> memref<1x1x8x128xi32, #tpu.memory_space<hbm>>
        %dma_wait3A_182 = tpu.memref_squeeze %dma_wait3A_181 : memref<1x1x8x128xi32, #tpu.memory_space<hbm>> -> memref<8x128xi32, #tpu.memory_space<hbm>>
        tpu.wait_dma2 semaphore(%arg14 : memref<!tpu.dma_semaphore, #tpu.memory_space<semaphore_mem>>) src(%dma_wait3A_182 : memref<8x128xi32, #tpu.memory_space<hbm>>) dst(%arg7 : memref<8x128xi32, #tpu.memory_space<vmem>>)
      } else {
      }
      %dma_start3A_82 = arith.constant 0 : i32
      %dma_start3A_83 = arith.constant 0 : i32
      %dma_start3A_84 = tpu.memref_slice %arg7[%dma_start3A_82, %dma_start3A_83] : memref<8x128xi32, #tpu.memory_space<vmem>> -> memref<1x128xi32, #tpu.memory_space<vmem>>
      %dma_start3A_85 = tpu.memref_squeeze %dma_start3A_84 : memref<1x128xi32, #tpu.memory_space<vmem>> -> memref<128xi32, #tpu.memory_space<vmem>>
      %dma_start3A_86 = arith.constant 0 : i32
      %dma_start3A_87 = arith.constant 0 : i32
      %dma_start3A_88 = tpu.memref_slice %arg2[%dma_start3A_86, %dma_start3A_87] : memref<10000x128xf32, #tpu.memory_space<hbm>> -> memref<10000x128xf32, #tpu.memory_space<hbm>>
      tpu.enqueue_indirect_dma source(%dma_start3A_88 : memref<10000x128xf32, #tpu.memory_space<hbm>>) target(%arg8 : memref<128x128xf32, #tpu.memory_space<vmem>>) offsets(%dma_start3A_85 : memref<128xi32, #tpu.memory_space<vmem>>) semaphore(%arg11 : memref<!tpu.dma_semaphore, #tpu.memory_space<semaphore_mem>>)
      %dma_wait3A_89 = arith.constant 3 : i32
      %dma_wait3A_90 = arith.constant 0 : i32
      %dma_wait3A_91 = tpu.memref_slice %arg6[%dma_wait3A_89, %dma_wait3A_90] : memref<8x128xi32, #tpu.memory_space<vmem>> -> memref<1x128xi32, #tpu.memory_space<vmem>>
      %dma_wait3A_92 = tpu.memref_squeeze %dma_wait3A_91 : memref<1x128xi32, #tpu.memory_space<vmem>> -> memref<128xi32, #tpu.memory_space<vmem>>
      %dma_wait3A_93 = arith.constant 0 : i32
      %dma_wait3A_94 = arith.constant 0 : i32
      %dma_wait3A_95 = tpu.memref_slice %arg2[%dma_wait3A_93, %dma_wait3A_94] : memref<10000x128xf32, #tpu.memory_space<hbm>> -> memref<10000x128xf32, #tpu.memory_space<hbm>>
      tpu.wait_indirect_dma semaphore(%arg12 : memref<!tpu.dma_semaphore, #tpu.memory_space<semaphore_mem>>) src(%dma_wait3A_95 : memref<10000x128xf32, #tpu.memory_space<hbm>>) dst(%arg9 : memref<128x128xf32, #tpu.memory_space<vmem>>)
      %run_scoped3A_96 = arith.constant 7 : i32
      "tpu.region"() ({
        %run_scoped3A_173 = tpu.sem_alloc : memref<!tpu.dma_semaphore, #tpu.memory_space<semaphore_mem>>
        %dma_start3A_174 = arith.constant 0 : i32
        %dma_start3A_175 = tpu.memref_slice %arg6[%run_scoped3A_96, %dma_start3A_174] : memref<8x128xi32, #tpu.memory_space<vmem>> -> memref<1x128xi32, #tpu.memory_space<vmem>>
        %dma_start3A_176 = tpu.memref_squeeze %dma_start3A_175 : memref<1x128xi32, #tpu.memory_space<vmem>> -> memref<128xi32, #tpu.memory_space<vmem>>
        %dma_start3A_177 = arith.constant 0 : i32
        %dma_start3A_178 = arith.constant 0 : i32
        %dma_start3A_179 = tpu.memref_slice %arg10[%dma_start3A_177, %dma_start3A_178] : memref<10112x128xf32, #tpu.memory_space<vmem_shared>> -> memref<10112x128xf32, #tpu.memory_space<vmem_shared>>
        tpu.enqueue_indirect_dma source(%arg9 : memref<128x128xf32, #tpu.memory_space<vmem>>) target(%dma_start3A_179 : memref<10112x128xf32, #tpu.memory_space<vmem_shared>>) offsets(%dma_start3A_176 : memref<128xi32, #tpu.memory_space<vmem>>) semaphore(%run_scoped3A_173 : memref<!tpu.dma_semaphore, #tpu.memory_space<semaphore_mem>>) {add = true}
        %dma_wait3A_180 = arith.constant 0 : i32
        %dma_wait3A_181 = tpu.memref_slice %arg6[%run_scoped3A_96, %dma_wait3A_180] : memref<8x128xi32, #tpu.memory_space<vmem>> -> memref<1x128xi32, #tpu.memory_space<vmem>>
        %dma_wait3A_182 = tpu.memref_squeeze %dma_wait3A_181 : memref<1x128xi32, #tpu.memory_space<vmem>> -> memref<128xi32, #tpu.memory_space<vmem>>
        %dma_wait3A_183 = arith.constant 0 : i32
        %dma_wait3A_184 = arith.constant 0 : i32
        %dma_wait3A_185 = tpu.memref_slice %arg10[%dma_wait3A_183, %dma_wait3A_184] : memref<10112x128xf32, #tpu.memory_space<vmem_shared>> -> memref<10112x128xf32, #tpu.memory_space<vmem_shared>>
        tpu.wait_indirect_dma semaphore(%run_scoped3A_173 : memref<!tpu.dma_semaphore, #tpu.memory_space<semaphore_mem>>) src(%arg9 : memref<128x128xf32, #tpu.memory_space<vmem>>) dst(%dma_wait3A_185 : memref<10112x128xf32, #tpu.memory_space<vmem_shared>>)
        tpu.yield
      }) : () -> ()
      %add3A_97 = arith.constant 2 : i32
      %add3A_98 = arith.addi %add3A_42, %add3A_97 : i32
      %lt3A = arith.cmpi slt, %add3A_98, %select_n3A : i32
      %convert_element_type3A_99 = arith.extui %lt3A : i1 to i32
      %cond3A_100 = arith.constant 0 : i32
      %cond3A_101 = arith.cmpi ne, %convert_element_type3A_99, %cond3A_100 : i32
      scf.if %cond3A_101 {
        %add3A_173 = arith.constant 2 : i32
        %add3A_174 = arith.addi %add3A_42, %add3A_173 : i32
        %dma_start3A_175 = arith.constant 0 : i32
        %dma_start3A_176 = arith.constant 0 : i32
        %dma_start3A_177 = tpu.memref_slice %arg3[%add3A, %add3A_174, %dma_start3A_175, %dma_start3A_176] : memref<32x30x8x128xi32, #tpu.memory_space<hbm>> -> memref<1x1x8x128xi32, #tpu.memory_space<hbm>>
        %dma_start3A_178 = tpu.memref_squeeze %dma_start3A_177 : memref<1x1x8x128xi32, #tpu.memory_space<hbm>> -> memref<8x128xi32, #tpu.memory_space<hbm>>
        %dma_start3A_179 = arith.constant 0 : i32
        %dma_start3A_180 = arith.constant 0 : i32
        %dma_start3A_181 = tpu.memref_slice %arg3[%add3A, %add3A_174, %dma_start3A_179, %dma_start3A_180] : memref<32x30x8x128xi32, #tpu.memory_space<hbm>> -> memref<1x1x8x128xi32, #tpu.memory_space<hbm>>
        %dma_start3A_182 = tpu.memref_squeeze %dma_start3A_181 : memref<1x1x8x128xi32, #tpu.memory_space<hbm>> -> memref<8x128xi32, #tpu.memory_space<hbm>>
        tpu.enqueue_dma source(%dma_start3A_182 : memref<8x128xi32, #tpu.memory_space<hbm>>) target(%arg6 : memref<8x128xi32, #tpu.memory_space<vmem>>) target_semaphore(%arg13 : memref<!tpu.dma_semaphore, #tpu.memory_space<semaphore_mem>>)
      } else {
      }
      %dma_start3A_102 = arith.constant 1 : i32
      %dma_start3A_103 = arith.constant 0 : i32
      %dma_start3A_104 = tpu.memref_slice %arg7[%dma_start3A_102, %dma_start3A_103] : memref<8x128xi32, #tpu.memory_space<vmem>> -> memref<1x128xi32, #tpu.memory_space<vmem>>
      %dma_start3A_105 = tpu.memref_squeeze %dma_start3A_104 : memref<1x128xi32, #tpu.memory_space<vmem>> -> memref<128xi32, #tpu.memory_space<vmem>>
      %dma_start3A_106 = arith.constant 0 : i32
      %dma_start3A_107 = arith.constant 0 : i32
      %dma_start3A_108 = tpu.memref_slice %arg2[%dma_start3A_106, %dma_start3A_107] : memref<10000x128xf32, #tpu.memory_space<hbm>> -> memref<10000x128xf32, #tpu.memory_space<hbm>>
      tpu.enqueue_indirect_dma source(%dma_start3A_108 : memref<10000x128xf32, #tpu.memory_space<hbm>>) target(%arg9 : memref<128x128xf32, #tpu.memory_space<vmem>>) offsets(%dma_start3A_105 : memref<128xi32, #tpu.memory_space<vmem>>) semaphore(%arg12 : memref<!tpu.dma_semaphore, #tpu.memory_space<semaphore_mem>>)
      %dma_wait3A_109 = arith.constant 0 : i32
      %dma_wait3A_110 = arith.constant 0 : i32
      %dma_wait3A_111 = tpu.memref_slice %arg7[%dma_wait3A_109, %dma_wait3A_110] : memref<8x128xi32, #tpu.memory_space<vmem>> -> memref<1x128xi32, #tpu.memory_space<vmem>>
      %dma_wait3A_112 = tpu.memref_squeeze %dma_wait3A_111 : memref<1x128xi32, #tpu.memory_space<vmem>> -> memref<128xi32, #tpu.memory_space<vmem>>
      %dma_wait3A_113 = arith.constant 0 : i32
      %dma_wait3A_114 = arith.constant 0 : i32
      %dma_wait3A_115 = tpu.memref_slice %arg2[%dma_wait3A_113, %dma_wait3A_114] : memref<10000x128xf32, #tpu.memory_space<hbm>> -> memref<10000x128xf32, #tpu.memory_space<hbm>>
      tpu.wait_indirect_dma semaphore(%arg11 : memref<!tpu.dma_semaphore, #tpu.memory_space<semaphore_mem>>) src(%dma_wait3A_115 : memref<10000x128xf32, #tpu.memory_space<hbm>>) dst(%arg8 : memref<128x128xf32, #tpu.memory_space<vmem>>)
      %run_scoped3A_116 = arith.constant 4 : i32
      "tpu.region"() ({
        %run_scoped3A_173 = tpu.sem_alloc : memref<!tpu.dma_semaphore, #tpu.memory_space<semaphore_mem>>
        %dma_start3A_174 = arith.constant 0 : i32
        %dma_start3A_175 = tpu.memref_slice %arg7[%run_scoped3A_116, %dma_start3A_174] : memref<8x128xi32, #tpu.memory_space<vmem>> -> memref<1x128xi32, #tpu.memory_space<vmem>>
        %dma_start3A_176 = tpu.memref_squeeze %dma_start3A_175 : memref<1x128xi32, #tpu.memory_space<vmem>> -> memref<128xi32, #tpu.memory_space<vmem>>
        %dma_start3A_177 = arith.constant 0 : i32
        %dma_start3A_178 = arith.constant 0 : i32
        %dma_start3A_179 = tpu.memref_slice %arg10[%dma_start3A_177, %dma_start3A_178] : memref<10112x128xf32, #tpu.memory_space<vmem_shared>> -> memref<10112x128xf32, #tpu.memory_space<vmem_shared>>
        tpu.enqueue_indirect_dma source(%arg8 : memref<128x128xf32, #tpu.memory_space<vmem>>) target(%dma_start3A_179 : memref<10112x128xf32, #tpu.memory_space<vmem_shared>>) offsets(%dma_start3A_176 : memref<128xi32, #tpu.memory_space<vmem>>) semaphore(%run_scoped3A_173 : memref<!tpu.dma_semaphore, #tpu.memory_space<semaphore_mem>>) {add = true}
        %dma_wait3A_180 = arith.constant 0 : i32
        %dma_wait3A_181 = tpu.memref_slice %arg7[%run_scoped3A_116, %dma_wait3A_180] : memref<8x128xi32, #tpu.memory_space<vmem>> -> memref<1x128xi32, #tpu.memory_space<vmem>>
        %dma_wait3A_182 = tpu.memref_squeeze %dma_wait3A_181 : memref<1x128xi32, #tpu.memory_space<vmem>> -> memref<128xi32, #tpu.memory_space<vmem>>
        %dma_wait3A_183 = arith.constant 0 : i32
        %dma_wait3A_184 = arith.constant 0 : i32
        %dma_wait3A_185 = tpu.memref_slice %arg10[%dma_wait3A_183, %dma_wait3A_184] : memref<10112x128xf32, #tpu.memory_space<vmem_shared>> -> memref<10112x128xf32, #tpu.memory_space<vmem_shared>>
        tpu.wait_indirect_dma semaphore(%run_scoped3A_173 : memref<!tpu.dma_semaphore, #tpu.memory_space<semaphore_mem>>) src(%arg8 : memref<128x128xf32, #tpu.memory_space<vmem>>) dst(%dma_wait3A_185 : memref<10112x128xf32, #tpu.memory_space<vmem_shared>>)
        tpu.yield
      }) : () -> ()
      %dma_start3A_117 = arith.constant 2 : i32
      %dma_start3A_118 = arith.constant 0 : i32
      %dma_start3A_119 = tpu.memref_slice %arg7[%dma_start3A_117, %dma_start3A_118] : memref<8x128xi32, #tpu.memory_space<vmem>> -> memref<1x128xi32, #tpu.memory_space<vmem>>
      %dma_start3A_120 = tpu.memref_squeeze %dma_start3A_119 : memref<1x128xi32, #tpu.memory_space<vmem>> -> memref<128xi32, #tpu.memory_space<vmem>>
      %dma_start3A_121 = arith.constant 0 : i32
      %dma_start3A_122 = arith.constant 0 : i32
      %dma_start3A_123 = tpu.memref_slice %arg2[%dma_start3A_121, %dma_start3A_122] : memref<10000x128xf32, #tpu.memory_space<hbm>> -> memref<10000x128xf32, #tpu.memory_space<hbm>>
      tpu.enqueue_indirect_dma source(%dma_start3A_123 : memref<10000x128xf32, #tpu.memory_space<hbm>>) target(%arg8 : memref<128x128xf32, #tpu.memory_space<vmem>>) offsets(%dma_start3A_120 : memref<128xi32, #tpu.memory_space<vmem>>) semaphore(%arg11 : memref<!tpu.dma_semaphore, #tpu.memory_space<semaphore_mem>>)
      %dma_wait3A_124 = arith.constant 1 : i32
      %dma_wait3A_125 = arith.constant 0 : i32
      %dma_wait3A_126 = tpu.memref_slice %arg7[%dma_wait3A_124, %dma_wait3A_125] : memref<8x128xi32, #tpu.memory_space<vmem>> -> memref<1x128xi32, #tpu.memory_space<vmem>>
      %dma_wait3A_127 = tpu.memref_squeeze %dma_wait3A_126 : memref<1x128xi32, #tpu.memory_space<vmem>> -> memref<128xi32, #tpu.memory_space<vmem>>
      %dma_wait3A_128 = arith.constant 0 : i32
      %dma_wait3A_129 = arith.constant 0 : i32
      %dma_wait3A_130 = tpu.memref_slice %arg2[%dma_wait3A_128, %dma_wait3A_129] : memref<10000x128xf32, #tpu.memory_space<hbm>> -> memref<10000x128xf32, #tpu.memory_space<hbm>>
      tpu.wait_indirect_dma semaphore(%arg12 : memref<!tpu.dma_semaphore, #tpu.memory_space<semaphore_mem>>) src(%dma_wait3A_130 : memref<10000x128xf32, #tpu.memory_space<hbm>>) dst(%arg9 : memref<128x128xf32, #tpu.memory_space<vmem>>)
      %run_scoped3A_131 = arith.constant 5 : i32
      "tpu.region"() ({
        %run_scoped3A_173 = tpu.sem_alloc : memref<!tpu.dma_semaphore, #tpu.memory_space<semaphore_mem>>
        %dma_start3A_174 = arith.constant 0 : i32
        %dma_start3A_175 = tpu.memref_slice %arg7[%run_scoped3A_131, %dma_start3A_174] : memref<8x128xi32, #tpu.memory_space<vmem>> -> memref<1x128xi32, #tpu.memory_space<vmem>>
        %dma_start3A_176 = tpu.memref_squeeze %dma_start3A_175 : memref<1x128xi32, #tpu.memory_space<vmem>> -> memref<128xi32, #tpu.memory_space<vmem>>
        %dma_start3A_177 = arith.constant 0 : i32
        %dma_start3A_178 = arith.constant 0 : i32
        %dma_start3A_179 = tpu.memref_slice %arg10[%dma_start3A_177, %dma_start3A_178] : memref<10112x128xf32, #tpu.memory_space<vmem_shared>> -> memref<10112x128xf32, #tpu.memory_space<vmem_shared>>
        tpu.enqueue_indirect_dma source(%arg9 : memref<128x128xf32, #tpu.memory_space<vmem>>) target(%dma_start3A_179 : memref<10112x128xf32, #tpu.memory_space<vmem_shared>>) offsets(%dma_start3A_176 : memref<128xi32, #tpu.memory_space<vmem>>) semaphore(%run_scoped3A_173 : memref<!tpu.dma_semaphore, #tpu.memory_space<semaphore_mem>>) {add = true}
        %dma_wait3A_180 = arith.constant 0 : i32
        %dma_wait3A_181 = tpu.memref_slice %arg7[%run_scoped3A_131, %dma_wait3A_180] : memref<8x128xi32, #tpu.memory_space<vmem>> -> memref<1x128xi32, #tpu.memory_space<vmem>>
        %dma_wait3A_182 = tpu.memref_squeeze %dma_wait3A_181 : memref<1x128xi32, #tpu.memory_space<vmem>> -> memref<128xi32, #tpu.memory_space<vmem>>
        %dma_wait3A_183 = arith.constant 0 : i32
        %dma_wait3A_184 = arith.constant 0 : i32
        %dma_wait3A_185 = tpu.memref_slice %arg10[%dma_wait3A_183, %dma_wait3A_184] : memref<10112x128xf32, #tpu.memory_space<vmem_shared>> -> memref<10112x128xf32, #tpu.memory_space<vmem_shared>>
        tpu.wait_indirect_dma semaphore(%run_scoped3A_173 : memref<!tpu.dma_semaphore, #tpu.memory_space<semaphore_mem>>) src(%arg9 : memref<128x128xf32, #tpu.memory_space<vmem>>) dst(%dma_wait3A_185 : memref<10112x128xf32, #tpu.memory_space<vmem_shared>>)
        tpu.yield
      }) : () -> ()
      %dma_start3A_132 = arith.constant 3 : i32
      %dma_start3A_133 = arith.constant 0 : i32
      %dma_start3A_134 = tpu.memref_slice %arg7[%dma_start3A_132, %dma_start3A_133] : memref<8x128xi32, #tpu.memory_space<vmem>> -> memref<1x128xi32, #tpu.memory_space<vmem>>
      %dma_start3A_135 = tpu.memref_squeeze %dma_start3A_134 : memref<1x128xi32, #tpu.memory_space<vmem>> -> memref<128xi32, #tpu.memory_space<vmem>>
      %dma_start3A_136 = arith.constant 0 : i32
      %dma_start3A_137 = arith.constant 0 : i32
      %dma_start3A_138 = tpu.memref_slice %arg2[%dma_start3A_136, %dma_start3A_137] : memref<10000x128xf32, #tpu.memory_space<hbm>> -> memref<10000x128xf32, #tpu.memory_space<hbm>>
      tpu.enqueue_indirect_dma source(%dma_start3A_138 : memref<10000x128xf32, #tpu.memory_space<hbm>>) target(%arg9 : memref<128x128xf32, #tpu.memory_space<vmem>>) offsets(%dma_start3A_135 : memref<128xi32, #tpu.memory_space<vmem>>) semaphore(%arg12 : memref<!tpu.dma_semaphore, #tpu.memory_space<semaphore_mem>>)
      %dma_wait3A_139 = arith.constant 2 : i32
      %dma_wait3A_140 = arith.constant 0 : i32
      %dma_wait3A_141 = tpu.memref_slice %arg7[%dma_wait3A_139, %dma_wait3A_140] : memref<8x128xi32, #tpu.memory_space<vmem>> -> memref<1x128xi32, #tpu.memory_space<vmem>>
      %dma_wait3A_142 = tpu.memref_squeeze %dma_wait3A_141 : memref<1x128xi32, #tpu.memory_space<vmem>> -> memref<128xi32, #tpu.memory_space<vmem>>
      %dma_wait3A_143 = arith.constant 0 : i32
      %dma_wait3A_144 = arith.constant 0 : i32
      %dma_wait3A_145 = tpu.memref_slice %arg2[%dma_wait3A_143, %dma_wait3A_144] : memref<10000x128xf32, #tpu.memory_space<hbm>> -> memref<10000x128xf32, #tpu.memory_space<hbm>>
      tpu.wait_indirect_dma semaphore(%arg11 : memref<!tpu.dma_semaphore, #tpu.memory_space<semaphore_mem>>) src(%dma_wait3A_145 : memref<10000x128xf32, #tpu.memory_space<hbm>>) dst(%arg8 : memref<128x128xf32, #tpu.memory_space<vmem>>)
      %run_scoped3A_146 = arith.constant 6 : i32
      "tpu.region"() ({
        %run_scoped3A_173 = tpu.sem_alloc : memref<!tpu.dma_semaphore, #tpu.memory_space<semaphore_mem>>
        %dma_start3A_174 = arith.constant 0 : i32
        %dma_start3A_175 = tpu.memref_slice %arg7[%run_scoped3A_146, %dma_start3A_174] : memref<8x128xi32, #tpu.memory_space<vmem>> -> memref<1x128xi32, #tpu.memory_space<vmem>>
        %dma_start3A_176 = tpu.memref_squeeze %dma_start3A_175 : memref<1x128xi32, #tpu.memory_space<vmem>> -> memref<128xi32, #tpu.memory_space<vmem>>
        %dma_start3A_177 = arith.constant 0 : i32
        %dma_start3A_178 = arith.constant 0 : i32
        %dma_start3A_179 = tpu.memref_slice %arg10[%dma_start3A_177, %dma_start3A_178] : memref<10112x128xf32, #tpu.memory_space<vmem_shared>> -> memref<10112x128xf32, #tpu.memory_space<vmem_shared>>
        tpu.enqueue_indirect_dma source(%arg8 : memref<128x128xf32, #tpu.memory_space<vmem>>) target(%dma_start3A_179 : memref<10112x128xf32, #tpu.memory_space<vmem_shared>>) offsets(%dma_start3A_176 : memref<128xi32, #tpu.memory_space<vmem>>) semaphore(%run_scoped3A_173 : memref<!tpu.dma_semaphore, #tpu.memory_space<semaphore_mem>>) {add = true}
        %dma_wait3A_180 = arith.constant 0 : i32
        %dma_wait3A_181 = tpu.memref_slice %arg7[%run_scoped3A_146, %dma_wait3A_180] : memref<8x128xi32, #tpu.memory_space<vmem>> -> memref<1x128xi32, #tpu.memory_space<vmem>>
        %dma_wait3A_182 = tpu.memref_squeeze %dma_wait3A_181 : memref<1x128xi32, #tpu.memory_space<vmem>> -> memref<128xi32, #tpu.memory_space<vmem>>
        %dma_wait3A_183 = arith.constant 0 : i32
        %dma_wait3A_184 = arith.constant 0 : i32
        %dma_wait3A_185 = tpu.memref_slice %arg10[%dma_wait3A_183, %dma_wait3A_184] : memref<10112x128xf32, #tpu.memory_space<vmem_shared>> -> memref<10112x128xf32, #tpu.memory_space<vmem_shared>>
        tpu.wait_indirect_dma semaphore(%run_scoped3A_173 : memref<!tpu.dma_semaphore, #tpu.memory_space<semaphore_mem>>) src(%arg8 : memref<128x128xf32, #tpu.memory_space<vmem>>) dst(%dma_wait3A_185 : memref<10112x128xf32, #tpu.memory_space<vmem_shared>>)
        tpu.yield
      }) : () -> ()
      %add3A_147 = arith.constant 2 : i32
      %add3A_148 = arith.addi %add3A_42, %add3A_147 : i32
      %lt3A_149 = arith.cmpi slt, %add3A_148, %select_n3A : i32
      %convert_element_type3A_150 = arith.extui %lt3A_149 : i1 to i32
      %cond3A_151 = arith.constant 0 : i32
      %cond3A_152 = arith.cmpi ne, %convert_element_type3A_150, %cond3A_151 : i32
      scf.if %cond3A_152 {
        %add3A_173 = arith.constant 2 : i32
        %add3A_174 = arith.addi %add3A_42, %add3A_173 : i32
        %dma_wait3A_175 = arith.constant 0 : i32
        %dma_wait3A_176 = arith.constant 0 : i32
        %dma_wait3A_177 = tpu.memref_slice %arg3[%add3A, %add3A_174, %dma_wait3A_175, %dma_wait3A_176] : memref<32x30x8x128xi32, #tpu.memory_space<hbm>> -> memref<1x1x8x128xi32, #tpu.memory_space<hbm>>
        %dma_wait3A_178 = tpu.memref_squeeze %dma_wait3A_177 : memref<1x1x8x128xi32, #tpu.memory_space<hbm>> -> memref<8x128xi32, #tpu.memory_space<hbm>>
        %dma_wait3A_179 = arith.constant 0 : i32
        %dma_wait3A_180 = arith.constant 0 : i32
        %dma_wait3A_181 = tpu.memref_slice %arg3[%add3A, %add3A_174, %dma_wait3A_179, %dma_wait3A_180] : memref<32x30x8x128xi32, #tpu.memory_space<hbm>> -> memref<1x1x8x128xi32, #tpu.memory_space<hbm>>
        %dma_wait3A_182 = tpu.memref_squeeze %dma_wait3A_181 : memref<1x1x8x128xi32, #tpu.memory_space<hbm>> -> memref<8x128xi32, #tpu.memory_space<hbm>>
        tpu.wait_dma2 semaphore(%arg13 : memref<!tpu.dma_semaphore, #tpu.memory_space<semaphore_mem>>) src(%dma_wait3A_182 : memref<8x128xi32, #tpu.memory_space<hbm>>) dst(%arg6 : memref<8x128xi32, #tpu.memory_space<vmem>>)
        %dma_start3A_183 = arith.constant 0 : i32
        %dma_start3A_184 = arith.constant 0 : i32
        %dma_start3A_185 = tpu.memref_slice %arg6[%dma_start3A_183, %dma_start3A_184] : memref<8x128xi32, #tpu.memory_space<vmem>> -> memref<1x128xi32, #tpu.memory_space<vmem>>
        %dma_start3A_186 = tpu.memref_squeeze %dma_start3A_185 : memref<1x128xi32, #tpu.memory_space<vmem>> -> memref<128xi32, #tpu.memory_space<vmem>>
        %dma_start3A_187 = arith.constant 0 : i32
        %dma_start3A_188 = arith.constant 0 : i32
        %dma_start3A_189 = tpu.memref_slice %arg2[%dma_start3A_187, %dma_start3A_188] : memref<10000x128xf32, #tpu.memory_space<hbm>> -> memref<10000x128xf32, #tpu.memory_space<hbm>>
        tpu.enqueue_indirect_dma source(%dma_start3A_189 : memref<10000x128xf32, #tpu.memory_space<hbm>>) target(%arg8 : memref<128x128xf32, #tpu.memory_space<vmem>>) offsets(%dma_start3A_186 : memref<128xi32, #tpu.memory_space<vmem>>) semaphore(%arg11 : memref<!tpu.dma_semaphore, #tpu.memory_space<semaphore_mem>>)
      } else {
      }
      %dma_wait3A_153 = arith.constant 3 : i32
      %dma_wait3A_154 = arith.constant 0 : i32
      %dma_wait3A_155 = tpu.memref_slice %arg7[%dma_wait3A_153, %dma_wait3A_154] : memref<8x128xi32, #tpu.memory_space<vmem>> -> memref<1x128xi32, #tpu.memory_space<vmem>>
      %dma_wait3A_156 = tpu.memref_squeeze %dma_wait3A_155 : memref<1x128xi32, #tpu.memory_space<vmem>> -> memref<128xi32, #tpu.memory_space<vmem>>
      %dma_wait3A_157 = arith.constant 0 : i32
      %dma_wait3A_158 = arith.constant 0 : i32
      %dma_wait3A_159 = tpu.memref_slice %arg2[%dma_wait3A_157, %dma_wait3A_158] : memref<10000x128xf32, #tpu.memory_space<hbm>> -> memref<10000x128xf32, #tpu.memory_space<hbm>>
      tpu.wait_indirect_dma semaphore(%arg12 : memref<!tpu.dma_semaphore, #tpu.memory_space<semaphore_mem>>) src(%dma_wait3A_159 : memref<10000x128xf32, #tpu.memory_space<hbm>>) dst(%arg9 : memref<128x128xf32, #tpu.memory_space<vmem>>)
      %run_scoped3A_160 = arith.constant 7 : i32
      "tpu.region"() ({
        %run_scoped3A_173 = tpu.sem_alloc : memref<!tpu.dma_semaphore, #tpu.memory_space<semaphore_mem>>
        %dma_start3A_174 = arith.constant 0 : i32
        %dma_start3A_175 = tpu.memref_slice %arg7[%run_scoped3A_160, %dma_start3A_174] : memref<8x128xi32, #tpu.memory_space<vmem>> -> memref<1x128xi32, #tpu.memory_space<vmem>>
        %dma_start3A_176 = tpu.memref_squeeze %dma_start3A_175 : memref<1x128xi32, #tpu.memory_space<vmem>> -> memref<128xi32, #tpu.memory_space<vmem>>
        %dma_start3A_177 = arith.constant 0 : i32
        %dma_start3A_178 = arith.constant 0 : i32
        %dma_start3A_179 = tpu.memref_slice %arg10[%dma_start3A_177, %dma_start3A_178] : memref<10112x128xf32, #tpu.memory_space<vmem_shared>> -> memref<10112x128xf32, #tpu.memory_space<vmem_shared>>
        tpu.enqueue_indirect_dma source(%arg9 : memref<128x128xf32, #tpu.memory_space<vmem>>) target(%dma_start3A_179 : memref<10112x128xf32, #tpu.memory_space<vmem_shared>>) offsets(%dma_start3A_176 : memref<128xi32, #tpu.memory_space<vmem>>) semaphore(%run_scoped3A_173 : memref<!tpu.dma_semaphore, #tpu.memory_space<semaphore_mem>>) {add = true}
        %dma_wait3A_180 = arith.constant 0 : i32
        %dma_wait3A_181 = tpu.memref_slice %arg7[%run_scoped3A_160, %dma_wait3A_180] : memref<8x128xi32, #tpu.memory_space<vmem>> -> memref<1x128xi32, #tpu.memory_space<vmem>>
        %dma_wait3A_182 = tpu.memref_squeeze %dma_wait3A_181 : memref<1x128xi32, #tpu.memory_space<vmem>> -> memref<128xi32, #tpu.memory_space<vmem>>
        %dma_wait3A_183 = arith.constant 0 : i32
        %dma_wait3A_184 = arith.constant 0 : i32
        %dma_wait3A_185 = tpu.memref_slice %arg10[%dma_wait3A_183, %dma_wait3A_184] : memref<10112x128xf32, #tpu.memory_space<vmem_shared>> -> memref<10112x128xf32, #tpu.memory_space<vmem_shared>>
        tpu.wait_indirect_dma semaphore(%run_scoped3A_173 : memref<!tpu.dma_semaphore, #tpu.memory_space<semaphore_mem>>) src(%arg9 : memref<128x128xf32, #tpu.memory_space<vmem>>) dst(%dma_wait3A_185 : memref<10112x128xf32, #tpu.memory_space<vmem_shared>>)
        tpu.yield
      }) : () -> ()
      %add3A_161 = arith.constant 3 : i32
      %add3A_162 = arith.addi %add3A_42, %add3A_161 : i32
      %lt3A_163 = arith.cmpi slt, %add3A_162, %select_n3A : i32
      %convert_element_type3A_164 = arith.extui %lt3A_163 : i1 to i32
      %cond3A_165 = arith.constant 0 : i32
      %cond3A_166 = arith.cmpi ne, %convert_element_type3A_164, %cond3A_165 : i32
      scf.if %cond3A_166 {
        %add3A_173 = arith.constant 3 : i32
        %add3A_174 = arith.addi %add3A_42, %add3A_173 : i32
        %dma_start3A_175 = arith.constant 0 : i32
        %dma_start3A_176 = arith.constant 0 : i32
        %dma_start3A_177 = tpu.memref_slice %arg3[%add3A, %add3A_174, %dma_start3A_175, %dma_start3A_176] : memref<32x30x8x128xi32, #tpu.memory_space<hbm>> -> memref<1x1x8x128xi32, #tpu.memory_space<hbm>>
        %dma_start3A_178 = tpu.memref_squeeze %dma_start3A_177 : memref<1x1x8x128xi32, #tpu.memory_space<hbm>> -> memref<8x128xi32, #tpu.memory_space<hbm>>
        %dma_start3A_179 = arith.constant 0 : i32
        %dma_start3A_180 = arith.constant 0 : i32
        %dma_start3A_181 = tpu.memref_slice %arg3[%add3A, %add3A_174, %dma_start3A_179, %dma_start3A_180] : memref<32x30x8x128xi32, #tpu.memory_space<hbm>> -> memref<1x1x8x128xi32, #tpu.memory_space<hbm>>
        %dma_start3A_182 = tpu.memref_squeeze %dma_start3A_181 : memref<1x1x8x128xi32, #tpu.memory_space<hbm>> -> memref<8x128xi32, #tpu.memory_space<hbm>>
        tpu.enqueue_dma source(%dma_start3A_182 : memref<8x128xi32, #tpu.memory_space<hbm>>) target(%arg7 : memref<8x128xi32, #tpu.memory_space<vmem>>) target_semaphore(%arg14 : memref<!tpu.dma_semaphore, #tpu.memory_space<semaphore_mem>>)
      } else {
      }
      %add3A_167 = arith.constant 2 : i32
      %add3A_168 = arith.addi %add3A_42, %add3A_167 : i32
      %lt3A_169 = arith.cmpi slt, %add3A_168, %select_n3A : i32
      %convert_element_type3A_170 = arith.extui %lt3A_169 : i1 to i32
      %cond3A_171 = arith.constant 0 : i32
      %cond3A_172 = arith.cmpi ne, %convert_element_type3A_170, %cond3A_171 : i32
      scf.if %cond3A_172 {
        %dma_start3A_173 = arith.constant 1 : i32
        %dma_start3A_174 = arith.constant 0 : i32
        %dma_start3A_175 = tpu.memref_slice %arg6[%dma_start3A_173, %dma_start3A_174] : memref<8x128xi32, #tpu.memory_space<vmem>> -> memref<1x128xi32, #tpu.memory_space<vmem>>
        %dma_start3A_176 = tpu.memref_squeeze %dma_start3A_175 : memref<1x128xi32, #tpu.memory_space<vmem>> -> memref<128xi32, #tpu.memory_space<vmem>>
        %dma_start3A_177 = arith.constant 0 : i32
        %dma_start3A_178 = arith.constant 0 : i32
        %dma_start3A_179 = tpu.memref_slice %arg2[%dma_start3A_177, %dma_start3A_178] : memref<10000x128xf32, #tpu.memory_space<hbm>> -> memref<10000x128xf32, #tpu.memory_space<hbm>>
        tpu.enqueue_indirect_dma source(%dma_start3A_179 : memref<10000x128xf32, #tpu.memory_space<hbm>>) target(%arg9 : memref<128x128xf32, #tpu.memory_space<vmem>>) offsets(%dma_start3A_176 : memref<128xi32, #tpu.memory_space<vmem>>) semaphore(%arg12 : memref<!tpu.dma_semaphore, #tpu.memory_space<semaphore_mem>>)
      } else {
      }
    }
    %while3A_34 = arith.constant 1 : i32
    scf.for %while3A_40 = %while3A_32 to %while3A_28 step %while3A_34  : i32 {
      %mul3A_41 = arith.muli %while3A_40, %while3A : i32
      %add3A_42 = arith.addi %while3A_25, %mul3A_41 : i32
      %dma_wait3A = arith.constant 0 : i32
      %dma_wait3A_43 = arith.constant 0 : i32
      %dma_wait3A_44 = tpu.memref_slice %arg6[%dma_wait3A, %dma_wait3A_43] : memref<8x128xi32, #tpu.memory_space<vmem>> -> memref<1x128xi32, #tpu.memory_space<vmem>>
      %dma_wait3A_45 = tpu.memref_squeeze %dma_wait3A_44 : memref<1x128xi32, #tpu.memory_space<vmem>> -> memref<128xi32, #tpu.memory_space<vmem>>
      %dma_wait3A_46 = arith.constant 0 : i32
      %dma_wait3A_47 = arith.constant 0 : i32
      %dma_wait3A_48 = tpu.memref_slice %arg2[%dma_wait3A_46, %dma_wait3A_47] : memref<10000x128xf32, #tpu.memory_space<hbm>> -> memref<10000x128xf32, #tpu.memory_space<hbm>>
      tpu.wait_indirect_dma semaphore(%arg11 : memref<!tpu.dma_semaphore, #tpu.memory_space<semaphore_mem>>) src(%dma_wait3A_48 : memref<10000x128xf32, #tpu.memory_space<hbm>>) dst(%arg8 : memref<128x128xf32, #tpu.memory_space<vmem>>)
      %run_scoped3A_49 = arith.constant 4 : i32
      "tpu.region"() ({
        %run_scoped3A_173 = tpu.sem_alloc : memref<!tpu.dma_semaphore, #tpu.memory_space<semaphore_mem>>
        %dma_start3A_174 = arith.constant 0 : i32
        %dma_start3A_175 = tpu.memref_slice %arg6[%run_scoped3A_49, %dma_start3A_174] : memref<8x128xi32, #tpu.memory_space<vmem>> -> memref<1x128xi32, #tpu.memory_space<vmem>>
        %dma_start3A_176 = tpu.memref_squeeze %dma_start3A_175 : memref<1x128xi32, #tpu.memory_space<vmem>> -> memref<128xi32, #tpu.memory_space<vmem>>
        %dma_start3A_177 = arith.constant 0 : i32
        %dma_start3A_178 = arith.constant 0 : i32
        %dma_start3A_179 = tpu.memref_slice %arg10[%dma_start3A_177, %dma_start3A_178] : memref<10112x128xf32, #tpu.memory_space<vmem_shared>> -> memref<10112x128xf32, #tpu.memory_space<vmem_shared>>
        tpu.enqueue_indirect_dma source(%arg8 : memref<128x128xf32, #tpu.memory_space<vmem>>) target(%dma_start3A_179 : memref<10112x128xf32, #tpu.memory_space<vmem_shared>>) offsets(%dma_start3A_176 : memref<128xi32, #tpu.memory_space<vmem>>) semaphore(%run_scoped3A_173 : memref<!tpu.dma_semaphore, #tpu.memory_space<semaphore_mem>>) {add = true}
        %dma_wait3A_180 = arith.constant 0 : i32
        %dma_wait3A_181 = tpu.memref_slice %arg6[%run_scoped3A_49, %dma_wait3A_180] : memref<8x128xi32, #tpu.memory_space<vmem>> -> memref<1x128xi32, #tpu.memory_space<vmem>>
        %dma_wait3A_182 = tpu.memref_squeeze %dma_wait3A_181 : memref<1x128xi32, #tpu.memory_space<vmem>> -> memref<128xi32, #tpu.memory_space<vmem>>
        %dma_wait3A_183 = arith.constant 0 : i32
        %dma_wait3A_184 = arith.constant 0 : i32
        %dma_wait3A_185 = tpu.memref_slice %arg10[%dma_wait3A_183, %dma_wait3A_184] : memref<10112x128xf32, #tpu.memory_space<vmem_shared>> -> memref<10112x128xf32, #tpu.memory_space<vmem_shared>>
        tpu.wait_indirect_dma semaphore(%run_scoped3A_173 : memref<!tpu.dma_semaphore, #tpu.memory_space<semaphore_mem>>) src(%arg8 : memref<128x128xf32, #tpu.memory_space<vmem>>) dst(%dma_wait3A_185 : memref<10112x128xf32, #tpu.memory_space<vmem_shared>>)
        tpu.yield
      }) : () -> ()
      %dma_start3A_50 = arith.constant 2 : i32
      %dma_start3A_51 = arith.constant 0 : i32
      %dma_start3A_52 = tpu.memref_slice %arg6[%dma_start3A_50, %dma_start3A_51] : memref<8x128xi32, #tpu.memory_space<vmem>> -> memref<1x128xi32, #tpu.memory_space<vmem>>
      %dma_start3A_53 = tpu.memref_squeeze %dma_start3A_52 : memref<1x128xi32, #tpu.memory_space<vmem>> -> memref<128xi32, #tpu.memory_space<vmem>>
      %dma_start3A_54 = arith.constant 0 : i32
      %dma_start3A_55 = arith.constant 0 : i32
      %dma_start3A_56 = tpu.memref_slice %arg2[%dma_start3A_54, %dma_start3A_55] : memref<10000x128xf32, #tpu.memory_space<hbm>> -> memref<10000x128xf32, #tpu.memory_space<hbm>>
      tpu.enqueue_indirect_dma source(%dma_start3A_56 : memref<10000x128xf32, #tpu.memory_space<hbm>>) target(%arg8 : memref<128x128xf32, #tpu.memory_space<vmem>>) offsets(%dma_start3A_53 : memref<128xi32, #tpu.memory_space<vmem>>) semaphore(%arg11 : memref<!tpu.dma_semaphore, #tpu.memory_space<semaphore_mem>>)
      %dma_wait3A_57 = arith.constant 1 : i32
      %dma_wait3A_58 = arith.constant 0 : i32
      %dma_wait3A_59 = tpu.memref_slice %arg6[%dma_wait3A_57, %dma_wait3A_58] : memref<8x128xi32, #tpu.memory_space<vmem>> -> memref<1x128xi32, #tpu.memory_space<vmem>>
      %dma_wait3A_60 = tpu.memref_squeeze %dma_wait3A_59 : memref<1x128xi32, #tpu.memory_space<vmem>> -> memref<128xi32, #tpu.memory_space<vmem>>
      %dma_wait3A_61 = arith.constant 0 : i32
      %dma_wait3A_62 = arith.constant 0 : i32
      %dma_wait3A_63 = tpu.memref_slice %arg2[%dma_wait3A_61, %dma_wait3A_62] : memref<10000x128xf32, #tpu.memory_space<hbm>> -> memref<10000x128xf32, #tpu.memory_space<hbm>>
      tpu.wait_indirect_dma semaphore(%arg12 : memref<!tpu.dma_semaphore, #tpu.memory_space<semaphore_mem>>) src(%dma_wait3A_63 : memref<10000x128xf32, #tpu.memory_space<hbm>>) dst(%arg9 : memref<128x128xf32, #tpu.memory_space<vmem>>)
      %run_scoped3A_64 = arith.constant 5 : i32
      "tpu.region"() ({
        %run_scoped3A_173 = tpu.sem_alloc : memref<!tpu.dma_semaphore, #tpu.memory_space<semaphore_mem>>
        %dma_start3A_174 = arith.constant 0 : i32
        %dma_start3A_175 = tpu.memref_slice %arg6[%run_scoped3A_64, %dma_start3A_174] : memref<8x128xi32, #tpu.memory_space<vmem>> -> memref<1x128xi32, #tpu.memory_space<vmem>>
        %dma_start3A_176 = tpu.memref_squeeze %dma_start3A_175 : memref<1x128xi32, #tpu.memory_space<vmem>> -> memref<128xi32, #tpu.memory_space<vmem>>
        %dma_start3A_177 = arith.constant 0 : i32
        %dma_start3A_178 = arith.constant 0 : i32
        %dma_start3A_179 = tpu.memref_slice %arg10[%dma_start3A_177, %dma_start3A_178] : memref<10112x128xf32, #tpu.memory_space<vmem_shared>> -> memref<10112x128xf32, #tpu.memory_space<vmem_shared>>
        tpu.enqueue_indirect_dma source(%arg9 : memref<128x128xf32, #tpu.memory_space<vmem>>) target(%dma_start3A_179 : memref<10112x128xf32, #tpu.memory_space<vmem_shared>>) offsets(%dma_start3A_176 : memref<128xi32, #tpu.memory_space<vmem>>) semaphore(%run_scoped3A_173 : memref<!tpu.dma_semaphore, #tpu.memory_space<semaphore_mem>>) {add = true}
        %dma_wait3A_180 = arith.constant 0 : i32
        %dma_wait3A_181 = tpu.memref_slice %arg6[%run_scoped3A_64, %dma_wait3A_180] : memref<8x128xi32, #tpu.memory_space<vmem>> -> memref<1x128xi32, #tpu.memory_space<vmem>>
        %dma_wait3A_182 = tpu.memref_squeeze %dma_wait3A_181 : memref<1x128xi32, #tpu.memory_space<vmem>> -> memref<128xi32, #tpu.memory_space<vmem>>
        %dma_wait3A_183 = arith.constant 0 : i32
        %dma_wait3A_184 = arith.constant 0 : i32
        %dma_wait3A_185 = tpu.memref_slice %arg10[%dma_wait3A_183, %dma_wait3A_184] : memref<10112x128xf32, #tpu.memory_space<vmem_shared>> -> memref<10112x128xf32, #tpu.memory_space<vmem_shared>>
        tpu.wait_indirect_dma semaphore(%run_scoped3A_173 : memref<!tpu.dma_semaphore, #tpu.memory_space<semaphore_mem>>) src(%arg9 : memref<128x128xf32, #tpu.memory_space<vmem>>) dst(%dma_wait3A_185 : memref<10112x128xf32, #tpu.memory_space<vmem_shared>>)
        tpu.yield
      }) : () -> ()
      %dma_start3A_65 = arith.constant 3 : i32
      %dma_start3A_66 = arith.constant 0 : i32
      %dma_start3A_67 = tpu.memref_slice %arg6[%dma_start3A_65, %dma_start3A_66] : memref<8x128xi32, #tpu.memory_space<vmem>> -> memref<1x128xi32, #tpu.memory_space<vmem>>
      %dma_start3A_68 = tpu.memref_squeeze %dma_start3A_67 : memref<1x128xi32, #tpu.memory_space<vmem>> -> memref<128xi32, #tpu.memory_space<vmem>>
      %dma_start3A_69 = arith.constant 0 : i32
      %dma_start3A_70 = arith.constant 0 : i32
      %dma_start3A_71 = tpu.memref_slice %arg2[%dma_start3A_69, %dma_start3A_70] : memref<10000x128xf32, #tpu.memory_space<hbm>> -> memref<10000x128xf32, #tpu.memory_space<hbm>>
      tpu.enqueue_indirect_dma source(%dma_start3A_71 : memref<10000x128xf32, #tpu.memory_space<hbm>>) target(%arg9 : memref<128x128xf32, #tpu.memory_space<vmem>>) offsets(%dma_start3A_68 : memref<128xi32, #tpu.memory_space<vmem>>) semaphore(%arg12 : memref<!tpu.dma_semaphore, #tpu.memory_space<semaphore_mem>>)
      %dma_wait3A_72 = arith.constant 2 : i32
      %dma_wait3A_73 = arith.constant 0 : i32
      %dma_wait3A_74 = tpu.memref_slice %arg6[%dma_wait3A_72, %dma_wait3A_73] : memref<8x128xi32, #tpu.memory_space<vmem>> -> memref<1x128xi32, #tpu.memory_space<vmem>>
      %dma_wait3A_75 = tpu.memref_squeeze %dma_wait3A_74 : memref<1x128xi32, #tpu.memory_space<vmem>> -> memref<128xi32, #tpu.memory_space<vmem>>
      %dma_wait3A_76 = arith.constant 0 : i32
      %dma_wait3A_77 = arith.constant 0 : i32
      %dma_wait3A_78 = tpu.memref_slice %arg2[%dma_wait3A_76, %dma_wait3A_77] : memref<10000x128xf32, #tpu.memory_space<hbm>> -> memref<10000x128xf32, #tpu.memory_space<hbm>>
      tpu.wait_indirect_dma semaphore(%arg11 : memref<!tpu.dma_semaphore, #tpu.memory_space<semaphore_mem>>) src(%dma_wait3A_78 : memref<10000x128xf32, #tpu.memory_space<hbm>>) dst(%arg8 : memref<128x128xf32, #tpu.memory_space<vmem>>)
      %run_scoped3A_79 = arith.constant 6 : i32
      "tpu.region"() ({
        %run_scoped3A_173 = tpu.sem_alloc : memref<!tpu.dma_semaphore, #tpu.memory_space<semaphore_mem>>
        %dma_start3A_174 = arith.constant 0 : i32
        %dma_start3A_175 = tpu.memref_slice %arg6[%run_scoped3A_79, %dma_start3A_174] : memref<8x128xi32, #tpu.memory_space<vmem>> -> memref<1x128xi32, #tpu.memory_space<vmem>>
        %dma_start3A_176 = tpu.memref_squeeze %dma_start3A_175 : memref<1x128xi32, #tpu.memory_space<vmem>> -> memref<128xi32, #tpu.memory_space<vmem>>
        %dma_start3A_177 = arith.constant 0 : i32
        %dma_start3A_178 = arith.constant 0 : i32
        %dma_start3A_179 = tpu.memref_slice %arg10[%dma_start3A_177, %dma_start3A_178] : memref<10112x128xf32, #tpu.memory_space<vmem_shared>> -> memref<10112x128xf32, #tpu.memory_space<vmem_shared>>
        tpu.enqueue_indirect_dma source(%arg8 : memref<128x128xf32, #tpu.memory_space<vmem>>) target(%dma_start3A_179 : memref<10112x128xf32, #tpu.memory_space<vmem_shared>>) offsets(%dma_start3A_176 : memref<128xi32, #tpu.memory_space<vmem>>) semaphore(%run_scoped3A_173 : memref<!tpu.dma_semaphore, #tpu.memory_space<semaphore_mem>>) {add = true}
        %dma_wait3A_180 = arith.constant 0 : i32
        %dma_wait3A_181 = tpu.memref_slice %arg6[%run_scoped3A_79, %dma_wait3A_180] : memref<8x128xi32, #tpu.memory_space<vmem>> -> memref<1x128xi32, #tpu.memory_space<vmem>>
        %dma_wait3A_182 = tpu.memref_squeeze %dma_wait3A_181 : memref<1x128xi32, #tpu.memory_space<vmem>> -> memref<128xi32, #tpu.memory_space<vmem>>
        %dma_wait3A_183 = arith.constant 0 : i32
        %dma_wait3A_184 = arith.constant 0 : i32
        %dma_wait3A_185 = tpu.memref_slice %arg10[%dma_wait3A_183, %dma_wait3A_184] : memref<10112x128xf32, #tpu.memory_space<vmem_shared>> -> memref<10112x128xf32, #tpu.memory_space<vmem_shared>>
        tpu.wait_indirect_dma semaphore(%run_scoped3A_173 : memref<!tpu.dma_semaphore, #tpu.memory_space<semaphore_mem>>) src(%arg8 : memref<128x128xf32, #tpu.memory_space<vmem>>) dst(%dma_wait3A_185 : memref<10112x128xf32, #tpu.memory_space<vmem_shared>>)
        tpu.yield
      }) : () -> ()
      %ge3A = arith.constant 2 : i32
      %ge3A_80 = arith.cmpi sge, %add3A_42, %ge3A : i32
      %convert_element_type3A = arith.extui %ge3A_80 : i1 to i32
      %cond3A = arith.constant 0 : i32
      %cond3A_81 = arith.cmpi ne, %convert_element_type3A, %cond3A : i32
      scf.if %cond3A_81 {
        %add3A_173 = arith.constant 1 : i32
        %add3A_174 = arith.addi %add3A_42, %add3A_173 : i32
        %dma_wait3A_175 = arith.constant 0 : i32
        %dma_wait3A_176 = arith.constant 0 : i32
        %dma_wait3A_177 = tpu.memref_slice %arg3[%add3A, %add3A_174, %dma_wait3A_175, %dma_wait3A_176] : memref<32x30x8x128xi32, #tpu.memory_space<hbm>> -> memref<1x1x8x128xi32, #tpu.memory_space<hbm>>
        %dma_wait3A_178 = tpu.memref_squeeze %dma_wait3A_177 : memref<1x1x8x128xi32, #tpu.memory_space<hbm>> -> memref<8x128xi32, #tpu.memory_space<hbm>>
        %dma_wait3A_179 = arith.constant 0 : i32
        %dma_wait3A_180 = arith.constant 0 : i32
        %dma_wait3A_181 = tpu.memref_slice %arg3[%add3A, %add3A_174, %dma_wait3A_179, %dma_wait3A_180] : memref<32x30x8x128xi32, #tpu.memory_space<hbm>> -> memref<1x1x8x128xi32, #tpu.memory_space<hbm>>
        %dma_wait3A_182 = tpu.memref_squeeze %dma_wait3A_181 : memref<1x1x8x128xi32, #tpu.memory_space<hbm>> -> memref<8x128xi32, #tpu.memory_space<hbm>>
        tpu.wait_dma2 semaphore(%arg14 : memref<!tpu.dma_semaphore, #tpu.memory_space<semaphore_mem>>) src(%dma_wait3A_182 : memref<8x128xi32, #tpu.memory_space<hbm>>) dst(%arg7 : memref<8x128xi32, #tpu.memory_space<vmem>>)
      } else {
      }
      %dma_start3A_82 = arith.constant 0 : i32
      %dma_start3A_83 = arith.constant 0 : i32
      %dma_start3A_84 = tpu.memref_slice %arg7[%dma_start3A_82, %dma_start3A_83] : memref<8x128xi32, #tpu.memory_space<vmem>> -> memref<1x128xi32, #tpu.memory_space<vmem>>
      %dma_start3A_85 = tpu.memref_squeeze %dma_start3A_84 : memref<1x128xi32, #tpu.memory_space<vmem>> -> memref<128xi32, #tpu.memory_space<vmem>>
      %dma_start3A_86 = arith.constant 0 : i32
      %dma_start3A_87 = arith.constant 0 : i32
      %dma_start3A_88 = tpu.memref_slice %arg2[%dma_start3A_86, %dma_start3A_87] : memref<10000x128xf32, #tpu.memory_space<hbm>> -> memref<10000x128xf32, #tpu.memory_space<hbm>>
      tpu.enqueue_indirect_dma source(%dma_start3A_88 : memref<10000x128xf32, #tpu.memory_space<hbm>>) target(%arg8 : memref<128x128xf32, #tpu.memory_space<vmem>>) offsets(%dma_start3A_85 : memref<128xi32, #tpu.memory_space<vmem>>) semaphore(%arg11 : memref<!tpu.dma_semaphore, #tpu.memory_space<semaphore_mem>>)
      %dma_wait3A_89 = arith.constant 3 : i32
      %dma_wait3A_90 = arith.constant 0 : i32
      %dma_wait3A_91 = tpu.memref_slice %arg6[%dma_wait3A_89, %dma_wait3A_90] : memref<8x128xi32, #tpu.memory_space<vmem>> -> memref<1x128xi32, #tpu.memory_space<vmem>>
      %dma_wait3A_92 = tpu.memref_squeeze %dma_wait3A_91 : memref<1x128xi32, #tpu.memory_space<vmem>> -> memref<128xi32, #tpu.memory_space<vmem>>
      %dma_wait3A_93 = arith.constant 0 : i32
      %dma_wait3A_94 = arith.constant 0 : i32
      %dma_wait3A_95 = tpu.memref_slice %arg2[%dma_wait3A_93, %dma_wait3A_94] : memref<10000x128xf32, #tpu.memory_space<hbm>> -> memref<10000x128xf32, #tpu.memory_space<hbm>>
      tpu.wait_indirect_dma semaphore(%arg12 : memref<!tpu.dma_semaphore, #tpu.memory_space<semaphore_mem>>) src(%dma_wait3A_95 : memref<10000x128xf32, #tpu.memory_space<hbm>>) dst(%arg9 : memref<128x128xf32, #tpu.memory_space<vmem>>)
      %run_scoped3A_96 = arith.constant 7 : i32
      "tpu.region"() ({
        %run_scoped3A_173 = tpu.sem_alloc : memref<!tpu.dma_semaphore, #tpu.memory_space<semaphore_mem>>
        %dma_start3A_174 = arith.constant 0 : i32
        %dma_start3A_175 = tpu.memref_slice %arg6[%run_scoped3A_96, %dma_start3A_174] : memref<8x128xi32, #tpu.memory_space<vmem>> -> memref<1x128xi32, #tpu.memory_space<vmem>>
        %dma_start3A_176 = tpu.memref_squeeze %dma_start3A_175 : memref<1x128xi32, #tpu.memory_space<vmem>> -> memref<128xi32, #tpu.memory_space<vmem>>
        %dma_start3A_177 = arith.constant 0 : i32
        %dma_start3A_178 = arith.constant 0 : i32
        %dma_start3A_179 = tpu.memref_slice %arg10[%dma_start3A_177, %dma_start3A_178] : memref<10112x128xf32, #tpu.memory_space<vmem_shared>> -> memref<10112x128xf32, #tpu.memory_space<vmem_shared>>
        tpu.enqueue_indirect_dma source(%arg9 : memref<128x128xf32, #tpu.memory_space<vmem>>) target(%dma_start3A_179 : memref<10112x128xf32, #tpu.memory_space<vmem_shared>>) offsets(%dma_start3A_176 : memref<128xi32, #tpu.memory_space<vmem>>) semaphore(%run_scoped3A_173 : memref<!tpu.dma_semaphore, #tpu.memory_space<semaphore_mem>>) {add = true}
        %dma_wait3A_180 = arith.constant 0 : i32
        %dma_wait3A_181 = tpu.memref_slice %arg6[%run_scoped3A_96, %dma_wait3A_180] : memref<8x128xi32, #tpu.memory_space<vmem>> -> memref<1x128xi32, #tpu.memory_space<vmem>>
        %dma_wait3A_182 = tpu.memref_squeeze %dma_wait3A_181 : memref<1x128xi32, #tpu.memory_space<vmem>> -> memref<128xi32, #tpu.memory_space<vmem>>
        %dma_wait3A_183 = arith.constant 0 : i32
        %dma_wait3A_184 = arith.constant 0 : i32
        %dma_wait3A_185 = tpu.memref_slice %arg10[%dma_wait3A_183, %dma_wait3A_184] : memref<10112x128xf32, #tpu.memory_space<vmem_shared>> -> memref<10112x128xf32, #tpu.memory_space<vmem_shared>>
        tpu.wait_indirect_dma semaphore(%run_scoped3A_173 : memref<!tpu.dma_semaphore, #tpu.memory_space<semaphore_mem>>) src(%arg9 : memref<128x128xf32, #tpu.memory_space<vmem>>) dst(%dma_wait3A_185 : memref<10112x128xf32, #tpu.memory_space<vmem_shared>>)
        tpu.yield
      }) : () -> ()
      %add3A_97 = arith.constant 2 : i32
      %add3A_98 = arith.addi %add3A_42, %add3A_97 : i32
      %lt3A = arith.cmpi slt, %add3A_98, %select_n3A : i32
      %convert_element_type3A_99 = arith.extui %lt3A : i1 to i32
      %cond3A_100 = arith.constant 0 : i32
      %cond3A_101 = arith.cmpi ne, %convert_element_type3A_99, %cond3A_100 : i32
      scf.if %cond3A_101 {
        %add3A_173 = arith.constant 2 : i32
        %add3A_174 = arith.addi %add3A_42, %add3A_173 : i32
        %dma_start3A_175 = arith.constant 0 : i32
        %dma_start3A_176 = arith.constant 0 : i32
        %dma_start3A_177 = tpu.memref_slice %arg3[%add3A, %add3A_174, %dma_start3A_175, %dma_start3A_176] : memref<32x30x8x128xi32, #tpu.memory_space<hbm>> -> memref<1x1x8x128xi32, #tpu.memory_space<hbm>>
        %dma_start3A_178 = tpu.memref_squeeze %dma_start3A_177 : memref<1x1x8x128xi32, #tpu.memory_space<hbm>> -> memref<8x128xi32, #tpu.memory_space<hbm>>
        %dma_start3A_179 = arith.constant 0 : i32
        %dma_start3A_180 = arith.constant 0 : i32
        %dma_start3A_181 = tpu.memref_slice %arg3[%add3A, %add3A_174, %dma_start3A_179, %dma_start3A_180] : memref<32x30x8x128xi32, #tpu.memory_space<hbm>> -> memref<1x1x8x128xi32, #tpu.memory_space<hbm>>
        %dma_start3A_182 = tpu.memref_squeeze %dma_start3A_181 : memref<1x1x8x128xi32, #tpu.memory_space<hbm>> -> memref<8x128xi32, #tpu.memory_space<hbm>>
        tpu.enqueue_dma source(%dma_start3A_182 : memref<8x128xi32, #tpu.memory_space<hbm>>) target(%arg6 : memref<8x128xi32, #tpu.memory_space<vmem>>) target_semaphore(%arg13 : memref<!tpu.dma_semaphore, #tpu.memory_space<semaphore_mem>>)
      } else {
      }
      %dma_start3A_102 = arith.constant 1 : i32
      %dma_start3A_103 = arith.constant 0 : i32
      %dma_start3A_104 = tpu.memref_slice %arg7[%dma_start3A_102, %dma_start3A_103] : memref<8x128xi32, #tpu.memory_space<vmem>> -> memref<1x128xi32, #tpu.memory_space<vmem>>
      %dma_start3A_105 = tpu.memref_squeeze %dma_start3A_104 : memref<1x128xi32, #tpu.memory_space<vmem>> -> memref<128xi32, #tpu.memory_space<vmem>>
      %dma_start3A_106 = arith.constant 0 : i32
      %dma_start3A_107 = arith.constant 0 : i32
      %dma_start3A_108 = tpu.memref_slice %arg2[%dma_start3A_106, %dma_start3A_107] : memref<10000x128xf32, #tpu.memory_space<hbm>> -> memref<10000x128xf32, #tpu.memory_space<hbm>>
      tpu.enqueue_indirect_dma source(%dma_start3A_108 : memref<10000x128xf32, #tpu.memory_space<hbm>>) target(%arg9 : memref<128x128xf32, #tpu.memory_space<vmem>>) offsets(%dma_start3A_105 : memref<128xi32, #tpu.memory_space<vmem>>) semaphore(%arg12 : memref<!tpu.dma_semaphore, #tpu.memory_space<semaphore_mem>>)
      %dma_wait3A_109 = arith.constant 0 : i32
      %dma_wait3A_110 = arith.constant 0 : i32
      %dma_wait3A_111 = tpu.memref_slice %arg7[%dma_wait3A_109, %dma_wait3A_110] : memref<8x128xi32, #tpu.memory_space<vmem>> -> memref<1x128xi32, #tpu.memory_space<vmem>>
      %dma_wait3A_112 = tpu.memref_squeeze %dma_wait3A_111 : memref<1x128xi32, #tpu.memory_space<vmem>> -> memref<128xi32, #tpu.memory_space<vmem>>
      %dma_wait3A_113 = arith.constant 0 : i32
      %dma_wait3A_114 = arith.constant 0 : i32
      %dma_wait3A_115 = tpu.memref_slice %arg2[%dma_wait3A_113, %dma_wait3A_114] : memref<10000x128xf32, #tpu.memory_space<hbm>> -> memref<10000x128xf32, #tpu.memory_space<hbm>>
      tpu.wait_indirect_dma semaphore(%arg11 : memref<!tpu.dma_semaphore, #tpu.memory_space<semaphore_mem>>) src(%dma_wait3A_115 : memref<10000x128xf32, #tpu.memory_space<hbm>>) dst(%arg8 : memref<128x128xf32, #tpu.memory_space<vmem>>)
      %run_scoped3A_116 = arith.constant 4 : i32
      "tpu.region"() ({
        %run_scoped3A_173 = tpu.sem_alloc : memref<!tpu.dma_semaphore, #tpu.memory_space<semaphore_mem>>
        %dma_start3A_174 = arith.constant 0 : i32
        %dma_start3A_175 = tpu.memref_slice %arg7[%run_scoped3A_116, %dma_start3A_174] : memref<8x128xi32, #tpu.memory_space<vmem>> -> memref<1x128xi32, #tpu.memory_space<vmem>>
        %dma_start3A_176 = tpu.memref_squeeze %dma_start3A_175 : memref<1x128xi32, #tpu.memory_space<vmem>> -> memref<128xi32, #tpu.memory_space<vmem>>
        %dma_start3A_177 = arith.constant 0 : i32
        %dma_start3A_178 = arith.constant 0 : i32
        %dma_start3A_179 = tpu.memref_slice %arg10[%dma_start3A_177, %dma_start3A_178] : memref<10112x128xf32, #tpu.memory_space<vmem_shared>> -> memref<10112x128xf32, #tpu.memory_space<vmem_shared>>
        tpu.enqueue_indirect_dma source(%arg8 : memref<128x128xf32, #tpu.memory_space<vmem>>) target(%dma_start3A_179 : memref<10112x128xf32, #tpu.memory_space<vmem_shared>>) offsets(%dma_start3A_176 : memref<128xi32, #tpu.memory_space<vmem>>) semaphore(%run_scoped3A_173 : memref<!tpu.dma_semaphore, #tpu.memory_space<semaphore_mem>>) {add = true}
        %dma_wait3A_180 = arith.constant 0 : i32
        %dma_wait3A_181 = tpu.memref_slice %arg7[%run_scoped3A_116, %dma_wait3A_180] : memref<8x128xi32, #tpu.memory_space<vmem>> -> memref<1x128xi32, #tpu.memory_space<vmem>>
        %dma_wait3A_182 = tpu.memref_squeeze %dma_wait3A_181 : memref<1x128xi32, #tpu.memory_space<vmem>> -> memref<128xi32, #tpu.memory_space<vmem>>
        %dma_wait3A_183 = arith.constant 0 : i32
        %dma_wait3A_184 = arith.constant 0 : i32
        %dma_wait3A_185 = tpu.memref_slice %arg10[%dma_wait3A_183, %dma_wait3A_184] : memref<10112x128xf32, #tpu.memory_space<vmem_shared>> -> memref<10112x128xf32, #tpu.memory_space<vmem_shared>>
        tpu.wait_indirect_dma semaphore(%run_scoped3A_173 : memref<!tpu.dma_semaphore, #tpu.memory_space<semaphore_mem>>) src(%arg8 : memref<128x128xf32, #tpu.memory_space<vmem>>) dst(%dma_wait3A_185 : memref<10112x128xf32, #tpu.memory_space<vmem_shared>>)
        tpu.yield
      }) : () -> ()
      %dma_start3A_117 = arith.constant 2 : i32
      %dma_start3A_118 = arith.constant 0 : i32
      %dma_start3A_119 = tpu.memref_slice %arg7[%dma_start3A_117, %dma_start3A_118] : memref<8x128xi32, #tpu.memory_space<vmem>> -> memref<1x128xi32, #tpu.memory_space<vmem>>
      %dma_start3A_120 = tpu.memref_squeeze %dma_start3A_119 : memref<1x128xi32, #tpu.memory_space<vmem>> -> memref<128xi32, #tpu.memory_space<vmem>>
      %dma_start3A_121 = arith.constant 0 : i32
      %dma_start3A_122 = arith.constant 0 : i32
      %dma_start3A_123 = tpu.memref_slice %arg2[%dma_start3A_121, %dma_start3A_122] : memref<10000x128xf32, #tpu.memory_space<hbm>> -> memref<10000x128xf32, #tpu.memory_space<hbm>>
      tpu.enqueue_indirect_dma source(%dma_start3A_123 : memref<10000x128xf32, #tpu.memory_space<hbm>>) target(%arg8 : memref<128x128xf32, #tpu.memory_space<vmem>>) offsets(%dma_start3A_120 : memref<128xi32, #tpu.memory_space<vmem>>) semaphore(%arg11 : memref<!tpu.dma_semaphore, #tpu.memory_space<semaphore_mem>>)
      %dma_wait3A_124 = arith.constant 1 : i32
      %dma_wait3A_125 = arith.constant 0 : i32
      %dma_wait3A_126 = tpu.memref_slice %arg7[%dma_wait3A_124, %dma_wait3A_125] : memref<8x128xi32, #tpu.memory_space<vmem>> -> memref<1x128xi32, #tpu.memory_space<vmem>>
      %dma_wait3A_127 = tpu.memref_squeeze %dma_wait3A_126 : memref<1x128xi32, #tpu.memory_space<vmem>> -> memref<128xi32, #tpu.memory_space<vmem>>
      %dma_wait3A_128 = arith.constant 0 : i32
      %dma_wait3A_129 = arith.constant 0 : i32
      %dma_wait3A_130 = tpu.memref_slice %arg2[%dma_wait3A_128, %dma_wait3A_129] : memref<10000x128xf32, #tpu.memory_space<hbm>> -> memref<10000x128xf32, #tpu.memory_space<hbm>>
      tpu.wait_indirect_dma semaphore(%arg12 : memref<!tpu.dma_semaphore, #tpu.memory_space<semaphore_mem>>) src(%dma_wait3A_130 : memref<10000x128xf32, #tpu.memory_space<hbm>>) dst(%arg9 : memref<128x128xf32, #tpu.memory_space<vmem>>)
      %run_scoped3A_131 = arith.constant 5 : i32
      "tpu.region"() ({
        %run_scoped3A_173 = tpu.sem_alloc : memref<!tpu.dma_semaphore, #tpu.memory_space<semaphore_mem>>
        %dma_start3A_174 = arith.constant 0 : i32
        %dma_start3A_175 = tpu.memref_slice %arg7[%run_scoped3A_131, %dma_start3A_174] : memref<8x128xi32, #tpu.memory_space<vmem>> -> memref<1x128xi32, #tpu.memory_space<vmem>>
        %dma_start3A_176 = tpu.memref_squeeze %dma_start3A_175 : memref<1x128xi32, #tpu.memory_space<vmem>> -> memref<128xi32, #tpu.memory_space<vmem>>
        %dma_start3A_177 = arith.constant 0 : i32
        %dma_start3A_178 = arith.constant 0 : i32
        %dma_start3A_179 = tpu.memref_slice %arg10[%dma_start3A_177, %dma_start3A_178] : memref<10112x128xf32, #tpu.memory_space<vmem_shared>> -> memref<10112x128xf32, #tpu.memory_space<vmem_shared>>
        tpu.enqueue_indirect_dma source(%arg9 : memref<128x128xf32, #tpu.memory_space<vmem>>) target(%dma_start3A_179 : memref<10112x128xf32, #tpu.memory_space<vmem_shared>>) offsets(%dma_start3A_176 : memref<128xi32, #tpu.memory_space<vmem>>) semaphore(%run_scoped3A_173 : memref<!tpu.dma_semaphore, #tpu.memory_space<semaphore_mem>>) {add = true}
        %dma_wait3A_180 = arith.constant 0 : i32
        %dma_wait3A_181 = tpu.memref_slice %arg7[%run_scoped3A_131, %dma_wait3A_180] : memref<8x128xi32, #tpu.memory_space<vmem>> -> memref<1x128xi32, #tpu.memory_space<vmem>>
        %dma_wait3A_182 = tpu.memref_squeeze %dma_wait3A_181 : memref<1x128xi32, #tpu.memory_space<vmem>> -> memref<128xi32, #tpu.memory_space<vmem>>
        %dma_wait3A_183 = arith.constant 0 : i32
        %dma_wait3A_184 = arith.constant 0 : i32
        %dma_wait3A_185 = tpu.memref_slice %arg10[%dma_wait3A_183, %dma_wait3A_184] : memref<10112x128xf32, #tpu.memory_space<vmem_shared>> -> memref<10112x128xf32, #tpu.memory_space<vmem_shared>>
        tpu.wait_indirect_dma semaphore(%run_scoped3A_173 : memref<!tpu.dma_semaphore, #tpu.memory_space<semaphore_mem>>) src(%arg9 : memref<128x128xf32, #tpu.memory_space<vmem>>) dst(%dma_wait3A_185 : memref<10112x128xf32, #tpu.memory_space<vmem_shared>>)
        tpu.yield
      }) : () -> ()
      %dma_start3A_132 = arith.constant 3 : i32
      %dma_start3A_133 = arith.constant 0 : i32
      %dma_start3A_134 = tpu.memref_slice %arg7[%dma_start3A_132, %dma_start3A_133] : memref<8x128xi32, #tpu.memory_space<vmem>> -> memref<1x128xi32, #tpu.memory_space<vmem>>
      %dma_start3A_135 = tpu.memref_squeeze %dma_start3A_134 : memref<1x128xi32, #tpu.memory_space<vmem>> -> memref<128xi32, #tpu.memory_space<vmem>>
      %dma_start3A_136 = arith.constant 0 : i32
      %dma_start3A_137 = arith.constant 0 : i32
      %dma_start3A_138 = tpu.memref_slice %arg2[%dma_start3A_136, %dma_start3A_137] : memref<10000x128xf32, #tpu.memory_space<hbm>> -> memref<10000x128xf32, #tpu.memory_space<hbm>>
      tpu.enqueue_indirect_dma source(%dma_start3A_138 : memref<10000x128xf32, #tpu.memory_space<hbm>>) target(%arg9 : memref<128x128xf32, #tpu.memory_space<vmem>>) offsets(%dma_start3A_135 : memref<128xi32, #tpu.memory_space<vmem>>) semaphore(%arg12 : memref<!tpu.dma_semaphore, #tpu.memory_space<semaphore_mem>>)
      %dma_wait3A_139 = arith.constant 2 : i32
      %dma_wait3A_140 = arith.constant 0 : i32
      %dma_wait3A_141 = tpu.memref_slice %arg7[%dma_wait3A_139, %dma_wait3A_140] : memref<8x128xi32, #tpu.memory_space<vmem>> -> memref<1x128xi32, #tpu.memory_space<vmem>>
      %dma_wait3A_142 = tpu.memref_squeeze %dma_wait3A_141 : memref<1x128xi32, #tpu.memory_space<vmem>> -> memref<128xi32, #tpu.memory_space<vmem>>
      %dma_wait3A_143 = arith.constant 0 : i32
      %dma_wait3A_144 = arith.constant 0 : i32
      %dma_wait3A_145 = tpu.memref_slice %arg2[%dma_wait3A_143, %dma_wait3A_144] : memref<10000x128xf32, #tpu.memory_space<hbm>> -> memref<10000x128xf32, #tpu.memory_space<hbm>>
      tpu.wait_indirect_dma semaphore(%arg11 : memref<!tpu.dma_semaphore, #tpu.memory_space<semaphore_mem>>) src(%dma_wait3A_145 : memref<10000x128xf32, #tpu.memory_space<hbm>>) dst(%arg8 : memref<128x128xf32, #tpu.memory_space<vmem>>)
      %run_scoped3A_146 = arith.constant 6 : i32
      "tpu.region"() ({
        %run_scoped3A_173 = tpu.sem_alloc : memref<!tpu.dma_semaphore, #tpu.memory_space<semaphore_mem>>
        %dma_start3A_174 = arith.constant 0 : i32
        %dma_start3A_175 = tpu.memref_slice %arg7[%run_scoped3A_146, %dma_start3A_174] : memref<8x128xi32, #tpu.memory_space<vmem>> -> memref<1x128xi32, #tpu.memory_space<vmem>>
        %dma_start3A_176 = tpu.memref_squeeze %dma_start3A_175 : memref<1x128xi32, #tpu.memory_space<vmem>> -> memref<128xi32, #tpu.memory_space<vmem>>
        %dma_start3A_177 = arith.constant 0 : i32
        %dma_start3A_178 = arith.constant 0 : i32
        %dma_start3A_179 = tpu.memref_slice %arg10[%dma_start3A_177, %dma_start3A_178] : memref<10112x128xf32, #tpu.memory_space<vmem_shared>> -> memref<10112x128xf32, #tpu.memory_space<vmem_shared>>
        tpu.enqueue_indirect_dma source(%arg8 : memref<128x128xf32, #tpu.memory_space<vmem>>) target(%dma_start3A_179 : memref<10112x128xf32, #tpu.memory_space<vmem_shared>>) offsets(%dma_start3A_176 : memref<128xi32, #tpu.memory_space<vmem>>) semaphore(%run_scoped3A_173 : memref<!tpu.dma_semaphore, #tpu.memory_space<semaphore_mem>>) {add = true}
        %dma_wait3A_180 = arith.constant 0 : i32
        %dma_wait3A_181 = tpu.memref_slice %arg7[%run_scoped3A_146, %dma_wait3A_180] : memref<8x128xi32, #tpu.memory_space<vmem>> -> memref<1x128xi32, #tpu.memory_space<vmem>>
        %dma_wait3A_182 = tpu.memref_squeeze %dma_wait3A_181 : memref<1x128xi32, #tpu.memory_space<vmem>> -> memref<128xi32, #tpu.memory_space<vmem>>
        %dma_wait3A_183 = arith.constant 0 : i32
        %dma_wait3A_184 = arith.constant 0 : i32
        %dma_wait3A_185 = tpu.memref_slice %arg10[%dma_wait3A_183, %dma_wait3A_184] : memref<10112x128xf32, #tpu.memory_space<vmem_shared>> -> memref<10112x128xf32, #tpu.memory_space<vmem_shared>>
        tpu.wait_indirect_dma semaphore(%run_scoped3A_173 : memref<!tpu.dma_semaphore, #tpu.memory_space<semaphore_mem>>) src(%arg8 : memref<128x128xf32, #tpu.memory_space<vmem>>) dst(%dma_wait3A_185 : memref<10112x128xf32, #tpu.memory_space<vmem_shared>>)
        tpu.yield
      }) : () -> ()
      %add3A_147 = arith.constant 2 : i32
      %add3A_148 = arith.addi %add3A_42, %add3A_147 : i32
      %lt3A_149 = arith.cmpi slt, %add3A_148, %select_n3A : i32
      %convert_element_type3A_150 = arith.extui %lt3A_149 : i1 to i32
      %cond3A_151 = arith.constant 0 : i32
      %cond3A_152 = arith.cmpi ne, %convert_element_type3A_150, %cond3A_151 : i32
      scf.if %cond3A_152 {
        %add3A_173 = arith.constant 2 : i32
        %add3A_174 = arith.addi %add3A_42, %add3A_173 : i32
        %dma_wait3A_175 = arith.constant 0 : i32
        %dma_wait3A_176 = arith.constant 0 : i32
        %dma_wait3A_177 = tpu.memref_slice %arg3[%add3A, %add3A_174, %dma_wait3A_175, %dma_wait3A_176] : memref<32x30x8x128xi32, #tpu.memory_space<hbm>> -> memref<1x1x8x128xi32, #tpu.memory_space<hbm>>
        %dma_wait3A_178 = tpu.memref_squeeze %dma_wait3A_177 : memref<1x1x8x128xi32, #tpu.memory_space<hbm>> -> memref<8x128xi32, #tpu.memory_space<hbm>>
        %dma_wait3A_179 = arith.constant 0 : i32
        %dma_wait3A_180 = arith.constant 0 : i32
        %dma_wait3A_181 = tpu.memref_slice %arg3[%add3A, %add3A_174, %dma_wait3A_179, %dma_wait3A_180] : memref<32x30x8x128xi32, #tpu.memory_space<hbm>> -> memref<1x1x8x128xi32, #tpu.memory_space<hbm>>
        %dma_wait3A_182 = tpu.memref_squeeze %dma_wait3A_181 : memref<1x1x8x128xi32, #tpu.memory_space<hbm>> -> memref<8x128xi32, #tpu.memory_space<hbm>>
        tpu.wait_dma2 semaphore(%arg13 : memref<!tpu.dma_semaphore, #tpu.memory_space<semaphore_mem>>) src(%dma_wait3A_182 : memref<8x128xi32, #tpu.memory_space<hbm>>) dst(%arg6 : memref<8x128xi32, #tpu.memory_space<vmem>>)
        %dma_start3A_183 = arith.constant 0 : i32
        %dma_start3A_184 = arith.constant 0 : i32
        %dma_start3A_185 = tpu.memref_slice %arg6[%dma_start3A_183, %dma_start3A_184] : memref<8x128xi32, #tpu.memory_space<vmem>> -> memref<1x128xi32, #tpu.memory_space<vmem>>
        %dma_start3A_186 = tpu.memref_squeeze %dma_start3A_185 : memref<1x128xi32, #tpu.memory_space<vmem>> -> memref<128xi32, #tpu.memory_space<vmem>>
        %dma_start3A_187 = arith.constant 0 : i32
        %dma_start3A_188 = arith.constant 0 : i32
        %dma_start3A_189 = tpu.memref_slice %arg2[%dma_start3A_187, %dma_start3A_188] : memref<10000x128xf32, #tpu.memory_space<hbm>> -> memref<10000x128xf32, #tpu.memory_space<hbm>>
        tpu.enqueue_indirect_dma source(%dma_start3A_189 : memref<10000x128xf32, #tpu.memory_space<hbm>>) target(%arg8 : memref<128x128xf32, #tpu.memory_space<vmem>>) offsets(%dma_start3A_186 : memref<128xi32, #tpu.memory_space<vmem>>) semaphore(%arg11 : memref<!tpu.dma_semaphore, #tpu.memory_space<semaphore_mem>>)
      } else {
      }
      %dma_wait3A_153 = arith.constant 3 : i32
      %dma_wait3A_154 = arith.constant 0 : i32
      %dma_wait3A_155 = tpu.memref_slice %arg7[%dma_wait3A_153, %dma_wait3A_154] : memref<8x128xi32, #tpu.memory_space<vmem>> -> memref<1x128xi32, #tpu.memory_space<vmem>>
      %dma_wait3A_156 = tpu.memref_squeeze %dma_wait3A_155 : memref<1x128xi32, #tpu.memory_space<vmem>> -> memref<128xi32, #tpu.memory_space<vmem>>
      %dma_wait3A_157 = arith.constant 0 : i32
      %dma_wait3A_158 = arith.constant 0 : i32
      %dma_wait3A_159 = tpu.memref_slice %arg2[%dma_wait3A_157, %dma_wait3A_158] : memref<10000x128xf32, #tpu.memory_space<hbm>> -> memref<10000x128xf32, #tpu.memory_space<hbm>>
      tpu.wait_indirect_dma semaphore(%arg12 : memref<!tpu.dma_semaphore, #tpu.memory_space<semaphore_mem>>) src(%dma_wait3A_159 : memref<10000x128xf32, #tpu.memory_space<hbm>>) dst(%arg9 : memref<128x128xf32, #tpu.memory_space<vmem>>)
      %run_scoped3A_160 = arith.constant 7 : i32
      "tpu.region"() ({
        %run_scoped3A_173 = tpu.sem_alloc : memref<!tpu.dma_semaphore, #tpu.memory_space<semaphore_mem>>
        %dma_start3A_174 = arith.constant 0 : i32
        %dma_start3A_175 = tpu.memref_slice %arg7[%run_scoped3A_160, %dma_start3A_174] : memref<8x128xi32, #tpu.memory_space<vmem>> -> memref<1x128xi32, #tpu.memory_space<vmem>>
        %dma_start3A_176 = tpu.memref_squeeze %dma_start3A_175 : memref<1x128xi32, #tpu.memory_space<vmem>> -> memref<128xi32, #tpu.memory_space<vmem>>
        %dma_start3A_177 = arith.constant 0 : i32
        %dma_start3A_178 = arith.constant 0 : i32
        %dma_start3A_179 = tpu.memref_slice %arg10[%dma_start3A_177, %dma_start3A_178] : memref<10112x128xf32, #tpu.memory_space<vmem_shared>> -> memref<10112x128xf32, #tpu.memory_space<vmem_shared>>
        tpu.enqueue_indirect_dma source(%arg9 : memref<128x128xf32, #tpu.memory_space<vmem>>) target(%dma_start3A_179 : memref<10112x128xf32, #tpu.memory_space<vmem_shared>>) offsets(%dma_start3A_176 : memref<128xi32, #tpu.memory_space<vmem>>) semaphore(%run_scoped3A_173 : memref<!tpu.dma_semaphore, #tpu.memory_space<semaphore_mem>>) {add = true}
        %dma_wait3A_180 = arith.constant 0 : i32
        %dma_wait3A_181 = tpu.memref_slice %arg7[%run_scoped3A_160, %dma_wait3A_180] : memref<8x128xi32, #tpu.memory_space<vmem>> -> memref<1x128xi32, #tpu.memory_space<vmem>>
        %dma_wait3A_182 = tpu.memref_squeeze %dma_wait3A_181 : memref<1x128xi32, #tpu.memory_space<vmem>> -> memref<128xi32, #tpu.memory_space<vmem>>
        %dma_wait3A_183 = arith.constant 0 : i32
        %dma_wait3A_184 = arith.constant 0 : i32
        %dma_wait3A_185 = tpu.memref_slice %arg10[%dma_wait3A_183, %dma_wait3A_184] : memref<10112x128xf32, #tpu.memory_space<vmem_shared>> -> memref<10112x128xf32, #tpu.memory_space<vmem_shared>>
        tpu.wait_indirect_dma semaphore(%run_scoped3A_173 : memref<!tpu.dma_semaphore, #tpu.memory_space<semaphore_mem>>) src(%arg9 : memref<128x128xf32, #tpu.memory_space<vmem>>) dst(%dma_wait3A_185 : memref<10112x128xf32, #tpu.memory_space<vmem_shared>>)
        tpu.yield
      }) : () -> ()
      %add3A_161 = arith.constant 3 : i32
      %add3A_162 = arith.addi %add3A_42, %add3A_161 : i32
      %lt3A_163 = arith.cmpi slt, %add3A_162, %select_n3A : i32
      %convert_element_type3A_164 = arith.extui %lt3A_163 : i1 to i32
      %cond3A_165 = arith.constant 0 : i32
      %cond3A_166 = arith.cmpi ne, %convert_element_type3A_164, %cond3A_165 : i32
      scf.if %cond3A_166 {
        %add3A_173 = arith.constant 3 : i32
        %add3A_174 = arith.addi %add3A_42, %add3A_173 : i32
        %dma_start3A_175 = arith.constant 0 : i32
        %dma_start3A_176 = arith.constant 0 : i32
        %dma_start3A_177 = tpu.memref_slice %arg3[%add3A, %add3A_174, %dma_start3A_175, %dma_start3A_176] : memref<32x30x8x128xi32, #tpu.memory_space<hbm>> -> memref<1x1x8x128xi32, #tpu.memory_space<hbm>>
        %dma_start3A_178 = tpu.memref_squeeze %dma_start3A_177 : memref<1x1x8x128xi32, #tpu.memory_space<hbm>> -> memref<8x128xi32, #tpu.memory_space<hbm>>
        %dma_start3A_179 = arith.constant 0 : i32
        %dma_start3A_180 = arith.constant 0 : i32
        %dma_start3A_181 = tpu.memref_slice %arg3[%add3A, %add3A_174, %dma_start3A_179, %dma_start3A_180] : memref<32x30x8x128xi32, #tpu.memory_space<hbm>> -> memref<1x1x8x128xi32, #tpu.memory_space<hbm>>
        %dma_start3A_182 = tpu.memref_squeeze %dma_start3A_181 : memref<1x1x8x128xi32, #tpu.memory_space<hbm>> -> memref<8x128xi32, #tpu.memory_space<hbm>>
        tpu.enqueue_dma source(%dma_start3A_182 : memref<8x128xi32, #tpu.memory_space<hbm>>) target(%arg7 : memref<8x128xi32, #tpu.memory_space<vmem>>) target_semaphore(%arg14 : memref<!tpu.dma_semaphore, #tpu.memory_space<semaphore_mem>>)
      } else {
      }
      %add3A_167 = arith.constant 2 : i32
      %add3A_168 = arith.addi %add3A_42, %add3A_167 : i32
      %lt3A_169 = arith.cmpi slt, %add3A_168, %select_n3A : i32
      %convert_element_type3A_170 = arith.extui %lt3A_169 : i1 to i32
      %cond3A_171 = arith.constant 0 : i32
      %cond3A_172 = arith.cmpi ne, %convert_element_type3A_170, %cond3A_171 : i32
      scf.if %cond3A_172 {
        %dma_start3A_173 = arith.constant 1 : i32
        %dma_start3A_174 = arith.constant 0 : i32
        %dma_start3A_175 = tpu.memref_slice %arg6[%dma_start3A_173, %dma_start3A_174] : memref<8x128xi32, #tpu.memory_space<vmem>> -> memref<1x128xi32, #tpu.memory_space<vmem>>
        %dma_start3A_176 = tpu.memref_squeeze %dma_start3A_175 : memref<1x128xi32, #tpu.memory_space<vmem>> -> memref<128xi32, #tpu.memory_space<vmem>>
        %dma_start3A_177 = arith.constant 0 : i32
        %dma_start3A_178 = arith.constant 0 : i32
        %dma_start3A_179 = tpu.memref_slice %arg2[%dma_start3A_177, %dma_start3A_178] : memref<10000x128xf32, #tpu.memory_space<hbm>> -> memref<10000x128xf32, #tpu.memory_space<hbm>>
        tpu.enqueue_indirect_dma source(%dma_start3A_179 : memref<10000x128xf32, #tpu.memory_space<hbm>>) target(%arg9 : memref<128x128xf32, #tpu.memory_space<vmem>>) offsets(%dma_start3A_176 : memref<128xi32, #tpu.memory_space<vmem>>) semaphore(%arg12 : memref<!tpu.dma_semaphore, #tpu.memory_space<semaphore_mem>>)
      } else {
      }
    }
    %barrier3A_35 = arith.constant 0 : index
    tpu.barrier barrier_id(%barrier3A_35)
    %mul3A_36 = arith.constant 632 : i32
    %mul3A_37 = arith.muli %arg1, %mul3A_36 : i32
    %mul3A_38 = arith.constant 632 : i32
    %mul3A_39 = arith.muli %arg1, %mul3A_38 : i32
    "tpu.region"() ({
      %run_scoped3A_40 = tpu.sem_alloc : memref<!tpu.dma_semaphore, #tpu.memory_space<semaphore_mem>>
      %dma_start3A_41 = arith.constant 0 : i32
      %dma_start3A_42 = tpu.memref_slice %arg5[%arg0, %mul3A_39, %dma_start3A_41] : memref<2x10112x128xf32, #tpu.memory_space<hbm>> -> memref<1x632x128xf32, #tpu.memory_space<hbm>>
      %dma_start3A_43 = tpu.memref_squeeze %dma_start3A_42 : memref<1x632x128xf32, #tpu.memory_space<hbm>> -> memref<632x128xf32, #tpu.memory_space<hbm>>
      %dma_start3A_44 = arith.constant 0 : i32
      %dma_start3A_45 = tpu.memref_slice %arg10[%mul3A_37, %dma_start3A_44] : memref<10112x128xf32, #tpu.memory_space<vmem_shared>> -> memref<632x128xf32, #tpu.memory_space<vmem_shared>>
      tpu.enqueue_dma source(%dma_start3A_45 : memref<632x128xf32, #tpu.memory_space<vmem_shared>>) target(%dma_start3A_43 : memref<632x128xf32, #tpu.memory_space<hbm>>) target_semaphore(%run_scoped3A_40 : memref<!tpu.dma_semaphore, #tpu.memory_space<semaphore_mem>>)
      %dma_wait3A = arith.constant 0 : i32
      %dma_wait3A_46 = tpu.memref_slice %arg5[%arg0, %mul3A_39, %dma_wait3A] : memref<2x10112x128xf32, #tpu.memory_space<hbm>> -> memref<1x632x128xf32, #tpu.memory_space<hbm>>
      %dma_wait3A_47 = tpu.memref_squeeze %dma_wait3A_46 : memref<1x632x128xf32, #tpu.memory_space<hbm>> -> memref<632x128xf32, #tpu.memory_space<hbm>>
      %dma_wait3A_48 = arith.constant 0 : i32
      %dma_wait3A_49 = tpu.memref_slice %arg10[%mul3A_37, %dma_wait3A_48] : memref<10112x128xf32, #tpu.memory_space<vmem_shared>> -> memref<632x128xf32, #tpu.memory_space<vmem_shared>>
      tpu.wait_dma2 semaphore(%run_scoped3A_40 : memref<!tpu.dma_semaphore, #tpu.memory_space<semaphore_mem>>) src(%dma_wait3A_49 : memref<632x128xf32, #tpu.memory_space<vmem_shared>>) dst(%dma_wait3A_47 : memref<632x128xf32, #tpu.memory_space<hbm>>)
      tpu.yield
    }) : () -> ()
    return
  }
}

module attributes {stable_mosaic.version = 14 : i64} {
  func.func @_update_block(%arg0: i32, %arg1: memref<1000x128xf32, #tpu.memory_space<vmem>>, %arg2: memref<2x1000x128xf32, #tpu.memory_space<vmem>>, %arg3: memref<2x1000x128xf32, #tpu.memory_space<vmem>>, %arg4: memref<128x128xf32, #tpu.memory_space<vmem>>, %arg5: memref<128x128xf32, #tpu.memory_space<vmem>>, %arg6: memref<128x128xf32, #tpu.memory_space<vmem>>, %arg7: memref<1x128xf32, #tpu.memory_space<vmem>>, %arg8: memref<1000x128xf32, #tpu.memory_space<vmem>>) attributes {dimension_semantics = [#tpu.dimension_semantics<arbitrary>], iteration_bounds = array<i64: 10>, scalar_prefetch = 0 : i64, scratch_operands = 0 : i64, tpu.core_type = #tpu.core_type<tc>, window_params = [{transform_indices = @transform_0, window_bounds = array<i64: 1000, 128>}, {transform_indices = @transform_1, window_bounds = array<i64: 2, 1000, 128>}, {transform_indices = @transform_2, window_bounds = array<i64: 2, 1000, 128>}, {pipeline_mode = #tpu.pipeline_mode<synchronous>, transform_indices = @transform_3, window_bounds = array<i64: 128, 128>}, {pipeline_mode = #tpu.pipeline_mode<synchronous>, transform_indices = @transform_4, window_bounds = array<i64: 128, 128>}, {pipeline_mode = #tpu.pipeline_mode<synchronous>, transform_indices = @transform_5, window_bounds = array<i64: 128, 128>}, {pipeline_mode = #tpu.pipeline_mode<synchronous>, transform_indices = @transform_6, window_bounds = array<i64: 1, 128>}, {transform_indices = @transform_7, window_bounds = array<i64: 1000, 128>}]} {
    %get3A = arith.constant 0 : index
    %get3A_0 = arith.constant 0 : index
    %get3A_1 = arith.constant 0 : index
    %get3A_2 = vector.load %arg2[%get3A, %get3A_0, %get3A_1] : memref<2x1000x128xf32, #tpu.memory_space<vmem>>, vector<1x1000x128xf32>
    %get3A_3 = vector.shape_cast %get3A_2 : vector<1x1000x128xf32> to vector<1000x128xf32>
    %get3A_4 = arith.constant 1 : index
    %get3A_5 = arith.constant 0 : index
    %get3A_6 = arith.constant 0 : index
    %get3A_7 = vector.load %arg2[%get3A_4, %get3A_5, %get3A_6] : memref<2x1000x128xf32, #tpu.memory_space<vmem>>, vector<1x1000x128xf32>
    %get3A_8 = vector.shape_cast %get3A_7 : vector<1x1000x128xf32> to vector<1000x128xf32>
    %add3A = arith.addf %get3A_3, %get3A_8 : vector<1000x128xf32>
    %get3A_9 = arith.constant 0 : index
    %get3A_10 = arith.constant 0 : index
    %get3A_11 = arith.constant 0 : index
    %get3A_12 = vector.load %arg3[%get3A_9, %get3A_10, %get3A_11] : memref<2x1000x128xf32, #tpu.memory_space<vmem>>, vector<1x1000x128xf32>
    %get3A_13 = vector.shape_cast %get3A_12 : vector<1x1000x128xf32> to vector<1000x128xf32>
    %get3A_14 = arith.constant 1 : index
    %get3A_15 = arith.constant 0 : index
    %get3A_16 = arith.constant 0 : index
    %get3A_17 = vector.load %arg3[%get3A_14, %get3A_15, %get3A_16] : memref<2x1000x128xf32, #tpu.memory_space<vmem>>, vector<1x1000x128xf32>
    %get3A_18 = vector.shape_cast %get3A_17 : vector<1x1000x128xf32> to vector<1000x128xf32>
    %add3A_19 = arith.addf %get3A_13, %get3A_18 : vector<1000x128xf32>
    %slice3A = vector.extract_strided_slice %add3A_19 {offsets = [0, 16], sizes = [1000, 1], strides = [1, 1]} : vector<1000x128xf32> to vector<1000x1xf32>
    %max3A = arith.constant 1.000000e+00 : f32
    %max3A_20 = vector.broadcast %max3A : f32 to vector<1000x1xf32>
    %max3A_21 = arith.maximumf %slice3A, %max3A_20 : vector<1000x1xf32>
    %div3A = arith.constant 1.000000e+00 : f32
    %div3A_22 = vector.broadcast %div3A : f32 to vector<1000x1xf32>
    %div3A_23 = arith.divf %div3A_22, %max3A_21 : vector<1000x1xf32>
    %get3A_24 = arith.constant 0 : index
    %get3A_25 = arith.constant 0 : index
    %get3A_26 = vector.load %arg5[%get3A_24, %get3A_25] : memref<128x128xf32, #tpu.memory_space<vmem>>, vector<128x128xf32>
    %dot_general3A = arith.constant dense<0.000000e+00> : vector<1000x128xf32>
    %dot_general3A_27 = tpu.matmul %add3A, %get3A_26, %dot_general3A {dimension_numbers = #tpu.dot_dimension_numbers<[1], [0], [0], [1], [0, 0, 1, 1], [], []>, transpose_lhs_hint = false} : vector<1000x128xf32>, vector<128x128xf32>, vector<1000x128xf32> -> vector<1000x128xf32>
    %get3A_28 = arith.constant 0 : index
    %get3A_29 = arith.constant 0 : index
    %get3A_30 = vector.load %arg6[%get3A_28, %get3A_29] : memref<128x128xf32, #tpu.memory_space<vmem>>, vector<128x128xf32>
    %dot_general3A_31 = arith.constant dense<0.000000e+00> : vector<1000x128xf32>
    %dot_general3A_32 = tpu.matmul %add3A_19, %get3A_30, %dot_general3A_31 {dimension_numbers = #tpu.dot_dimension_numbers<[1], [0], [0], [1], [0, 0, 1, 1], [], []>, transpose_lhs_hint = false} : vector<1000x128xf32>, vector<128x128xf32>, vector<1000x128xf32> -> vector<1000x128xf32>
    %add3A_33 = arith.addf %dot_general3A_27, %dot_general3A_32 : vector<1000x128xf32>
    %mul3A = vector.broadcast %div3A_23 : vector<1000x1xf32> to vector<1000x128xf32>
    %mul3A_34 = arith.mulf %add3A_33, %mul3A : vector<1000x128xf32>
    %get3A_35 = arith.constant 0 : index
    %get3A_36 = arith.constant 0 : index
    %get3A_37 = vector.load %arg1[%get3A_35, %get3A_36] : memref<1000x128xf32, #tpu.memory_space<vmem>>, vector<1000x128xf32>
    %get3A_38 = arith.constant 0 : index
    %get3A_39 = arith.constant 0 : index
    %get3A_40 = vector.load %arg4[%get3A_38, %get3A_39] : memref<128x128xf32, #tpu.memory_space<vmem>>, vector<128x128xf32>
    %dot_general3A_41 = arith.constant dense<0.000000e+00> : vector<1000x128xf32>
    %dot_general3A_42 = tpu.matmul %get3A_37, %get3A_40, %dot_general3A_41 {dimension_numbers = #tpu.dot_dimension_numbers<[1], [0], [0], [1], [0, 0, 1, 1], [], []>, transpose_lhs_hint = false} : vector<1000x128xf32>, vector<128x128xf32>, vector<1000x128xf32> -> vector<1000x128xf32>
    %add3A_43 = arith.addf %dot_general3A_42, %mul3A_34 : vector<1000x128xf32>
    %get3A_44 = arith.constant 0 : index
    %get3A_45 = arith.constant 0 : index
    %get3A_46 = vector.load %arg7[%get3A_44, %get3A_45] : memref<1x128xf32, #tpu.memory_space<vmem>>, vector<1x128xf32>
    %add3A_47 = vector.broadcast %get3A_46 : vector<1x128xf32> to vector<1000x128xf32>
    %add3A_48 = arith.addf %add3A_43, %add3A_47 : vector<1000x128xf32>
    %max3A_49 = arith.constant 0.000000e+00 : f32
    %max3A_50 = vector.broadcast %max3A_49 : f32 to vector<1000x128xf32>
    %max3A_51 = arith.maximumf %add3A_48, %max3A_50 : vector<1000x128xf32>
    %swap3A = arith.constant 0 : index
    %swap3A_52 = arith.constant 0 : index
    %swap3A_53 = vector.load %arg8[%swap3A, %swap3A_52] : memref<1000x128xf32, #tpu.memory_space<vmem>>, vector<1000x128xf32>
    tpu.vector_store %arg8[%swap3A, %swap3A_52], %max3A_51 {strides = array<i32>} : memref<1000x128xf32, #tpu.memory_space<vmem>>, vector<1000x128xf32>,
    return
  }
  func.func @transform_0(%arg0: i32) -> (i32, i32) {
    %c0_i32 = arith.constant 0 : i32
    %c0_i32_0 = arith.constant 0 : i32
    return %arg0, %c0_i32 : i32, i32
  }
  func.func @transform_1(%arg0: i32) -> (i32, i32, i32) {
    %c0_i32 = arith.constant 0 : i32
    %c0_i32_0 = arith.constant 0 : i32
    %c0_i32_1 = arith.constant 0 : i32
    return %c0_i32, %arg0, %c0_i32_0 : i32, i32, i32
  }
  func.func @transform_2(%arg0: i32) -> (i32, i32, i32) {
    %c0_i32 = arith.constant 0 : i32
    %c0_i32_0 = arith.constant 0 : i32
    %c0_i32_1 = arith.constant 0 : i32
    return %c0_i32, %arg0, %c0_i32_0 : i32, i32, i32
  }
  func.func @transform_3(%arg0: i32) -> (i32, i32) {
    %c0_i32 = arith.constant 0 : i32
    %c0_i32_0 = arith.constant 0 : i32
    %c0_i32_1 = arith.constant 0 : i32
    return %c0_i32, %c0_i32_0 : i32, i32
  }
  func.func @transform_4(%arg0: i32) -> (i32, i32) {
    %c0_i32 = arith.constant 0 : i32
    %c0_i32_0 = arith.constant 0 : i32
    %c0_i32_1 = arith.constant 0 : i32
    return %c0_i32, %c0_i32_0 : i32, i32
  }
  func.func @transform_5(%arg0: i32) -> (i32, i32) {
    %c0_i32 = arith.constant 0 : i32
    %c0_i32_0 = arith.constant 0 : i32
    %c0_i32_1 = arith.constant 0 : i32
    return %c0_i32, %c0_i32_0 : i32, i32
  }
  func.func @transform_6(%arg0: i32) -> (i32, i32) {
    %c0_i32 = arith.constant 0 : i32
    %c0_i32_0 = arith.constant 0 : i32
    %c0_i32_1 = arith.constant 0 : i32
    return %c0_i32, %c0_i32_0 : i32, i32
  }
  func.func @transform_7(%arg0: i32) -> (i32, i32) {
    %c0_i32 = arith.constant 0 : i32
    %c0_i32_0 = arith.constant 0 : i32
    return %arg0, %c0_i32 : i32, i32
  }
}

module attributes {stable_mosaic.version = 14 : i64} {
  func.func @_final_block(%arg0: i32, %arg1: memref<1000x128xf32, #tpu.memory_space<vmem>>, %arg2: memref<2x1000x128xf32, #tpu.memory_space<vmem>>, %arg3: memref<2x1000x128xf32, #tpu.memory_space<vmem>>, %arg4: memref<1x1x1000xi32, #tpu.memory_space<vmem>>, %arg5: memref<128x128xf32, #tpu.memory_space<vmem>>, %arg6: memref<128x128xf32, #tpu.memory_space<vmem>>, %arg7: memref<128x128xf32, #tpu.memory_space<vmem>>, %arg8: memref<1x128xf32, #tpu.memory_space<vmem>>, %arg9: memref<1x128xf32, #tpu.memory_space<vmem>>, %arg10: memref<1x1xf32, #tpu.memory_space<vmem>>, %arg11: memref<128x1024xf32, #tpu.memory_space<vmem>>, %arg12: memref<1x1024xf32, #tpu.memory_space<vmem>>, %arg13: memref<64x1xf32, #tpu.memory_space<vmem>>, %arg14: memref<64x1024xf32, #tpu.memory_space<vmem>>, %arg15: memref<64x128xf32, #tpu.memory_space<vmem>>, %arg16: memref<64x128xf32, #tpu.memory_space<vmem>>) attributes {dimension_semantics = [#tpu.dimension_semantics<arbitrary>], iteration_bounds = array<i64: 10>, scalar_prefetch = 0 : i64, scratch_operands = 2 : i64, tpu.core_type = #tpu.core_type<tc>, window_params = [{transform_indices = @transform_0, window_bounds = array<i64: 1000, 128>}, {transform_indices = @transform_1, window_bounds = array<i64: 2, 1000, 128>}, {transform_indices = @transform_2, window_bounds = array<i64: 2, 1000, 128>}, {transform_indices = @transform_3, window_bounds = array<i64: 1, 1, 1000>}, {pipeline_mode = #tpu.pipeline_mode<synchronous>, transform_indices = @transform_4, window_bounds = array<i64: 128, 128>}, {pipeline_mode = #tpu.pipeline_mode<synchronous>, transform_indices = @transform_5, window_bounds = array<i64: 128, 128>}, {pipeline_mode = #tpu.pipeline_mode<synchronous>, transform_indices = @transform_6, window_bounds = array<i64: 128, 128>}, {pipeline_mode = #tpu.pipeline_mode<synchronous>, transform_indices = @transform_7, window_bounds = array<i64: 1, 128>}, {pipeline_mode = #tpu.pipeline_mode<synchronous>, transform_indices = @transform_8, window_bounds = array<i64: 1, 128>}, {pipeline_mode = #tpu.pipeline_mode<synchronous>, transform_indices = @transform_9, window_bounds = array<i64: 1, 1>}, {pipeline_mode = #tpu.pipeline_mode<synchronous>, transform_indices = @transform_10, window_bounds = array<i64: 128, 1024>}, {pipeline_mode = #tpu.pipeline_mode<synchronous>, transform_indices = @transform_11, window_bounds = array<i64: 1, 1024>}, {pipeline_mode = #tpu.pipeline_mode<synchronous>, transform_indices = @transform_12, window_bounds = array<i64: 64, 1>}, {pipeline_mode = #tpu.pipeline_mode<synchronous>, transform_indices = @transform_13, window_bounds = array<i64: 64, 1024>}]} {
    %eq3A = arith.constant 0 : i32
    %eq3A_0 = arith.cmpi eq, %arg0, %eq3A : i32
    %convert_element_type3A = arith.extui %eq3A_0 : i1 to i32
    %cond3A = arith.constant 0 : i32
    %cond3A_1 = arith.cmpi ne, %convert_element_type3A, %cond3A : i32
    scf.if %cond3A_1 {
      %broadcast_in_dim3A_87 = arith.constant 0.000000e+00 : f32
      %broadcast_in_dim3A_88 = vector.broadcast %broadcast_in_dim3A_87 : f32 to vector<64x128xf32>
      %swap3A_89 = arith.constant 0 : index
      %swap3A_90 = arith.constant 0 : index
      %swap3A_91 = vector.load %arg15[%swap3A_89, %swap3A_90] : memref<64x128xf32, #tpu.memory_space<vmem>>, vector<64x128xf32>
      tpu.vector_store %arg15[%swap3A_89, %swap3A_90], %broadcast_in_dim3A_88 {strides = array<i32>} : memref<64x128xf32, #tpu.memory_space<vmem>>, vector<64x128xf32>,
      %broadcast_in_dim3A_92 = arith.constant 0.000000e+00 : f32
      %broadcast_in_dim3A_93 = vector.broadcast %broadcast_in_dim3A_92 : f32 to vector<64x128xf32>
      %swap3A_94 = arith.constant 0 : index
      %swap3A_95 = arith.constant 0 : index
      %swap3A_96 = vector.load %arg16[%swap3A_94, %swap3A_95] : memref<64x128xf32, #tpu.memory_space<vmem>>, vector<64x128xf32>
      tpu.vector_store %arg16[%swap3A_94, %swap3A_95], %broadcast_in_dim3A_93 {strides = array<i32>} : memref<64x128xf32, #tpu.memory_space<vmem>>, vector<64x128xf32>,
    } else {
    }
    %get3A = arith.constant 0 : index
    %get3A_2 = arith.constant 0 : index
    %get3A_3 = arith.constant 0 : index
    %get3A_4 = vector.load %arg2[%get3A, %get3A_2, %get3A_3] : memref<2x1000x128xf32, #tpu.memory_space<vmem>>, vector<1x1000x128xf32>
    %get3A_5 = vector.shape_cast %get3A_4 : vector<1x1000x128xf32> to vector<1000x128xf32>
    %get3A_6 = arith.constant 1 : index
    %get3A_7 = arith.constant 0 : index
    %get3A_8 = arith.constant 0 : index
    %get3A_9 = vector.load %arg2[%get3A_6, %get3A_7, %get3A_8] : memref<2x1000x128xf32, #tpu.memory_space<vmem>>, vector<1x1000x128xf32>
    %get3A_10 = vector.shape_cast %get3A_9 : vector<1x1000x128xf32> to vector<1000x128xf32>
    %add3A = arith.addf %get3A_5, %get3A_10 : vector<1000x128xf32>
    %get3A_11 = arith.constant 0 : index
    %get3A_12 = arith.constant 0 : index
    %get3A_13 = arith.constant 0 : index
    %get3A_14 = vector.load %arg3[%get3A_11, %get3A_12, %get3A_13] : memref<2x1000x128xf32, #tpu.memory_space<vmem>>, vector<1x1000x128xf32>
    %get3A_15 = vector.shape_cast %get3A_14 : vector<1x1000x128xf32> to vector<1000x128xf32>
    %get3A_16 = arith.constant 1 : index
    %get3A_17 = arith.constant 0 : index
    %get3A_18 = arith.constant 0 : index
    %get3A_19 = vector.load %arg3[%get3A_16, %get3A_17, %get3A_18] : memref<2x1000x128xf32, #tpu.memory_space<vmem>>, vector<1x1000x128xf32>
    %get3A_20 = vector.shape_cast %get3A_19 : vector<1x1000x128xf32> to vector<1000x128xf32>
    %add3A_21 = arith.addf %get3A_15, %get3A_20 : vector<1000x128xf32>
    %slice3A = vector.extract_strided_slice %add3A_21 {offsets = [0, 16], sizes = [1000, 1], strides = [1, 1]} : vector<1000x128xf32> to vector<1000x1xf32>
    %max3A = arith.constant 1.000000e+00 : f32
    %max3A_22 = vector.broadcast %max3A : f32 to vector<1000x1xf32>
    %max3A_23 = arith.maximumf %slice3A, %max3A_22 : vector<1000x1xf32>
    %div3A = arith.constant 1.000000e+00 : f32
    %div3A_24 = vector.broadcast %div3A : f32 to vector<1000x1xf32>
    %div3A_25 = arith.divf %div3A_24, %max3A_23 : vector<1000x1xf32>
    %get3A_26 = arith.constant 0 : index
    %get3A_27 = arith.constant 0 : index
    %get3A_28 = vector.load %arg6[%get3A_26, %get3A_27] : memref<128x128xf32, #tpu.memory_space<vmem>>, vector<128x128xf32>
    %dot_general3A = arith.constant dense<0.000000e+00> : vector<1000x128xf32>
    %dot_general3A_29 = tpu.matmul %add3A, %get3A_28, %dot_general3A {dimension_numbers = #tpu.dot_dimension_numbers<[1], [0], [0], [1], [0, 0, 1, 1], [], []>, transpose_lhs_hint = false} : vector<1000x128xf32>, vector<128x128xf32>, vector<1000x128xf32> -> vector<1000x128xf32>
    %get3A_30 = arith.constant 0 : index
    %get3A_31 = arith.constant 0 : index
    %get3A_32 = vector.load %arg7[%get3A_30, %get3A_31] : memref<128x128xf32, #tpu.memory_space<vmem>>, vector<128x128xf32>
    %dot_general3A_33 = arith.constant dense<0.000000e+00> : vector<1000x128xf32>
    %dot_general3A_34 = tpu.matmul %add3A_21, %get3A_32, %dot_general3A_33 {dimension_numbers = #tpu.dot_dimension_numbers<[1], [0], [0], [1], [0, 0, 1, 1], [], []>, transpose_lhs_hint = false} : vector<1000x128xf32>, vector<128x128xf32>, vector<1000x128xf32> -> vector<1000x128xf32>
    %add3A_35 = arith.addf %dot_general3A_29, %dot_general3A_34 : vector<1000x128xf32>
    %mul3A = vector.broadcast %div3A_25 : vector<1000x1xf32> to vector<1000x128xf32>
    %mul3A_36 = arith.mulf %add3A_35, %mul3A : vector<1000x128xf32>
    %get3A_37 = arith.constant 0 : index
    %get3A_38 = arith.constant 0 : index
    %get3A_39 = vector.load %arg1[%get3A_37, %get3A_38] : memref<1000x128xf32, #tpu.memory_space<vmem>>, vector<1000x128xf32>
    %get3A_40 = arith.constant 0 : index
    %get3A_41 = arith.constant 0 : index
    %get3A_42 = vector.load %arg5[%get3A_40, %get3A_41] : memref<128x128xf32, #tpu.memory_space<vmem>>, vector<128x128xf32>
    %dot_general3A_43 = arith.constant dense<0.000000e+00> : vector<1000x128xf32>
    %dot_general3A_44 = tpu.matmul %get3A_39, %get3A_42, %dot_general3A_43 {dimension_numbers = #tpu.dot_dimension_numbers<[1], [0], [0], [1], [0, 0, 1, 1], [], []>, transpose_lhs_hint = false} : vector<1000x128xf32>, vector<128x128xf32>, vector<1000x128xf32> -> vector<1000x128xf32>
    %add3A_45 = arith.addf %dot_general3A_44, %mul3A_36 : vector<1000x128xf32>
    %get3A_46 = arith.constant 0 : index
    %get3A_47 = arith.constant 0 : index
    %get3A_48 = vector.load %arg8[%get3A_46, %get3A_47] : memref<1x128xf32, #tpu.memory_space<vmem>>, vector<1x128xf32>
    %add3A_49 = vector.broadcast %get3A_48 : vector<1x128xf32> to vector<1000x128xf32>
    %add3A_50 = arith.addf %add3A_45, %add3A_49 : vector<1000x128xf32>
    %max3A_51 = arith.constant 0.000000e+00 : f32
    %max3A_52 = vector.broadcast %max3A_51 : f32 to vector<1000x128xf32>
    %max3A_53 = arith.maximumf %add3A_50, %max3A_52 : vector<1000x128xf32>
    %get3A_54 = arith.constant 0 : index
    %get3A_55 = arith.constant 0 : index
    %get3A_56 = arith.constant 0 : index
    %get3A_57 = vector.load %arg4[%get3A_54, %get3A_55, %get3A_56] : memref<1x1x1000xi32, #tpu.memory_space<vmem>>, vector<1x1x1000xi32>
    %get3A_58 = vector.shape_cast %get3A_57 : vector<1x1x1000xi32> to vector<1000xi32>
    %iota3A = tpu.iota {dimensions = array<i32: 0>} : vector<64x1000xi32>
    %broadcast_in_dim3A = vector.shape_cast %get3A_58 : vector<1000xi32> to vector<1x1000xi32>
    %eq3A_59 = vector.broadcast %broadcast_in_dim3A : vector<1x1000xi32> to vector<64x1000xi32>
    %eq3A_60 = arith.cmpi eq, %iota3A, %eq3A_59 : vector<64x1000xi32>
    %convert_element_type3A_61 = arith.extui %eq3A_60 : vector<64x1000xi1> to vector<64x1000xi32>
    %convert_element_type3A_62 = arith.sitofp %convert_element_type3A_61 : vector<64x1000xi32> to vector<64x1000xf32>
    %get3A_63 = arith.constant 0 : index
    %get3A_64 = arith.constant 0 : index
    %get3A_65 = vector.load %arg15[%get3A_63, %get3A_64] : memref<64x128xf32, #tpu.memory_space<vmem>>, vector<64x128xf32>
    %dot_general3A_66 = arith.constant dense<0.000000e+00> : vector<64x128xf32>
    %dot_general3A_67 = tpu.matmul %convert_element_type3A_62, %max3A_53, %dot_general3A_66 {dimension_numbers = #tpu.dot_dimension_numbers<[1], [0], [0], [1], [0, 0, 1, 1], [], []>, precision = #tpu.contract_precision<fp32>, transpose_lhs_hint = false} : vector<64x1000xf32>, vector<1000x128xf32>, vector<64x128xf32> -> vector<64x128xf32>
    %add3A_68 = arith.addf %get3A_65, %dot_general3A_67 : vector<64x128xf32>
    %swap3A = arith.constant 0 : index
    %swap3A_69 = arith.constant 0 : index
    %swap3A_70 = vector.load %arg15[%swap3A, %swap3A_69] : memref<64x128xf32, #tpu.memory_space<vmem>>, vector<64x128xf32>
    tpu.vector_store %arg15[%swap3A, %swap3A_69], %add3A_68 {strides = array<i32>} : memref<64x128xf32, #tpu.memory_space<vmem>>, vector<64x128xf32>,
    %get3A_71 = arith.constant 0 : index
    %get3A_72 = arith.constant 0 : index
    %get3A_73 = vector.load %arg16[%get3A_71, %get3A_72] : memref<64x128xf32, #tpu.memory_space<vmem>>, vector<64x128xf32>
    %reduce_sum3A = arith.constant dense<0.000000e+00> : vector<64xf32>
    %reduce_sum3A_74 = vector.multi_reduction <add>, %convert_element_type3A_62, %reduce_sum3A [1] : vector<64x1000xf32> to vector<64xf32>
    %broadcast_in_dim3A_75 = vector.shape_cast %reduce_sum3A_74 : vector<64xf32> to vector<64x1xf32>
    %broadcast_in_dim3A_76 = vector.shape_cast %broadcast_in_dim3A_75 : vector<64x1xf32> to vector<64x1xf32>
    %broadcast_in_dim3A_77 = vector.broadcast %broadcast_in_dim3A_76 : vector<64x1xf32> to vector<64x128xf32>
    %add3A_78 = arith.addf %get3A_73, %broadcast_in_dim3A_77 : vector<64x128xf32>
    %swap3A_79 = arith.constant 0 : index
    %swap3A_80 = arith.constant 0 : index
    %swap3A_81 = vector.load %arg16[%swap3A_79, %swap3A_80] : memref<64x128xf32, #tpu.memory_space<vmem>>, vector<64x128xf32>
    tpu.vector_store %arg16[%swap3A_79, %swap3A_80], %add3A_78 {strides = array<i32>} : memref<64x128xf32, #tpu.memory_space<vmem>>, vector<64x128xf32>,
    %eq3A_82 = arith.constant 9 : i32
    %eq3A_83 = arith.cmpi eq, %arg0, %eq3A_82 : i32
    %convert_element_type3A_84 = arith.extui %eq3A_83 : i1 to i32
    %cond3A_85 = arith.constant 0 : i32
    %cond3A_86 = arith.cmpi ne, %convert_element_type3A_84, %cond3A_85 : i32
    scf.if %cond3A_86 {
      %get3A_87 = arith.constant 0 : index
      %get3A_88 = arith.constant 0 : index
      %get3A_89 = vector.load %arg15[%get3A_87, %get3A_88] : memref<64x128xf32, #tpu.memory_space<vmem>>, vector<64x128xf32>
      %get3A_90 = arith.constant 0 : index
      %get3A_91 = arith.constant 0 : index
      %get3A_92 = vector.load %arg16[%get3A_90, %get3A_91] : memref<64x128xf32, #tpu.memory_space<vmem>>, vector<64x128xf32>
      %max3A_93 = arith.constant 1.000000e+00 : f32
      %max3A_94 = vector.broadcast %max3A_93 : f32 to vector<64x128xf32>
      %max3A_95 = arith.maximumf %get3A_92, %max3A_94 : vector<64x128xf32>
      %div3A_96 = arith.divf %get3A_89, %max3A_95 : vector<64x128xf32>
      %get3A_97 = arith.constant 0 : index
      %get3A_98 = arith.constant 0 : index
      %get3A_99 = vector.load %arg9[%get3A_97, %get3A_98] : memref<1x128xf32, #tpu.memory_space<vmem>>, vector<1x128xf32>
      %mul3A_100 = vector.broadcast %get3A_99 : vector<1x128xf32> to vector<64x128xf32>
      %mul3A_101 = arith.mulf %div3A_96, %mul3A_100 : vector<64x128xf32>
      %reduce_sum3A_102 = arith.constant dense<0.000000e+00> : vector<64xf32>
      %reduce_sum3A_103 = vector.multi_reduction <add>, %mul3A_101, %reduce_sum3A_102 [1] : vector<64x128xf32> to vector<64xf32>
      %broadcast_in_dim3A_104 = vector.shape_cast %reduce_sum3A_103 : vector<64xf32> to vector<64x1xf32>
      %get3A_105 = arith.constant 0 : index
      %get3A_106 = arith.constant 0 : index
      %get3A_107 = vector.load %arg10[%get3A_105, %get3A_106] : memref<1x1xf32, #tpu.memory_space<vmem>>, vector<1x1xf32>
      %add3A_108 = vector.broadcast %get3A_107 : vector<1x1xf32> to vector<64x1xf32>
      %add3A_109 = arith.addf %broadcast_in_dim3A_104, %add3A_108 : vector<64x1xf32>
      %tanh3A = math.tanh %add3A_109 : vector<64x1xf32>
      %swap3A_110 = arith.constant 0 : index
      %swap3A_111 = arith.constant 0 : index
      %swap3A_112 = vector.load %arg13[%swap3A_110, %swap3A_111] : memref<64x1xf32, #tpu.memory_space<vmem>>, vector<64x1xf32>
      tpu.vector_store %arg13[%swap3A_110, %swap3A_111], %tanh3A {strides = array<i32>} : memref<64x1xf32, #tpu.memory_space<vmem>>, vector<64x1xf32>,
      %get3A_113 = arith.constant 0 : index
      %get3A_114 = arith.constant 0 : index
      %get3A_115 = vector.load %arg11[%get3A_113, %get3A_114] : memref<128x1024xf32, #tpu.memory_space<vmem>>, vector<128x1024xf32>
      %dot_general3A_116 = arith.constant dense<0.000000e+00> : vector<64x1024xf32>
      %dot_general3A_117 = tpu.matmul %div3A_96, %get3A_115, %dot_general3A_116 {dimension_numbers = #tpu.dot_dimension_numbers<[1], [0], [0], [1], [0, 0, 1, 1], [], []>, transpose_lhs_hint = false} : vector<64x128xf32>, vector<128x1024xf32>, vector<64x1024xf32> -> vector<64x1024xf32>
      %get3A_118 = arith.constant 0 : index
      %get3A_119 = arith.constant 0 : index
      %get3A_120 = vector.load %arg12[%get3A_118, %get3A_119] : memref<1x1024xf32, #tpu.memory_space<vmem>>, vector<1x1024xf32>
      %add3A_121 = vector.broadcast %get3A_120 : vector<1x1024xf32> to vector<64x1024xf32>
      %add3A_122 = arith.addf %dot_general3A_117, %add3A_121 : vector<64x1024xf32>
      %reduce_max3A = arith.constant dense<0xFF800000> : vector<64xf32>
      %reduce_max3A_123 = vector.multi_reduction <maximumf>, %add3A_122, %reduce_max3A [1] : vector<64x1024xf32> to vector<64xf32>
      %broadcast_in_dim3A_124 = vector.shape_cast %reduce_max3A_123 : vector<64xf32> to vector<64x1xf32>
      %sub3A = vector.broadcast %broadcast_in_dim3A_124 : vector<64x1xf32> to vector<64x1024xf32>
      %sub3A_125 = arith.subf %add3A_122, %sub3A : vector<64x1024xf32>
      %exp3A = math.exp %sub3A_125 : vector<64x1024xf32>
      %reduce_sum3A_126 = arith.constant dense<0.000000e+00> : vector<64xf32>
      %reduce_sum3A_127 = vector.multi_reduction <add>, %exp3A, %reduce_sum3A_126 [1] : vector<64x1024xf32> to vector<64xf32>
      %broadcast_in_dim3A_128 = vector.shape_cast %reduce_sum3A_127 : vector<64xf32> to vector<64x1xf32>
      %div3A_129 = vector.broadcast %broadcast_in_dim3A_128 : vector<64x1xf32> to vector<64x1024xf32>
      %div3A_130 = arith.divf %exp3A, %div3A_129 : vector<64x1024xf32>
      %swap3A_131 = arith.constant 0 : index
      %swap3A_132 = arith.constant 0 : index
      %swap3A_133 = vector.load %arg14[%swap3A_131, %swap3A_132] : memref<64x1024xf32, #tpu.memory_space<vmem>>, vector<64x1024xf32>
      tpu.vector_store %arg14[%swap3A_131, %swap3A_132], %div3A_130 {strides = array<i32>} : memref<64x1024xf32, #tpu.memory_space<vmem>>, vector<64x1024xf32>,
    } else {
    }
    return
  }
  func.func @transform_0(%arg0: i32) -> (i32, i32) {
    %c0_i32 = arith.constant 0 : i32
    %c0_i32_0 = arith.constant 0 : i32
    return %arg0, %c0_i32 : i32, i32
  }
  func.func @transform_1(%arg0: i32) -> (i32, i32, i32) {
    %c0_i32 = arith.constant 0 : i32
    %c0_i32_0 = arith.constant 0 : i32
    %c0_i32_1 = arith.constant 0 : i32
    return %c0_i32, %arg0, %c0_i32_0 : i32, i32, i32
  }
  func.func @transform_2(%arg0: i32) -> (i32, i32, i32) {
    %c0_i32 = arith.constant 0 : i32
    %c0_i32_0 = arith.constant 0 : i32
    %c0_i32_1 = arith.constant 0 : i32
    return %c0_i32, %arg0, %c0_i32_0 : i32, i32, i32
  }
  func.func @transform_3(%arg0: i32) -> (i32, i32, i32) {
    %c0_i32 = arith.constant 0 : i32
    %c0_i32_0 = arith.constant 0 : i32
    %c0_i32_1 = arith.constant 0 : i32
    return %arg0, %c0_i32, %c0_i32_0 : i32, i32, i32
  }
  func.func @transform_4(%arg0: i32) -> (i32, i32) {
    %c0_i32 = arith.constant 0 : i32
    %c0_i32_0 = arith.constant 0 : i32
    %c0_i32_1 = arith.constant 0 : i32
    return %c0_i32, %c0_i32_0 : i32, i32
  }
  func.func @transform_5(%arg0: i32) -> (i32, i32) {
    %c0_i32 = arith.constant 0 : i32
    %c0_i32_0 = arith.constant 0 : i32
    %c0_i32_1 = arith.constant 0 : i32
    return %c0_i32, %c0_i32_0 : i32, i32
  }
  func.func @transform_6(%arg0: i32) -> (i32, i32) {
    %c0_i32 = arith.constant 0 : i32
    %c0_i32_0 = arith.constant 0 : i32
    %c0_i32_1 = arith.constant 0 : i32
    return %c0_i32, %c0_i32_0 : i32, i32
  }
  func.func @transform_7(%arg0: i32) -> (i32, i32) {
    %c0_i32 = arith.constant 0 : i32
    %c0_i32_0 = arith.constant 0 : i32
    %c0_i32_1 = arith.constant 0 : i32
    return %c0_i32, %c0_i32_0 : i32, i32
  }
  func.func @transform_8(%arg0: i32) -> (i32, i32) {
    %c0_i32 = arith.constant 0 : i32
    %c0_i32_0 = arith.constant 0 : i32
    %c0_i32_1 = arith.constant 0 : i32
    return %c0_i32, %c0_i32_0 : i32, i32
  }
  func.func @transform_9(%arg0: i32) -> (i32, i32) {
    %c0_i32 = arith.constant 0 : i32
    %c0_i32_0 = arith.constant 0 : i32
    %c0_i32_1 = arith.constant 0 : i32
    return %c0_i32, %c0_i32_0 : i32, i32
  }
  func.func @transform_10(%arg0: i32) -> (i32, i32) {
    %c0_i32 = arith.constant 0 : i32
    %c0_i32_0 = arith.constant 0 : i32
    %c0_i32_1 = arith.constant 0 : i32
    return %c0_i32, %c0_i32_0 : i32, i32
  }
  func.func @transform_11(%arg0: i32) -> (i32, i32) {
    %c0_i32 = arith.constant 0 : i32
    %c0_i32_0 = arith.constant 0 : i32
    %c0_i32_1 = arith.constant 0 : i32
    return %c0_i32, %c0_i32_0 : i32, i32
  }
  func.func @transform_12(%arg0: i32) -> (i32, i32) {
    %c0_i32 = arith.constant 0 : i32
    %c0_i32_0 = arith.constant 0 : i32
    %c0_i32_1 = arith.constant 0 : i32
    return %c0_i32, %c0_i32_0 : i32, i32
  }
  func.func @transform_13(%arg0: i32) -> (i32, i32) {
    %c0_i32 = arith.constant 0 : i32
    %c0_i32_0 = arith.constant 0 : i32
    %c0_i32_1 = arith.constant 0 : i32
    return %c0_i32, %c0_i32_0 : i32, i32
  }
}

</mosaic_0001>

<sc_bundles>
// kernel: kernel.10.cloned.1.call-start
scs
__scs_entry_jumppad:
0x0: {  	(pc) =	sbr.rel $0x88, $3  }
0x1: {  	(tag) =	ssettag $0x0;
	lr =	simm.s32 $0x1  }
0x2: {  	[smem:$0x3F91] =	sst lr;
	_ =	strace $0xD0000000  }
0x3: {  	_ = 	snop  }
0x4: {  	_ = 	snop  }
0x5: {  	_ = 	snop  }
0x6: {  	_ = 	snop  }
0x7: {  	_ = 	snop  }
__scs_overlays_trampoline_lowered:
0x8: {  	[smem:$0x3FA0] =	sst s0  }
0x9: {  	[smem:$0x3FA1] =	sst s1  }
0xa: {  	[smem:$0x3FA2] =	sst s2  }
0xb: {  	[smem:$0x3FA3] =	sst s3  }
0xc: {  	[smem:$0x3FA4] =	sst s4  }
0xd: {  	[smem:$0x3FA5] =	sst s5  }
0xe: {  	[smem:$0x3FA6] =	sst s6  }
0xf: {  	[smem:$0x3FA7] =	sst s7  }
0x10: {  	[smem:$0x3FA8] =	sst s8  }
0x11: {  	[smem:$0x3FA9] =	sst s9;
	s0 =	simm.s32 @!p0 $0x0  }
0x12: {  	s1 =	sld [smem:$0x3F8F];
	s0 =	simm.s32 @p0 $0x1  }
0x13: {  	[smem:$0x3FAA] =	sst s0;
	s0 =	simm.s32 @!p1 $0x0  }
0x14: {  	s2 =	sld [smem:$0x3F8E];
	s0 =	simm.s32 @p1 $0x1  }
0x15: {  	[smem:$0x3FAB] =	sst s0;
	s0 =	simm.s32 @!p2 $0x0  }
0x16: {  	s3 =	sld [smem:$0x3FDB];
	s0 =	simm.s32 @p2 $0x1  }
0x17: {  	s4 =	simm.s32 $0x1BF5;
	[smem:$0x3FAD] =	sst s0  }
0x18: {  	s0 =	sld [smem:$0x3F90];
	_ =	swait.ge [sflag:s4], $0x0  }
0x19: {  	s7 =	sld [smem:$0x3F91]  }
0x1a: {  	s8 =	sadd.s32 $0xFFFFE003, lr  }
0x1b: {  	s9 =	sadd.s32 $0xFFFFFEF7, lr;
	s5 =	simm.s32 $0xFFFFFFFF;
	p2 =	slt.u32 s8, $0xFFFFF086  }
0x1c: {  	p1 =	slt.u32 s9, $0xF7A;
	s5 =	simm.s32 @!p2 $0x0  }
0x1d: {  	s5 =	simm.s32 @p1 $0x1;
	p0 =	seq.s32 s7, s2  }
0x1e: {  	s7 =	smul.u32 @!p0 $0xF7A, s2;
	p2 =	seq.s32 @!p0 s5, $0x0  }
0x1f: {  	s9 =	smul.u32 $0xF7A, s1;
	s8 =	simm.s32 @!p0 $0x1BF5;
	p2 =	por !p2, p0  }
0x20: {  	[sflag:s8] =	ssyncset.s32 @!p0 $0xFFFFF086;
	s6 =	sadd.s32 @!p0 s3, s7;
	s7 =	simm.s32 @!p0 $0x108  }
0x21: {  	s3 =	sadd.s32 s3, s9;
	s6 =	sadd.s32 @!p0 $0x88, s6;
	s7 =	simm.s32 @p2 $0x1082  }
0x22: {  	[simem:s7], [sflag:s8] =	dma.local @!p0 [hbm:s6], $0xF7A  }
0x23: {  	s9 =	sor.u32 $0xD0000000, s2;
	s6 =	simm.s32 $0x108;
	_ =	swait.ge @!p0 [sflag:s8], $0x0  }
0x24: {  	s3 =	sadd.s32 $0x88, s3;
	s6 =	simm.s32 @!p1 $0x1082;
	[sflag:s4] =	ssyncset.s32 $0xFFFFF086  }
0x25: {  	[simem:s6], [sflag:s4] =	dma.local [hbm:s3], $0xF7A  }
0x26: {  	[smem:$0x3F91] =	sst s1;
	(tag) =	ssettag s2;
	_ =	strace s9  }
0x27: {  	s1 =	sld [smem:$0x3FA1]  }
0x28: {  	s2 =	sld [smem:$0x3FA2]  }
0x29: {  	s4 =	sld [smem:$0x3FA4]  }
0x2a: {  	p0 =	seq.s32 s5, $0x0;
	s5 =	sld [smem:$0x3FA5]  }
0x2b: {  	s6 =	sld [smem:$0x3FA6]  }
0x2c: {  	s7 =	sld [smem:$0x3FA7]  }
0x2d: {  	s3 =	simm.s32 $0x108;
	s8 =	sld [smem:$0x3FA8]  }
0x2e: {  	s3 =	simm.s32 @!p0 $0x1082;
	s9 =	sld [smem:$0x3FA9]  }
0x2f: {  	lr =	sadd.s32 s0, s3;
	s0 =	sld [smem:$0x3FA0]  }
0x30: {  	s3 =	sld [smem:$0x3FA3]  }
0x31: {  	[smem:$0x3FAC] =	sst s10  }
0x32: {  	s10 =	sld [smem:$0x3FAA];
	_ =	sdelay $0x3  }
0x33: {  	p0 =	seq.s32 s10, $0x1;
	s10 =	sld [smem:$0x3FAC];
	_ =	sdelay $0x3  }
0x34: {  	[smem:$0x3FAC] =	sst s10  }
0x35: {  	s10 =	sld [smem:$0x3FAB];
	_ =	sdelay $0x3  }
0x36: {  	p1 =	seq.s32 s10, $0x1;
	s10 =	sld [smem:$0x3FAC];
	_ =	sdelay $0x3  }
0x37: {  	[smem:$0x3FAC] =	sst s10  }
0x38: {  	s10 =	sld [smem:$0x3FAD]  }
0x39: {  	_ = 	snop;
	(pc) =	sbr.ind lr, $3  }
0x3a: {  	_ = 	snop  }
0x3b: {  	_ = 	snop  }
0x3c: {  	p2 =	seq.s32 s10, $0x1;
	s10 =	sld [smem:$0x3FAC]  }
0x3d: {  	_ =	shalt  }
0x3e: {  	_ =	shalt  }
0x3f: {  	_ =	shalt  }
0x40: {  	_ =	shalt  }
0x41: {  	_ =	shalt  }
0x42: {  	_ =	shalt  }
0x43: {  	_ =	shalt  }
0x44: {  	_ =	shalt  }
0x45: {  	_ =	shalt  }
0x46: {  	_ =	shalt  }
0x47: {  	_ =	shalt  }
0x48: {  	_ =	shalt  }
0x49: {  	_ =	shalt  }
0x4a: {  	_ =	shalt  }
0x4b: {  	_ =	shalt  }
0x4c: {  	_ =	shalt  }
0x4d: {  	_ =	shalt  }
0x4e: {  	_ =	shalt  }
0x4f: {  	_ =	shalt  }
0x50: {  	_ =	shalt  }
0x51: {  	_ =	shalt  }
0x52: {  	_ =	shalt  }
0x53: {  	_ =	shalt  }
0x54: {  	_ =	shalt  }
0x55: {  	_ =	shalt  }
0x56: {  	_ =	shalt  }
0x57: {  	_ =	shalt  }
0x58: {  	_ =	shalt  }
0x59: {  	_ =	shalt  }
0x5a: {  	_ =	shalt  }
0x5b: {  	_ =	shalt  }
0x5c: {  	_ =	shalt  }
0x5d: {  	_ =	shalt  }
0x5e: {  	_ =	shalt  }
0x5f: {  	_ =	shalt  }
0x60: {  	_ =	shalt  }
0x61: {  	_ =	shalt  }
0x62: {  	_ =	shalt  }
0x63: {  	_ =	shalt  }
0x64: {  	_ =	shalt  }
0x65: {  	_ =	shalt  }
0x66: {  	_ =	shalt  }
0x67: {  	_ =	shalt  }
0x68: {  	_ =	shalt  }
0x69: {  	_ =	shalt  }
0x6a: {  	_ =	shalt  }
0x6b: {  	_ =	shalt  }
0x6c: {  	_ =	shalt  }
0x6d: {  	_ =	shalt  }
0x6e: {  	_ =	shalt  }
0x6f: {  	_ =	shalt  }
0x70: {  	_ =	shalt  }
0x71: {  	_ =	shalt  }
0x72: {  	_ =	shalt  }
0x73: {  	_ =	shalt  }
0x74: {  	_ =	shalt  }
0x75: {  	_ =	shalt  }
0x76: {  	_ =	shalt  }
0x77: {  	_ =	shalt  }
0x78: {  	_ =	shalt  }
0x79: {  	_ =	shalt  }
0x7a: {  	_ =	shalt  }
0x7b: {  	_ =	shalt  }
0x7c: {  	_ =	shalt  }
0x7d: {  	_ =	shalt  }
0x7e: {  	_ =	shalt  }
0x7f: {  	_ =	shalt  }
0x80: {  	_ =	shalt  }
0x81: {  	_ =	shalt  }
0x82: {  	_ =	shalt  }
0x83: {  	_ =	shalt  }
0x84: {  	_ =	shalt  }
0x85: {  	_ =	shalt  }
0x86: {  	_ =	shalt  }
0x87: {  	_ =	shalt  }
.Lfunc_end0:
.L_simem_size_0:
called_computation.1_lowered:
.L_overlay_start_0:
0x88: {  	s2 =	sld [smem:$0x3FD9]  }
0x89: {  	s3 =	sld [smem:$0x3FFE];
	_ =	sdelay $0x1  }
0x8a: {  	s1 =	srdreg.scid  }
0x8b: {  	s0 =	sand.u32 $0x1, s1  }
0x8c: {  	s17 =	sshll.u32 s0, $0xA;
	s2 =	sadd.s32 s3, s2  }
0x8d: {  	s2 =	sadd.s32 s2, s17  }
0x8e: {  	[smem:$0x3FB8] =	sst s2  }
0x8f: {  	_ = 	snop  }
0x90: {  	s2 =	sld [smem:$0x3FC9];
	(tm) =	ssettm $0x1  }
0x91: {  	s18 =	sld [smem:$0x3FFB];
	_ =	sdelay $0x3  }
0x92: {  	_ =	strace s18  }
0x93: {  	s3 =	sld [smem:$0x3FFC];
	_ =	sdelay $0x3  }
0x94: {  	_ =	strace s3  }
0x95: {  	s3 =	sld [smem:$0x3FFD];
	_ =	sdelay $0x3  }
0x96: {  	_ =	strace s3  }
0x97: {  	_ =	strace $0x8FFFFFFF  }
0x98: {  	s19 =	sld [smem:$0x3FDB];
	_ =	sdelay $0x1  }
0x99: {  	s4 =	simm.s32 $_scs_section_size  }
0x9a: {  	s5 =	simm.s32 $_size__tile_overlayer_lowered;
	s6 =	simm.s32 $_tile_overlayer_lowered  }
0x9b: {  	s22 =	simm.s32 $0x1BFF;
	s21 =	sshll.u32 s6, $0x1;
	s3 =	sadd.s32 s4, s19  }
0x9c: {  	s7 =	simm.s32 $0x0;
	s20 =	sshll.u32 s5, $0x1;
	s5 =	sadd.s32 s21, s3  }
0x9d: {  	[timem:s7], [sflag:s22] =	dma.local [hbm:s5], s20  }
0x9e: {  	_ =	swait.ge [sflag:s22], s20  }
0x9f: {  	s4 =	ssub.s32 $0x0, s20;
	[sflag:s22] =	ssyncset.done $0x0  }
0xa0: {  	[sflag:s22] =	ssyncadd.s32 s4;
	_ =	sdelay $0x1  }
0xa1: {  	s23 =	simm.s32 $0x1B8B  }
0xa2: {  	_ =	swait.ge [sflag:s23], $0x1  }
0xa3: {  	[sflag:s23] =	ssyncset.done $0x0  }
0xa4: {  	s25 =	simm.s32 $0x1B8E;
	s24 =	sld [smem:$0x3FFE];
	[sflag:s23] =	ssyncadd.s32 $0xFFFFFFFF  }
0xa5: {  	s26 =	simm.s32 $execute0_lowered;
	[smem:$0x3FD2] =	sst s25  }
0xa6: {  	s5 =	sshll.u32 s26, $0x1;
	_ =	strace $0x80000046;
	[dreg:$0x1] =	wrdreg $0xFFFFFFFF  }
0xa7: {  	s28 =	simm.s32 $_size_execute0_lowered;
	s3 =	sadd.s32 s3, s5;
	[dreg:$0x0] =	wrdreg $0x0  }
0xa8: {  	s5 =	sshll.u32 s28, $0x1;
	[dreg:$0x2] =	wrdreg s3  }
0xa9: {  	[dreg:$0x3] =	wrdreg s5  }
0xaa: {  	[dreg:$0x4] =	wrdreg $0xC0  }
0xab: {  	_ =	task [dreg:s7], $0x5FFFF  }
0xac: {  	[dreg:$0x1] =	wrdreg $0xFFFFFFFF  }
0xad: {  	[dreg:$0x0] =	wrdreg $0x60  }
0xae: {  	[dreg:$0x2] =	wrdreg s2  }
0xaf: {  	[dreg:$0x3] =	wrdreg s24  }
0xb0: {  	[dreg:$0x4] =	wrdreg $0x88000  }
0xb1: {  	[dreg:$0x5] =	wrdreg $0xA  }
0xb2: {  	_ =	task.clear_ibuf [dreg:s7], $0x6FFFF;
	_ =	strace $0x90000046  }
0xb3: {  	s29 =	simm.s32 $0xA;
	_ =	strace $0x80000048  }
0xb4: {  	_ =	swait.ge [sflag:s29], $0x1  }
0xb5: {  	[sflag:s29] =	ssyncadd.s32 $0xFFFFFFFF  }
0xb6: {  	_ =	strace $0x90000048  }
0xb7: {  	_ =	sfence  }
0xb8: {  	s30 =	sld [smem:$0x0];
	_ =	sdelay $0x2  }
0xb9: {  	s31 =	sshll.u32 s1, $0xD;
	s1 =	sshrl.u32 s1, $0x2  }
0xba: {  	s3 =	sand.u32 $0x4000, s31;
	s1 =	sadd.s32 s1, s30  }
0xbb: {  	s0 =	sor.u32 s3, s0;
	s1 =	sshll.u32 s1, $0x11  }
0xbc: {  	s0 =	sor.u32 s1, s0  }
0xbd: {  	s0 =	sadd.s32 $0x8F2B, s0  }
0xbe: {  	[sflag:s0] =	ssyncadd.remote.s32 $0x1  }
0xbf: {  	_ =	sfence.sel $0xFFFF  }
0xc0: {  	[dreg:$0x0] =	wrdreg $0xFFFFFFFF;
	(pc) =	sbr.abs _section_cstart, $3  }
0xc1: {  	[dreg:$0x1] =	wrdreg $0xFFFFFFFF  }
0xc2: {  	_ =	task.clear_ibuf [dreg:s7], $0x2FFFF;
	_ =	strace $0x9FFFFFFF  }
0xc3: {  	(tm) =	ssettm $0x7FFFFFFF  }
tec
execute0_lowered:
.L_overlay_start_1:
0x0: {  	(tag) =	ssettag $0x1  }
0x1: {  	s0 =	rddreg [dreg:$0x0]  }
0x2: {  	s1 =	rddreg [dreg:$0x1];
	s2 =	srdreg.scid  }
0x3: {  	s3 =	rddreg [dreg:$0x2];
	s11 =	stileid.u32;
	s4 =	simm.s32 $0x0  }
0x4: {  	s20 =	simm.s32 $0x200;
	s21 =	simm.s32 $0x100;
	s22 =	simm.s32 $0x280  }
0x5: {  	s23 =	simm.s32 $0x180;
	s24 =	simm.s32 $0x300;
	s25 =	simm.s32 $0x380  }
0x6: {  	s26 =	simm.s32 $0x480;
	[smem:$0x7FF] =	sst s4;
	s7 =	sadd.s32 $0x2C400, s1  }
0x7: {  	s29 =	simm.s32 $0x600;
	_ =	strace $0x80000047;
	[dreg:$0xe] =	wrdreg s7  }
0x8: {  	s30 =	simm.s32 $0x500;
	s6 =	smul.u32 $0x13C00, s11;
	[dreg:$0x4] =	wrdreg s20  }
0x9: {  	s28 =	simm.s32 $0x0;
	s9 =	smul.u32 $0x4F000, s11;
	[dreg:$0x5] =	wrdreg s21  }
0xa: {  	s2 =	sand.u32 $0x1, s2;
	s15 =	smul.u32 $0x7800, s11;
	[dreg:$0x6] =	wrdreg s22  }
0xb: {  	s14 =	sshll.u32 s11, $0x6;
	s5 =	smul.u32 $0x13C000, s2;
	[dreg:$0x7] =	wrdreg s23  }
0xc: {  	s31 =	ssub.s32 $0x2, s2;
	s10 =	sshll.u32 s2, $0x4;
	[dreg:$0x8] =	wrdreg s24  }
0xd: {  	p0 =	seq.s32 s2, $0x0;
	s7 =	simm.s32 $0x1E;
	[dreg:$0x9] =	wrdreg s25  }
0xe: {  	s2 =	smul.u32 $0x78000, s2;
	s20 =	simm.s32 $0x800;
	[dreg:$0xa] =	wrdreg s26  }
0xf: {  	s21 =	simm.s32 $0x4800;
	[dreg:$0xb] =	wrdreg s29;
	s22 =	simm.s32 $0x1  }
0x10: {  	[dreg:$0xc] =	wrdreg s30;
	s23 =	simm.s32 $0x2;
	s24 =	simm.s32 $0x580  }
0x11: {  	s25 =	simm.s32 $0x700;
	s26 =	simm.s32 $0x780;
	s8 =	sshrl.u32 s31, $0x1  }
0x12: {  	s10 =	sor.u32 s11, s10;
	s7 =	simm.s32 @!p0 $0xA;
	s12 =	sshrl.u32 s9, $0x2  }
0x13: {  	s9 =	sor.u32 $0x1C05, s14;
	s6 =	sadd.s32 s6, s5;
	s5 =	sadd.s32 $0xE400, s1  }
0x14: {  	s10 =	smul.u32 $0x7800, s10;
	s16 =	sadd.s32 s12, s3;
	s18 =	sshrl.u32 s7, $0x1  }
0x15: {  	s19 =	sadd.s32 s15, s2;
	s6 =	sshrl.u32 s6, $0x3;
	[dreg:$0x10] =	wrdreg s18  }
0x16: {  	s14 =	sadd.s32 $0x800, s19;
	s16 =	sshrl.u32 s16, $0x3;
	s18 =	simm.s32 $0x400  }
0x17: {  	s1 =	sadd.s32 s6, s1;
	s6 =	ssub.s32 s31, s8;
	s13 =	sshrl.u32 s10, $0x3  }
0x18: {  	s31 =	simm.s32 $0x680;
	s8 =	sadd.s32 s5, s13;
	s12 =	sadd.s32 $0x2EC00, s1  }
0x19: {  	s13 =	smax.u32 s6, $0x1;
	s1 =	sadd.s32 $0xC00, s19;
	s19 =	simm.s32 $0x80  }
0x1a: {  	[dreg:$0xd] =	wrdreg s31;
	s17 =	sadd.s32 $0x80, s8;
	s1 =	sshrl.u32 s1, $0x3  }
0x1b: {  	[dreg:$0xf] =	wrdreg s17;
	s15 =	sadd.s32 s1, s5;
	s17 =	simm.s32 $0x5  }
.LBB2_1:
0x1c: {  	s1 =	rddreg [dreg:$0xe]  }
0x1d: {  	[spmem:s16], [sflag:s9] =	dma.local [hbm:s1], $0x2780  }
0x1e: {  	_ =	swait.ge [sflag:s17], $0x2780  }
0x1f: {  	[sflag:s17] =	ssyncset.done $0x0  }
0x20: {  	[sflag:s17] =	ssyncadd.s32 $0xFFFFD880  }
0x21: {  	[tilespmem:s4], [sflag:$0x5] =	stream.linear.gather [hbm4b:s8+s4], $0x400, $0x38;
	[tilespmem:$0x1C400] =	vst v63  }
0x22: {  	_ =	swait.ge [sflag:s17], $0x400  }
0x23: {  	[sflag:s17] =	ssyncset.done $0x0  }
0x24: {  	s2 =	rddreg [dreg:$0xf];
	[sflag:s17] =	ssyncadd.s32 $0xFFFFFC00  }
0x25: {  	[tilespmem:s18], [sflag:$0x5] =	stream.linear.gather [hbm4b:s2+s4], $0x400, $0x38;
	[tilespmem:$0x1C400] =	vst v63  }
0x26: {  	_ =	swait.ge [sflag:s17], $0x400  }
0x27: {  	[sflag:s17] =	ssyncset.done $0x0  }
0x28: {  	[sflag:s17] =	ssyncadd.s32 $0xFFFFFC00  }
0x29: {  	[bflag:$0x0] =	sbarrier.arrive $0xFFFF  }
0x2a: {  	[tilespmem:s20], [sflag:$0x1] =	stream.indirect.gather [hbm4b:s0+s19], $0x80, s4, s19, $0xb8;
	[tilespmem:$0x1C400] =	vst v63  }
0x2b: {  	_ = 	snop  }
0x2c: {  	[tilespmem:s21], [sflag:$0x2] =	stream.indirect.gather [hbm4b:s0+s19], $0x80, s19, s19, $0xb8;
	[tilespmem:$0x1C400] =	vst v63  }
0x2d: {  	_ =	swait.ge [sflag:s22], $0x4000  }
0x2e: {  	[sflag:s22] =	ssyncset.done $0x0  }
0x2f: {  	s6 =	rddreg [dreg:$0x4];
	[sflag:s22] =	ssyncadd.s32 $0xFFFFC000  }
0x30: {  	[spmem:s3] =	stream.indirect.scatter.add.f32 [tilespmem:s20], [sflag:$0x5], $0x80, s6, s19, $0xb8;
	[tilespmem:$0x1C400] =	vst v63  }
0x31: {  	_ =	swait.ge [sflag:s17], $0x4000  }
0x32: {  	[sflag:s17] =	ssyncset.done $0x0  }
0x33: {  	s10 =	rddreg [dreg:$0x5];
	[sflag:s17] =	ssyncadd.s32 $0xFFFFC000  }
0x34: {  	[tilespmem:s20], [sflag:$0x1] =	stream.indirect.gather [hbm4b:s0+s19], $0x80, s10, s19, $0xb8;
	[tilespmem:$0x1C400] =	vst v63  }
0x35: {  	_ =	swait.ge [sflag:s23], $0x4000  }
0x36: {  	[sflag:s23] =	ssyncset.done $0x0  }
0x37: {  	s11 =	rddreg [dreg:$0x6];
	[sflag:s23] =	ssyncadd.s32 $0xFFFFC000  }
0x38: {  	[spmem:s3] =	stream.indirect.scatter.add.f32 [tilespmem:s21], [sflag:$0x5], $0x80, s11, s19, $0xb8;
	[tilespmem:$0x1C400] =	vst v63  }
0x39: {  	_ =	swait.ge [sflag:s17], $0x4000  }
0x3a: {  	[sflag:s17] =	ssyncset.done $0x0  }
0x3b: {  	s2 =	rddreg [dreg:$0x7];
	[sflag:s17] =	ssyncadd.s32 $0xFFFFC000  }
0x3c: {  	[tilespmem:s21], [sflag:$0x2] =	stream.indirect.gather [hbm4b:s0+s19], $0x80, s2, s19, $0xb8;
	[tilespmem:$0x1C400] =	vst v63  }
0x3d: {  	_ =	swait.ge [sflag:s22], $0x4000  }
0x3e: {  	[sflag:s22] =	ssyncset.done $0x0  }
0x3f: {  	s6 =	rddreg [dreg:$0x8];
	[sflag:s22] =	ssyncadd.s32 $0xFFFFC000  }
0x40: {  	[spmem:s3] =	stream.indirect.scatter.add.f32 [tilespmem:s20], [sflag:$0x5], $0x80, s6, s19, $0xb8;
	[tilespmem:$0x1C400] =	vst v63  }
0x41: {  	_ =	swait.ge [sflag:s17], $0x4000  }
0x42: {  	p0 =	por $0x1, $0x1;
	[sflag:s17] =	ssyncset.done $0x0  }
0x43: {  	s1 =	simm.s32 @!p0 $0x4;
	[sflag:s17] =	ssyncadd.s32 $0xFFFFC000  }
0x44: {  	_ =	swait.ge @!p0 [sflag:s1], $0x400  }
0x45: {  	[sflag:s1] =	ssyncset.done @!p0 $0x0  }
0x46: {  	[sflag:s1] =	ssyncadd.s32 @!p0 $0xFFFFFC00  }
0x47: {  	[tilespmem:s20], [sflag:$0x1] =	stream.indirect.gather [hbm4b:s0+s19], $0x80, s18, s19, $0xb8;
	[tilespmem:$0x1C400] =	vst v63  }
0x48: {  	_ =	swait.ge [sflag:s23], $0x4000  }
0x49: {  	[sflag:s23] =	ssyncset.done $0x0  }
0x4a: {  	s10 =	rddreg [dreg:$0x9];
	[sflag:s23] =	ssyncadd.s32 $0xFFFFC000  }
0x4b: {  	[spmem:s3] =	stream.indirect.scatter.add.f32 [tilespmem:s21], [sflag:$0x5], $0x80, s10, s19, $0xb8;
	[tilespmem:$0x1C400] =	vst v63  }
0x4c: {  	p1 =	sle.u32 s7, $0x2;
	_ =	swait.ge [sflag:s17], $0x4000  }
0x4d: {  	s1 =	sshrl.u32 @!p1 s14, $0x3;
	[sflag:s17] =	ssyncset.done $0x0  }
0x4e: {  	s2 =	simm.s32 @!p1 $0x0;
	s1 =	sadd.s32 @!p1 s5, s1;
	[sflag:s17] =	ssyncadd.s32 $0xFFFFC000  }
0x4f: {  	[tilespmem:s2], [sflag:$0x3] =	stream.linear.gather @!p1 [hbm4b:s1+s2], $0x400, $0x38;
	[tilespmem:$0x1C400] =	vst v63  }
0x50: {  	s6 =	rddreg [dreg:$0xa]  }
0x51: {  	[tilespmem:s21], [sflag:$0x2] =	stream.indirect.gather [hbm4b:s0+s19], $0x80, s6, s19, $0xb8;
	[tilespmem:$0x1C400] =	vst v63  }
0x52: {  	_ =	swait.ge [sflag:s22], $0x4000  }
0x53: {  	[sflag:s22] =	ssyncset.done $0x0  }
0x54: {  	s11 =	rddreg [dreg:$0xb];
	[sflag:s22] =	ssyncadd.s32 $0xFFFFC000  }
0x55: {  	[spmem:s3] =	stream.indirect.scatter.add.f32 [tilespmem:s20], [sflag:$0x5], $0x80, s11, s19, $0xb8;
	[tilespmem:$0x1C400] =	vst v63  }
0x56: {  	_ =	swait.ge [sflag:s17], $0x4000  }
0x57: {  	[sflag:s17] =	ssyncset.done $0x0  }
0x58: {  	s6 =	rddreg [dreg:$0xc];
	[sflag:s17] =	ssyncadd.s32 $0xFFFFC000  }
0x59: {  	[tilespmem:s20], [sflag:$0x1] =	stream.indirect.gather [hbm4b:s0+s19], $0x80, s6, s19, $0xb8;
	[tilespmem:$0x1C400] =	vst v63  }
0x5a: {  	_ =	swait.ge [sflag:s23], $0x4000  }
0x5b: {  	[sflag:s23] =	ssyncset.done $0x0  }
0x5c: {  	s10 =	rddreg [dreg:$0xd];
	[sflag:s23] =	ssyncadd.s32 $0xFFFFC000  }
0x5d: {  	[spmem:s3] =	stream.indirect.scatter.add.f32 [tilespmem:s21], [sflag:$0x5], $0x80, s10, s19, $0xb8;
	[tilespmem:$0x1C400] =	vst v63  }
0x5e: {  	_ =	swait.ge [sflag:s17], $0x4000  }
0x5f: {  	[sflag:s17] =	ssyncset.done $0x0  }
0x60: {  	[sflag:s17] =	ssyncadd.s32 $0xFFFFC000  }
0x61: {  	[tilespmem:s21], [sflag:$0x2] =	stream.indirect.gather [hbm4b:s0+s19], $0x80, s24, s19, $0xb8;
	[tilespmem:$0x1C400] =	vst v63  }
0x62: {  	_ =	swait.ge [sflag:s22], $0x4000  }
0x63: {  	[sflag:s22] =	ssyncset.done $0x0  }
0x64: {  	[sflag:s22] =	ssyncadd.s32 $0xFFFFC000  }
0x65: {  	[spmem:s3] =	stream.indirect.scatter.add.f32 [tilespmem:s20], [sflag:$0x5], $0x80, s25, s19, $0xb8;
	[tilespmem:$0x1C400] =	vst v63  }
0x66: {  	_ =	swait.ge [sflag:s17], $0x4000  }
0x67: {  	[sflag:s17] =	ssyncset.done $0x0  }
0x68: {  	s1 =	simm.s32 @!p1 $0x3;
	[sflag:s17] =	ssyncadd.s32 $0xFFFFC000  }
0x69: {  	_ =	swait.ge @!p1 [sflag:s1], $0x400  }
0x6a: {  	[sflag:s1] =	ssyncset.done @!p1 $0x0  }
0x6b: {  	s10 =	simm.s32 @!p1 $0x80;
	[sflag:s1] =	ssyncadd.s32 @!p1 $0xFFFFFC00;
	s1 =	simm.s32 @!p1 $0x800  }
0x6c: {  	[tilespmem:s1], [sflag:$0x1] =	stream.indirect.gather @!p1 [hbm4b:s0+s10], $0x80, s2, s10, $0xb8;
	[tilespmem:$0x1C400] =	vst v63  }
0x6d: {  	_ =	swait.ge [sflag:s23], $0x4000  }
0x6e: {  	[sflag:s23] =	ssyncset.done $0x0  }
0x6f: {  	[sflag:s23] =	ssyncadd.s32 $0xFFFFC000  }
0x70: {  	[spmem:s3] =	stream.indirect.scatter.add.f32 [tilespmem:s21], [sflag:$0x5], $0x80, s26, s19, $0xb8;
	[tilespmem:$0x1C400] =	vst v63  }
0x71: {  	p0 =	sle.u32 s7, $0x3;
	_ =	swait.ge [sflag:s17], $0x4000  }
0x72: {  	s1 =	simm.s32 @!p0 $0x0;
	s11 =	rddreg [dreg:$0x10];
	[sflag:s17] =	ssyncset.done $0x0  }
0x73: {  	s2 =	simm.s32 @!p0 $0x400;
	s29 =	sadd.s32 $0xFFFFFFFF, s11;
	[sflag:s17] =	ssyncadd.s32 $0xFFFFC000  }
0x74: {  	[tilespmem:s2], [sflag:$0x4] =	stream.linear.gather @!p0 [hbm4b:s15+s1], $0x400, $0x38;
	[tilespmem:$0x1C400] =	vst v63  }
0x75: {  	p0 =	sne.s32 s29, $0x0  }
.Ltmp0:
0x76: {  	_ = 	snop;
	(pc) =	sbr.rel @!p0 .LBB2_3-.Ltmp0, $3  }
0x77: {  	_ =	sdelay $0x1  }
0x78: {  	s30 =	sadd.s32 $0x100, s15  }
0x79: {  	s31 =	simm.s32 $0x4;
	s2 =	simm.s32 @!p1 $0x4800;
	s1 =	sadd.s32 $0x800, s14  }
.LBB2_2:
0x7a: {  	[tilespmem:s2], [sflag:$0x2] =	stream.indirect.gather @!p1 [hbm4b:s0+s10], $0x80, s10, s10, $0xb8;
	[tilespmem:$0x1C400] =	vst v63  }
0x7b: {  	_ =	swait.ge [sflag:s22], $0x4000  }
0x7c: {  	[sflag:s22] =	ssyncset.done $0x0  }
0x7d: {  	s6 =	rddreg [dreg:$0x4];
	[sflag:s22] =	ssyncadd.s32 $0xFFFFC000  }
0x7e: {  	[spmem:s3] =	stream.indirect.scatter.add.f32 [tilespmem:s20], [sflag:$0x5], $0x80, s6, s19, $0xb8;
	[tilespmem:$0x1C400] =	vst v63  }
0x7f: {  	_ =	swait.ge [sflag:s17], $0x4000  }
0x80: {  	[sflag:s17] =	ssyncset.done $0x0  }
0x81: {  	s10 =	rddreg [dreg:$0x5];
	[sflag:s17] =	ssyncadd.s32 $0xFFFFC000  }
0x82: {  	[tilespmem:s20], [sflag:$0x1] =	stream.indirect.gather [hbm4b:s0+s19], $0x80, s10, s19, $0xb8;
	[tilespmem:$0x1C400] =	vst v63  }
0x83: {  	_ =	swait.ge [sflag:s23], $0x4000  }
0x84: {  	[sflag:s23] =	ssyncset.done $0x0  }
0x85: {  	s11 =	rddreg [dreg:$0x6];
	[sflag:s23] =	ssyncadd.s32 $0xFFFFC000  }
0x86: {  	[spmem:s3] =	stream.indirect.scatter.add.f32 [tilespmem:s21], [sflag:$0x5], $0x80, s11, s19, $0xb8;
	[tilespmem:$0x1C400] =	vst v63  }
0x87: {  	_ =	swait.ge [sflag:s17], $0x4000  }
0x88: {  	[sflag:s17] =	ssyncset.done $0x0  }
0x89: {  	s10 =	rddreg [dreg:$0x7];
	[sflag:s17] =	ssyncadd.s32 $0xFFFFC000  }
0x8a: {  	[tilespmem:s21], [sflag:$0x2] =	stream.indirect.gather [hbm4b:s0+s19], $0x80, s10, s19, $0xb8;
	[tilespmem:$0x1C400] =	vst v63  }
0x8b: {  	_ =	swait.ge [sflag:s22], $0x4000  }
0x8c: {  	[sflag:s22] =	ssyncset.done $0x0  }
0x8d: {  	s11 =	rddreg [dreg:$0x8];
	[sflag:s22] =	ssyncadd.s32 $0xFFFFC000  }
0x8e: {  	[spmem:s3] =	stream.indirect.scatter.add.f32 [tilespmem:s20], [sflag:$0x5], $0x80, s11, s19, $0xb8;
	[tilespmem:$0x1C400] =	vst v63  }
0x8f: {  	_ =	swait.ge [sflag:s17], $0x4000  }
0x90: {  	p1 =	seq.s32 s31, $0x2;
	[sflag:s17] =	ssyncset.done $0x0  }
0x91: {  	s6 =	simm.s32 @!p1 $0x4;
	[sflag:s17] =	ssyncadd.s32 $0xFFFFC000  }
0x92: {  	_ =	swait.ge @!p1 [sflag:s6], $0x400  }
0x93: {  	[sflag:s6] =	ssyncset.done @!p1 $0x0  }
0x94: {  	[sflag:s6] =	ssyncadd.s32 @!p1 $0xFFFFFC00  }
0x95: {  	[tilespmem:s20], [sflag:$0x1] =	stream.indirect.gather [hbm4b:s0+s19], $0x80, s18, s19, $0xb8;
	[tilespmem:$0x1C400] =	vst v63  }
0x96: {  	_ =	swait.ge [sflag:s23], $0x4000  }
0x97: {  	[sflag:s23] =	ssyncset.done $0x0  }
0x98: {  	s10 =	rddreg [dreg:$0x9];
	[sflag:s23] =	ssyncadd.s32 $0xFFFFC000  }
0x99: {  	[spmem:s3] =	stream.indirect.scatter.add.f32 [tilespmem:s21], [sflag:$0x5], $0x80, s10, s19, $0xb8;
	[tilespmem:$0x1C400] =	vst v63  }
0x9a: {  	p1 =	sge.u32 s31, s7;
	_ =	swait.ge [sflag:s17], $0x4000  }
0x9b: {  	s10 =	sshrl.u32 @!p1 s1, $0x3;
	[sflag:s17] =	ssyncset.done $0x0  }
0x9c: {  	s6 =	simm.s32 @!p1 $0x0;
	s10 =	sadd.s32 @!p1 s5, s10;
	[sflag:s17] =	ssyncadd.s32 $0xFFFFC000  }
0x9d: {  	[tilespmem:s6], [sflag:$0x3] =	stream.linear.gather @!p1 [hbm4b:s10+s6], $0x400, $0x38;
	[tilespmem:$0x1C400] =	vst v63  }
0x9e: {  	s11 =	rddreg [dreg:$0xa]  }
0x9f: {  	[tilespmem:s21], [sflag:$0x2] =	stream.indirect.gather [hbm4b:s0+s19], $0x80, s11, s19, $0xb8;
	[tilespmem:$0x1C400] =	vst v63  }
0xa0: {  	_ =	swait.ge [sflag:s22], $0x4000  }
0xa1: {  	[sflag:s22] =	ssyncset.done $0x0  }
0xa2: {  	s11 =	rddreg [dreg:$0xb];
	[sflag:s22] =	ssyncadd.s32 $0xFFFFC000  }
0xa3: {  	[spmem:s3] =	stream.indirect.scatter.add.f32 [tilespmem:s20], [sflag:$0x5], $0x80, s11, s19, $0xb8;
	[tilespmem:$0x1C400] =	vst v63  }
0xa4: {  	_ =	swait.ge [sflag:s17], $0x4000  }
0xa5: {  	[sflag:s17] =	ssyncset.done $0x0  }
0xa6: {  	s11 =	rddreg [dreg:$0xc];
	[sflag:s17] =	ssyncadd.s32 $0xFFFFC000  }
0xa7: {  	[tilespmem:s20], [sflag:$0x1] =	stream.indirect.gather [hbm4b:s0+s19], $0x80, s11, s19, $0xb8;
	[tilespmem:$0x1C400] =	vst v63  }
0xa8: {  	_ =	swait.ge [sflag:s23], $0x4000  }
0xa9: {  	[sflag:s23] =	ssyncset.done $0x0  }
0xaa: {  	s11 =	rddreg [dreg:$0xd];
	[sflag:s23] =	ssyncadd.s32 $0xFFFFC000  }
0xab: {  	[spmem:s3] =	stream.indirect.scatter.add.f32 [tilespmem:s21], [sflag:$0x5], $0x80, s11, s19, $0xb8;
	[tilespmem:$0x1C400] =	vst v63  }
0xac: {  	_ =	swait.ge [sflag:s17], $0x4000  }
0xad: {  	[sflag:s17] =	ssyncset.done $0x0  }
0xae: {  	[sflag:s17] =	ssyncadd.s32 $0xFFFFC000  }
0xaf: {  	[tilespmem:s21], [sflag:$0x2] =	stream.indirect.gather [hbm4b:s0+s19], $0x80, s24, s19, $0xb8;
	[tilespmem:$0x1C400] =	vst v63  }
0xb0: {  	_ =	swait.ge [sflag:s22], $0x4000  }
0xb1: {  	[sflag:s22] =	ssyncset.done $0x0  }
0xb2: {  	[sflag:s22] =	ssyncadd.s32 $0xFFFFC000  }
0xb3: {  	[spmem:s3] =	stream.indirect.scatter.add.f32 [tilespmem:s20], [sflag:$0x5], $0x80, s25, s19, $0xb8;
	[tilespmem:$0x1C400] =	vst v63  }
0xb4: {  	_ =	swait.ge [sflag:s17], $0x4000  }
0xb5: {  	[sflag:s17] =	ssyncset.done $0x0  }
0xb6: {  	s10 =	simm.s32 @!p1 $0x3;
	[sflag:s17] =	ssyncadd.s32 $0xFFFFC000  }
0xb7: {  	_ =	swait.ge @!p1 [sflag:s10], $0x400  }
0xb8: {  	[sflag:s10] =	ssyncset.done @!p1 $0x0  }
0xb9: {  	s11 =	simm.s32 @!p1 $0x800;
	[sflag:s10] =	ssyncadd.s32 @!p1 $0xFFFFFC00;
	s10 =	simm.s32 @!p1 $0x80  }
0xba: {  	[tilespmem:s11], [sflag:$0x1] =	stream.indirect.gather @!p1 [hbm4b:s0+s10], $0x80, s6, s10, $0xb8;
	[tilespmem:$0x1C400] =	vst v63  }
0xbb: {  	_ =	swait.ge [sflag:s23], $0x4000  }
0xbc: {  	s29 =	sadd.s32 $0xFFFFFFFF, s29;
	[sflag:s23] =	ssyncset.done $0x0  }
0xbd: {  	s2 =	smov.u32 s30;
	p0 =	sne.s32 s29, $0x0;
	[sflag:s23] =	ssyncadd.s32 $0xFFFFC000  }
0xbe: {  	[spmem:s3] =	stream.indirect.scatter.add.f32 [tilespmem:s21], [sflag:$0x5], $0x80, s26, s19, $0xb8;
	[tilespmem:$0x1C400] =	vst v63  }
.Ltmp1:
0xbf: {  	s11 =	sadd.s32 $0x1, s31;
	_ =	swait.ge [sflag:s17], $0x4000;
	(pc) =	sbr.rel @p0 .LBB2_2-.Ltmp1, $4  }
0xc0: {  	s30 =	sadd.s32 $0x100, s30;
	p2 =	sge.u32 s11, s7;
	[sflag:s17] =	ssyncset.done $0x0  }
0xc1: {  	s6 =	simm.s32 @!p2 $0x0;
	s11 =	simm.s32 @!p2 $0x400;
	[sflag:s17] =	ssyncadd.s32 $0xFFFFC000  }
0xc2: {  	[tilespmem:s11], [sflag:$0x4] =	stream.linear.gather @!p2 [hbm4b:s2+s6], $0x400, $0x38;
	[tilespmem:$0x1C400] =	vst v63  }
0xc3: {  	s1 =	sadd.s32 $0x800, s1;
	s31 =	sadd.s32 $0x2, s31;
	s2 =	simm.s32 @!p1 $0x4800  }
.LBB2_3:
0xc4: {  	[tilespmem:s2], [sflag:$0x2] =	stream.indirect.gather @!p1 [hbm4b:s0+s10], $0x80, s10, s10, $0xb8;
	[tilespmem:$0x1C400] =	vst v63  }
0xc5: {  	s28 =	sadd.s32 $0x1, s28  }
0xc6: {  	p0 =	sne.s32 s28, s13  }
.Ltmp2:
0xc7: {  	[bflag:$0x0] =	sbarrier.arrive $0xFFFF;
	(pc) =	sbr.rel @p0 .LBB2_1-.Ltmp2, $4  }
0xc8: {  	[hbm:s12], [sflag:s9] =	dma.local [spmem:s16], $0x2780  }
0xc9: {  	_ =	swait.ge [sflag:s17], $0x2780  }
0xca: {  	[sflag:s17] =	ssyncset.done $0x0  }
0xcb: {  	[sflag:s17] =	ssyncadd.s32 $0xFFFFD880  }
0xcc: {  	_ =	sfence.sel $0x180000  }
0xcd: {  	[bflag:$0x0] =	sbarrier.arrive $0xFFFF  }
0xce: {  	_ =	strace $0x90000047  }
0xcf: {  	s0 =	stileid.u32;
	[bflag:$0x2] =	sbarrier.arrive $0xFFFF  }
0xd0: {  	p0 =	sne.s32 s0, $0x0;
	s0 =	rddreg [dreg:$0x3]  }
0xd1: {  	s0 =	sadd.s32 @!p0 $0x100000, s0  }
0xd2: {  	[sflag:s0] =	ssyncadd.tile.s32 @!p0 $0x1;
	_ =	shalt  }
.Lfunc_end2:
_tile_overlayer_lowered:
.L_overlay_start_2:
0xd3: {  	(tag) =	ssettag $0x2  }
0xd4: {  	s0 =	rddreg [dreg:$0x0];
	s2 =	stileid.u32  }
0xd5: {  	s1 =	rddreg [dreg:$0x1];
	p0 =	sne.s32 s2, $0x0  }
0xd6: {  	s3 =	rddreg [dreg:$0x2];
	[bflag:$0x3] =	sbarrier.arrive $0xFFFF;
	s2 =	simm.s32 @!p0 $0x1C05  }
0xd7: {  	[timem:s3], [sflag:s2] =	dma.local @!p0 [hbm:s0], s1  }
0xd8: {  	s0 =	simm.s32 @!p0 $0x5  }
0xd9: {  	_ =	swait.ge @!p0 [sflag:s0], s1  }
0xda: {  	s1 =	ssub.s32 @!p0 $0x0, s1;
	[sflag:s0] =	ssyncset.done @!p0 $0x0  }
0xdb: {  	[sflag:s0] =	ssyncadd.s32 @!p0 s1  }
0xdc: {  	[bflag:$0x3] =	sbarrier.arrive $0xFFFF  }
0xdd: {  	_ =	shalt  }

// kernel: kernel.13.cloned.1.call-start
scs
__scs_entry_jumppad:
0x0: {  	(pc) =	sbr.rel $0x88, $3  }
0x1: {  	(tag) =	ssettag $0x0;
	lr =	simm.s32 $0x1  }
0x2: {  	[smem:$0x3F91] =	sst lr;
	_ =	strace $0xD0000000  }
0x3: {  	_ = 	snop  }
0x4: {  	_ = 	snop  }
0x5: {  	_ = 	snop  }
0x6: {  	_ = 	snop  }
0x7: {  	_ = 	snop  }
__scs_overlays_trampoline_lowered:
0x8: {  	[smem:$0x3FA0] =	sst s0  }
0x9: {  	[smem:$0x3FA1] =	sst s1  }
0xa: {  	[smem:$0x3FA2] =	sst s2  }
0xb: {  	[smem:$0x3FA3] =	sst s3  }
0xc: {  	[smem:$0x3FA4] =	sst s4  }
0xd: {  	[smem:$0x3FA5] =	sst s5  }
0xe: {  	[smem:$0x3FA6] =	sst s6  }
0xf: {  	[smem:$0x3FA7] =	sst s7  }
0x10: {  	[smem:$0x3FA8] =	sst s8  }
0x11: {  	[smem:$0x3FA9] =	sst s9;
	s0 =	simm.s32 @!p0 $0x0  }
0x12: {  	s1 =	sld [smem:$0x3F8F];
	s0 =	simm.s32 @p0 $0x1  }
0x13: {  	[smem:$0x3FAA] =	sst s0;
	s0 =	simm.s32 @!p1 $0x0  }
0x14: {  	s2 =	sld [smem:$0x3F8E];
	s0 =	simm.s32 @p1 $0x1  }
0x15: {  	[smem:$0x3FAB] =	sst s0;
	s0 =	simm.s32 @!p2 $0x0  }
0x16: {  	s3 =	sld [smem:$0x3FDB];
	s0 =	simm.s32 @p2 $0x1  }
0x17: {  	s4 =	simm.s32 $0x1BF5;
	[smem:$0x3FAD] =	sst s0  }
0x18: {  	s0 =	sld [smem:$0x3F90];
	_ =	swait.ge [sflag:s4], $0x0  }
0x19: {  	s7 =	sld [smem:$0x3F91]  }
0x1a: {  	s8 =	sadd.s32 $0xFFFFE003, lr  }
0x1b: {  	s9 =	sadd.s32 $0xFFFFFEF7, lr;
	s5 =	simm.s32 $0xFFFFFFFF;
	p2 =	slt.u32 s8, $0xFFFFF086  }
0x1c: {  	p1 =	slt.u32 s9, $0xF7A;
	s5 =	simm.s32 @!p2 $0x0  }
0x1d: {  	s5 =	simm.s32 @p1 $0x1;
	p0 =	seq.s32 s7, s2  }
0x1e: {  	s7 =	smul.u32 @!p0 $0xF7A, s2;
	p2 =	seq.s32 @!p0 s5, $0x0  }
0x1f: {  	s9 =	smul.u32 $0xF7A, s1;
	s8 =	simm.s32 @!p0 $0x1BF5;
	p2 =	por !p2, p0  }
0x20: {  	[sflag:s8] =	ssyncset.s32 @!p0 $0xFFFFF086;
	s6 =	sadd.s32 @!p0 s3, s7;
	s7 =	simm.s32 @!p0 $0x108  }
0x21: {  	s3 =	sadd.s32 s3, s9;
	s6 =	sadd.s32 @!p0 $0x88, s6;
	s7 =	simm.s32 @p2 $0x1082  }
0x22: {  	[simem:s7], [sflag:s8] =	dma.local @!p0 [hbm:s6], $0xF7A  }
0x23: {  	s9 =	sor.u32 $0xD0000000, s2;
	s6 =	simm.s32 $0x108;
	_ =	swait.ge @!p0 [sflag:s8], $0x0  }
0x24: {  	s3 =	sadd.s32 $0x88, s3;
	s6 =	simm.s32 @!p1 $0x1082;
	[sflag:s4] =	ssyncset.s32 $0xFFFFF086  }
0x25: {  	[simem:s6], [sflag:s4] =	dma.local [hbm:s3], $0xF7A  }
0x26: {  	[smem:$0x3F91] =	sst s1;
	(tag) =	ssettag s2;
	_ =	strace s9  }
0x27: {  	s1 =	sld [smem:$0x3FA1]  }
0x28: {  	s2 =	sld [smem:$0x3FA2]  }
0x29: {  	s4 =	sld [smem:$0x3FA4]  }
0x2a: {  	p0 =	seq.s32 s5, $0x0;
	s5 =	sld [smem:$0x3FA5]  }
0x2b: {  	s6 =	sld [smem:$0x3FA6]  }
0x2c: {  	s7 =	sld [smem:$0x3FA7]  }
0x2d: {  	s3 =	simm.s32 $0x108;
	s8 =	sld [smem:$0x3FA8]  }
0x2e: {  	s3 =	simm.s32 @!p0 $0x1082;
	s9 =	sld [smem:$0x3FA9]  }
0x2f: {  	lr =	sadd.s32 s0, s3;
	s0 =	sld [smem:$0x3FA0]  }
0x30: {  	s3 =	sld [smem:$0x3FA3]  }
0x31: {  	[smem:$0x3FAC] =	sst s10  }
0x32: {  	s10 =	sld [smem:$0x3FAA];
	_ =	sdelay $0x3  }
0x33: {  	p0 =	seq.s32 s10, $0x1;
	s10 =	sld [smem:$0x3FAC];
	_ =	sdelay $0x3  }
0x34: {  	[smem:$0x3FAC] =	sst s10  }
0x35: {  	s10 =	sld [smem:$0x3FAB];
	_ =	sdelay $0x3  }
0x36: {  	p1 =	seq.s32 s10, $0x1;
	s10 =	sld [smem:$0x3FAC];
	_ =	sdelay $0x3  }
0x37: {  	[smem:$0x3FAC] =	sst s10  }
0x38: {  	s10 =	sld [smem:$0x3FAD]  }
0x39: {  	_ = 	snop;
	(pc) =	sbr.ind lr, $3  }
0x3a: {  	_ = 	snop  }
0x3b: {  	_ = 	snop  }
0x3c: {  	p2 =	seq.s32 s10, $0x1;
	s10 =	sld [smem:$0x3FAC]  }
0x3d: {  	_ =	shalt  }
0x3e: {  	_ =	shalt  }
0x3f: {  	_ =	shalt  }
0x40: {  	_ =	shalt  }
0x41: {  	_ =	shalt  }
0x42: {  	_ =	shalt  }
0x43: {  	_ =	shalt  }
0x44: {  	_ =	shalt  }
0x45: {  	_ =	shalt  }
0x46: {  	_ =	shalt  }
0x47: {  	_ =	shalt  }
0x48: {  	_ =	shalt  }
0x49: {  	_ =	shalt  }
0x4a: {  	_ =	shalt  }
0x4b: {  	_ =	shalt  }
0x4c: {  	_ =	shalt  }
0x4d: {  	_ =	shalt  }
0x4e: {  	_ =	shalt  }
0x4f: {  	_ =	shalt  }
0x50: {  	_ =	shalt  }
0x51: {  	_ =	shalt  }
0x52: {  	_ =	shalt  }
0x53: {  	_ =	shalt  }
0x54: {  	_ =	shalt  }
0x55: {  	_ =	shalt  }
0x56: {  	_ =	shalt  }
0x57: {  	_ =	shalt  }
0x58: {  	_ =	shalt  }
0x59: {  	_ =	shalt  }
0x5a: {  	_ =	shalt  }
0x5b: {  	_ =	shalt  }
0x5c: {  	_ =	shalt  }
0x5d: {  	_ =	shalt  }
0x5e: {  	_ =	shalt  }
0x5f: {  	_ =	shalt  }
0x60: {  	_ =	shalt  }
0x61: {  	_ =	shalt  }
0x62: {  	_ =	shalt  }
0x63: {  	_ =	shalt  }
0x64: {  	_ =	shalt  }
0x65: {  	_ =	shalt  }
0x66: {  	_ =	shalt  }
0x67: {  	_ =	shalt  }
0x68: {  	_ =	shalt  }
0x69: {  	_ =	shalt  }
0x6a: {  	_ =	shalt  }
0x6b: {  	_ =	shalt  }
0x6c: {  	_ =	shalt  }
0x6d: {  	_ =	shalt  }
0x6e: {  	_ =	shalt  }
0x6f: {  	_ =	shalt  }
0x70: {  	_ =	shalt  }
0x71: {  	_ =	shalt  }
0x72: {  	_ =	shalt  }
0x73: {  	_ =	shalt  }
0x74: {  	_ =	shalt  }
0x75: {  	_ =	shalt  }
0x76: {  	_ =	shalt  }
0x77: {  	_ =	shalt  }
0x78: {  	_ =	shalt  }
0x79: {  	_ =	shalt  }
0x7a: {  	_ =	shalt  }
0x7b: {  	_ =	shalt  }
0x7c: {  	_ =	shalt  }
0x7d: {  	_ =	shalt  }
0x7e: {  	_ =	shalt  }
0x7f: {  	_ =	shalt  }
0x80: {  	_ =	shalt  }
0x81: {  	_ =	shalt  }
0x82: {  	_ =	shalt  }
0x83: {  	_ =	shalt  }
0x84: {  	_ =	shalt  }
0x85: {  	_ =	shalt  }
0x86: {  	_ =	shalt  }
0x87: {  	_ =	shalt  }
.Lfunc_end0:
.L_simem_size_0:
called_computation.2_lowered:
.L_overlay_start_0:
0x88: {  	s2 =	sld [smem:$0x3FD9]  }
0x89: {  	s3 =	sld [smem:$0x3FFE];
	_ =	sdelay $0x1  }
0x8a: {  	s1 =	srdreg.scid  }
0x8b: {  	s0 =	sand.u32 $0x1, s1  }
0x8c: {  	s16 =	sshll.u32 s0, $0xA;
	s2 =	sadd.s32 s3, s2  }
0x8d: {  	s2 =	sadd.s32 s2, s16  }
0x8e: {  	[smem:$0x3FB8] =	sst s2  }
0x8f: {  	_ = 	snop  }
0x90: {  	(tm) =	ssettm $0x1  }
0x91: {  	s17 =	sld [smem:$0x3FFB];
	_ =	sdelay $0x3  }
0x92: {  	_ =	strace s17  }
0x93: {  	s2 =	sld [smem:$0x3FFC];
	_ =	sdelay $0x3  }
0x94: {  	_ =	strace s2  }
0x95: {  	s2 =	sld [smem:$0x3FFD];
	_ =	sdelay $0x3  }
0x96: {  	_ =	strace s2  }
0x97: {  	_ =	strace $0x8FFFFFFF  }
0x98: {  	s18 =	sld [smem:$0x3FDB];
	_ =	sdelay $0x1  }
0x99: {  	s19 =	simm.s32 $_scs_section_size  }
0x9a: {  	s4 =	simm.s32 $_size__tile_overlayer_lowered;
	s5 =	simm.s32 $_tile_overlayer_lowered  }
0x9b: {  	s22 =	simm.s32 $0x1BFF;
	s21 =	sshll.u32 s5, $0x1;
	s2 =	sadd.s32 s19, s18  }
0x9c: {  	s6 =	simm.s32 $0x0;
	s20 =	sshll.u32 s4, $0x1;
	s4 =	sadd.s32 s21, s2  }
0x9d: {  	[timem:s6], [sflag:s22] =	dma.local [hbm:s4], s20  }
0x9e: {  	_ =	swait.ge [sflag:s22], s20  }
0x9f: {  	s3 =	ssub.s32 $0x0, s20;
	[sflag:s22] =	ssyncset.done $0x0  }
0xa0: {  	[sflag:s22] =	ssyncadd.s32 s3;
	_ =	sdelay $0x1  }
0xa1: {  	s23 =	simm.s32 $0x1B8B  }
0xa2: {  	_ =	swait.ge [sflag:s23], $0x1  }
0xa3: {  	[sflag:s23] =	ssyncset.done $0x0  }
0xa4: {  	s25 =	simm.s32 $0x1B8E;
	s24 =	sld [smem:$0x3FFE];
	[sflag:s23] =	ssyncadd.s32 $0xFFFFFFFF  }
0xa5: {  	s26 =	simm.s32 $execute0_lowered;
	[smem:$0x3FD2] =	sst s25  }
0xa6: {  	s4 =	sshll.u32 s26, $0x1;
	_ =	strace $0x8000004C;
	[dreg:$0x1] =	wrdreg $0xFFFFFFFF  }
0xa7: {  	s28 =	simm.s32 $_size_execute0_lowered;
	s2 =	sadd.s32 s2, s4;
	[dreg:$0x0] =	wrdreg $0x0  }
0xa8: {  	s4 =	sshll.u32 s28, $0x1;
	[dreg:$0x2] =	wrdreg s2  }
0xa9: {  	[dreg:$0x3] =	wrdreg s4  }
0xaa: {  	[dreg:$0x4] =	wrdreg $0xC0  }
0xab: {  	_ =	task [dreg:s6], $0x5FFFF  }
0xac: {  	[dreg:$0x1] =	wrdreg $0xFFFFFFFF  }
0xad: {  	[dreg:$0x0] =	wrdreg $0x60  }
0xae: {  	[dreg:$0x2] =	wrdreg s24  }
0xaf: {  	[dreg:$0x3] =	wrdreg $0x88000  }
0xb0: {  	[dreg:$0x4] =	wrdreg $0x9  }
0xb1: {  	_ =	task.clear_ibuf [dreg:s6], $0x5FFFF;
	_ =	strace $0x9000004C  }
0xb2: {  	s29 =	simm.s32 $0x9;
	_ =	strace $0x8000004E  }
0xb3: {  	_ =	swait.ge [sflag:s29], $0x1  }
0xb4: {  	[sflag:s29] =	ssyncadd.s32 $0xFFFFFFFF  }
0xb5: {  	_ =	strace $0x9000004E  }
0xb6: {  	_ =	sfence  }
0xb7: {  	s30 =	sld [smem:$0x0];
	_ =	sdelay $0x2  }
0xb8: {  	s31 =	sshll.u32 s1, $0xD;
	s1 =	sshrl.u32 s1, $0x2  }
0xb9: {  	s3 =	sand.u32 $0x4000, s31;
	s1 =	sadd.s32 s1, s30  }
0xba: {  	s0 =	sor.u32 s3, s0;
	s1 =	sshll.u32 s1, $0x11  }
0xbb: {  	s0 =	sor.u32 s1, s0  }
0xbc: {  	s0 =	sadd.s32 $0x8F2B, s0  }
0xbd: {  	[sflag:s0] =	ssyncadd.remote.s32 $0x1  }
0xbe: {  	_ =	sfence.sel $0xFFFF  }
0xbf: {  	[dreg:$0x0] =	wrdreg $0xFFFFFFFF;
	(pc) =	sbr.abs _section_cstart, $3  }
0xc0: {  	[dreg:$0x1] =	wrdreg $0xFFFFFFFF  }
0xc1: {  	_ =	task.clear_ibuf [dreg:s6], $0x2FFFF;
	_ =	strace $0x9FFFFFFF  }
0xc2: {  	(tm) =	ssettm $0x7FFFFFFF  }
0xc3: {  	_ =	shalt  }
tec
execute0_lowered:
.L_overlay_start_1:
0x0: {  	(tag) =	ssettag $0x1  }
0x1: {  	s0 =	rddreg [dreg:$0x0]  }
0x2: {  	s1 =	srdreg.scid;
	s2 =	rddreg [dreg:$0x1]  }
0x3: {  	s11 =	stileid.u32;
	s3 =	simm.s32 $0x0;
	s20 =	simm.s32 $0x200  }
0x4: {  	s21 =	simm.s32 $0x100;
	s22 =	simm.s32 $0x280;
	s23 =	simm.s32 $0x180  }
0x5: {  	s24 =	simm.s32 $0x300;
	s25 =	simm.s32 $0x380;
	s26 =	simm.s32 $0x480  }
0x6: {  	s29 =	simm.s32 $0x600;
	[smem:$0x7FF] =	sst s3;
	s7 =	sadd.s32 $0x2C400, s0  }
0x7: {  	s30 =	simm.s32 $0x500;
	_ =	strace $0x8000004D;
	[dreg:$0xd] =	wrdreg s7  }
0x8: {  	s28 =	simm.s32 $0x0;
	s6 =	smul.u32 $0x13C00, s11;
	[dreg:$0x3] =	wrdreg s20  }
0x9: {  	s1 =	sand.u32 $0x1, s1;
	s9 =	smul.u32 $0x4F000, s11;
	[dreg:$0x4] =	wrdreg s21  }
0xa: {  	s4 =	sadd.s32 $0x2EC00, s0;
	s15 =	smul.u32 $0x7800, s11;
	[dreg:$0x5] =	wrdreg s22  }
0xb: {  	s14 =	sshll.u32 s11, $0x6;
	s5 =	smul.u32 $0x13C000, s1;
	[dreg:$0x6] =	wrdreg s23  }
0xc: {  	s31 =	ssub.s32 $0x2, s1;
	s10 =	sshll.u32 s1, $0x4;
	[dreg:$0x7] =	wrdreg s24  }
0xd: {  	p0 =	seq.s32 s1, $0x0;
	s7 =	simm.s32 $0x1E;
	[dreg:$0x8] =	wrdreg s25  }
0xe: {  	s1 =	smul.u32 $0x78000, s1;
	s20 =	simm.s32 $0x800;
	[dreg:$0x9] =	wrdreg s26  }
0xf: {  	s21 =	simm.s32 $0x4800;
	[dreg:$0xa] =	wrdreg s29;
	s22 =	simm.s32 $0x1  }
0x10: {  	[dreg:$0xb] =	wrdreg s30;
	s23 =	simm.s32 $0x2;
	s24 =	simm.s32 $0x580  }
0x11: {  	s25 =	simm.s32 $0x700;
	s26 =	simm.s32 $0x780;
	s8 =	sshrl.u32 s31, $0x1  }
0x12: {  	s10 =	sor.u32 s11, s10;
	s7 =	simm.s32 @!p0 $0xA;
	s12 =	sshrl.u32 s9, $0x2  }
0x13: {  	s9 =	sor.u32 $0x1C05, s14;
	s6 =	sadd.s32 s6, s5;
	s5 =	sadd.s32 $0xE400, s0  }
0x14: {  	s10 =	smul.u32 $0x7800, s10;
	s16 =	sadd.s32 s12, s2;
	s18 =	sshrl.u32 s7, $0x1  }
0x15: {  	s19 =	sadd.s32 s15, s1;
	s6 =	sshrl.u32 s6, $0x3;
	[dreg:$0xf] =	wrdreg s18  }
0x16: {  	s14 =	sadd.s32 $0x800, s19;
	s16 =	sshrl.u32 s16, $0x3;
	s18 =	simm.s32 $0x400  }
0x17: {  	s0 =	sadd.s32 s6, s0;
	s6 =	ssub.s32 s31, s8;
	s13 =	sshrl.u32 s10, $0x3  }
0x18: {  	s31 =	simm.s32 $0x680;
	s8 =	sadd.s32 s5, s13;
	s12 =	sadd.s32 $0xE0C00, s0  }
0x19: {  	s13 =	smax.u32 s6, $0x1;
	s0 =	sadd.s32 $0xC00, s19;
	s19 =	simm.s32 $0x80  }
0x1a: {  	[dreg:$0xc] =	wrdreg s31;
	s17 =	sadd.s32 $0x80, s8;
	s0 =	sshrl.u32 s0, $0x3  }
0x1b: {  	[dreg:$0xe] =	wrdreg s17;
	s15 =	sadd.s32 s0, s5;
	s17 =	simm.s32 $0x5  }
.LBB2_1:
0x1c: {  	s0 =	rddreg [dreg:$0xd]  }
0x1d: {  	[spmem:s16], [sflag:s9] =	dma.local [hbm:s0], $0x2780  }
0x1e: {  	_ =	swait.ge [sflag:s17], $0x2780  }
0x1f: {  	[sflag:s17] =	ssyncset.done $0x0  }
0x20: {  	[sflag:s17] =	ssyncadd.s32 $0xFFFFD880  }
0x21: {  	[tilespmem:s3], [sflag:$0x5] =	stream.linear.gather [hbm4b:s8+s3], $0x400, $0x38;
	[tilespmem:$0x1C400] =	vst v63  }
0x22: {  	_ =	swait.ge [sflag:s17], $0x400  }
0x23: {  	[sflag:s17] =	ssyncset.done $0x0  }
0x24: {  	s1 =	rddreg [dreg:$0xe];
	[sflag:s17] =	ssyncadd.s32 $0xFFFFFC00  }
0x25: {  	[tilespmem:s18], [sflag:$0x5] =	stream.linear.gather [hbm4b:s1+s3], $0x400, $0x38;
	[tilespmem:$0x1C400] =	vst v63  }
0x26: {  	_ =	swait.ge [sflag:s17], $0x400  }
0x27: {  	[sflag:s17] =	ssyncset.done $0x0  }
0x28: {  	[sflag:s17] =	ssyncadd.s32 $0xFFFFFC00  }
0x29: {  	[bflag:$0x0] =	sbarrier.arrive $0xFFFF  }
0x2a: {  	[tilespmem:s20], [sflag:$0x1] =	stream.indirect.gather [hbm4b:s4+s19], $0x80, s3, s19, $0xb8;
	[tilespmem:$0x1C400] =	vst v63  }
0x2b: {  	_ = 	snop  }
0x2c: {  	[tilespmem:s21], [sflag:$0x2] =	stream.indirect.gather [hbm4b:s4+s19], $0x80, s19, s19, $0xb8;
	[tilespmem:$0x1C400] =	vst v63  }
0x2d: {  	_ =	swait.ge [sflag:s22], $0x4000  }
0x2e: {  	[sflag:s22] =	ssyncset.done $0x0  }
0x2f: {  	s6 =	rddreg [dreg:$0x3];
	[sflag:s22] =	ssyncadd.s32 $0xFFFFC000  }
0x30: {  	[spmem:s2] =	stream.indirect.scatter.add.f32 [tilespmem:s20], [sflag:$0x5], $0x80, s6, s19, $0xb8;
	[tilespmem:$0x1C400] =	vst v63  }
0x31: {  	_ =	swait.ge [sflag:s17], $0x4000  }
0x32: {  	[sflag:s17] =	ssyncset.done $0x0  }
0x33: {  	s10 =	rddreg [dreg:$0x4];
	[sflag:s17] =	ssyncadd.s32 $0xFFFFC000  }
0x34: {  	[tilespmem:s20], [sflag:$0x1] =	stream.indirect.gather [hbm4b:s4+s19], $0x80, s10, s19, $0xb8;
	[tilespmem:$0x1C400] =	vst v63  }
0x35: {  	_ =	swait.ge [sflag:s23], $0x4000  }
0x36: {  	[sflag:s23] =	ssyncset.done $0x0  }
0x37: {  	s11 =	rddreg [dreg:$0x5];
	[sflag:s23] =	ssyncadd.s32 $0xFFFFC000  }
0x38: {  	[spmem:s2] =	stream.indirect.scatter.add.f32 [tilespmem:s21], [sflag:$0x5], $0x80, s11, s19, $0xb8;
	[tilespmem:$0x1C400] =	vst v63  }
0x39: {  	_ =	swait.ge [sflag:s17], $0x4000  }
0x3a: {  	[sflag:s17] =	ssyncset.done $0x0  }
0x3b: {  	s1 =	rddreg [dreg:$0x6];
	[sflag:s17] =	ssyncadd.s32 $0xFFFFC000  }
0x3c: {  	[tilespmem:s21], [sflag:$0x2] =	stream.indirect.gather [hbm4b:s4+s19], $0x80, s1, s19, $0xb8;
	[tilespmem:$0x1C400] =	vst v63  }
0x3d: {  	_ =	swait.ge [sflag:s22], $0x4000  }
0x3e: {  	[sflag:s22] =	ssyncset.done $0x0  }
0x3f: {  	s6 =	rddreg [dreg:$0x7];
	[sflag:s22] =	ssyncadd.s32 $0xFFFFC000  }
0x40: {  	[spmem:s2] =	stream.indirect.scatter.add.f32 [tilespmem:s20], [sflag:$0x5], $0x80, s6, s19, $0xb8;
	[tilespmem:$0x1C400] =	vst v63  }
0x41: {  	_ =	swait.ge [sflag:s17], $0x4000  }
0x42: {  	p0 =	por $0x1, $0x1;
	[sflag:s17] =	ssyncset.done $0x0  }
0x43: {  	s0 =	simm.s32 @!p0 $0x4;
	[sflag:s17] =	ssyncadd.s32 $0xFFFFC000  }
0x44: {  	_ =	swait.ge @!p0 [sflag:s0], $0x400  }
0x45: {  	[sflag:s0] =	ssyncset.done @!p0 $0x0  }
0x46: {  	[sflag:s0] =	ssyncadd.s32 @!p0 $0xFFFFFC00  }
0x47: {  	[tilespmem:s20], [sflag:$0x1] =	stream.indirect.gather [hbm4b:s4+s19], $0x80, s18, s19, $0xb8;
	[tilespmem:$0x1C400] =	vst v63  }
0x48: {  	_ =	swait.ge [sflag:s23], $0x4000  }
0x49: {  	[sflag:s23] =	ssyncset.done $0x0  }
0x4a: {  	s10 =	rddreg [dreg:$0x8];
	[sflag:s23] =	ssyncadd.s32 $0xFFFFC000  }
0x4b: {  	[spmem:s2] =	stream.indirect.scatter.add.f32 [tilespmem:s21], [sflag:$0x5], $0x80, s10, s19, $0xb8;
	[tilespmem:$0x1C400] =	vst v63  }
0x4c: {  	p1 =	sle.u32 s7, $0x2;
	_ =	swait.ge [sflag:s17], $0x4000  }
0x4d: {  	s0 =	sshrl.u32 @!p1 s14, $0x3;
	[sflag:s17] =	ssyncset.done $0x0  }
0x4e: {  	s1 =	simm.s32 @!p1 $0x0;
	s0 =	sadd.s32 @!p1 s5, s0;
	[sflag:s17] =	ssyncadd.s32 $0xFFFFC000  }
0x4f: {  	[tilespmem:s1], [sflag:$0x3] =	stream.linear.gather @!p1 [hbm4b:s0+s1], $0x400, $0x38;
	[tilespmem:$0x1C400] =	vst v63  }
0x50: {  	s6 =	rddreg [dreg:$0x9]  }
0x51: {  	[tilespmem:s21], [sflag:$0x2] =	stream.indirect.gather [hbm4b:s4+s19], $0x80, s6, s19, $0xb8;
	[tilespmem:$0x1C400] =	vst v63  }
0x52: {  	_ =	swait.ge [sflag:s22], $0x4000  }
0x53: {  	[sflag:s22] =	ssyncset.done $0x0  }
0x54: {  	s11 =	rddreg [dreg:$0xa];
	[sflag:s22] =	ssyncadd.s32 $0xFFFFC000  }
0x55: {  	[spmem:s2] =	stream.indirect.scatter.add.f32 [tilespmem:s20], [sflag:$0x5], $0x80, s11, s19, $0xb8;
	[tilespmem:$0x1C400] =	vst v63  }
0x56: {  	_ =	swait.ge [sflag:s17], $0x4000  }
0x57: {  	[sflag:s17] =	ssyncset.done $0x0  }
0x58: {  	s6 =	rddreg [dreg:$0xb];
	[sflag:s17] =	ssyncadd.s32 $0xFFFFC000  }
0x59: {  	[tilespmem:s20], [sflag:$0x1] =	stream.indirect.gather [hbm4b:s4+s19], $0x80, s6, s19, $0xb8;
	[tilespmem:$0x1C400] =	vst v63  }
0x5a: {  	_ =	swait.ge [sflag:s23], $0x4000  }
0x5b: {  	[sflag:s23] =	ssyncset.done $0x0  }
0x5c: {  	s10 =	rddreg [dreg:$0xc];
	[sflag:s23] =	ssyncadd.s32 $0xFFFFC000  }
0x5d: {  	[spmem:s2] =	stream.indirect.scatter.add.f32 [tilespmem:s21], [sflag:$0x5], $0x80, s10, s19, $0xb8;
	[tilespmem:$0x1C400] =	vst v63  }
0x5e: {  	_ =	swait.ge [sflag:s17], $0x4000  }
0x5f: {  	[sflag:s17] =	ssyncset.done $0x0  }
0x60: {  	[sflag:s17] =	ssyncadd.s32 $0xFFFFC000  }
0x61: {  	[tilespmem:s21], [sflag:$0x2] =	stream.indirect.gather [hbm4b:s4+s19], $0x80, s24, s19, $0xb8;
	[tilespmem:$0x1C400] =	vst v63  }
0x62: {  	_ =	swait.ge [sflag:s22], $0x4000  }
0x63: {  	[sflag:s22] =	ssyncset.done $0x0  }
0x64: {  	[sflag:s22] =	ssyncadd.s32 $0xFFFFC000  }
0x65: {  	[spmem:s2] =	stream.indirect.scatter.add.f32 [tilespmem:s20], [sflag:$0x5], $0x80, s25, s19, $0xb8;
	[tilespmem:$0x1C400] =	vst v63  }
0x66: {  	_ =	swait.ge [sflag:s17], $0x4000  }
0x67: {  	[sflag:s17] =	ssyncset.done $0x0  }
0x68: {  	s0 =	simm.s32 @!p1 $0x3;
	[sflag:s17] =	ssyncadd.s32 $0xFFFFC000  }
0x69: {  	_ =	swait.ge @!p1 [sflag:s0], $0x400  }
0x6a: {  	[sflag:s0] =	ssyncset.done @!p1 $0x0  }
0x6b: {  	s10 =	simm.s32 @!p1 $0x80;
	[sflag:s0] =	ssyncadd.s32 @!p1 $0xFFFFFC00;
	s0 =	simm.s32 @!p1 $0x800  }
0x6c: {  	[tilespmem:s0], [sflag:$0x1] =	stream.indirect.gather @!p1 [hbm4b:s4+s10], $0x80, s1, s10, $0xb8;
	[tilespmem:$0x1C400] =	vst v63  }
0x6d: {  	_ =	swait.ge [sflag:s23], $0x4000  }
0x6e: {  	[sflag:s23] =	ssyncset.done $0x0  }
0x6f: {  	[sflag:s23] =	ssyncadd.s32 $0xFFFFC000  }
0x70: {  	[spmem:s2] =	stream.indirect.scatter.add.f32 [tilespmem:s21], [sflag:$0x5], $0x80, s26, s19, $0xb8;
	[tilespmem:$0x1C400] =	vst v63  }
0x71: {  	p0 =	sle.u32 s7, $0x3;
	_ =	swait.ge [sflag:s17], $0x4000  }
0x72: {  	s0 =	simm.s32 @!p0 $0x0;
	s11 =	rddreg [dreg:$0xf];
	[sflag:s17] =	ssyncset.done $0x0  }
0x73: {  	s1 =	simm.s32 @!p0 $0x400;
	s29 =	sadd.s32 $0xFFFFFFFF, s11;
	[sflag:s17] =	ssyncadd.s32 $0xFFFFC000  }
0x74: {  	[tilespmem:s1], [sflag:$0x4] =	stream.linear.gather @!p0 [hbm4b:s15+s0], $0x400, $0x38;
	[tilespmem:$0x1C400] =	vst v63  }
0x75: {  	p0 =	sne.s32 s29, $0x0  }
.Ltmp0:
0x76: {  	_ = 	snop;
	(pc) =	sbr.rel @!p0 .LBB2_3-.Ltmp0, $3  }
0x77: {  	_ =	sdelay $0x1  }
0x78: {  	s30 =	sadd.s32 $0x100, s15  }
0x79: {  	s31 =	simm.s32 $0x4;
	s1 =	simm.s32 @!p1 $0x4800;
	s0 =	sadd.s32 $0x800, s14  }
.LBB2_2:
0x7a: {  	[tilespmem:s1], [sflag:$0x2] =	stream.indirect.gather @!p1 [hbm4b:s4+s10], $0x80, s10, s10, $0xb8;
	[tilespmem:$0x1C400] =	vst v63  }
0x7b: {  	_ =	swait.ge [sflag:s22], $0x4000  }
0x7c: {  	[sflag:s22] =	ssyncset.done $0x0  }
0x7d: {  	s6 =	rddreg [dreg:$0x3];
	[sflag:s22] =	ssyncadd.s32 $0xFFFFC000  }
0x7e: {  	[spmem:s2] =	stream.indirect.scatter.add.f32 [tilespmem:s20], [sflag:$0x5], $0x80, s6, s19, $0xb8;
	[tilespmem:$0x1C400] =	vst v63  }
0x7f: {  	_ =	swait.ge [sflag:s17], $0x4000  }
0x80: {  	[sflag:s17] =	ssyncset.done $0x0  }
0x81: {  	s10 =	rddreg [dreg:$0x4];
	[sflag:s17] =	ssyncadd.s32 $0xFFFFC000  }
0x82: {  	[tilespmem:s20], [sflag:$0x1] =	stream.indirect.gather [hbm4b:s4+s19], $0x80, s10, s19, $0xb8;
	[tilespmem:$0x1C400] =	vst v63  }
0x83: {  	_ =	swait.ge [sflag:s23], $0x4000  }
0x84: {  	[sflag:s23] =	ssyncset.done $0x0  }
0x85: {  	s11 =	rddreg [dreg:$0x5];
	[sflag:s23] =	ssyncadd.s32 $0xFFFFC000  }
0x86: {  	[spmem:s2] =	stream.indirect.scatter.add.f32 [tilespmem:s21], [sflag:$0x5], $0x80, s11, s19, $0xb8;
	[tilespmem:$0x1C400] =	vst v63  }
0x87: {  	_ =	swait.ge [sflag:s17], $0x4000  }
0x88: {  	[sflag:s17] =	ssyncset.done $0x0  }
0x89: {  	s10 =	rddreg [dreg:$0x6];
	[sflag:s17] =	ssyncadd.s32 $0xFFFFC000  }
0x8a: {  	[tilespmem:s21], [sflag:$0x2] =	stream.indirect.gather [hbm4b:s4+s19], $0x80, s10, s19, $0xb8;
	[tilespmem:$0x1C400] =	vst v63  }
0x8b: {  	_ =	swait.ge [sflag:s22], $0x4000  }
0x8c: {  	[sflag:s22] =	ssyncset.done $0x0  }
0x8d: {  	s11 =	rddreg [dreg:$0x7];
	[sflag:s22] =	ssyncadd.s32 $0xFFFFC000  }
0x8e: {  	[spmem:s2] =	stream.indirect.scatter.add.f32 [tilespmem:s20], [sflag:$0x5], $0x80, s11, s19, $0xb8;
	[tilespmem:$0x1C400] =	vst v63  }
0x8f: {  	_ =	swait.ge [sflag:s17], $0x4000  }
0x90: {  	p1 =	seq.s32 s31, $0x2;
	[sflag:s17] =	ssyncset.done $0x0  }
0x91: {  	s6 =	simm.s32 @!p1 $0x4;
	[sflag:s17] =	ssyncadd.s32 $0xFFFFC000  }
0x92: {  	_ =	swait.ge @!p1 [sflag:s6], $0x400  }
0x93: {  	[sflag:s6] =	ssyncset.done @!p1 $0x0  }
0x94: {  	[sflag:s6] =	ssyncadd.s32 @!p1 $0xFFFFFC00  }
0x95: {  	[tilespmem:s20], [sflag:$0x1] =	stream.indirect.gather [hbm4b:s4+s19], $0x80, s18, s19, $0xb8;
	[tilespmem:$0x1C400] =	vst v63  }
0x96: {  	_ =	swait.ge [sflag:s23], $0x4000  }
0x97: {  	[sflag:s23] =	ssyncset.done $0x0  }
0x98: {  	s10 =	rddreg [dreg:$0x8];
	[sflag:s23] =	ssyncadd.s32 $0xFFFFC000  }
0x99: {  	[spmem:s2] =	stream.indirect.scatter.add.f32 [tilespmem:s21], [sflag:$0x5], $0x80, s10, s19, $0xb8;
	[tilespmem:$0x1C400] =	vst v63  }
0x9a: {  	p1 =	sge.u32 s31, s7;
	_ =	swait.ge [sflag:s17], $0x4000  }
0x9b: {  	s10 =	sshrl.u32 @!p1 s0, $0x3;
	[sflag:s17] =	ssyncset.done $0x0  }
0x9c: {  	s6 =	simm.s32 @!p1 $0x0;
	s10 =	sadd.s32 @!p1 s5, s10;
	[sflag:s17] =	ssyncadd.s32 $0xFFFFC000  }
0x9d: {  	[tilespmem:s6], [sflag:$0x3] =	stream.linear.gather @!p1 [hbm4b:s10+s6], $0x400, $0x38;
	[tilespmem:$0x1C400] =	vst v63  }
0x9e: {  	s11 =	rddreg [dreg:$0x9]  }
0x9f: {  	[tilespmem:s21], [sflag:$0x2] =	stream.indirect.gather [hbm4b:s4+s19], $0x80, s11, s19, $0xb8;
	[tilespmem:$0x1C400] =	vst v63  }
0xa0: {  	_ =	swait.ge [sflag:s22], $0x4000  }
0xa1: {  	[sflag:s22] =	ssyncset.done $0x0  }
0xa2: {  	s11 =	rddreg [dreg:$0xa];
	[sflag:s22] =	ssyncadd.s32 $0xFFFFC000  }
0xa3: {  	[spmem:s2] =	stream.indirect.scatter.add.f32 [tilespmem:s20], [sflag:$0x5], $0x80, s11, s19, $0xb8;
	[tilespmem:$0x1C400] =	vst v63  }
0xa4: {  	_ =	swait.ge [sflag:s17], $0x4000  }
0xa5: {  	[sflag:s17] =	ssyncset.done $0x0  }
0xa6: {  	s11 =	rddreg [dreg:$0xb];
	[sflag:s17] =	ssyncadd.s32 $0xFFFFC000  }
0xa7: {  	[tilespmem:s20], [sflag:$0x1] =	stream.indirect.gather [hbm4b:s4+s19], $0x80, s11, s19, $0xb8;
	[tilespmem:$0x1C400] =	vst v63  }
0xa8: {  	_ =	swait.ge [sflag:s23], $0x4000  }
0xa9: {  	[sflag:s23] =	ssyncset.done $0x0  }
0xaa: {  	s11 =	rddreg [dreg:$0xc];
	[sflag:s23] =	ssyncadd.s32 $0xFFFFC000  }
0xab: {  	[spmem:s2] =	stream.indirect.scatter.add.f32 [tilespmem:s21], [sflag:$0x5], $0x80, s11, s19, $0xb8;
	[tilespmem:$0x1C400] =	vst v63  }
0xac: {  	_ =	swait.ge [sflag:s17], $0x4000  }
0xad: {  	[sflag:s17] =	ssyncset.done $0x0  }
0xae: {  	[sflag:s17] =	ssyncadd.s32 $0xFFFFC000  }
0xaf: {  	[tilespmem:s21], [sflag:$0x2] =	stream.indirect.gather [hbm4b:s4+s19], $0x80, s24, s19, $0xb8;
	[tilespmem:$0x1C400] =	vst v63  }
0xb0: {  	_ =	swait.ge [sflag:s22], $0x4000  }
0xb1: {  	[sflag:s22] =	ssyncset.done $0x0  }
0xb2: {  	[sflag:s22] =	ssyncadd.s32 $0xFFFFC000  }
0xb3: {  	[spmem:s2] =	stream.indirect.scatter.add.f32 [tilespmem:s20], [sflag:$0x5], $0x80, s25, s19, $0xb8;
	[tilespmem:$0x1C400] =	vst v63  }
0xb4: {  	_ =	swait.ge [sflag:s17], $0x4000  }
0xb5: {  	[sflag:s17] =	ssyncset.done $0x0  }
0xb6: {  	s10 =	simm.s32 @!p1 $0x3;
	[sflag:s17] =	ssyncadd.s32 $0xFFFFC000  }
0xb7: {  	_ =	swait.ge @!p1 [sflag:s10], $0x400  }
0xb8: {  	[sflag:s10] =	ssyncset.done @!p1 $0x0  }
0xb9: {  	s11 =	simm.s32 @!p1 $0x800;
	[sflag:s10] =	ssyncadd.s32 @!p1 $0xFFFFFC00;
	s10 =	simm.s32 @!p1 $0x80  }
0xba: {  	[tilespmem:s11], [sflag:$0x1] =	stream.indirect.gather @!p1 [hbm4b:s4+s10], $0x80, s6, s10, $0xb8;
	[tilespmem:$0x1C400] =	vst v63  }
0xbb: {  	_ =	swait.ge [sflag:s23], $0x4000  }
0xbc: {  	s29 =	sadd.s32 $0xFFFFFFFF, s29;
	[sflag:s23] =	ssyncset.done $0x0  }
0xbd: {  	s1 =	smov.u32 s30;
	p0 =	sne.s32 s29, $0x0;
	[sflag:s23] =	ssyncadd.s32 $0xFFFFC000  }
0xbe: {  	[spmem:s2] =	stream.indirect.scatter.add.f32 [tilespmem:s21], [sflag:$0x5], $0x80, s26, s19, $0xb8;
	[tilespmem:$0x1C400] =	vst v63  }
.Ltmp1:
0xbf: {  	s11 =	sadd.s32 $0x1, s31;
	_ =	swait.ge [sflag:s17], $0x4000;
	(pc) =	sbr.rel @p0 .LBB2_2-.Ltmp1, $4  }
0xc0: {  	s30 =	sadd.s32 $0x100, s30;
	p2 =	sge.u32 s11, s7;
	[sflag:s17] =	ssyncset.done $0x0  }
0xc1: {  	s6 =	simm.s32 @!p2 $0x0;
	s11 =	simm.s32 @!p2 $0x400;
	[sflag:s17] =	ssyncadd.s32 $0xFFFFC000  }
0xc2: {  	[tilespmem:s11], [sflag:$0x4] =	stream.linear.gather @!p2 [hbm4b:s1+s6], $0x400, $0x38;
	[tilespmem:$0x1C400] =	vst v63  }
0xc3: {  	s0 =	sadd.s32 $0x800, s0;
	s31 =	sadd.s32 $0x2, s31;
	s1 =	simm.s32 @!p1 $0x4800  }
.LBB2_3:
0xc4: {  	[tilespmem:s1], [sflag:$0x2] =	stream.indirect.gather @!p1 [hbm4b:s4+s10], $0x80, s10, s10, $0xb8;
	[tilespmem:$0x1C400] =	vst v63  }
0xc5: {  	s28 =	sadd.s32 $0x1, s28  }
0xc6: {  	p0 =	sne.s32 s28, s13  }
.Ltmp2:
0xc7: {  	[bflag:$0x0] =	sbarrier.arrive $0xFFFF;
	(pc) =	sbr.rel @p0 .LBB2_1-.Ltmp2, $4  }
0xc8: {  	[hbm:s12], [sflag:s9] =	dma.local [spmem:s16], $0x2780  }
0xc9: {  	_ =	swait.ge [sflag:s17], $0x2780  }
0xca: {  	[sflag:s17] =	ssyncset.done $0x0  }
0xcb: {  	[sflag:s17] =	ssyncadd.s32 $0xFFFFD880  }
0xcc: {  	_ =	sfence.sel $0x180000  }
0xcd: {  	[bflag:$0x0] =	sbarrier.arrive $0xFFFF  }
0xce: {  	_ =	strace $0x9000004D  }
0xcf: {  	s0 =	stileid.u32;
	[bflag:$0x2] =	sbarrier.arrive $0xFFFF  }
0xd0: {  	p0 =	sne.s32 s0, $0x0;
	s0 =	rddreg [dreg:$0x2]  }
0xd1: {  	s0 =	sadd.s32 @!p0 $0x100000, s0  }
0xd2: {  	[sflag:s0] =	ssyncadd.tile.s32 @!p0 $0x1;
	_ =	shalt  }
.Lfunc_end2:
_tile_overlayer_lowered:
.L_overlay_start_2:
0xd3: {  	(tag) =	ssettag $0x2  }
0xd4: {  	s0 =	rddreg [dreg:$0x0];
	s2 =	stileid.u32  }
0xd5: {  	s1 =	rddreg [dreg:$0x1];
	p0 =	sne.s32 s2, $0x0  }
0xd6: {  	s3 =	rddreg [dreg:$0x2];
	[bflag:$0x3] =	sbarrier.arrive $0xFFFF;
	s2 =	simm.s32 @!p0 $0x1C05  }
0xd7: {  	[timem:s3], [sflag:s2] =	dma.local @!p0 [hbm:s0], s1  }
0xd8: {  	s0 =	simm.s32 @!p0 $0x5  }
0xd9: {  	_ =	swait.ge @!p0 [sflag:s0], s1  }
0xda: {  	s1 =	ssub.s32 @!p0 $0x0, s1;
	[sflag:s0] =	ssyncset.done @!p0 $0x0  }
0xdb: {  	[sflag:s0] =	ssyncadd.s32 @!p0 s1  }
0xdc: {  	[bflag:$0x3] =	sbarrier.arrive $0xFFFF  }
0xdd: {  	_ =	shalt  }

// kernel: kernel.7.cloned.1.call-start
scs
__scs_entry_jumppad:
0x0: {  	(pc) =	sbr.rel $0x88, $3  }
0x1: {  	(tag) =	ssettag $0x0;
	lr =	simm.s32 $0x1  }
0x2: {  	[smem:$0x3F91] =	sst lr;
	_ =	strace $0xD0000000  }
0x3: {  	_ = 	snop  }
0x4: {  	_ = 	snop  }
0x5: {  	_ = 	snop  }
0x6: {  	_ = 	snop  }
0x7: {  	_ = 	snop  }
__scs_overlays_trampoline_lowered:
0x8: {  	[smem:$0x3FA0] =	sst s0  }
0x9: {  	[smem:$0x3FA1] =	sst s1  }
0xa: {  	[smem:$0x3FA2] =	sst s2  }
0xb: {  	[smem:$0x3FA3] =	sst s3  }
0xc: {  	[smem:$0x3FA4] =	sst s4  }
0xd: {  	[smem:$0x3FA5] =	sst s5  }
0xe: {  	[smem:$0x3FA6] =	sst s6  }
0xf: {  	[smem:$0x3FA7] =	sst s7  }
0x10: {  	[smem:$0x3FA8] =	sst s8  }
0x11: {  	[smem:$0x3FA9] =	sst s9;
	s0 =	simm.s32 @!p0 $0x0  }
0x12: {  	s1 =	sld [smem:$0x3F8F];
	s0 =	simm.s32 @p0 $0x1  }
0x13: {  	[smem:$0x3FAA] =	sst s0;
	s0 =	simm.s32 @!p1 $0x0  }
0x14: {  	s2 =	sld [smem:$0x3F8E];
	s0 =	simm.s32 @p1 $0x1  }
0x15: {  	[smem:$0x3FAB] =	sst s0;
	s0 =	simm.s32 @!p2 $0x0  }
0x16: {  	s3 =	sld [smem:$0x3FDB];
	s0 =	simm.s32 @p2 $0x1  }
0x17: {  	s4 =	simm.s32 $0x1BF5;
	[smem:$0x3FAD] =	sst s0  }
0x18: {  	s0 =	sld [smem:$0x3F90];
	_ =	swait.ge [sflag:s4], $0x0  }
0x19: {  	s7 =	sld [smem:$0x3F91]  }
0x1a: {  	s8 =	sadd.s32 $0xFFFFE003, lr  }
0x1b: {  	s9 =	sadd.s32 $0xFFFFFEF7, lr;
	s5 =	simm.s32 $0xFFFFFFFF;
	p2 =	slt.u32 s8, $0xFFFFF086  }
0x1c: {  	p1 =	slt.u32 s9, $0xF7A;
	s5 =	simm.s32 @!p2 $0x0  }
0x1d: {  	s5 =	simm.s32 @p1 $0x1;
	p0 =	seq.s32 s7, s2  }
0x1e: {  	s7 =	smul.u32 @!p0 $0xF7A, s2;
	p2 =	seq.s32 @!p0 s5, $0x0  }
0x1f: {  	s9 =	smul.u32 $0xF7A, s1;
	s8 =	simm.s32 @!p0 $0x1BF5;
	p2 =	por !p2, p0  }
0x20: {  	[sflag:s8] =	ssyncset.s32 @!p0 $0xFFFFF086;
	s6 =	sadd.s32 @!p0 s3, s7;
	s7 =	simm.s32 @!p0 $0x108  }
0x21: {  	s3 =	sadd.s32 s3, s9;
	s6 =	sadd.s32 @!p0 $0x88, s6;
	s7 =	simm.s32 @p2 $0x1082  }
0x22: {  	[simem:s7], [sflag:s8] =	dma.local @!p0 [hbm:s6], $0xF7A  }
0x23: {  	s9 =	sor.u32 $0xD0000000, s2;
	s6 =	simm.s32 $0x108;
	_ =	swait.ge @!p0 [sflag:s8], $0x0  }
0x24: {  	s3 =	sadd.s32 $0x88, s3;
	s6 =	simm.s32 @!p1 $0x1082;
	[sflag:s4] =	ssyncset.s32 $0xFFFFF086  }
0x25: {  	[simem:s6], [sflag:s4] =	dma.local [hbm:s3], $0xF7A  }
0x26: {  	[smem:$0x3F91] =	sst s1;
	(tag) =	ssettag s2;
	_ =	strace s9  }
0x27: {  	s1 =	sld [smem:$0x3FA1]  }
0x28: {  	s2 =	sld [smem:$0x3FA2]  }
0x29: {  	s4 =	sld [smem:$0x3FA4]  }
0x2a: {  	p0 =	seq.s32 s5, $0x0;
	s5 =	sld [smem:$0x3FA5]  }
0x2b: {  	s6 =	sld [smem:$0x3FA6]  }
0x2c: {  	s7 =	sld [smem:$0x3FA7]  }
0x2d: {  	s3 =	simm.s32 $0x108;
	s8 =	sld [smem:$0x3FA8]  }
0x2e: {  	s3 =	simm.s32 @!p0 $0x1082;
	s9 =	sld [smem:$0x3FA9]  }
0x2f: {  	lr =	sadd.s32 s0, s3;
	s0 =	sld [smem:$0x3FA0]  }
0x30: {  	s3 =	sld [smem:$0x3FA3]  }
0x31: {  	[smem:$0x3FAC] =	sst s10  }
0x32: {  	s10 =	sld [smem:$0x3FAA];
	_ =	sdelay $0x3  }
0x33: {  	p0 =	seq.s32 s10, $0x1;
	s10 =	sld [smem:$0x3FAC];
	_ =	sdelay $0x3  }
0x34: {  	[smem:$0x3FAC] =	sst s10  }
0x35: {  	s10 =	sld [smem:$0x3FAB];
	_ =	sdelay $0x3  }
0x36: {  	p1 =	seq.s32 s10, $0x1;
	s10 =	sld [smem:$0x3FAC];
	_ =	sdelay $0x3  }
0x37: {  	[smem:$0x3FAC] =	sst s10  }
0x38: {  	s10 =	sld [smem:$0x3FAD]  }
0x39: {  	_ = 	snop;
	(pc) =	sbr.ind lr, $3  }
0x3a: {  	_ = 	snop  }
0x3b: {  	_ = 	snop  }
0x3c: {  	p2 =	seq.s32 s10, $0x1;
	s10 =	sld [smem:$0x3FAC]  }
0x3d: {  	_ =	shalt  }
0x3e: {  	_ =	shalt  }
0x3f: {  	_ =	shalt  }
0x40: {  	_ =	shalt  }
0x41: {  	_ =	shalt  }
0x42: {  	_ =	shalt  }
0x43: {  	_ =	shalt  }
0x44: {  	_ =	shalt  }
0x45: {  	_ =	shalt  }
0x46: {  	_ =	shalt  }
0x47: {  	_ =	shalt  }
0x48: {  	_ =	shalt  }
0x49: {  	_ =	shalt  }
0x4a: {  	_ =	shalt  }
0x4b: {  	_ =	shalt  }
0x4c: {  	_ =	shalt  }
0x4d: {  	_ =	shalt  }
0x4e: {  	_ =	shalt  }
0x4f: {  	_ =	shalt  }
0x50: {  	_ =	shalt  }
0x51: {  	_ =	shalt  }
0x52: {  	_ =	shalt  }
0x53: {  	_ =	shalt  }
0x54: {  	_ =	shalt  }
0x55: {  	_ =	shalt  }
0x56: {  	_ =	shalt  }
0x57: {  	_ =	shalt  }
0x58: {  	_ =	shalt  }
0x59: {  	_ =	shalt  }
0x5a: {  	_ =	shalt  }
0x5b: {  	_ =	shalt  }
0x5c: {  	_ =	shalt  }
0x5d: {  	_ =	shalt  }
0x5e: {  	_ =	shalt  }
0x5f: {  	_ =	shalt  }
0x60: {  	_ =	shalt  }
0x61: {  	_ =	shalt  }
0x62: {  	_ =	shalt  }
0x63: {  	_ =	shalt  }
0x64: {  	_ =	shalt  }
0x65: {  	_ =	shalt  }
0x66: {  	_ =	shalt  }
0x67: {  	_ =	shalt  }
0x68: {  	_ =	shalt  }
0x69: {  	_ =	shalt  }
0x6a: {  	_ =	shalt  }
0x6b: {  	_ =	shalt  }
0x6c: {  	_ =	shalt  }
0x6d: {  	_ =	shalt  }
0x6e: {  	_ =	shalt  }
0x6f: {  	_ =	shalt  }
0x70: {  	_ =	shalt  }
0x71: {  	_ =	shalt  }
0x72: {  	_ =	shalt  }
0x73: {  	_ =	shalt  }
0x74: {  	_ =	shalt  }
0x75: {  	_ =	shalt  }
0x76: {  	_ =	shalt  }
0x77: {  	_ =	shalt  }
0x78: {  	_ =	shalt  }
0x79: {  	_ =	shalt  }
0x7a: {  	_ =	shalt  }
0x7b: {  	_ =	shalt  }
0x7c: {  	_ =	shalt  }
0x7d: {  	_ =	shalt  }
0x7e: {  	_ =	shalt  }
0x7f: {  	_ =	shalt  }
0x80: {  	_ =	shalt  }
0x81: {  	_ =	shalt  }
0x82: {  	_ =	shalt  }
0x83: {  	_ =	shalt  }
0x84: {  	_ =	shalt  }
0x85: {  	_ =	shalt  }
0x86: {  	_ =	shalt  }
0x87: {  	_ =	shalt  }
.Lfunc_end0:
.L_simem_size_0:
called_computation_lowered:
.L_overlay_start_0:
0x88: {  	s2 =	sld [smem:$0x3FD9]  }
0x89: {  	s3 =	sld [smem:$0x3FFE];
	_ =	sdelay $0x1  }
0x8a: {  	s1 =	srdreg.scid  }
0x8b: {  	s0 =	sand.u32 $0x1, s1  }
0x8c: {  	s17 =	sshll.u32 s0, $0xA;
	s2 =	sadd.s32 s3, s2  }
0x8d: {  	s2 =	sadd.s32 s2, s17  }
0x8e: {  	[smem:$0x3FB8] =	sst s2  }
0x8f: {  	_ = 	snop  }
0x90: {  	(tm) =	ssettm $0x1  }
0x91: {  	s18 =	sld [smem:$0x3FFB];
	_ =	sdelay $0x3  }
0x92: {  	_ =	strace s18  }
0x93: {  	s2 =	sld [smem:$0x3FFC];
	_ =	sdelay $0x3  }
0x94: {  	_ =	strace s2  }
0x95: {  	s2 =	sld [smem:$0x3FFD];
	_ =	sdelay $0x3  }
0x96: {  	_ =	strace s2  }
0x97: {  	_ =	strace $0x8FFFFFFF  }
0x98: {  	s19 =	sld [smem:$0x3FDB];
	_ =	sdelay $0x1  }
0x99: {  	s20 =	simm.s32 $_scs_section_size  }
0x9a: {  	s4 =	simm.s32 $_size__tile_overlayer_lowered;
	s5 =	simm.s32 $_tile_overlayer_lowered  }
0x9b: {  	s6 =	simm.s32 $0x1BFF;
	s21 =	sshll.u32 s5, $0x1;
	s3 =	sadd.s32 s20, s19  }
0x9c: {  	s22 =	simm.s32 $0x0;
	s4 =	sshll.u32 s4, $0x1;
	s5 =	sadd.s32 s21, s3  }
0x9d: {  	[timem:s22], [sflag:s6] =	dma.local [hbm:s5], s4  }
0x9e: {  	_ =	swait.ge [sflag:s6], s4  }
0x9f: {  	s4 =	ssub.s32 $0x0, s4;
	[sflag:s6] =	ssyncset.done $0x0  }
0xa0: {  	[sflag:s6] =	ssyncadd.s32 s4;
	_ =	sdelay $0x1  }
0xa1: {  	s23 =	simm.s32 $0x1B8B  }
0xa2: {  	_ =	swait.ge [sflag:s23], $0x1  }
0xa3: {  	[sflag:s23] =	ssyncset.done $0x0  }
0xa4: {  	[sflag:s23] =	ssyncadd.s32 $0xFFFFFFFF  }
0xa5: {  	s4 =	sld [smem:$0x0]  }
0xa6: {  	s5 =	sand.u32 $0xFFFFFFFE, s1  }
0xa7: {  	p0 =	sne.s32 s1, s5  }
0xa8: {  	s5 =	sshll.u32 @p0 s5, $0xE  }
0xa9: {  	s5 =	sadd.s32 @p0 $0x11B8D, s5;
	s6 =	sshll.u32 @p0 s4, $0x11  }
0xaa: {  	s5 =	sor.u32 @p0 s6, s5  }
0xab: {  	[sflag:s5] =	ssyncadd.remote.s32 @p0 $0x1;
	_ =	sdelay $0x1  }
0xac: {  	s5 =	simm.s32 @p0 $0x1B8D  }
0xad: {  	_ =	swait.eq @p0 [sflag:s5], $0x1  }
0xae: {  	[sflag:s5] =	ssyncadd.s32 @p0 $0xFFFFFFFF  }
0xaf: {  	s6 =	sshll.u32 @!p0 s1, $0xE  }
0xb0: {  	s6 =	sor.u32 @!p0 $0x4000, s6;
	s5 =	simm.s32 @!p0 $0x1B8D  }
0xb1: {  	s4 =	sshll.u32 @!p0 s4, $0x11;
	s6 =	sadd.s32 @!p0 $0x11B8D, s6;
	_ =	swait.eq @!p0 [sflag:s5], $0x1  }
0xb2: {  	s4 =	sor.u32 @!p0 s4, s6;
	[sflag:s5] =	ssyncadd.s32 @!p0 $0xFFFFFFFF  }
0xb3: {  	s25 =	simm.s32 $0x1B8E;
	s24 =	sld [smem:$0x3FFE];
	[sflag:s4] =	ssyncadd.remote.s32 @!p0 $0x1  }
0xb4: {  	s26 =	simm.s32 $execute0_lowered;
	[smem:$0x3FD2] =	sst s25  }
0xb5: {  	s5 =	sshll.u32 s26, $0x1;
	_ =	strace $0x80000049;
	[dreg:$0x1] =	wrdreg $0xFFFFFFFF  }
0xb6: {  	s28 =	simm.s32 $_size_execute0_lowered;
	s3 =	sadd.s32 s3, s5;
	[dreg:$0x0] =	wrdreg $0x0  }
0xb7: {  	s5 =	sshll.u32 s28, $0x1;
	[dreg:$0x2] =	wrdreg s3  }
0xb8: {  	[dreg:$0x3] =	wrdreg s5  }
0xb9: {  	[dreg:$0x4] =	wrdreg $0xC0  }
0xba: {  	_ =	task [dreg:s22], $0x5FFFF  }
0xbb: {  	[dreg:$0x1] =	wrdreg $0xFFFFFFFF  }
0xbc: {  	[dreg:$0x0] =	wrdreg $0x60  }
0xbd: {  	[dreg:$0x2] =	wrdreg s24  }
0xbe: {  	[dreg:$0x3] =	wrdreg $0x88000  }
0xbf: {  	[dreg:$0x4] =	wrdreg $0x9  }
0xc0: {  	_ =	task.clear_ibuf [dreg:s22], $0x5FFFF;
	_ =	strace $0x90000049  }
0xc1: {  	s29 =	simm.s32 $0x9;
	_ =	strace $0x8000004B  }
0xc2: {  	_ =	swait.ge [sflag:s29], $0x1  }
0xc3: {  	[sflag:s29] =	ssyncadd.s32 $0xFFFFFFFF  }
0xc4: {  	_ =	strace $0x9000004B  }
0xc5: {  	_ =	sfence  }
0xc6: {  	s30 =	sld [smem:$0x0];
	_ =	sdelay $0x2  }
0xc7: {  	s31 =	sshll.u32 s1, $0xD;
	s1 =	sshrl.u32 s1, $0x2  }
0xc8: {  	s4 =	sand.u32 $0x4000, s31;
	s1 =	sadd.s32 s1, s30  }
0xc9: {  	s0 =	sor.u32 s4, s0;
	s1 =	sshll.u32 s1, $0x11  }
0xca: {  	s0 =	sor.u32 s1, s0  }
0xcb: {  	s0 =	sadd.s32 $0x8F2B, s0  }
0xcc: {  	[sflag:s0] =	ssyncadd.remote.s32 $0x1  }
0xcd: {  	_ =	sfence.sel $0xFFFF  }
0xce: {  	[dreg:$0x0] =	wrdreg $0xFFFFFFFF;
	(pc) =	sbr.abs _section_cstart, $3  }
0xcf: {  	[dreg:$0x1] =	wrdreg $0xFFFFFFFF  }
0xd0: {  	_ =	task.clear_ibuf [dreg:s22], $0x2FFFF;
	_ =	strace $0x9FFFFFFF  }
0xd1: {  	(tm) =	ssettm $0x7FFFFFFF  }
tec
execute0_lowered:
.L_overlay_start_1:
0x0: {  	(tag) =	ssettag $0x1  }
0x1: {  	s0 =	rddreg [dreg:$0x0]  }
0x2: {  	s1 =	rddreg [dreg:$0x1]  }
0x3: {  	s3 =	simm.s32 $0x0;
	s2 =	srdreg.scid;
	s11 =	stileid.u32  }
0x4: {  	s14 =	simm.s32 $0x5;
	s15 =	simm.s32 $0x400;
	s16 =	simm.s32 $0x80  }
0x5: {  	s17 =	simm.s32 $0x800;
	s18 =	simm.s32 $0x4800;
	s19 =	simm.s32 $0x1  }
0x6: {  	s28 =	simm.s32 $0x480;
	s29 =	simm.s32 $0x600;
	s30 =	simm.s32 $0x500  }
0x7: {  	s31 =	simm.s32 $0x680;
	[smem:$0x7FF] =	sst s3;
	s6 =	smul.u32 $0x13C00, s11  }
0x8: {  	s2 =	sand.u32 $0x1, s2;
	s4 =	sadd.s32 $0xA41C00, s0;
	s20 =	smul.u32 $0x4F000, s11  }
0x9: {  	s8 =	sadd.s32 $0x7DC00, s0;
	s9 =	sadd.s32 $0x2C400, s0;
	s10 =	smul.u32 $0x5000, s11  }
0xa: {  	s23 =	sshll.u32 s11, $0x6;
	s5 =	smul.u32 $0x13C000, s2;
	_ =	strace $0x8000004A  }
0xb: {  	s7 =	sshll.u32 s2, $0x4;
	[dreg:$0x3] =	wrdreg s9;
	s21 =	ssub.s32 $0x2, s2  }
0xc: {  	s2 =	smul.u32 $0x50000, s2;
	s9 =	simm.s32 $0x0;
	s7 =	sor.u32 s11, s7  }
0xd: {  	s22 =	sshrl.u32 s21, $0x1;
	s5 =	sadd.s32 s6, s5;
	s7 =	smul.u32 $0x5000, s7  }
0xe: {  	s6 =	sshrl.u32 s20, $0x2;
	s2 =	sadd.s32 s10, s2;
	s10 =	sor.u32 $0x1C05, s23  }
0xf: {  	s20 =	simm.s32 $0x200;
	s23 =	simm.s32 $0x280;
	s5 =	sshrl.u32 s5, $0x3  }
0x10: {  	s6 =	sadd.s32 s6, s1;
	s24 =	sor.u32 $0xC00, s2;
	s2 =	sor.u32 $0x800, s2  }
0x11: {  	s0 =	sadd.s32 s5, s0;
	s5 =	ssub.s32 s21, s22;
	s7 =	sshrl.u32 s7, $0x3  }
0x12: {  	s25 =	sshrl.u32 s24, $0x3;
	s26 =	sshrl.u32 s2, $0x3;
	s21 =	simm.s32 $0x100  }
0x13: {  	s22 =	simm.s32 $0x2;
	s24 =	simm.s32 $0x180;
	s2 =	simm.s32 $0x700  }
0x14: {  	s7 =	sadd.s32 s8, s7;
	s0 =	sadd.s32 $0x91C00, s0;
	s5 =	smax.u32 s5, $0x1  }
.Ltmp0:
0x15: {  	s11 =	sadd.s32 s25, s8;
	[dreg:$0x4] =	wrdreg s7;
	(pc) =	sbr.rel .LBB2_1-.Ltmp0, $4  }
0x16: {  	s12 =	sadd.s32 s26, s8;
	s25 =	simm.s32 $0x300;
	[dreg:$0x6] =	wrdreg s0  }
0x17: {  	s26 =	simm.s32 $0x380;
	s7 =	sadd.s32 $0x80, s7;
	[dreg:$0x7] =	wrdreg s5  }
0x18: {  	s8 =	simm.s32 $0x3;
	[dreg:$0x5] =	wrdreg s7;
	s7 =	sshrl.u32 s6, $0x3  }
0x19: {  	s0 =	simm.s32 $0x580;
	s5 =	simm.s32 $0x780;
	[dreg:$0x8] =	wrdreg s7  }
.LBB2_4:
0x1a: {  	_ =	swait.ge [sflag:s22], $0x4000  }
0x1b: {  	[sflag:s22] =	ssyncset.done $0x0  }
0x1c: {  	[sflag:s22] =	ssyncadd.s32 $0xFFFFC000  }
0x1d: {  	[spmem:s1] =	stream.indirect.scatter.add.f32 [tilespmem:s18], [sflag:$0x5], $0x80, s5, s16, $0xb8;
	[tilespmem:$0x1C400] =	vst v63  }
0x1e: {  	_ =	swait.ge [sflag:s14], $0x4000  }
0x1f: {  	[sflag:s14] =	ssyncset.done $0x0  }
0x20: {  	[sflag:s14] =	ssyncadd.s32 $0xFFFFC000  }
0x21: {  	[bflag:$0x0] =	sbarrier.arrive $0xFFFF  }
0x22: {  	s6 =	rddreg [dreg:$0x6]  }
0x23: {  	s7 =	rddreg [dreg:$0x8]  }
0x24: {  	[hbm:s6], [sflag:s13] =	dma.local [spmem:s7], $0x2780  }
0x25: {  	_ =	swait.ge [sflag:s14], $0x2780  }
0x26: {  	s10 =	smov.u32 s13;
	s9 =	sadd.s32 $0x1, s9;
	s13 =	rddreg [dreg:$0x7]  }
0x27: {  	p0 =	sne.s32 s9, s13  }
.Ltmp1:
0x28: {  	_ = 	snop;
	(pc) =	sbr.rel @!p0 .LBB2_5-.Ltmp1, $3  }
0x29: {  	_ =	sdelay $0x1  }
0x2a: {  	[sflag:s14] =	ssyncset.done $0x0  }
0x2b: {  	[sflag:s14] =	ssyncadd.s32 $0xFFFFD880  }
.LBB2_1:
0x2c: {  	s6 =	rddreg [dreg:$0x3]  }
0x2d: {  	[spmem:s7], [sflag:s10] =	dma.local [hbm:s6], $0x2780  }
0x2e: {  	_ =	swait.ge [sflag:s14], $0x2780  }
0x2f: {  	[sflag:s14] =	ssyncset.done $0x0  }
0x30: {  	s7 =	rddreg [dreg:$0x4];
	[sflag:s14] =	ssyncadd.s32 $0xFFFFD880  }
0x31: {  	[tilespmem:s3], [sflag:$0x5] =	stream.linear.gather [hbm4b:s7+s3], $0x400, $0x38;
	[tilespmem:$0x1C400] =	vst v63  }
0x32: {  	_ =	swait.ge [sflag:s14], $0x400  }
0x33: {  	[sflag:s14] =	ssyncset.done $0x0  }
0x34: {  	s13 =	smov.u32 s10;
	s10 =	rddreg [dreg:$0x5];
	[sflag:s14] =	ssyncadd.s32 $0xFFFFFC00  }
0x35: {  	[tilespmem:s15], [sflag:$0x5] =	stream.linear.gather [hbm4b:s10+s3], $0x400, $0x38;
	[tilespmem:$0x1C400] =	vst v63  }
0x36: {  	_ =	swait.ge [sflag:s14], $0x400  }
0x37: {  	[sflag:s14] =	ssyncset.done $0x0  }
0x38: {  	[sflag:s14] =	ssyncadd.s32 $0xFFFFFC00  }
0x39: {  	[bflag:$0x0] =	sbarrier.arrive $0xFFFF  }
0x3a: {  	[tilespmem:s17], [sflag:$0x1] =	stream.indirect.gather [hbm4b:s4+s16], $0x80, s3, s16, $0xb8;
	[tilespmem:$0x1C400] =	vst v63  }
0x3b: {  	s6 =	simm.s32 $0x0  }
0x3c: {  	[tilespmem:s18], [sflag:$0x2] =	stream.indirect.gather [hbm4b:s4+s16], $0x80, s16, s16, $0xb8;
	[tilespmem:$0x1C400] =	vst v63  }
.LBB2_2:
0x3d: {  	_ =	swait.ge [sflag:s19], $0x4000  }
0x3e: {  	[sflag:s19] =	ssyncset.done $0x0  }
0x3f: {  	[sflag:s19] =	ssyncadd.s32 $0xFFFFC000  }
0x40: {  	[spmem:s1] =	stream.indirect.scatter.add.f32 [tilespmem:s17], [sflag:$0x5], $0x80, s20, s16, $0xb8;
	[tilespmem:$0x1C400] =	vst v63  }
0x41: {  	_ =	swait.ge [sflag:s14], $0x4000  }
0x42: {  	[sflag:s14] =	ssyncset.done $0x0  }
0x43: {  	[sflag:s14] =	ssyncadd.s32 $0xFFFFC000  }
0x44: {  	[tilespmem:s17], [sflag:$0x1] =	stream.indirect.gather [hbm4b:s4+s16], $0x80, s21, s16, $0xb8;
	[tilespmem:$0x1C400] =	vst v63  }
0x45: {  	_ =	swait.ge [sflag:s22], $0x4000  }
0x46: {  	[sflag:s22] =	ssyncset.done $0x0  }
0x47: {  	[sflag:s22] =	ssyncadd.s32 $0xFFFFC000  }
0x48: {  	[spmem:s1] =	stream.indirect.scatter.add.f32 [tilespmem:s18], [sflag:$0x5], $0x80, s23, s16, $0xb8;
	[tilespmem:$0x1C400] =	vst v63  }
0x49: {  	_ =	swait.ge [sflag:s14], $0x4000  }
0x4a: {  	[sflag:s14] =	ssyncset.done $0x0  }
0x4b: {  	[sflag:s14] =	ssyncadd.s32 $0xFFFFC000  }
0x4c: {  	[tilespmem:s18], [sflag:$0x2] =	stream.indirect.gather [hbm4b:s4+s16], $0x80, s24, s16, $0xb8;
	[tilespmem:$0x1C400] =	vst v63  }
0x4d: {  	_ =	swait.ge [sflag:s19], $0x4000  }
0x4e: {  	[sflag:s19] =	ssyncset.done $0x0  }
0x4f: {  	[sflag:s19] =	ssyncadd.s32 $0xFFFFC000  }
0x50: {  	[spmem:s1] =	stream.indirect.scatter.add.f32 [tilespmem:s17], [sflag:$0x5], $0x80, s25, s16, $0xb8;
	[tilespmem:$0x1C400] =	vst v63  }
0x51: {  	_ =	swait.ge [sflag:s14], $0x4000  }
0x52: {  	p0 =	seq.s32 s6, $0x0;
	[sflag:s14] =	ssyncset.done $0x0  }
0x53: {  	s10 =	simm.s32 @!p0 $0x4;
	[sflag:s14] =	ssyncadd.s32 $0xFFFFC000  }
0x54: {  	_ =	swait.ge @!p0 [sflag:s10], $0x400  }
0x55: {  	[sflag:s10] =	ssyncset.done @!p0 $0x0  }
0x56: {  	[sflag:s10] =	ssyncadd.s32 @!p0 $0xFFFFFC00  }
0x57: {  	[tilespmem:s17], [sflag:$0x1] =	stream.indirect.gather [hbm4b:s4+s16], $0x80, s15, s16, $0xb8;
	[tilespmem:$0x1C400] =	vst v63  }
0x58: {  	_ =	swait.ge [sflag:s22], $0x4000  }
0x59: {  	[sflag:s22] =	ssyncset.done $0x0  }
0x5a: {  	[sflag:s22] =	ssyncadd.s32 $0xFFFFC000  }
0x5b: {  	[spmem:s1] =	stream.indirect.scatter.add.f32 [tilespmem:s18], [sflag:$0x5], $0x80, s26, s16, $0xb8;
	[tilespmem:$0x1C400] =	vst v63  }
0x5c: {  	_ =	swait.ge [sflag:s14], $0x4000  }
0x5d: {  	p0 =	seq.s32 s6, $0x900;
	[sflag:s14] =	ssyncset.done $0x0  }
0x5e: {  	s10 =	sadd.s32 @!p0 s6, s12;
	s7 =	simm.s32 @!p0 $0x0;
	[sflag:s14] =	ssyncadd.s32 $0xFFFFC000  }
0x5f: {  	[tilespmem:s7], [sflag:$0x3] =	stream.linear.gather @!p0 [hbm4b:s10+s7], $0x400, $0x38;
	[tilespmem:$0x1C400] =	vst v63  }
0x60: {  	_ = 	snop  }
0x61: {  	[tilespmem:s18], [sflag:$0x2] =	stream.indirect.gather [hbm4b:s4+s16], $0x80, s28, s16, $0xb8;
	[tilespmem:$0x1C400] =	vst v63  }
0x62: {  	_ =	swait.ge [sflag:s19], $0x4000  }
0x63: {  	[sflag:s19] =	ssyncset.done $0x0  }
0x64: {  	[sflag:s19] =	ssyncadd.s32 $0xFFFFC000  }
0x65: {  	[spmem:s1] =	stream.indirect.scatter.add.f32 [tilespmem:s17], [sflag:$0x5], $0x80, s29, s16, $0xb8;
	[tilespmem:$0x1C400] =	vst v63  }
0x66: {  	_ =	swait.ge [sflag:s14], $0x4000  }
0x67: {  	[sflag:s14] =	ssyncset.done $0x0  }
0x68: {  	[sflag:s14] =	ssyncadd.s32 $0xFFFFC000  }
0x69: {  	[tilespmem:s17], [sflag:$0x1] =	stream.indirect.gather [hbm4b:s4+s16], $0x80, s30, s16, $0xb8;
	[tilespmem:$0x1C400] =	vst v63  }
0x6a: {  	_ =	swait.ge [sflag:s22], $0x4000  }
0x6b: {  	[sflag:s22] =	ssyncset.done $0x0  }
0x6c: {  	[sflag:s22] =	ssyncadd.s32 $0xFFFFC000  }
0x6d: {  	[spmem:s1] =	stream.indirect.scatter.add.f32 [tilespmem:s18], [sflag:$0x5], $0x80, s31, s16, $0xb8;
	[tilespmem:$0x1C400] =	vst v63  }
0x6e: {  	_ =	swait.ge [sflag:s14], $0x4000  }
0x6f: {  	[sflag:s14] =	ssyncset.done $0x0  }
0x70: {  	[sflag:s14] =	ssyncadd.s32 $0xFFFFC000  }
0x71: {  	[tilespmem:s18], [sflag:$0x2] =	stream.indirect.gather [hbm4b:s4+s16], $0x80, s0, s16, $0xb8;
	[tilespmem:$0x1C400] =	vst v63  }
0x72: {  	_ =	swait.ge [sflag:s19], $0x4000  }
0x73: {  	[sflag:s19] =	ssyncset.done $0x0  }
.Ltmp2:
0x74: {  	[sflag:s19] =	ssyncadd.s32 $0xFFFFC000;
	(pc) =	sbr.rel @p0 .LBB2_4-.Ltmp2, $4  }
0x75: {  	[spmem:s1] =	stream.indirect.scatter.add.f32 [tilespmem:s17], [sflag:$0x5], $0x80, s2, s16, $0xb8;
	[tilespmem:$0x1C400] =	vst v63  }
0x76: {  	_ =	swait.ge [sflag:s14], $0x4000  }
0x77: {  	[sflag:s14] =	ssyncset.done $0x0  }
0x78: {  	[sflag:s14] =	ssyncadd.s32 $0xFFFFC000  }
0x79: {  	_ =	swait.ge [sflag:s8], $0x400  }
0x7a: {  	[sflag:s8] =	ssyncset.done $0x0  }
0x7b: {  	[sflag:s8] =	ssyncadd.s32 $0xFFFFFC00  }
0x7c: {  	[tilespmem:s17], [sflag:$0x1] =	stream.indirect.gather [hbm4b:s4+s16], $0x80, s3, s16, $0xb8;
	[tilespmem:$0x1C400] =	vst v63  }
0x7d: {  	_ =	swait.ge [sflag:s22], $0x4000  }
0x7e: {  	[sflag:s22] =	ssyncset.done $0x0  }
0x7f: {  	[sflag:s22] =	ssyncadd.s32 $0xFFFFC000  }
0x80: {  	[spmem:s1] =	stream.indirect.scatter.add.f32 [tilespmem:s18], [sflag:$0x5], $0x80, s5, s16, $0xb8;
	[tilespmem:$0x1C400] =	vst v63  }
0x81: {  	_ =	swait.ge [sflag:s14], $0x4000  }
.Ltmp3:
0x82: {  	[sflag:s14] =	ssyncset.done $0x0;
	(pc) =	sbr.rel .LBB2_2-.Ltmp3, $4  }
0x83: {  	s7 =	sadd.s32 s6, s11;
	[sflag:s14] =	ssyncadd.s32 $0xFFFFC000  }
0x84: {  	[tilespmem:s15], [sflag:$0x4] =	stream.linear.gather [hbm4b:s7+s3], $0x400, $0x38;
	[tilespmem:$0x1C400] =	vst v63  }
0x85: {  	s6 =	sadd.s32 $0x100, s6  }
0x86: {  	[tilespmem:s18], [sflag:$0x2] =	stream.indirect.gather [hbm4b:s4+s16], $0x80, s16, s16, $0xb8;
	[tilespmem:$0x1C400] =	vst v63  }
.LBB2_5:
0x87: {  	_ =	sfence.sel $0x180000  }
0x88: {  	[bflag:$0x0] =	sbarrier.arrive $0xFFFF  }
0x89: {  	_ =	strace $0x9000004A  }
0x8a: {  	s0 =	stileid.u32;
	[bflag:$0x2] =	sbarrier.arrive $0xFFFF  }
0x8b: {  	p0 =	sne.s32 s0, $0x0;
	s0 =	rddreg [dreg:$0x2]  }
0x8c: {  	s0 =	sadd.s32 @!p0 $0x100000, s0  }
0x8d: {  	[sflag:s0] =	ssyncadd.tile.s32 @!p0 $0x1;
	_ =	shalt  }
.Lfunc_end2:
_tile_overlayer_lowered:
.L_overlay_start_2:
0x8e: {  	(tag) =	ssettag $0x2  }
0x8f: {  	s0 =	rddreg [dreg:$0x0];
	s2 =	stileid.u32  }
0x90: {  	s1 =	rddreg [dreg:$0x1];
	p0 =	sne.s32 s2, $0x0  }
0x91: {  	s3 =	rddreg [dreg:$0x2];
	[bflag:$0x3] =	sbarrier.arrive $0xFFFF;
	s2 =	simm.s32 @!p0 $0x1C05  }
0x92: {  	[timem:s3], [sflag:s2] =	dma.local @!p0 [hbm:s0], s1  }
0x93: {  	s0 =	simm.s32 @!p0 $0x5  }
0x94: {  	_ =	swait.ge @!p0 [sflag:s0], s1  }
0x95: {  	s1 =	ssub.s32 @!p0 $0x0, s1;
	[sflag:s0] =	ssyncset.done @!p0 $0x0  }
0x96: {  	[sflag:s0] =	ssyncadd.s32 @!p0 s1  }
0x97: {  	[bflag:$0x3] =	sbarrier.arrive $0xFFFF  }
0x98: {  	_ =	shalt  }

</sc_bundles>
